<compile_context>
chip_gen: v7x
topology: tpu7x:2x2x1
jax: 0.10.2.dev20260603
libtpu: 0.0.44.dev20260713+nightly
codegen_flags: <defaults>
</compile_context>

<pallas_src>
import jax
import jax.numpy as jnp
from jax import lax
from jax.experimental import pallas as pl
from jax.experimental.pallas import tpu as pltpu
from jax.experimental.pallas import tpu_sc as plsc

BS = 6
NQ = 2500
H_FEAT = 100
W_FEAT = 176
NV = H_FEAT * W_FEAT
D = 256
NH = 8
NP = 8
NZ = 4
DH = D // NH
HP = NH * NP

NCORES = 2
NSUB = 16
NWORK = NCORES * NSUB
LANES = 16

TOT_ROWS = BS * NQ * NH
NQROWS = BS * NQ
ROWS_PER_W = TOT_ROWS // NWORK
CHUNK = 96
GCHUNKS = TOT_ROWS // CHUNK
NCHT = 40
CPG = CHUNK * 32
SLAB = CHUNK * 16
HALF = NQROWS * 2 * HP


def _vproj_body(val_ref, wv_ref, bv_ref, out_ref):
    out_ref[0] = (
        jnp.dot(val_ref[0], wv_ref[...], preferred_element_type=jnp.float32)
        + bv_ref[0]
    ).astype(jnp.bfloat16)


def _vproj(value, w_val, b_val):
    half = jnp.arange(16, dtype=jnp.int32)
    inner = jnp.stack([half, half + 16], axis=1).reshape(32)
    perm = (jnp.arange(NH, dtype=jnp.int32)[:, None] * 32 + inner).reshape(D)
    w_val2 = w_val[:, perm]
    b_val2 = b_val[perm]
    vb = 3520
    return pl.pallas_call(
        _vproj_body,
        grid=(BS, NV // vb),
        in_specs=[
            pl.BlockSpec((1, vb, D), lambda b, i: (b, i, 0)),
            pl.BlockSpec((D, D), lambda b, i: (0, 0)),
            pl.BlockSpec((1, D), lambda b, i: (0, 0)),
        ],
        out_specs=pl.BlockSpec((1, vb, D), lambda b, i: (b, i, 0)),
        out_shape=jax.ShapeDtypeStruct((BS, NV, D), jnp.bfloat16),
    )(value, w_val2, b_val2.reshape(1, D))


def _locs_body(q_ref, rp_ref, woff_ref, boff_ref, wattn_ref, battn_ref,
               gsum_ref, idx_ref, w_ref):
    qb = q_ref.shape[0]
    row0 = pl.program_id(0) * qb
    q = q_ref[...]
    off = (
        jnp.dot(q, woff_ref[...], preferred_element_type=jnp.float32)
        + boff_ref[0]
    )
    attn = (
        jnp.dot(q, wattn_ref[...], preferred_element_type=jnp.float32)
        + battn_ref[0]
    )
    e = jnp.exp(attn)
    aw = e / jnp.dot(e, gsum_ref[...], preferred_element_type=jnp.float32)

    col = lax.broadcasted_iota(jnp.int32, (qb, 2 * HP), 1)
    src = 2 * ((col % NP) % NZ) + (col >= HP).astype(jnp.int32)
    rpp = jnp.take_along_axis(rp_ref[...], src, axis=1,
                              mode="promise_in_bounds")

    nrm = jnp.where(col < HP, 1.0 / W_FEAT, 1.0 / H_FEAT)
    scl = jnp.where(col < HP, float(W_FEAT), float(H_FEAT))
    xy = (rpp + off * nrm) * scl - 0.5
    x = xy[:, :HP]
    y = xy[:, HP:]
    x0 = jnp.floor(x)
    y0 = jnp.floor(y)
    lx = x - x0
    ly = y - y0
    x0i = x0.astype(jnp.int32)
    y0i = y0.astype(jnp.int32)

    col64 = lax.broadcasted_iota(jnp.int32, (qb, HP), 1)
    b_vec = (row0 + lax.broadcasted_iota(jnp.int32, (qb, HP), 0)) // NQ
    bh = (b_vec * NV) * NH + (col64 >> 3)
    idxs = []
    wgts = []
    for dx, dy in ((0, 0), (1, 0), (0, 1), (1, 1)):
        cx = x0i + dx
        cy = y0i + dy
        valid = ((cx >= 0) & (cx < W_FEAT) & (cy >= 0) & (cy < H_FEAT))
        wx = lx if dx else (1.0 - lx)
        wy = ly if dy else (1.0 - ly)
        pix = (jnp.clip(cy, 0, H_FEAT - 1) * W_FEAT
               + jnp.clip(cx, 0, W_FEAT - 1))
        idxs.append(bh + pix * NH)
        wgts.append(aw * wx * wy * valid.astype(jnp.float32))
    idx_ref[0] = jnp.concatenate(idxs[0:2], axis=1)
    idx_ref[1] = jnp.concatenate(idxs[2:4], axis=1)
    w_ref[0] = jnp.concatenate(wgts[0:2], axis=1)
    w_ref[1] = jnp.concatenate(wgts[2:4], axis=1)


def _locs(query, ref_points, w_off, b_off, w_attn, b_attn):
    qb = 1000
    perm = jnp.concatenate([
        jnp.arange(HP, dtype=jnp.int32) * 2,
        jnp.arange(HP, dtype=jnp.int32) * 2 + 1,
    ])
    w_off2 = w_off[:, perm]
    b_off2 = b_off[perm]
    g64 = jnp.arange(HP, dtype=jnp.int32)
    gsum = (g64[:, None] // NP == g64[None, :] // NP).astype(jnp.float32)
    return pl.pallas_call(
        _locs_body,
        grid=(NQROWS // qb,),
        in_specs=[
            pl.BlockSpec((qb, D), lambda i: (i, 0)),
            pl.BlockSpec((qb, NZ * 2), lambda i: (i, 0)),
            pl.BlockSpec((D, 2 * HP), lambda i: (0, 0)),
            pl.BlockSpec((1, 2 * HP), lambda i: (0, 0)),
            pl.BlockSpec((D, HP), lambda i: (0, 0)),
            pl.BlockSpec((1, HP), lambda i: (0, 0)),
            pl.BlockSpec((HP, HP), lambda i: (0, 0)),
        ],
        out_specs=[
            pl.BlockSpec((2, qb, 2 * HP), lambda i: (0, i, 0)),
            pl.BlockSpec((2, qb, 2 * HP), lambda i: (0, i, 0)),
        ],
        out_shape=[
            jax.ShapeDtypeStruct((2, NQROWS, 2 * HP), jnp.int32),
            jax.ShapeDtypeStruct((2, NQROWS, 2 * HP), jnp.float32),
        ],
    )(query.reshape(NQROWS, D), ref_points.reshape(NQROWS, NZ * 2),
      w_off2, b_off2.reshape(1, -1), w_attn, b_attn.reshape(1, -1), gsum)


def _lane_bcast(vec, i):
    return jnp.take_along_axis(
        vec, jnp.full((LANES,), i, jnp.int32), axis=0,
        mode="promise_in_bounds")


def _sc_compute_chunk(g_v, w_v, out_v):
    @plsc.parallel_loop(0, CHUNK // 2, unroll=4)
    def pair_body(m):
        bql = m // 4
        hh = m % 4
        acc = [jnp.zeros((LANES,), jnp.float32) for _ in range(4)]
        for c2 in range(2):
            for c01 in range(2):
                off = c2 * SLAB + bql * 128 + c01 * 64 + hh * 16
                w16 = w_v[pl.ds(off, 16)]
                for i in range(16):
                    wb = _lane_bcast(w16, i)
                    ga, gb = plsc.unpack(g_v[off + i, pl.ds(0, 32)],
                                         format=plsc.PackFormat.INTERLEAVED)
                    k = 0 if i < 8 else 2
                    acc[k] = acc[k] + wb * ga
                    acc[k + 1] = acc[k + 1] + wb * gb
        r0 = (bql * 8 + 2 * hh) * 32
        out_v[pl.ds(r0, 16)] = acc[0]
        out_v[pl.ds(r0 + 16, 16)] = acc[1]
        out_v[pl.ds(r0 + 32, 16)] = acc[2]
        out_v[pl.ds(r0 + 48, 16)] = acc[3]


def _sc_sample_kernel(vtab, idxf, wf, out, idx_v0, idx_v1, w_v0, w_v1,
                      g_v0, g_v1, out_v0, out_v1,
                      isem0, isem1, wsem0, wsem1, gsem0, gsem1,
                      osem0, osem1):
    wid = lax.axis_index("s") * NCORES + lax.axis_index("c")
    start = wid * (GCHUNKS - NCHT) // (NWORK - 1)

    idx_v = (idx_v0, idx_v1)
    w_v = (w_v0, w_v1)
    g_v = (g_v0, g_v1)
    out_v = (out_v0, out_v1)
    isem = (isem0, isem1)
    wsem = (wsem0, wsem1)
    gsem = (gsem0, gsem1)
    osem = (osem0, osem1)

    def idx_start(c, s):
        for c2 in range(2):
            pltpu.async_copy(
                idxf.at[pl.ds(c2 * HALF + (start + c) * SLAB, SLAB)],
                idx_v[s].at[pl.ds(c2 * SLAB, SLAB)], isem[s])

    def w_start(c, s):
        for c2 in range(2):
            pltpu.async_copy(
                wf.at[pl.ds(c2 * HALF + (start + c) * SLAB, SLAB)],
                w_v[s].at[pl.ds(c2 * SLAB, SLAB)], wsem[s])

    def gather_start(s):
        pltpu.async_copy(vtab.at[idx_v[s]], g_v[s], gsem[s])

    def idx_wait(s):
        for c2 in range(2):
            pltpu.make_async_copy(idxf.at[pl.ds(0, SLAB)],
                                  idx_v[s].at[pl.ds(c2 * SLAB, SLAB)],
                                  isem[s]).wait()

    def w_wait(s):
        for c2 in range(2):
            pltpu.make_async_copy(wf.at[pl.ds(0, SLAB)],
                                  w_v[s].at[pl.ds(c2 * SLAB, SLAB)],
                                  wsem[s]).wait()

    def gather_wait(s):
        pltpu.make_async_copy(vtab.at[idx_v[s]], g_v[s], gsem[s]).wait()

    def out_start(c, s):
        pltpu.async_copy(out_v[s], out.at[pl.ds((start + c) * CPG, CPG)],
                         osem[s])

    def out_wait(s):
        pltpu.make_async_copy(out_v[s], out.at[pl.ds(0, CPG)],
                              osem[s]).wait()

    idx_start(0, 0)
    idx_wait(0)
    gather_start(0)
    idx_start(1, 1)
    w_start(0, 0)

    def loop2(c2, _):
        for par in (0, 1):
            c = c2 * 2 + par
            s0 = par
            s1 = 1 - par

            @pl.when(c + 1 < NCHT)
            def _():
                idx_wait(s1)
                gather_start(s1)

            gather_wait(s0)

            @pl.when(c + 2 < NCHT)
            def _():
                idx_start(c + 2, s0)

            @pl.when(c + 1 < NCHT)
            def _():
                w_start(c + 1, s1)

            w_wait(s0)

            @pl.when(c >= 2)
            def _():
                out_wait(s0)

            _sc_compute_chunk(g_v[s0], w_v[s0], out_v[s0])
            out_start(c, s0)
        return 0

    lax.fori_loop(0, NCHT // 2, loop2, 0)
    out_wait(0)
    out_wait(1)


def _sc_sample(vtab, idxf, wf):
    mesh = plsc.VectorSubcoreMesh(
        core_axis_name="c", subcore_axis_name="s",
        num_cores=NCORES, num_subcores=NSUB)
    f = pl.kernel(
        _sc_sample_kernel,
        out_type=jax.ShapeDtypeStruct((TOT_ROWS * 32,), jnp.float32),
        mesh=mesh,
        compiler_params=pltpu.CompilerParams(use_tc_tiling_on_sc=False,
                                             needs_layout_passes=False),
        scratch_types=[
            pltpu.VMEM((CPG,), jnp.int32),
            pltpu.VMEM((CPG,), jnp.int32),
            pltpu.VMEM((CPG,), jnp.float32),
            pltpu.VMEM((CPG,), jnp.float32),
            pltpu.VMEM((CPG, 32), jnp.bfloat16),
            pltpu.VMEM((CPG, 32), jnp.bfloat16),
            pltpu.VMEM((CPG,), jnp.float32),
            pltpu.VMEM((CPG,), jnp.float32),
        ] + [pltpu.SemaphoreType.DMA] * 8,
    )
    return f(vtab, idxf, wf)


def kernel(query, value, reference_points, spatial_shapes, level_start_index,
           W_off, b_off, W_attn, b_attn, W_val, b_val):
    del spatial_shapes, level_start_index
    idx, w = _locs(query, reference_points, W_off, b_off, W_attn, b_attn)
    v = _vproj(value, W_val, b_val)
    vtab = v.reshape(BS * NV * NH, DH)
    out = _sc_sample(vtab,
                     idx.reshape(2 * HALF),
                     w.reshape(2 * HALF))
    return out.reshape(BS, NQ, D)

# --- scband reference (transcript-rebuilt; emitter-appended) ---
"""Pipeline reference for scband-spatial-cross-attention-15006615734128 (READ-ONLY COPY).

The authoritative reference and input builder live on the scoring server;
editing this copy changes nothing except your own understanding.
"""

import jax, jax.numpy as jnp
import numpy as np

BS = 6
NQ = 2500
H_FEAT = 100
W_FEAT = 176
NV = H_FEAT * W_FEAT
D = 256
NH = 8
NL = 1
NP = 8
NZ = 4
DH = D // NH


def setup_inputs(seed: int = 0):
    key = jax.random.key(seed)
    ks = jax.random.split(key, 12)
    query = jax.random.normal(ks[0], (BS, NQ, D), dtype=jnp.float32)
    value = jax.random.normal(ks[1], (BS, NV, D), dtype=jnp.float32)
    reference_points = jax.random.uniform(ks[2], (BS, NQ, NZ, 2), dtype=jnp.float32)
    spatial_shapes = jnp.array([[H_FEAT, W_FEAT]], dtype=jnp.int32)
    level_start_index = jnp.array([0], dtype=jnp.int32)
    W_off = jax.random.normal(ks[3], (D, NH * NL * NP * 2), dtype=jnp.float32) * 0.01
    b_off = jax.random.uniform(ks[4], (NH * NL * NP * 2,), dtype=jnp.float32, minval=-0.5, maxval=0.5)
    W_attn = jax.random.normal(ks[5], (D, NH * NL * NP), dtype=jnp.float32) * 0.02
    b_attn = jnp.zeros((NH * NL * NP,), dtype=jnp.float32)
    W_val = jax.random.normal(ks[6], (D, D), dtype=jnp.float32) * 0.02
    b_val = jnp.zeros((D,), dtype=jnp.float32)
    return {"query": query, "value": value, "reference_points": reference_points,
            "spatial_shapes": spatial_shapes, "level_start_index": level_start_index,
            "W_off": W_off, "b_off": b_off, "W_attn": W_attn, "b_attn": b_attn,
            "W_val": W_val, "b_val": b_val}


def _bilinear_sample(imgs, x, y):
    # imgs: [B, H, W, C]; x, y: [B, N] pixel coords; grid_sample bilinear,
    # padding_mode='zeros', align_corners=False semantics.
    B, H, W, C = imgs.shape
    imgs_flat = imgs.reshape(B, H * W, C)
    x0 = jnp.floor(x)
    y0 = jnp.floor(y)

    def gather(xi, yi):
        xi_i = xi.astype(jnp.int32)
        yi_i = yi.astype(jnp.int32)
        valid = (xi_i >= 0) & (xi_i < W) & (yi_i >= 0) & (yi_i < H)
        xc = jnp.clip(xi_i, 0, W - 1)
        yc = jnp.clip(yi_i, 0, H - 1)
        idx = yc * W + xc
        vals = jnp.take_along_axis(imgs_flat, idx[..., None], axis=1)
        return vals * valid[..., None].astype(imgs.dtype)

    lx = x - x0
    ly = y - y0
    v00 = gather(x0, y0)
    v01 = gather(x0 + 1.0, y0)
    v10 = gather(x0, y0 + 1.0)
    v11 = gather(x0 + 1.0, y0 + 1.0)
    w00 = ((1.0 - lx) * (1.0 - ly))[..., None]
    w01 = (lx * (1.0 - ly))[..., None]
    w10 = ((1.0 - lx) * ly)[..., None]
    w11 = (lx * ly)[..., None]
    return v00 * w00 + v01 * w01 + v10 * w10 + v11 * w11


def _forward(query, value, reference_points, W_off, b_off, W_attn, b_attn, W_val, b_val):
    bs, nq, _ = query.shape
    v = value @ W_val + b_val
    v = v.reshape(bs, NV, NH, DH)
    off = (query @ W_off + b_off).reshape(bs, nq, NH, NL, NP, 2)
    aw = (query @ W_attn + b_attn).reshape(bs, nq, NH, NL * NP)
    aw = jax.nn.softmax(aw, axis=-1).reshape(bs, nq, NH, NL, NP)
    offset_normalizer = jnp.array([[W_FEAT, H_FEAT]], dtype=jnp.float32)  # [NL, 2] = (w, h)
    off = off / offset_normalizer[None, None, None, :, None, :]
    off = off.reshape(bs, nq, NH, NL, NP // NZ, NZ, 2)
    rp = reference_points[:, :, None, None, None, :, :]
    loc = rp + off
    loc = loc.reshape(bs, nq, NH, NL, NP, 2)
    # single level (NL=1) deformable sampling
    vimg = v.transpose(0, 2, 1, 3).reshape(bs * NH, H_FEAT, W_FEAT, DH)
    g = loc[:, :, :, 0, :, :].transpose(0, 2, 1, 3, 4).reshape(bs * NH, nq * NP, 2)
    x = g[..., 0] * W_FEAT - 0.5
    y = g[..., 1] * H_FEAT - 0.5
    sampled = _bilinear_sample(vimg, x, y).reshape(bs, NH, nq, NP, DH)
    w = aw[:, :, :, 0, :].transpose(0, 2, 1, 3)  # [bs, NH, nq, NP]
    out = (sampled * w[..., None]).sum(axis=3)   # [bs, NH, nq, DH]
    out = out.transpose(0, 2, 1, 3).reshape(bs, nq, D)
    return out


def reference(query, value, reference_points, spatial_shapes, level_start_index,
              W_off, b_off, W_attn, b_attn, W_val, b_val):
    return _forward(query, value, reference_points, W_off, b_off, W_attn, b_attn, W_val, b_val)

if __name__ == "__main__":
    import jax
    _d = setup_inputs()
    print(jax.jit(kernel)(*tuple(_d.values())))

</pallas_src>

<mosaic_0001>
#map = affine_map<(d0, d1) -> (0, 0)>
#map1 = affine_map<(d0, d1) -> (0)>
module attributes {stable_mosaic.version = 14 : i64} {
  func.func @_sc_sample_kernel(%arg0: i32, %arg1: i32, %arg2: memref<844800x32xbf16, #tpu.memory_space<hbm>>, %arg3: memref<3840000xi32, #tpu.memory_space<hbm>>, %arg4: memref<3840000xf32, #tpu.memory_space<hbm>>, %arg5: memref<3840000xf32, #tpu.memory_space<hbm>>, %arg6: memref<3072xi32, #tpu.memory_space<vmem>>, %arg7: memref<3072xi32, #tpu.memory_space<vmem>>, %arg8: memref<3072xf32, #tpu.memory_space<vmem>>, %arg9: memref<3072xf32, #tpu.memory_space<vmem>>, %arg10: memref<3072x32xbf16, #tpu.memory_space<vmem>>, %arg11: memref<3072x32xbf16, #tpu.memory_space<vmem>>, %arg12: memref<3072xf32, #tpu.memory_space<vmem>>, %arg13: memref<3072xf32, #tpu.memory_space<vmem>>, %arg14: memref<!tpu.dma_semaphore, #tpu.memory_space<semaphore_mem>>, %arg15: memref<!tpu.dma_semaphore, #tpu.memory_space<semaphore_mem>>, %arg16: memref<!tpu.dma_semaphore, #tpu.memory_space<semaphore_mem>>, %arg17: memref<!tpu.dma_semaphore, #tpu.memory_space<semaphore_mem>>, %arg18: memref<!tpu.dma_semaphore, #tpu.memory_space<semaphore_mem>>, %arg19: memref<!tpu.dma_semaphore, #tpu.memory_space<semaphore_mem>>, %arg20: memref<!tpu.dma_semaphore, #tpu.memory_space<semaphore_mem>>, %arg21: memref<!tpu.dma_semaphore, #tpu.memory_space<semaphore_mem>>) attributes {dimension_semantics = [#tpu.dimension_semantics<core_parallel>, #tpu.dimension_semantics<subcore_parallel>], iteration_bounds = array<i64: 2, 16>, scalar_prefetch = 0 : i64, scratch_operands = 16 : i64, tpu.core_type = #tpu.core_type<sc_vector_subcore>, window_params = [{transform_indices = #map}, {transform_indices = #map1}, {transform_indices = #map1}, {transform_indices = #map1}]} {
    %mul3A = arith.constant 2 : i32
    %mul3A_0 = arith.muli %arg1, %mul3A : i32
    %add3A = arith.addi %mul3A_0, %arg0 : i32
    %mul3A_1 = arith.constant 1210 : i32
    %mul3A_2 = arith.muli %add3A, %mul3A_1 : i32
    %jit3A = arith.constant 31 : i32
    %div3A = arith.divsi %mul3A_2, %jit3A : i32
    %sign3A = arith.constant 0 : i32
    %sign3A_3 = arith.cmpi sgt, %mul3A_2, %sign3A : i32
    %sign3A_4 = arith.extui %sign3A_3 : i1 to i32
    %sign3A_5 = arith.constant 0 : i32
    %sign3A_6 = arith.cmpi slt, %mul3A_2, %sign3A_5 : i32
    %sign3A_7 = arith.extui %sign3A_6 : i1 to i32
    %sign3A_8 = arith.subi %sign3A_4, %sign3A_7 : i32
    %sign3A_9 = arith.constant 0 : i32
    %sign3A_10 = arith.cmpi sgt, %jit3A, %sign3A_9 : i32
    %sign3A_11 = arith.extui %sign3A_10 : i1 to i32
    %sign3A_12 = arith.constant 0 : i32
    %sign3A_13 = arith.cmpi slt, %jit3A, %sign3A_12 : i32
    %sign3A_14 = arith.extui %sign3A_13 : i1 to i32
    %sign3A_15 = arith.subi %sign3A_11, %sign3A_14 : i32
    %ne3A = arith.cmpi ne, %sign3A_8, %sign3A_15 : i32
    %rem3A = arith.remsi %mul3A_2, %jit3A : i32
    %ne3A_16 = arith.constant 0 : i32
    %ne3A_17 = arith.cmpi ne, %rem3A, %ne3A_16 : i32
    %and3A = arith.andi %ne3A, %ne3A_17 : i1
    %sub3A = arith.constant 1 : i32
    %sub3A_18 = arith.subi %div3A, %sub3A : i32
    %select_n3A = arith.select %and3A, %sub3A_18, %div3A : i32
    %add3A_19 = arith.constant 0 : i32
    %add3A_20 = arith.addi %select_n3A, %add3A_19 : i32
    %mul3A_21 = arith.constant 1536 : i32
    %mul3A_22 = arith.muli %add3A_20, %mul3A_21 : i32
    %add3A_23 = arith.constant 0 : i32
    %add3A_24 = arith.addi %add3A_23, %mul3A_22 : i32
    %dma_start3A = arith.constant 0 : i32
    %dma_start3A_25 = tpu.memref_slice %arg6[%dma_start3A] : memref<3072xi32, #tpu.memory_space<vmem>> -> memref<1536xi32, #tpu.memory_space<vmem>>
    %dma_start3A_26 = tpu.memref_slice %arg3[%add3A_24] : memref<3840000xi32, #tpu.memory_space<hbm>> -> memref<1536xi32, #tpu.memory_space<hbm>>
    %dma_start3A_27 = arith.constant 0 : i32
    %dma_start3A_28 = tpu.memref_slice %arg6[%dma_start3A_27] : memref<3072xi32, #tpu.memory_space<vmem>> -> memref<1536xi32, #tpu.memory_space<vmem>>
    %dma_start3A_29 = tpu.memref_slice %arg3[%add3A_24] : memref<3840000xi32, #tpu.memory_space<hbm>> -> memref<1536xi32, #tpu.memory_space<hbm>>
    tpu.enqueue_dma source(%dma_start3A_29 : memref<1536xi32, #tpu.memory_space<hbm>>) target(%dma_start3A_28 : memref<1536xi32, #tpu.memory_space<vmem>>) target_semaphore(%arg14 : memref<!tpu.dma_semaphore, #tpu.memory_space<semaphore_mem>>)
    %add3A_30 = arith.constant 0 : i32
    %add3A_31 = arith.addi %select_n3A, %add3A_30 : i32
    %mul3A_32 = arith.constant 1536 : i32
    %mul3A_33 = arith.muli %add3A_31, %mul3A_32 : i32
    %add3A_34 = arith.constant 1920000 : i32
    %add3A_35 = arith.addi %add3A_34, %mul3A_33 : i32
    %dma_start3A_36 = arith.constant 1536 : i32
    %dma_start3A_37 = tpu.memref_slice %arg6[%dma_start3A_36] : memref<3072xi32, #tpu.memory_space<vmem>> -> memref<1536xi32, #tpu.memory_space<vmem>>
    %dma_start3A_38 = tpu.memref_slice %arg3[%add3A_35] : memref<3840000xi32, #tpu.memory_space<hbm>> -> memref<1536xi32, #tpu.memory_space<hbm>>
    %dma_start3A_39 = arith.constant 1536 : i32
    %dma_start3A_40 = tpu.memref_slice %arg6[%dma_start3A_39] : memref<3072xi32, #tpu.memory_space<vmem>> -> memref<1536xi32, #tpu.memory_space<vmem>>
    %dma_start3A_41 = tpu.memref_slice %arg3[%add3A_35] : memref<3840000xi32, #tpu.memory_space<hbm>> -> memref<1536xi32, #tpu.memory_space<hbm>>
    tpu.enqueue_dma source(%dma_start3A_41 : memref<1536xi32, #tpu.memory_space<hbm>>) target(%dma_start3A_40 : memref<1536xi32, #tpu.memory_space<vmem>>) target_semaphore(%arg14 : memref<!tpu.dma_semaphore, #tpu.memory_space<semaphore_mem>>)
    %dma_wait3A = arith.constant 0 : i32
    %dma_wait3A_42 = tpu.memref_slice %arg6[%dma_wait3A] : memref<3072xi32, #tpu.memory_space<vmem>> -> memref<1536xi32, #tpu.memory_space<vmem>>
    %dma_wait3A_43 = arith.constant 0 : i32
    %dma_wait3A_44 = tpu.memref_slice %arg3[%dma_wait3A_43] : memref<3840000xi32, #tpu.memory_space<hbm>> -> memref<1536xi32, #tpu.memory_space<hbm>>
    %dma_wait3A_45 = arith.constant 0 : i32
    %dma_wait3A_46 = tpu.memref_slice %arg6[%dma_wait3A_45] : memref<3072xi32, #tpu.memory_space<vmem>> -> memref<1536xi32, #tpu.memory_space<vmem>>
    %dma_wait3A_47 = arith.constant 0 : i32
    %dma_wait3A_48 = tpu.memref_slice %arg3[%dma_wait3A_47] : memref<3840000xi32, #tpu.memory_space<hbm>> -> memref<1536xi32, #tpu.memory_space<hbm>>
    tpu.wait_dma2 semaphore(%arg14 : memref<!tpu.dma_semaphore, #tpu.memory_space<semaphore_mem>>) src(%dma_wait3A_48 : memref<1536xi32, #tpu.memory_space<hbm>>) dst(%dma_wait3A_46 : memref<1536xi32, #tpu.memory_space<vmem>>)
    %dma_wait3A_49 = arith.constant 1536 : i32
    %dma_wait3A_50 = tpu.memref_slice %arg6[%dma_wait3A_49] : memref<3072xi32, #tpu.memory_space<vmem>> -> memref<1536xi32, #tpu.memory_space<vmem>>
    %dma_wait3A_51 = arith.constant 0 : i32
    %dma_wait3A_52 = tpu.memref_slice %arg3[%dma_wait3A_51] : memref<3840000xi32, #tpu.memory_space<hbm>> -> memref<1536xi32, #tpu.memory_space<hbm>>
    %dma_wait3A_53 = arith.constant 1536 : i32
    %dma_wait3A_54 = tpu.memref_slice %arg6[%dma_wait3A_53] : memref<3072xi32, #tpu.memory_space<vmem>> -> memref<1536xi32, #tpu.memory_space<vmem>>
    %dma_wait3A_55 = arith.constant 0 : i32
    %dma_wait3A_56 = tpu.memref_slice %arg3[%dma_wait3A_55] : memref<3840000xi32, #tpu.memory_space<hbm>> -> memref<1536xi32, #tpu.memory_space<hbm>>
    tpu.wait_dma2 semaphore(%arg14 : memref<!tpu.dma_semaphore, #tpu.memory_space<semaphore_mem>>) src(%dma_wait3A_56 : memref<1536xi32, #tpu.memory_space<hbm>>) dst(%dma_wait3A_54 : memref<1536xi32, #tpu.memory_space<vmem>>)
    %dma_start3A_57 = arith.constant 0 : i32
    %dma_start3A_58 = arith.constant 0 : i32
    %dma_start3A_59 = tpu.memref_slice %arg2[%dma_start3A_57, %dma_start3A_58] : memref<844800x32xbf16, #tpu.memory_space<hbm>> -> memref<844800x32xbf16, #tpu.memory_space<hbm>>
    tpu.enqueue_indirect_dma source(%dma_start3A_59 : memref<844800x32xbf16, #tpu.memory_space<hbm>>) target(%arg10 : memref<3072x32xbf16, #tpu.memory_space<vmem>>) offsets(%arg6 : memref<3072xi32, #tpu.memory_space<vmem>>) semaphore(%arg18 : memref<!tpu.dma_semaphore, #tpu.memory_space<semaphore_mem>>)
    %add3A_60 = arith.constant 1 : i32
    %add3A_61 = arith.addi %select_n3A, %add3A_60 : i32
    %mul3A_62 = arith.constant 1536 : i32
    %mul3A_63 = arith.muli %add3A_61, %mul3A_62 : i32
    %add3A_64 = arith.constant 0 : i32
    %add3A_65 = arith.addi %add3A_64, %mul3A_63 : i32
    %dma_start3A_66 = arith.constant 0 : i32
    %dma_start3A_67 = tpu.memref_slice %arg7[%dma_start3A_66] : memref<3072xi32, #tpu.memory_space<vmem>> -> memref<1536xi32, #tpu.memory_space<vmem>>
    %dma_start3A_68 = tpu.memref_slice %arg3[%add3A_65] : memref<3840000xi32, #tpu.memory_space<hbm>> -> memref<1536xi32, #tpu.memory_space<hbm>>
    %dma_start3A_69 = arith.constant 0 : i32
    %dma_start3A_70 = tpu.memref_slice %arg7[%dma_start3A_69] : memref<3072xi32, #tpu.memory_space<vmem>> -> memref<1536xi32, #tpu.memory_space<vmem>>
    %dma_start3A_71 = tpu.memref_slice %arg3[%add3A_65] : memref<3840000xi32, #tpu.memory_space<hbm>> -> memref<1536xi32, #tpu.memory_space<hbm>>
    tpu.enqueue_dma source(%dma_start3A_71 : memref<1536xi32, #tpu.memory_space<hbm>>) target(%dma_start3A_70 : memref<1536xi32, #tpu.memory_space<vmem>>) target_semaphore(%arg15 : memref<!tpu.dma_semaphore, #tpu.memory_space<semaphore_mem>>)
    %add3A_72 = arith.constant 1 : i32
    %add3A_73 = arith.addi %select_n3A, %add3A_72 : i32
    %mul3A_74 = arith.constant 1536 : i32
    %mul3A_75 = arith.muli %add3A_73, %mul3A_74 : i32
    %add3A_76 = arith.constant 1920000 : i32
    %add3A_77 = arith.addi %add3A_76, %mul3A_75 : i32
    %dma_start3A_78 = arith.constant 1536 : i32
    %dma_start3A_79 = tpu.memref_slice %arg7[%dma_start3A_78] : memref<3072xi32, #tpu.memory_space<vmem>> -> memref<1536xi32, #tpu.memory_space<vmem>>
    %dma_start3A_80 = tpu.memref_slice %arg3[%add3A_77] : memref<3840000xi32, #tpu.memory_space<hbm>> -> memref<1536xi32, #tpu.memory_space<hbm>>
    %dma_start3A_81 = arith.constant 1536 : i32
    %dma_start3A_82 = tpu.memref_slice %arg7[%dma_start3A_81] : memref<3072xi32, #tpu.memory_space<vmem>> -> memref<1536xi32, #tpu.memory_space<vmem>>
    %dma_start3A_83 = tpu.memref_slice %arg3[%add3A_77] : memref<3840000xi32, #tpu.memory_space<hbm>> -> memref<1536xi32, #tpu.memory_space<hbm>>
    tpu.enqueue_dma source(%dma_start3A_83 : memref<1536xi32, #tpu.memory_space<hbm>>) target(%dma_start3A_82 : memref<1536xi32, #tpu.memory_space<vmem>>) target_semaphore(%arg15 : memref<!tpu.dma_semaphore, #tpu.memory_space<semaphore_mem>>)
    %add3A_84 = arith.constant 0 : i32
    %add3A_85 = arith.addi %select_n3A, %add3A_84 : i32
    %mul3A_86 = arith.constant 1536 : i32
    %mul3A_87 = arith.muli %add3A_85, %mul3A_86 : i32
    %add3A_88 = arith.constant 0 : i32
    %add3A_89 = arith.addi %add3A_88, %mul3A_87 : i32
    %dma_start3A_90 = arith.constant 0 : i32
    %dma_start3A_91 = tpu.memref_slice %arg8[%dma_start3A_90] : memref<3072xf32, #tpu.memory_space<vmem>> -> memref<1536xf32, #tpu.memory_space<vmem>>
    %dma_start3A_92 = tpu.memref_slice %arg4[%add3A_89] : memref<3840000xf32, #tpu.memory_space<hbm>> -> memref<1536xf32, #tpu.memory_space<hbm>>
    %dma_start3A_93 = arith.constant 0 : i32
    %dma_start3A_94 = tpu.memref_slice %arg8[%dma_start3A_93] : memref<3072xf32, #tpu.memory_space<vmem>> -> memref<1536xf32, #tpu.memory_space<vmem>>
    %dma_start3A_95 = tpu.memref_slice %arg4[%add3A_89] : memref<3840000xf32, #tpu.memory_space<hbm>> -> memref<1536xf32, #tpu.memory_space<hbm>>
    tpu.enqueue_dma source(%dma_start3A_95 : memref<1536xf32, #tpu.memory_space<hbm>>) target(%dma_start3A_94 : memref<1536xf32, #tpu.memory_space<vmem>>) target_semaphore(%arg16 : memref<!tpu.dma_semaphore, #tpu.memory_space<semaphore_mem>>)
    %add3A_96 = arith.constant 0 : i32
    %add3A_97 = arith.addi %select_n3A, %add3A_96 : i32
    %mul3A_98 = arith.constant 1536 : i32
    %mul3A_99 = arith.muli %add3A_97, %mul3A_98 : i32
    %add3A_100 = arith.constant 1920000 : i32
    %add3A_101 = arith.addi %add3A_100, %mul3A_99 : i32
    %dma_start3A_102 = arith.constant 1536 : i32
    %dma_start3A_103 = tpu.memref_slice %arg8[%dma_start3A_102] : memref<3072xf32, #tpu.memory_space<vmem>> -> memref<1536xf32, #tpu.memory_space<vmem>>
    %dma_start3A_104 = tpu.memref_slice %arg4[%add3A_101] : memref<3840000xf32, #tpu.memory_space<hbm>> -> memref<1536xf32, #tpu.memory_space<hbm>>
    %dma_start3A_105 = arith.constant 1536 : i32
    %dma_start3A_106 = tpu.memref_slice %arg8[%dma_start3A_105] : memref<3072xf32, #tpu.memory_space<vmem>> -> memref<1536xf32, #tpu.memory_space<vmem>>
    %dma_start3A_107 = tpu.memref_slice %arg4[%add3A_101] : memref<3840000xf32, #tpu.memory_space<hbm>> -> memref<1536xf32, #tpu.memory_space<hbm>>
    tpu.enqueue_dma source(%dma_start3A_107 : memref<1536xf32, #tpu.memory_space<hbm>>) target(%dma_start3A_106 : memref<1536xf32, #tpu.memory_space<vmem>>) target_semaphore(%arg16 : memref<!tpu.dma_semaphore, #tpu.memory_space<semaphore_mem>>)
    %scan3A = arith.constant 0 : i32
    %scan3A_108 = arith.constant 0 : i32
    %scan3A_109 = arith.constant 20 : i32
    %scan3A_110 = arith.addi %scan3A_108, %scan3A_109 : i32
    %scan3A_111 = arith.constant 1 : i32
    %scan3A_112 = scf.for %scan3A_122 = %scan3A_108 to %scan3A_110 step %scan3A_111 iter_args(%scan3A_123 = %scan3A) -> (i32)  : i32 {
      %mul3A_124 = arith.constant 2 : i32
      %mul3A_125 = arith.muli %scan3A_122, %mul3A_124 : i32
      %add3A_126 = arith.constant 0 : i32
      %add3A_127 = arith.addi %mul3A_125, %add3A_126 : i32
      %add3A_128 = arith.constant 1 : i32
      %add3A_129 = arith.addi %add3A_127, %add3A_128 : i32
      %lt3A = arith.constant 40 : i32
      %lt3A_130 = arith.cmpi slt, %add3A_129, %lt3A : i32
      %convert_element_type3A = arith.extui %lt3A_130 : i1 to i32
      %cond3A = arith.constant 0 : i32
      %cond3A_131 = arith.cmpi ne, %convert_element_type3A, %cond3A : i32
      scf.if %cond3A_131 {
        %dma_wait3A_234 = arith.constant 0 : i32
        %dma_wait3A_235 = tpu.memref_slice %arg7[%dma_wait3A_234] : memref<3072xi32, #tpu.memory_space<vmem>> -> memref<1536xi32, #tpu.memory_space<vmem>>
        %dma_wait3A_236 = arith.constant 0 : i32
        %dma_wait3A_237 = tpu.memref_slice %arg3[%dma_wait3A_236] : memref<3840000xi32, #tpu.memory_space<hbm>> -> memref<1536xi32, #tpu.memory_space<hbm>>
        %dma_wait3A_238 = arith.constant 0 : i32
        %dma_wait3A_239 = tpu.memref_slice %arg7[%dma_wait3A_238] : memref<3072xi32, #tpu.memory_space<vmem>> -> memref<1536xi32, #tpu.memory_space<vmem>>
        %dma_wait3A_240 = arith.constant 0 : i32
        %dma_wait3A_241 = tpu.memref_slice %arg3[%dma_wait3A_240] : memref<3840000xi32, #tpu.memory_space<hbm>> -> memref<1536xi32, #tpu.memory_space<hbm>>
        tpu.wait_dma2 semaphore(%arg15 : memref<!tpu.dma_semaphore, #tpu.memory_space<semaphore_mem>>) src(%dma_wait3A_241 : memref<1536xi32, #tpu.memory_space<hbm>>) dst(%dma_wait3A_239 : memref<1536xi32, #tpu.memory_space<vmem>>)
        %dma_wait3A_242 = arith.constant 1536 : i32
        %dma_wait3A_243 = tpu.memref_slice %arg7[%dma_wait3A_242] : memref<3072xi32, #tpu.memory_space<vmem>> -> memref<1536xi32, #tpu.memory_space<vmem>>
        %dma_wait3A_244 = arith.constant 0 : i32
        %dma_wait3A_245 = tpu.memref_slice %arg3[%dma_wait3A_244] : memref<3840000xi32, #tpu.memory_space<hbm>> -> memref<1536xi32, #tpu.memory_space<hbm>>
        %dma_wait3A_246 = arith.constant 1536 : i32
        %dma_wait3A_247 = tpu.memref_slice %arg7[%dma_wait3A_246] : memref<3072xi32, #tpu.memory_space<vmem>> -> memref<1536xi32, #tpu.memory_space<vmem>>
        %dma_wait3A_248 = arith.constant 0 : i32
        %dma_wait3A_249 = tpu.memref_slice %arg3[%dma_wait3A_248] : memref<3840000xi32, #tpu.memory_space<hbm>> -> memref<1536xi32, #tpu.memory_space<hbm>>
        tpu.wait_dma2 semaphore(%arg15 : memref<!tpu.dma_semaphore, #tpu.memory_space<semaphore_mem>>) src(%dma_wait3A_249 : memref<1536xi32, #tpu.memory_space<hbm>>) dst(%dma_wait3A_247 : memref<1536xi32, #tpu.memory_space<vmem>>)
        %dma_start3A_250 = arith.constant 0 : i32
        %dma_start3A_251 = arith.constant 0 : i32
        %dma_start3A_252 = tpu.memref_slice %arg2[%dma_start3A_250, %dma_start3A_251] : memref<844800x32xbf16, #tpu.memory_space<hbm>> -> memref<844800x32xbf16, #tpu.memory_space<hbm>>
        tpu.enqueue_indirect_dma source(%dma_start3A_252 : memref<844800x32xbf16, #tpu.memory_space<hbm>>) target(%arg11 : memref<3072x32xbf16, #tpu.memory_space<vmem>>) offsets(%arg7 : memref<3072xi32, #tpu.memory_space<vmem>>) semaphore(%arg19 : memref<!tpu.dma_semaphore, #tpu.memory_space<semaphore_mem>>)
      } else {
      }
      %dma_wait3A_132 = arith.constant 0 : i32
      %dma_wait3A_133 = arith.constant 0 : i32
      %dma_wait3A_134 = tpu.memref_slice %arg2[%dma_wait3A_132, %dma_wait3A_133] : memref<844800x32xbf16, #tpu.memory_space<hbm>> -> memref<844800x32xbf16, #tpu.memory_space<hbm>>
      tpu.wait_indirect_dma semaphore(%arg18 : memref<!tpu.dma_semaphore, #tpu.memory_space<semaphore_mem>>) src(%dma_wait3A_134 : memref<844800x32xbf16, #tpu.memory_space<hbm>>) dst(%arg10 : memref<3072x32xbf16, #tpu.memory_space<vmem>>)
      %add3A_135 = arith.constant 2 : i32
      %add3A_136 = arith.addi %add3A_127, %add3A_135 : i32
      %lt3A_137 = arith.constant 40 : i32
      %lt3A_138 = arith.cmpi slt, %add3A_136, %lt3A_137 : i32
      %convert_element_type3A_139 = arith.extui %lt3A_138 : i1 to i32
      %cond3A_140 = arith.constant 0 : i32
      %cond3A_141 = arith.cmpi ne, %convert_element_type3A_139, %cond3A_140 : i32
      scf.if %cond3A_141 {
        %add3A_234 = arith.constant 2 : i32
        %add3A_235 = arith.addi %add3A_127, %add3A_234 : i32
        %add3A_236 = arith.addi %select_n3A, %add3A_235 : i32
        %mul3A_237 = arith.constant 1536 : i32
        %mul3A_238 = arith.muli %add3A_236, %mul3A_237 : i32
        %add3A_239 = arith.constant 0 : i32
        %add3A_240 = arith.addi %add3A_239, %mul3A_238 : i32
        %dma_start3A_241 = arith.constant 0 : i32
        %dma_start3A_242 = tpu.memref_slice %arg6[%dma_start3A_241] : memref<3072xi32, #tpu.memory_space<vmem>> -> memref<1536xi32, #tpu.memory_space<vmem>>
        %dma_start3A_243 = tpu.memref_slice %arg3[%add3A_240] : memref<3840000xi32, #tpu.memory_space<hbm>> -> memref<1536xi32, #tpu.memory_space<hbm>>
        %dma_start3A_244 = arith.constant 0 : i32
        %dma_start3A_245 = tpu.memref_slice %arg6[%dma_start3A_244] : memref<3072xi32, #tpu.memory_space<vmem>> -> memref<1536xi32, #tpu.memory_space<vmem>>
        %dma_start3A_246 = tpu.memref_slice %arg3[%add3A_240] : memref<3840000xi32, #tpu.memory_space<hbm>> -> memref<1536xi32, #tpu.memory_space<hbm>>
        tpu.enqueue_dma source(%dma_start3A_246 : memref<1536xi32, #tpu.memory_space<hbm>>) target(%dma_start3A_245 : memref<1536xi32, #tpu.memory_space<vmem>>) target_semaphore(%arg14 : memref<!tpu.dma_semaphore, #tpu.memory_space<semaphore_mem>>)
        %add3A_247 = arith.addi %select_n3A, %add3A_235 : i32
        %mul3A_248 = arith.constant 1536 : i32
        %mul3A_249 = arith.muli %add3A_247, %mul3A_248 : i32
        %add3A_250 = arith.constant 1920000 : i32
        %add3A_251 = arith.addi %add3A_250, %mul3A_249 : i32
        %dma_start3A_252 = arith.constant 1536 : i32
        %dma_start3A_253 = tpu.memref_slice %arg6[%dma_start3A_252] : memref<3072xi32, #tpu.memory_space<vmem>> -> memref<1536xi32, #tpu.memory_space<vmem>>
        %dma_start3A_254 = tpu.memref_slice %arg3[%add3A_251] : memref<3840000xi32, #tpu.memory_space<hbm>> -> memref<1536xi32, #tpu.memory_space<hbm>>
        %dma_start3A_255 = arith.constant 1536 : i32
        %dma_start3A_256 = tpu.memref_slice %arg6[%dma_start3A_255] : memref<3072xi32, #tpu.memory_space<vmem>> -> memref<1536xi32, #tpu.memory_space<vmem>>
        %dma_start3A_257 = tpu.memref_slice %arg3[%add3A_251] : memref<3840000xi32, #tpu.memory_space<hbm>> -> memref<1536xi32, #tpu.memory_space<hbm>>
        tpu.enqueue_dma source(%dma_start3A_257 : memref<1536xi32, #tpu.memory_space<hbm>>) target(%dma_start3A_256 : memref<1536xi32, #tpu.memory_space<vmem>>) target_semaphore(%arg14 : memref<!tpu.dma_semaphore, #tpu.memory_space<semaphore_mem>>)
      } else {
      }
      %add3A_142 = arith.constant 1 : i32
      %add3A_143 = arith.addi %add3A_127, %add3A_142 : i32
      %lt3A_144 = arith.constant 40 : i32
      %lt3A_145 = arith.cmpi slt, %add3A_143, %lt3A_144 : i32
      %convert_element_type3A_146 = arith.extui %lt3A_145 : i1 to i32
      %cond3A_147 = arith.constant 0 : i32
      %cond3A_148 = arith.cmpi ne, %convert_element_type3A_146, %cond3A_147 : i32
      scf.if %cond3A_148 {
        %add3A_234 = arith.constant 1 : i32
        %add3A_235 = arith.addi %add3A_127, %add3A_234 : i32
        %add3A_236 = arith.addi %select_n3A, %add3A_235 : i32
        %mul3A_237 = arith.constant 1536 : i32
        %mul3A_238 = arith.muli %add3A_236, %mul3A_237 : i32
        %add3A_239 = arith.constant 0 : i32
        %add3A_240 = arith.addi %add3A_239, %mul3A_238 : i32
        %dma_start3A_241 = arith.constant 0 : i32
        %dma_start3A_242 = tpu.memref_slice %arg9[%dma_start3A_241] : memref<3072xf32, #tpu.memory_space<vmem>> -> memref<1536xf32, #tpu.memory_space<vmem>>
        %dma_start3A_243 = tpu.memref_slice %arg4[%add3A_240] : memref<3840000xf32, #tpu.memory_space<hbm>> -> memref<1536xf32, #tpu.memory_space<hbm>>
        %dma_start3A_244 = arith.constant 0 : i32
        %dma_start3A_245 = tpu.memref_slice %arg9[%dma_start3A_244] : memref<3072xf32, #tpu.memory_space<vmem>> -> memref<1536xf32, #tpu.memory_space<vmem>>
        %dma_start3A_246 = tpu.memref_slice %arg4[%add3A_240] : memref<3840000xf32, #tpu.memory_space<hbm>> -> memref<1536xf32, #tpu.memory_space<hbm>>
        tpu.enqueue_dma source(%dma_start3A_246 : memref<1536xf32, #tpu.memory_space<hbm>>) target(%dma_start3A_245 : memref<1536xf32, #tpu.memory_space<vmem>>) target_semaphore(%arg17 : memref<!tpu.dma_semaphore, #tpu.memory_space<semaphore_mem>>)
        %add3A_247 = arith.addi %select_n3A, %add3A_235 : i32
        %mul3A_248 = arith.constant 1536 : i32
        %mul3A_249 = arith.muli %add3A_247, %mul3A_248 : i32
        %add3A_250 = arith.constant 1920000 : i32
        %add3A_251 = arith.addi %add3A_250, %mul3A_249 : i32
        %dma_start3A_252 = arith.constant 1536 : i32
        %dma_start3A_253 = tpu.memref_slice %arg9[%dma_start3A_252] : memref<3072xf32, #tpu.memory_space<vmem>> -> memref<1536xf32, #tpu.memory_space<vmem>>
        %dma_start3A_254 = tpu.memref_slice %arg4[%add3A_251] : memref<3840000xf32, #tpu.memory_space<hbm>> -> memref<1536xf32, #tpu.memory_space<hbm>>
        %dma_start3A_255 = arith.constant 1536 : i32
        %dma_start3A_256 = tpu.memref_slice %arg9[%dma_start3A_255] : memref<3072xf32, #tpu.memory_space<vmem>> -> memref<1536xf32, #tpu.memory_space<vmem>>
        %dma_start3A_257 = tpu.memref_slice %arg4[%add3A_251] : memref<3840000xf32, #tpu.memory_space<hbm>> -> memref<1536xf32, #tpu.memory_space<hbm>>
        tpu.enqueue_dma source(%dma_start3A_257 : memref<1536xf32, #tpu.memory_space<hbm>>) target(%dma_start3A_256 : memref<1536xf32, #tpu.memory_space<vmem>>) target_semaphore(%arg17 : memref<!tpu.dma_semaphore, #tpu.memory_space<semaphore_mem>>)
      } else {
      }
      %dma_wait3A_149 = arith.constant 0 : i32
      %dma_wait3A_150 = tpu.memref_slice %arg8[%dma_wait3A_149] : memref<3072xf32, #tpu.memory_space<vmem>> -> memref<1536xf32, #tpu.memory_space<vmem>>
      %dma_wait3A_151 = arith.constant 0 : i32
      %dma_wait3A_152 = tpu.memref_slice %arg4[%dma_wait3A_151] : memref<3840000xf32, #tpu.memory_space<hbm>> -> memref<1536xf32, #tpu.memory_space<hbm>>
      %dma_wait3A_153 = arith.constant 0 : i32
      %dma_wait3A_154 = tpu.memref_slice %arg8[%dma_wait3A_153] : memref<3072xf32, #tpu.memory_space<vmem>> -> memref<1536xf32, #tpu.memory_space<vmem>>
      %dma_wait3A_155 = arith.constant 0 : i32
      %dma_wait3A_156 = tpu.memref_slice %arg4[%dma_wait3A_155] : memref<3840000xf32, #tpu.memory_space<hbm>> -> memref<1536xf32, #tpu.memory_space<hbm>>
      tpu.wait_dma2 semaphore(%arg16 : memref<!tpu.dma_semaphore, #tpu.memory_space<semaphore_mem>>) src(%dma_wait3A_156 : memref<1536xf32, #tpu.memory_space<hbm>>) dst(%dma_wait3A_154 : memref<1536xf32, #tpu.memory_space<vmem>>)
      %dma_wait3A_157 = arith.constant 1536 : i32
      %dma_wait3A_158 = tpu.memref_slice %arg8[%dma_wait3A_157] : memref<3072xf32, #tpu.memory_space<vmem>> -> memref<1536xf32, #tpu.memory_space<vmem>>
      %dma_wait3A_159 = arith.constant 0 : i32
      %dma_wait3A_160 = tpu.memref_slice %arg4[%dma_wait3A_159] : memref<3840000xf32, #tpu.memory_space<hbm>> -> memref<1536xf32, #tpu.memory_space<hbm>>
      %dma_wait3A_161 = arith.constant 1536 : i32
      %dma_wait3A_162 = tpu.memref_slice %arg8[%dma_wait3A_161] : memref<3072xf32, #tpu.memory_space<vmem>> -> memref<1536xf32, #tpu.memory_space<vmem>>
      %dma_wait3A_163 = arith.constant 0 : i32
      %dma_wait3A_164 = tpu.memref_slice %arg4[%dma_wait3A_163] : memref<3840000xf32, #tpu.memory_space<hbm>> -> memref<1536xf32, #tpu.memory_space<hbm>>
      tpu.wait_dma2 semaphore(%arg16 : memref<!tpu.dma_semaphore, #tpu.memory_space<semaphore_mem>>) src(%dma_wait3A_164 : memref<1536xf32, #tpu.memory_space<hbm>>) dst(%dma_wait3A_162 : memref<1536xf32, #tpu.memory_space<vmem>>)
      %ge3A = arith.constant 2 : i32
      %ge3A_165 = arith.cmpi sge, %add3A_127, %ge3A : i32
      %convert_element_type3A_166 = arith.extui %ge3A_165 : i1 to i32
      %cond3A_167 = arith.constant 0 : i32
      %cond3A_168 = arith.cmpi ne, %convert_element_type3A_166, %cond3A_167 : i32
      scf.if %cond3A_168 {
        %dma_wait3A_234 = arith.constant 0 : i32
        %dma_wait3A_235 = tpu.memref_slice %arg5[%dma_wait3A_234] : memref<3840000xf32, #tpu.memory_space<hbm>> -> memref<3072xf32, #tpu.memory_space<hbm>>
        %dma_wait3A_236 = arith.constant 0 : i32
        %dma_wait3A_237 = tpu.memref_slice %arg5[%dma_wait3A_236] : memref<3840000xf32, #tpu.memory_space<hbm>> -> memref<3072xf32, #tpu.memory_space<hbm>>
        tpu.wait_dma2 semaphore(%arg20 : memref<!tpu.dma_semaphore, #tpu.memory_space<semaphore_mem>>) src(%arg12 : memref<3072xf32, #tpu.memory_space<vmem>>) dst(%dma_wait3A_237 : memref<3072xf32, #tpu.memory_space<hbm>>)
      } else {
      }
      %parallel_loop3A = arith.constant 0 : i32
      %parallel_loop3A_169 = arith.constant 48 : i32
      %parallel_loop3A_170 = arith.constant 1 : i32
      scf.for %parallel_loop3A_234 = %parallel_loop3A to %parallel_loop3A_169 step %parallel_loop3A_170  : i32 {
        %parallel_loop3A_235 = arith.constant 4 : i32
        %parallel_loop3A_236 = arith.divsi %parallel_loop3A_234, %parallel_loop3A_235 : i32
        %parallel_loop3A_237 = arith.constant 0 : i32
        %parallel_loop3A_238 = arith.cmpi sgt, %parallel_loop3A_234, %parallel_loop3A_237 : i32
        %parallel_loop3A_239 = arith.extui %parallel_loop3A_238 : i1 to i32
        %parallel_loop3A_240 = arith.constant 0 : i32
        %parallel_loop3A_241 = arith.cmpi slt, %parallel_loop3A_234, %parallel_loop3A_240 : i32
        %parallel_loop3A_242 = arith.extui %parallel_loop3A_241 : i1 to i32
        %parallel_loop3A_243 = arith.subi %parallel_loop3A_239, %parallel_loop3A_242 : i32
        %parallel_loop3A_244 = arith.constant 0 : i32
        %parallel_loop3A_245 = arith.cmpi sgt, %parallel_loop3A_235, %parallel_loop3A_244 : i32
        %parallel_loop3A_246 = arith.extui %parallel_loop3A_245 : i1 to i32
        %parallel_loop3A_247 = arith.constant 0 : i32
        %parallel_loop3A_248 = arith.cmpi slt, %parallel_loop3A_235, %parallel_loop3A_247 : i32
        %parallel_loop3A_249 = arith.extui %parallel_loop3A_248 : i1 to i32
        %parallel_loop3A_250 = arith.subi %parallel_loop3A_246, %parallel_loop3A_249 : i32
        %parallel_loop3A_251 = arith.cmpi ne, %parallel_loop3A_243, %parallel_loop3A_250 : i32
        %parallel_loop3A_252 = arith.remsi %parallel_loop3A_234, %parallel_loop3A_235 : i32
        %parallel_loop3A_253 = arith.constant 0 : i32
        %parallel_loop3A_254 = arith.cmpi ne, %parallel_loop3A_252, %parallel_loop3A_253 : i32
        %parallel_loop3A_255 = arith.andi %parallel_loop3A_251, %parallel_loop3A_254 : i1
        %parallel_loop3A_256 = arith.constant 1 : i32
        %parallel_loop3A_257 = arith.subi %parallel_loop3A_236, %parallel_loop3A_256 : i32
        %parallel_loop3A_258 = arith.select %parallel_loop3A_255, %parallel_loop3A_257, %parallel_loop3A_236 : i32
        %parallel_loop3A_259 = arith.constant 4 : i32
        %parallel_loop3A_260 = arith.constant 0 : i32
        %parallel_loop3A_261 = arith.cmpi eq, %parallel_loop3A_259, %parallel_loop3A_260 : i32
        %parallel_loop3A_262 = arith.constant 1 : i32
        %parallel_loop3A_263 = arith.select %parallel_loop3A_261, %parallel_loop3A_262, %parallel_loop3A_259 : i32
        %parallel_loop3A_264 = arith.remsi %parallel_loop3A_234, %parallel_loop3A_263 : i32
        %parallel_loop3A_265 = arith.constant 0 : i32
        %parallel_loop3A_266 = arith.cmpi ne, %parallel_loop3A_264, %parallel_loop3A_265 : i32
        %parallel_loop3A_267 = arith.constant 0 : i32
        %parallel_loop3A_268 = arith.cmpi slt, %parallel_loop3A_264, %parallel_loop3A_267 : i32
        %parallel_loop3A_269 = arith.constant 0 : i32
        %parallel_loop3A_270 = arith.cmpi slt, %parallel_loop3A_263, %parallel_loop3A_269 : i32
        %parallel_loop3A_271 = arith.xori %parallel_loop3A_268, %parallel_loop3A_270 : i1
        %parallel_loop3A_272 = arith.andi %parallel_loop3A_271, %parallel_loop3A_266 : i1
        %parallel_loop3A_273 = arith.addi %parallel_loop3A_264, %parallel_loop3A_263 : i32
        %parallel_loop3A_274 = arith.select %parallel_loop3A_272, %parallel_loop3A_273, %parallel_loop3A_264 : i32
        %parallel_loop3A_275 = arith.constant 0.000000e+00 : f32
        %parallel_loop3A_276 = vector.broadcast %parallel_loop3A_275 : f32 to vector<16xf32>
        %parallel_loop3A_277 = arith.constant 0.000000e+00 : f32
        %parallel_loop3A_278 = vector.broadcast %parallel_loop3A_277 : f32 to vector<16xf32>
        %parallel_loop3A_279 = arith.constant 0.000000e+00 : f32
        %parallel_loop3A_280 = vector.broadcast %parallel_loop3A_279 : f32 to vector<16xf32>
        %parallel_loop3A_281 = arith.constant 0.000000e+00 : f32
        %parallel_loop3A_282 = vector.broadcast %parallel_loop3A_281 : f32 to vector<16xf32>
        %parallel_loop3A_283 = arith.constant 128 : i32
        %parallel_loop3A_284 = arith.muli %parallel_loop3A_258, %parallel_loop3A_283 : i32
        %parallel_loop3A_285 = arith.constant 0 : i32
        %parallel_loop3A_286 = arith.addi %parallel_loop3A_285, %parallel_loop3A_284 : i32
        %parallel_loop3A_287 = arith.constant 0 : i32
        %parallel_loop3A_288 = arith.addi %parallel_loop3A_286, %parallel_loop3A_287 : i32
        %parallel_loop3A_289 = arith.constant 16 : i32
        %parallel_loop3A_290 = arith.muli %parallel_loop3A_274, %parallel_loop3A_289 : i32
        %parallel_loop3A_291 = arith.addi %parallel_loop3A_288, %parallel_loop3A_290 : i32
        %parallel_loop3A_292 = arith.index_cast %parallel_loop3A_291 : i32 to index
        %parallel_loop3A_293 = tpu.vector_load %arg8[%parallel_loop3A_292] {strides = array<i32>} : memref<3072xf32, #tpu.memory_space<vmem>>, vector<16xf32>,
        %parallel_loop3A_294 = arith.constant 0 : i32
        %parallel_loop3A_295 = vector.broadcast %parallel_loop3A_294 : i32 to vector<16xi32>
        %parallel_loop3A_296 = vector.shape_cast %parallel_loop3A_295 : vector<16xi32> to vector<16x1xi32>
        %parallel_loop3A_297 = vector.shape_cast %parallel_loop3A_296 : vector<16x1xi32> to vector<16xi32>
        %parallel_loop3A_298 = tpu.dynamic_gather %parallel_loop3A_293[%parallel_loop3A_297] in [0] : vector<16xf32>, vector<16xi32> -> vector<16xf32>
        %parallel_loop3A_299 = arith.constant 0 : i32
        %parallel_loop3A_300 = arith.addi %parallel_loop3A_291, %parallel_loop3A_299 : i32
        %parallel_loop3A_301 = arith.index_cast %parallel_loop3A_300 : i32 to index
        %parallel_loop3A_302 = arith.constant 0 : index
        %parallel_loop3A_303 = tpu.vector_load %arg10[%parallel_loop3A_301, %parallel_loop3A_302] {strides = array<i32>} : memref<3072x32xbf16, #tpu.memory_space<vmem>>, vector<32xbf16>,
        %parallel_loop3A_304 = tpu.unpack_subelements %parallel_loop3A_303, 0 {pack_format = #tpu.pack_format<interleaved>} : vector<32xbf16> -> vector<16xf32>
        %parallel_loop3A_305 = tpu.unpack_subelements %parallel_loop3A_303, 1 {pack_format = #tpu.pack_format<interleaved>} : vector<32xbf16> -> vector<16xf32>
        %parallel_loop3A_306 = arith.mulf %parallel_loop3A_298, %parallel_loop3A_304 : vector<16xf32>
        %parallel_loop3A_307 = arith.addf %parallel_loop3A_276, %parallel_loop3A_306 : vector<16xf32>
        %parallel_loop3A_308 = arith.mulf %parallel_loop3A_298, %parallel_loop3A_305 : vector<16xf32>
        %parallel_loop3A_309 = arith.addf %parallel_loop3A_278, %parallel_loop3A_308 : vector<16xf32>
        %parallel_loop3A_310 = arith.constant 1 : i32
        %parallel_loop3A_311 = vector.broadcast %parallel_loop3A_310 : i32 to vector<16xi32>
        %parallel_loop3A_312 = vector.shape_cast %parallel_loop3A_311 : vector<16xi32> to vector<16x1xi32>
        %parallel_loop3A_313 = vector.shape_cast %parallel_loop3A_312 : vector<16x1xi32> to vector<16xi32>
        %parallel_loop3A_314 = tpu.dynamic_gather %parallel_loop3A_293[%parallel_loop3A_313] in [0] : vector<16xf32>, vector<16xi32> -> vector<16xf32>
        %parallel_loop3A_315 = arith.constant 1 : i32
        %parallel_loop3A_316 = arith.addi %parallel_loop3A_291, %parallel_loop3A_315 : i32
        %parallel_loop3A_317 = arith.index_cast %parallel_loop3A_316 : i32 to index
        %parallel_loop3A_318 = arith.constant 0 : index
        %parallel_loop3A_319 = tpu.vector_load %arg10[%parallel_loop3A_317, %parallel_loop3A_318] {strides = array<i32>} : memref<3072x32xbf16, #tpu.memory_space<vmem>>, vector<32xbf16>,
        %parallel_loop3A_320 = tpu.unpack_subelements %parallel_loop3A_319, 0 {pack_format = #tpu.pack_format<interleaved>} : vector<32xbf16> -> vector<16xf32>
        %parallel_loop3A_321 = tpu.unpack_subelements %parallel_loop3A_319, 1 {pack_format = #tpu.pack_format<interleaved>} : vector<32xbf16> -> vector<16xf32>
        %parallel_loop3A_322 = arith.mulf %parallel_loop3A_314, %parallel_loop3A_320 : vector<16xf32>
        %parallel_loop3A_323 = arith.addf %parallel_loop3A_307, %parallel_loop3A_322 : vector<16xf32>
        %parallel_loop3A_324 = arith.mulf %parallel_loop3A_314, %parallel_loop3A_321 : vector<16xf32>
        %parallel_loop3A_325 = arith.addf %parallel_loop3A_309, %parallel_loop3A_324 : vector<16xf32>
        %parallel_loop3A_326 = arith.constant 2 : i32
        %parallel_loop3A_327 = vector.broadcast %parallel_loop3A_326 : i32 to vector<16xi32>
        %parallel_loop3A_328 = vector.shape_cast %parallel_loop3A_327 : vector<16xi32> to vector<16x1xi32>
        %parallel_loop3A_329 = vector.shape_cast %parallel_loop3A_328 : vector<16x1xi32> to vector<16xi32>
        %parallel_loop3A_330 = tpu.dynamic_gather %parallel_loop3A_293[%parallel_loop3A_329] in [0] : vector<16xf32>, vector<16xi32> -> vector<16xf32>
        %parallel_loop3A_331 = arith.constant 2 : i32
        %parallel_loop3A_332 = arith.addi %parallel_loop3A_291, %parallel_loop3A_331 : i32
        %parallel_loop3A_333 = arith.index_cast %parallel_loop3A_332 : i32 to index
        %parallel_loop3A_334 = arith.constant 0 : index
        %parallel_loop3A_335 = tpu.vector_load %arg10[%parallel_loop3A_333, %parallel_loop3A_334] {strides = array<i32>} : memref<3072x32xbf16, #tpu.memory_space<vmem>>, vector<32xbf16>,
        %parallel_loop3A_336 = tpu.unpack_subelements %parallel_loop3A_335, 0 {pack_format = #tpu.pack_format<interleaved>} : vector<32xbf16> -> vector<16xf32>
        %parallel_loop3A_337 = tpu.unpack_subelements %parallel_loop3A_335, 1 {pack_format = #tpu.pack_format<interleaved>} : vector<32xbf16> -> vector<16xf32>
        %parallel_loop3A_338 = arith.mulf %parallel_loop3A_330, %parallel_loop3A_336 : vector<16xf32>
        %parallel_loop3A_339 = arith.addf %parallel_loop3A_323, %parallel_loop3A_338 : vector<16xf32>
        %parallel_loop3A_340 = arith.mulf %parallel_loop3A_330, %parallel_loop3A_337 : vector<16xf32>
        %parallel_loop3A_341 = arith.addf %parallel_loop3A_325, %parallel_loop3A_340 : vector<16xf32>
        %parallel_loop3A_342 = arith.constant 3 : i32
        %parallel_loop3A_343 = vector.broadcast %parallel_loop3A_342 : i32 to vector<16xi32>
        %parallel_loop3A_344 = vector.shape_cast %parallel_loop3A_343 : vector<16xi32> to vector<16x1xi32>
        %parallel_loop3A_345 = vector.shape_cast %parallel_loop3A_344 : vector<16x1xi32> to vector<16xi32>
        %parallel_loop3A_346 = tpu.dynamic_gather %parallel_loop3A_293[%parallel_loop3A_345] in [0] : vector<16xf32>, vector<16xi32> -> vector<16xf32>
        %parallel_loop3A_347 = arith.constant 3 : i32
        %parallel_loop3A_348 = arith.addi %parallel_loop3A_291, %parallel_loop3A_347 : i32
        %parallel_loop3A_349 = arith.index_cast %parallel_loop3A_348 : i32 to index
        %parallel_loop3A_350 = arith.constant 0 : index
        %parallel_loop3A_351 = tpu.vector_load %arg10[%parallel_loop3A_349, %parallel_loop3A_350] {strides = array<i32>} : memref<3072x32xbf16, #tpu.memory_space<vmem>>, vector<32xbf16>,
        %parallel_loop3A_352 = tpu.unpack_subelements %parallel_loop3A_351, 0 {pack_format = #tpu.pack_format<interleaved>} : vector<32xbf16> -> vector<16xf32>
        %parallel_loop3A_353 = tpu.unpack_subelements %parallel_loop3A_351, 1 {pack_format = #tpu.pack_format<interleaved>} : vector<32xbf16> -> vector<16xf32>
        %parallel_loop3A_354 = arith.mulf %parallel_loop3A_346, %parallel_loop3A_352 : vector<16xf32>
        %parallel_loop3A_355 = arith.addf %parallel_loop3A_339, %parallel_loop3A_354 : vector<16xf32>
        %parallel_loop3A_356 = arith.mulf %parallel_loop3A_346, %parallel_loop3A_353 : vector<16xf32>
        %parallel_loop3A_357 = arith.addf %parallel_loop3A_341, %parallel_loop3A_356 : vector<16xf32>
        %parallel_loop3A_358 = arith.constant 4 : i32
        %parallel_loop3A_359 = vector.broadcast %parallel_loop3A_358 : i32 to vector<16xi32>
        %parallel_loop3A_360 = vector.shape_cast %parallel_loop3A_359 : vector<16xi32> to vector<16x1xi32>
        %parallel_loop3A_361 = vector.shape_cast %parallel_loop3A_360 : vector<16x1xi32> to vector<16xi32>
        %parallel_loop3A_362 = tpu.dynamic_gather %parallel_loop3A_293[%parallel_loop3A_361] in [0] : vector<16xf32>, vector<16xi32> -> vector<16xf32>
        %parallel_loop3A_363 = arith.constant 4 : i32
        %parallel_loop3A_364 = arith.addi %parallel_loop3A_291, %parallel_loop3A_363 : i32
        %parallel_loop3A_365 = arith.index_cast %parallel_loop3A_364 : i32 to index
        %parallel_loop3A_366 = arith.constant 0 : index
        %parallel_loop3A_367 = tpu.vector_load %arg10[%parallel_loop3A_365, %parallel_loop3A_366] {strides = array<i32>} : memref<3072x32xbf16, #tpu.memory_space<vmem>>, vector<32xbf16>,
        %parallel_loop3A_368 = tpu.unpack_subelements %parallel_loop3A_367, 0 {pack_format = #tpu.pack_format<interleaved>} : vector<32xbf16> -> vector<16xf32>
        %parallel_loop3A_369 = tpu.unpack_subelements %parallel_loop3A_367, 1 {pack_format = #tpu.pack_format<interleaved>} : vector<32xbf16> -> vector<16xf32>
        %parallel_loop3A_370 = arith.mulf %parallel_loop3A_362, %parallel_loop3A_368 : vector<16xf32>
        %parallel_loop3A_371 = arith.addf %parallel_loop3A_355, %parallel_loop3A_370 : vector<16xf32>
        %parallel_loop3A_372 = arith.mulf %parallel_loop3A_362, %parallel_loop3A_369 : vector<16xf32>
        %parallel_loop3A_373 = arith.addf %parallel_loop3A_357, %parallel_loop3A_372 : vector<16xf32>
        %parallel_loop3A_374 = arith.constant 5 : i32
        %parallel_loop3A_375 = vector.broadcast %parallel_loop3A_374 : i32 to vector<16xi32>
        %parallel_loop3A_376 = vector.shape_cast %parallel_loop3A_375 : vector<16xi32> to vector<16x1xi32>
        %parallel_loop3A_377 = vector.shape_cast %parallel_loop3A_376 : vector<16x1xi32> to vector<16xi32>
        %parallel_loop3A_378 = tpu.dynamic_gather %parallel_loop3A_293[%parallel_loop3A_377] in [0] : vector<16xf32>, vector<16xi32> -> vector<16xf32>
        %parallel_loop3A_379 = arith.constant 5 : i32
        %parallel_loop3A_380 = arith.addi %parallel_loop3A_291, %parallel_loop3A_379 : i32
        %parallel_loop3A_381 = arith.index_cast %parallel_loop3A_380 : i32 to index
        %parallel_loop3A_382 = arith.constant 0 : index
        %parallel_loop3A_383 = tpu.vector_load %arg10[%parallel_loop3A_381, %parallel_loop3A_382] {strides = array<i32>} : memref<3072x32xbf16, #tpu.memory_space<vmem>>, vector<32xbf16>,
        %parallel_loop3A_384 = tpu.unpack_subelements %parallel_loop3A_383, 0 {pack_format = #tpu.pack_format<interleaved>} : vector<32xbf16> -> vector<16xf32>
        %parallel_loop3A_385 = tpu.unpack_subelements %parallel_loop3A_383, 1 {pack_format = #tpu.pack_format<interleaved>} : vector<32xbf16> -> vector<16xf32>
        %parallel_loop3A_386 = arith.mulf %parallel_loop3A_378, %parallel_loop3A_384 : vector<16xf32>
        %parallel_loop3A_387 = arith.addf %parallel_loop3A_371, %parallel_loop3A_386 : vector<16xf32>
        %parallel_loop3A_388 = arith.mulf %parallel_loop3A_378, %parallel_loop3A_385 : vector<16xf32>
        %parallel_loop3A_389 = arith.addf %parallel_loop3A_373, %parallel_loop3A_388 : vector<16xf32>
        %parallel_loop3A_390 = arith.constant 6 : i32
        %parallel_loop3A_391 = vector.broadcast %parallel_loop3A_390 : i32 to vector<16xi32>
        %parallel_loop3A_392 = vector.shape_cast %parallel_loop3A_391 : vector<16xi32> to vector<16x1xi32>
        %parallel_loop3A_393 = vector.shape_cast %parallel_loop3A_392 : vector<16x1xi32> to vector<16xi32>
        %parallel_loop3A_394 = tpu.dynamic_gather %parallel_loop3A_293[%parallel_loop3A_393] in [0] : vector<16xf32>, vector<16xi32> -> vector<16xf32>
        %parallel_loop3A_395 = arith.constant 6 : i32
        %parallel_loop3A_396 = arith.addi %parallel_loop3A_291, %parallel_loop3A_395 : i32
        %parallel_loop3A_397 = arith.index_cast %parallel_loop3A_396 : i32 to index
        %parallel_loop3A_398 = arith.constant 0 : index
        %parallel_loop3A_399 = tpu.vector_load %arg10[%parallel_loop3A_397, %parallel_loop3A_398] {strides = array<i32>} : memref<3072x32xbf16, #tpu.memory_space<vmem>>, vector<32xbf16>,
        %parallel_loop3A_400 = tpu.unpack_subelements %parallel_loop3A_399, 0 {pack_format = #tpu.pack_format<interleaved>} : vector<32xbf16> -> vector<16xf32>
        %parallel_loop3A_401 = tpu.unpack_subelements %parallel_loop3A_399, 1 {pack_format = #tpu.pack_format<interleaved>} : vector<32xbf16> -> vector<16xf32>
        %parallel_loop3A_402 = arith.mulf %parallel_loop3A_394, %parallel_loop3A_400 : vector<16xf32>
        %parallel_loop3A_403 = arith.addf %parallel_loop3A_387, %parallel_loop3A_402 : vector<16xf32>
        %parallel_loop3A_404 = arith.mulf %parallel_loop3A_394, %parallel_loop3A_401 : vector<16xf32>
        %parallel_loop3A_405 = arith.addf %parallel_loop3A_389, %parallel_loop3A_404 : vector<16xf32>
        %parallel_loop3A_406 = arith.constant 7 : i32
        %parallel_loop3A_407 = vector.broadcast %parallel_loop3A_406 : i32 to vector<16xi32>
        %parallel_loop3A_408 = vector.shape_cast %parallel_loop3A_407 : vector<16xi32> to vector<16x1xi32>
        %parallel_loop3A_409 = vector.shape_cast %parallel_loop3A_408 : vector<16x1xi32> to vector<16xi32>
        %parallel_loop3A_410 = tpu.dynamic_gather %parallel_loop3A_293[%parallel_loop3A_409] in [0] : vector<16xf32>, vector<16xi32> -> vector<16xf32>
        %parallel_loop3A_411 = arith.constant 7 : i32
        %parallel_loop3A_412 = arith.addi %parallel_loop3A_291, %parallel_loop3A_411 : i32
        %parallel_loop3A_413 = arith.index_cast %parallel_loop3A_412 : i32 to index
        %parallel_loop3A_414 = arith.constant 0 : index
        %parallel_loop3A_415 = tpu.vector_load %arg10[%parallel_loop3A_413, %parallel_loop3A_414] {strides = array<i32>} : memref<3072x32xbf16, #tpu.memory_space<vmem>>, vector<32xbf16>,
        %parallel_loop3A_416 = tpu.unpack_subelements %parallel_loop3A_415, 0 {pack_format = #tpu.pack_format<interleaved>} : vector<32xbf16> -> vector<16xf32>
        %parallel_loop3A_417 = tpu.unpack_subelements %parallel_loop3A_415, 1 {pack_format = #tpu.pack_format<interleaved>} : vector<32xbf16> -> vector<16xf32>
        %parallel_loop3A_418 = arith.mulf %parallel_loop3A_410, %parallel_loop3A_416 : vector<16xf32>
        %parallel_loop3A_419 = arith.addf %parallel_loop3A_403, %parallel_loop3A_418 : vector<16xf32>
        %parallel_loop3A_420 = arith.mulf %parallel_loop3A_410, %parallel_loop3A_417 : vector<16xf32>
        %parallel_loop3A_421 = arith.addf %parallel_loop3A_405, %parallel_loop3A_420 : vector<16xf32>
        %parallel_loop3A_422 = arith.constant 8 : i32
        %parallel_loop3A_423 = vector.broadcast %parallel_loop3A_422 : i32 to vector<16xi32>
        %parallel_loop3A_424 = vector.shape_cast %parallel_loop3A_423 : vector<16xi32> to vector<16x1xi32>
        %parallel_loop3A_425 = vector.shape_cast %parallel_loop3A_424 : vector<16x1xi32> to vector<16xi32>
        %parallel_loop3A_426 = tpu.dynamic_gather %parallel_loop3A_293[%parallel_loop3A_425] in [0] : vector<16xf32>, vector<16xi32> -> vector<16xf32>
        %parallel_loop3A_427 = arith.constant 8 : i32
        %parallel_loop3A_428 = arith.addi %parallel_loop3A_291, %parallel_loop3A_427 : i32
        %parallel_loop3A_429 = arith.index_cast %parallel_loop3A_428 : i32 to index
        %parallel_loop3A_430 = arith.constant 0 : index
        %parallel_loop3A_431 = tpu.vector_load %arg10[%parallel_loop3A_429, %parallel_loop3A_430] {strides = array<i32>} : memref<3072x32xbf16, #tpu.memory_space<vmem>>, vector<32xbf16>,
        %parallel_loop3A_432 = tpu.unpack_subelements %parallel_loop3A_431, 0 {pack_format = #tpu.pack_format<interleaved>} : vector<32xbf16> -> vector<16xf32>
        %parallel_loop3A_433 = tpu.unpack_subelements %parallel_loop3A_431, 1 {pack_format = #tpu.pack_format<interleaved>} : vector<32xbf16> -> vector<16xf32>
        %parallel_loop3A_434 = arith.mulf %parallel_loop3A_426, %parallel_loop3A_432 : vector<16xf32>
        %parallel_loop3A_435 = arith.addf %parallel_loop3A_280, %parallel_loop3A_434 : vector<16xf32>
        %parallel_loop3A_436 = arith.mulf %parallel_loop3A_426, %parallel_loop3A_433 : vector<16xf32>
        %parallel_loop3A_437 = arith.addf %parallel_loop3A_282, %parallel_loop3A_436 : vector<16xf32>
        %parallel_loop3A_438 = arith.constant 9 : i32
        %parallel_loop3A_439 = vector.broadcast %parallel_loop3A_438 : i32 to vector<16xi32>
        %parallel_loop3A_440 = vector.shape_cast %parallel_loop3A_439 : vector<16xi32> to vector<16x1xi32>
        %parallel_loop3A_441 = vector.shape_cast %parallel_loop3A_440 : vector<16x1xi32> to vector<16xi32>
        %parallel_loop3A_442 = tpu.dynamic_gather %parallel_loop3A_293[%parallel_loop3A_441] in [0] : vector<16xf32>, vector<16xi32> -> vector<16xf32>
        %parallel_loop3A_443 = arith.constant 9 : i32
        %parallel_loop3A_444 = arith.addi %parallel_loop3A_291, %parallel_loop3A_443 : i32
        %parallel_loop3A_445 = arith.index_cast %parallel_loop3A_444 : i32 to index
        %parallel_loop3A_446 = arith.constant 0 : index
        %parallel_loop3A_447 = tpu.vector_load %arg10[%parallel_loop3A_445, %parallel_loop3A_446] {strides = array<i32>} : memref<3072x32xbf16, #tpu.memory_space<vmem>>, vector<32xbf16>,
        %parallel_loop3A_448 = tpu.unpack_subelements %parallel_loop3A_447, 0 {pack_format = #tpu.pack_format<interleaved>} : vector<32xbf16> -> vector<16xf32>
        %parallel_loop3A_449 = tpu.unpack_subelements %parallel_loop3A_447, 1 {pack_format = #tpu.pack_format<interleaved>} : vector<32xbf16> -> vector<16xf32>
        %parallel_loop3A_450 = arith.mulf %parallel_loop3A_442, %parallel_loop3A_448 : vector<16xf32>
        %parallel_loop3A_451 = arith.addf %parallel_loop3A_435, %parallel_loop3A_450 : vector<16xf32>
        %parallel_loop3A_452 = arith.mulf %parallel_loop3A_442, %parallel_loop3A_449 : vector<16xf32>
        %parallel_loop3A_453 = arith.addf %parallel_loop3A_437, %parallel_loop3A_452 : vector<16xf32>
        %parallel_loop3A_454 = arith.constant 10 : i32
        %parallel_loop3A_455 = vector.broadcast %parallel_loop3A_454 : i32 to vector<16xi32>
        %parallel_loop3A_456 = vector.shape_cast %parallel_loop3A_455 : vector<16xi32> to vector<16x1xi32>
        %parallel_loop3A_457 = vector.shape_cast %parallel_loop3A_456 : vector<16x1xi32> to vector<16xi32>
        %parallel_loop3A_458 = tpu.dynamic_gather %parallel_loop3A_293[%parallel_loop3A_457] in [0] : vector<16xf32>, vector<16xi32> -> vector<16xf32>
        %parallel_loop3A_459 = arith.constant 10 : i32
        %parallel_loop3A_460 = arith.addi %parallel_loop3A_291, %parallel_loop3A_459 : i32
        %parallel_loop3A_461 = arith.index_cast %parallel_loop3A_460 : i32 to index
        %parallel_loop3A_462 = arith.constant 0 : index
        %parallel_loop3A_463 = tpu.vector_load %arg10[%parallel_loop3A_461, %parallel_loop3A_462] {strides = array<i32>} : memref<3072x32xbf16, #tpu.memory_space<vmem>>, vector<32xbf16>,
        %parallel_loop3A_464 = tpu.unpack_subelements %parallel_loop3A_463, 0 {pack_format = #tpu.pack_format<interleaved>} : vector<32xbf16> -> vector<16xf32>
        %parallel_loop3A_465 = tpu.unpack_subelements %parallel_loop3A_463, 1 {pack_format = #tpu.pack_format<interleaved>} : vector<32xbf16> -> vector<16xf32>
        %parallel_loop3A_466 = arith.mulf %parallel_loop3A_458, %parallel_loop3A_464 : vector<16xf32>
        %parallel_loop3A_467 = arith.addf %parallel_loop3A_451, %parallel_loop3A_466 : vector<16xf32>
        %parallel_loop3A_468 = arith.mulf %parallel_loop3A_458, %parallel_loop3A_465 : vector<16xf32>
        %parallel_loop3A_469 = arith.addf %parallel_loop3A_453, %parallel_loop3A_468 : vector<16xf32>
        %parallel_loop3A_470 = arith.constant 11 : i32
        %parallel_loop3A_471 = vector.broadcast %parallel_loop3A_470 : i32 to vector<16xi32>
        %parallel_loop3A_472 = vector.shape_cast %parallel_loop3A_471 : vector<16xi32> to vector<16x1xi32>
        %parallel_loop3A_473 = vector.shape_cast %parallel_loop3A_472 : vector<16x1xi32> to vector<16xi32>
        %parallel_loop3A_474 = tpu.dynamic_gather %parallel_loop3A_293[%parallel_loop3A_473] in [0] : vector<16xf32>, vector<16xi32> -> vector<16xf32>
        %parallel_loop3A_475 = arith.constant 11 : i32
        %parallel_loop3A_476 = arith.addi %parallel_loop3A_291, %parallel_loop3A_475 : i32
        %parallel_loop3A_477 = arith.index_cast %parallel_loop3A_476 : i32 to index
        %parallel_loop3A_478 = arith.constant 0 : index
        %parallel_loop3A_479 = tpu.vector_load %arg10[%parallel_loop3A_477, %parallel_loop3A_478] {strides = array<i32>} : memref<3072x32xbf16, #tpu.memory_space<vmem>>, vector<32xbf16>,
        %parallel_loop3A_480 = tpu.unpack_subelements %parallel_loop3A_479, 0 {pack_format = #tpu.pack_format<interleaved>} : vector<32xbf16> -> vector<16xf32>
        %parallel_loop3A_481 = tpu.unpack_subelements %parallel_loop3A_479, 1 {pack_format = #tpu.pack_format<interleaved>} : vector<32xbf16> -> vector<16xf32>
        %parallel_loop3A_482 = arith.mulf %parallel_loop3A_474, %parallel_loop3A_480 : vector<16xf32>
        %parallel_loop3A_483 = arith.addf %parallel_loop3A_467, %parallel_loop3A_482 : vector<16xf32>
        %parallel_loop3A_484 = arith.mulf %parallel_loop3A_474, %parallel_loop3A_481 : vector<16xf32>
        %parallel_loop3A_485 = arith.addf %parallel_loop3A_469, %parallel_loop3A_484 : vector<16xf32>
        %parallel_loop3A_486 = arith.constant 12 : i32
        %parallel_loop3A_487 = vector.broadcast %parallel_loop3A_486 : i32 to vector<16xi32>
        %parallel_loop3A_488 = vector.shape_cast %parallel_loop3A_487 : vector<16xi32> to vector<16x1xi32>
        %parallel_loop3A_489 = vector.shape_cast %parallel_loop3A_488 : vector<16x1xi32> to vector<16xi32>
        %parallel_loop3A_490 = tpu.dynamic_gather %parallel_loop3A_293[%parallel_loop3A_489] in [0] : vector<16xf32>, vector<16xi32> -> vector<16xf32>
        %parallel_loop3A_491 = arith.constant 12 : i32
        %parallel_loop3A_492 = arith.addi %parallel_loop3A_291, %parallel_loop3A_491 : i32
        %parallel_loop3A_493 = arith.index_cast %parallel_loop3A_492 : i32 to index
        %parallel_loop3A_494 = arith.constant 0 : index
        %parallel_loop3A_495 = tpu.vector_load %arg10[%parallel_loop3A_493, %parallel_loop3A_494] {strides = array<i32>} : memref<3072x32xbf16, #tpu.memory_space<vmem>>, vector<32xbf16>,
        %parallel_loop3A_496 = tpu.unpack_subelements %parallel_loop3A_495, 0 {pack_format = #tpu.pack_format<interleaved>} : vector<32xbf16> -> vector<16xf32>
        %parallel_loop3A_497 = tpu.unpack_subelements %parallel_loop3A_495, 1 {pack_format = #tpu.pack_format<interleaved>} : vector<32xbf16> -> vector<16xf32>
        %parallel_loop3A_498 = arith.mulf %parallel_loop3A_490, %parallel_loop3A_496 : vector<16xf32>
        %parallel_loop3A_499 = arith.addf %parallel_loop3A_483, %parallel_loop3A_498 : vector<16xf32>
        %parallel_loop3A_500 = arith.mulf %parallel_loop3A_490, %parallel_loop3A_497 : vector<16xf32>
        %parallel_loop3A_501 = arith.addf %parallel_loop3A_485, %parallel_loop3A_500 : vector<16xf32>
        %parallel_loop3A_502 = arith.constant 13 : i32
        %parallel_loop3A_503 = vector.broadcast %parallel_loop3A_502 : i32 to vector<16xi32>
        %parallel_loop3A_504 = vector.shape_cast %parallel_loop3A_503 : vector<16xi32> to vector<16x1xi32>
        %parallel_loop3A_505 = vector.shape_cast %parallel_loop3A_504 : vector<16x1xi32> to vector<16xi32>
        %parallel_loop3A_506 = tpu.dynamic_gather %parallel_loop3A_293[%parallel_loop3A_505] in [0] : vector<16xf32>, vector<16xi32> -> vector<16xf32>
        %parallel_loop3A_507 = arith.constant 13 : i32
        %parallel_loop3A_508 = arith.addi %parallel_loop3A_291, %parallel_loop3A_507 : i32
        %parallel_loop3A_509 = arith.index_cast %parallel_loop3A_508 : i32 to index
        %parallel_loop3A_510 = arith.constant 0 : index
        %parallel_loop3A_511 = tpu.vector_load %arg10[%parallel_loop3A_509, %parallel_loop3A_510] {strides = array<i32>} : memref<3072x32xbf16, #tpu.memory_space<vmem>>, vector<32xbf16>,
        %parallel_loop3A_512 = tpu.unpack_subelements %parallel_loop3A_511, 0 {pack_format = #tpu.pack_format<interleaved>} : vector<32xbf16> -> vector<16xf32>
        %parallel_loop3A_513 = tpu.unpack_subelements %parallel_loop3A_511, 1 {pack_format = #tpu.pack_format<interleaved>} : vector<32xbf16> -> vector<16xf32>
        %parallel_loop3A_514 = arith.mulf %parallel_loop3A_506, %parallel_loop3A_512 : vector<16xf32>
        %parallel_loop3A_515 = arith.addf %parallel_loop3A_499, %parallel_loop3A_514 : vector<16xf32>
        %parallel_loop3A_516 = arith.mulf %parallel_loop3A_506, %parallel_loop3A_513 : vector<16xf32>
        %parallel_loop3A_517 = arith.addf %parallel_loop3A_501, %parallel_loop3A_516 : vector<16xf32>
        %parallel_loop3A_518 = arith.constant 14 : i32
        %parallel_loop3A_519 = vector.broadcast %parallel_loop3A_518 : i32 to vector<16xi32>
        %parallel_loop3A_520 = vector.shape_cast %parallel_loop3A_519 : vector<16xi32> to vector<16x1xi32>
        %parallel_loop3A_521 = vector.shape_cast %parallel_loop3A_520 : vector<16x1xi32> to vector<16xi32>
        %parallel_loop3A_522 = tpu.dynamic_gather %parallel_loop3A_293[%parallel_loop3A_521] in [0] : vector<16xf32>, vector<16xi32> -> vector<16xf32>
        %parallel_loop3A_523 = arith.constant 14 : i32
        %parallel_loop3A_524 = arith.addi %parallel_loop3A_291, %parallel_loop3A_523 : i32
        %parallel_loop3A_525 = arith.index_cast %parallel_loop3A_524 : i32 to index
        %parallel_loop3A_526 = arith.constant 0 : index
        %parallel_loop3A_527 = tpu.vector_load %arg10[%parallel_loop3A_525, %parallel_loop3A_526] {strides = array<i32>} : memref<3072x32xbf16, #tpu.memory_space<vmem>>, vector<32xbf16>,
        %parallel_loop3A_528 = tpu.unpack_subelements %parallel_loop3A_527, 0 {pack_format = #tpu.pack_format<interleaved>} : vector<32xbf16> -> vector<16xf32>
        %parallel_loop3A_529 = tpu.unpack_subelements %parallel_loop3A_527, 1 {pack_format = #tpu.pack_format<interleaved>} : vector<32xbf16> -> vector<16xf32>
        %parallel_loop3A_530 = arith.mulf %parallel_loop3A_522, %parallel_loop3A_528 : vector<16xf32>
        %parallel_loop3A_531 = arith.addf %parallel_loop3A_515, %parallel_loop3A_530 : vector<16xf32>
        %parallel_loop3A_532 = arith.mulf %parallel_loop3A_522, %parallel_loop3A_529 : vector<16xf32>
        %parallel_loop3A_533 = arith.addf %parallel_loop3A_517, %parallel_loop3A_532 : vector<16xf32>
        %parallel_loop3A_534 = arith.constant 15 : i32
        %parallel_loop3A_535 = vector.broadcast %parallel_loop3A_534 : i32 to vector<16xi32>
        %parallel_loop3A_536 = vector.shape_cast %parallel_loop3A_535 : vector<16xi32> to vector<16x1xi32>
        %parallel_loop3A_537 = vector.shape_cast %parallel_loop3A_536 : vector<16x1xi32> to vector<16xi32>
        %parallel_loop3A_538 = tpu.dynamic_gather %parallel_loop3A_293[%parallel_loop3A_537] in [0] : vector<16xf32>, vector<16xi32> -> vector<16xf32>
        %parallel_loop3A_539 = arith.constant 15 : i32
        %parallel_loop3A_540 = arith.addi %parallel_loop3A_291, %parallel_loop3A_539 : i32
        %parallel_loop3A_541 = arith.index_cast %parallel_loop3A_540 : i32 to index
        %parallel_loop3A_542 = arith.constant 0 : index
        %parallel_loop3A_543 = tpu.vector_load %arg10[%parallel_loop3A_541, %parallel_loop3A_542] {strides = array<i32>} : memref<3072x32xbf16, #tpu.memory_space<vmem>>, vector<32xbf16>,
        %parallel_loop3A_544 = tpu.unpack_subelements %parallel_loop3A_543, 0 {pack_format = #tpu.pack_format<interleaved>} : vector<32xbf16> -> vector<16xf32>
        %parallel_loop3A_545 = tpu.unpack_subelements %parallel_loop3A_543, 1 {pack_format = #tpu.pack_format<interleaved>} : vector<32xbf16> -> vector<16xf32>
        %parallel_loop3A_546 = arith.mulf %parallel_loop3A_538, %parallel_loop3A_544 : vector<16xf32>
        %parallel_loop3A_547 = arith.addf %parallel_loop3A_531, %parallel_loop3A_546 : vector<16xf32>
        %parallel_loop3A_548 = arith.mulf %parallel_loop3A_538, %parallel_loop3A_545 : vector<16xf32>
        %parallel_loop3A_549 = arith.addf %parallel_loop3A_533, %parallel_loop3A_548 : vector<16xf32>
        %parallel_loop3A_550 = arith.constant 128 : i32
        %parallel_loop3A_551 = arith.muli %parallel_loop3A_258, %parallel_loop3A_550 : i32
        %parallel_loop3A_552 = arith.constant 0 : i32
        %parallel_loop3A_553 = arith.addi %parallel_loop3A_552, %parallel_loop3A_551 : i32
        %parallel_loop3A_554 = arith.constant 64 : i32
        %parallel_loop3A_555 = arith.addi %parallel_loop3A_553, %parallel_loop3A_554 : i32
        %parallel_loop3A_556 = arith.constant 16 : i32
        %parallel_loop3A_557 = arith.muli %parallel_loop3A_274, %parallel_loop3A_556 : i32
        %parallel_loop3A_558 = arith.addi %parallel_loop3A_555, %parallel_loop3A_557 : i32
        %parallel_loop3A_559 = arith.index_cast %parallel_loop3A_558 : i32 to index
        %parallel_loop3A_560 = tpu.vector_load %arg8[%parallel_loop3A_559] {strides = array<i32>} : memref<3072xf32, #tpu.memory_space<vmem>>, vector<16xf32>,
        %parallel_loop3A_561 = arith.constant 0 : i32
        %parallel_loop3A_562 = vector.broadcast %parallel_loop3A_561 : i32 to vector<16xi32>
        %parallel_loop3A_563 = vector.shape_cast %parallel_loop3A_562 : vector<16xi32> to vector<16x1xi32>
        %parallel_loop3A_564 = vector.shape_cast %parallel_loop3A_563 : vector<16x1xi32> to vector<16xi32>
        %parallel_loop3A_565 = tpu.dynamic_gather %parallel_loop3A_560[%parallel_loop3A_564] in [0] : vector<16xf32>, vector<16xi32> -> vector<16xf32>
        %parallel_loop3A_566 = arith.constant 0 : i32
        %parallel_loop3A_567 = arith.addi %parallel_loop3A_558, %parallel_loop3A_566 : i32
        %parallel_loop3A_568 = arith.index_cast %parallel_loop3A_567 : i32 to index
        %parallel_loop3A_569 = arith.constant 0 : index
        %parallel_loop3A_570 = tpu.vector_load %arg10[%parallel_loop3A_568, %parallel_loop3A_569] {strides = array<i32>} : memref<3072x32xbf16, #tpu.memory_space<vmem>>, vector<32xbf16>,
        %parallel_loop3A_571 = tpu.unpack_subelements %parallel_loop3A_570, 0 {pack_format = #tpu.pack_format<interleaved>} : vector<32xbf16> -> vector<16xf32>
        %parallel_loop3A_572 = tpu.unpack_subelements %parallel_loop3A_570, 1 {pack_format = #tpu.pack_format<interleaved>} : vector<32xbf16> -> vector<16xf32>
        %parallel_loop3A_573 = arith.mulf %parallel_loop3A_565, %parallel_loop3A_571 : vector<16xf32>
        %parallel_loop3A_574 = arith.addf %parallel_loop3A_419, %parallel_loop3A_573 : vector<16xf32>
        %parallel_loop3A_575 = arith.mulf %parallel_loop3A_565, %parallel_loop3A_572 : vector<16xf32>
        %parallel_loop3A_576 = arith.addf %parallel_loop3A_421, %parallel_loop3A_575 : vector<16xf32>
        %parallel_loop3A_577 = arith.constant 1 : i32
        %parallel_loop3A_578 = vector.broadcast %parallel_loop3A_577 : i32 to vector<16xi32>
        %parallel_loop3A_579 = vector.shape_cast %parallel_loop3A_578 : vector<16xi32> to vector<16x1xi32>
        %parallel_loop3A_580 = vector.shape_cast %parallel_loop3A_579 : vector<16x1xi32> to vector<16xi32>
        %parallel_loop3A_581 = tpu.dynamic_gather %parallel_loop3A_560[%parallel_loop3A_580] in [0] : vector<16xf32>, vector<16xi32> -> vector<16xf32>
        %parallel_loop3A_582 = arith.constant 1 : i32
        %parallel_loop3A_583 = arith.addi %parallel_loop3A_558, %parallel_loop3A_582 : i32
        %parallel_loop3A_584 = arith.index_cast %parallel_loop3A_583 : i32 to index
        %parallel_loop3A_585 = arith.constant 0 : index
        %parallel_loop3A_586 = tpu.vector_load %arg10[%parallel_loop3A_584, %parallel_loop3A_585] {strides = array<i32>} : memref<3072x32xbf16, #tpu.memory_space<vmem>>, vector<32xbf16>,
        %parallel_loop3A_587 = tpu.unpack_subelements %parallel_loop3A_586, 0 {pack_format = #tpu.pack_format<interleaved>} : vector<32xbf16> -> vector<16xf32>
        %parallel_loop3A_588 = tpu.unpack_subelements %parallel_loop3A_586, 1 {pack_format = #tpu.pack_format<interleaved>} : vector<32xbf16> -> vector<16xf32>
        %parallel_loop3A_589 = arith.mulf %parallel_loop3A_581, %parallel_loop3A_587 : vector<16xf32>
        %parallel_loop3A_590 = arith.addf %parallel_loop3A_574, %parallel_loop3A_589 : vector<16xf32>
        %parallel_loop3A_591 = arith.mulf %parallel_loop3A_581, %parallel_loop3A_588 : vector<16xf32>
        %parallel_loop3A_592 = arith.addf %parallel_loop3A_576, %parallel_loop3A_591 : vector<16xf32>
        %parallel_loop3A_593 = arith.constant 2 : i32
        %parallel_loop3A_594 = vector.broadcast %parallel_loop3A_593 : i32 to vector<16xi32>
        %parallel_loop3A_595 = vector.shape_cast %parallel_loop3A_594 : vector<16xi32> to vector<16x1xi32>
        %parallel_loop3A_596 = vector.shape_cast %parallel_loop3A_595 : vector<16x1xi32> to vector<16xi32>
        %parallel_loop3A_597 = tpu.dynamic_gather %parallel_loop3A_560[%parallel_loop3A_596] in [0] : vector<16xf32>, vector<16xi32> -> vector<16xf32>
        %parallel_loop3A_598 = arith.constant 2 : i32
        %parallel_loop3A_599 = arith.addi %parallel_loop3A_558, %parallel_loop3A_598 : i32
        %parallel_loop3A_600 = arith.index_cast %parallel_loop3A_599 : i32 to index
        %parallel_loop3A_601 = arith.constant 0 : index
        %parallel_loop3A_602 = tpu.vector_load %arg10[%parallel_loop3A_600, %parallel_loop3A_601] {strides = array<i32>} : memref<3072x32xbf16, #tpu.memory_space<vmem>>, vector<32xbf16>,
        %parallel_loop3A_603 = tpu.unpack_subelements %parallel_loop3A_602, 0 {pack_format = #tpu.pack_format<interleaved>} : vector<32xbf16> -> vector<16xf32>
        %parallel_loop3A_604 = tpu.unpack_subelements %parallel_loop3A_602, 1 {pack_format = #tpu.pack_format<interleaved>} : vector<32xbf16> -> vector<16xf32>
        %parallel_loop3A_605 = arith.mulf %parallel_loop3A_597, %parallel_loop3A_603 : vector<16xf32>
        %parallel_loop3A_606 = arith.addf %parallel_loop3A_590, %parallel_loop3A_605 : vector<16xf32>
        %parallel_loop3A_607 = arith.mulf %parallel_loop3A_597, %parallel_loop3A_604 : vector<16xf32>
        %parallel_loop3A_608 = arith.addf %parallel_loop3A_592, %parallel_loop3A_607 : vector<16xf32>
        %parallel_loop3A_609 = arith.constant 3 : i32
        %parallel_loop3A_610 = vector.broadcast %parallel_loop3A_609 : i32 to vector<16xi32>
        %parallel_loop3A_611 = vector.shape_cast %parallel_loop3A_610 : vector<16xi32> to vector<16x1xi32>
        %parallel_loop3A_612 = vector.shape_cast %parallel_loop3A_611 : vector<16x1xi32> to vector<16xi32>
        %parallel_loop3A_613 = tpu.dynamic_gather %parallel_loop3A_560[%parallel_loop3A_612] in [0] : vector<16xf32>, vector<16xi32> -> vector<16xf32>
        %parallel_loop3A_614 = arith.constant 3 : i32
        %parallel_loop3A_615 = arith.addi %parallel_loop3A_558, %parallel_loop3A_614 : i32
        %parallel_loop3A_616 = arith.index_cast %parallel_loop3A_615 : i32 to index
        %parallel_loop3A_617 = arith.constant 0 : index
        %parallel_loop3A_618 = tpu.vector_load %arg10[%parallel_loop3A_616, %parallel_loop3A_617] {strides = array<i32>} : memref<3072x32xbf16, #tpu.memory_space<vmem>>, vector<32xbf16>,
        %parallel_loop3A_619 = tpu.unpack_subelements %parallel_loop3A_618, 0 {pack_format = #tpu.pack_format<interleaved>} : vector<32xbf16> -> vector<16xf32>
        %parallel_loop3A_620 = tpu.unpack_subelements %parallel_loop3A_618, 1 {pack_format = #tpu.pack_format<interleaved>} : vector<32xbf16> -> vector<16xf32>
        %parallel_loop3A_621 = arith.mulf %parallel_loop3A_613, %parallel_loop3A_619 : vector<16xf32>
        %parallel_loop3A_622 = arith.addf %parallel_loop3A_606, %parallel_loop3A_621 : vector<16xf32>
        %parallel_loop3A_623 = arith.mulf %parallel_loop3A_613, %parallel_loop3A_620 : vector<16xf32>
        %parallel_loop3A_624 = arith.addf %parallel_loop3A_608, %parallel_loop3A_623 : vector<16xf32>
        %parallel_loop3A_625 = arith.constant 4 : i32
        %parallel_loop3A_626 = vector.broadcast %parallel_loop3A_625 : i32 to vector<16xi32>
        %parallel_loop3A_627 = vector.shape_cast %parallel_loop3A_626 : vector<16xi32> to vector<16x1xi32>
        %parallel_loop3A_628 = vector.shape_cast %parallel_loop3A_627 : vector<16x1xi32> to vector<16xi32>
        %parallel_loop3A_629 = tpu.dynamic_gather %parallel_loop3A_560[%parallel_loop3A_628] in [0] : vector<16xf32>, vector<16xi32> -> vector<16xf32>
        %parallel_loop3A_630 = arith.constant 4 : i32
        %parallel_loop3A_631 = arith.addi %parallel_loop3A_558, %parallel_loop3A_630 : i32
        %parallel_loop3A_632 = arith.index_cast %parallel_loop3A_631 : i32 to index
        %parallel_loop3A_633 = arith.constant 0 : index
        %parallel_loop3A_634 = tpu.vector_load %arg10[%parallel_loop3A_632, %parallel_loop3A_633] {strides = array<i32>} : memref<3072x32xbf16, #tpu.memory_space<vmem>>, vector<32xbf16>,
        %parallel_loop3A_635 = tpu.unpack_subelements %parallel_loop3A_634, 0 {pack_format = #tpu.pack_format<interleaved>} : vector<32xbf16> -> vector<16xf32>
        %parallel_loop3A_636 = tpu.unpack_subelements %parallel_loop3A_634, 1 {pack_format = #tpu.pack_format<interleaved>} : vector<32xbf16> -> vector<16xf32>
        %parallel_loop3A_637 = arith.mulf %parallel_loop3A_629, %parallel_loop3A_635 : vector<16xf32>
        %parallel_loop3A_638 = arith.addf %parallel_loop3A_622, %parallel_loop3A_637 : vector<16xf32>
        %parallel_loop3A_639 = arith.mulf %parallel_loop3A_629, %parallel_loop3A_636 : vector<16xf32>
        %parallel_loop3A_640 = arith.addf %parallel_loop3A_624, %parallel_loop3A_639 : vector<16xf32>
        %parallel_loop3A_641 = arith.constant 5 : i32
        %parallel_loop3A_642 = vector.broadcast %parallel_loop3A_641 : i32 to vector<16xi32>
        %parallel_loop3A_643 = vector.shape_cast %parallel_loop3A_642 : vector<16xi32> to vector<16x1xi32>
        %parallel_loop3A_644 = vector.shape_cast %parallel_loop3A_643 : vector<16x1xi32> to vector<16xi32>
        %parallel_loop3A_645 = tpu.dynamic_gather %parallel_loop3A_560[%parallel_loop3A_644] in [0] : vector<16xf32>, vector<16xi32> -> vector<16xf32>
        %parallel_loop3A_646 = arith.constant 5 : i32
        %parallel_loop3A_647 = arith.addi %parallel_loop3A_558, %parallel_loop3A_646 : i32
        %parallel_loop3A_648 = arith.index_cast %parallel_loop3A_647 : i32 to index
        %parallel_loop3A_649 = arith.constant 0 : index
        %parallel_loop3A_650 = tpu.vector_load %arg10[%parallel_loop3A_648, %parallel_loop3A_649] {strides = array<i32>} : memref<3072x32xbf16, #tpu.memory_space<vmem>>, vector<32xbf16>,
        %parallel_loop3A_651 = tpu.unpack_subelements %parallel_loop3A_650, 0 {pack_format = #tpu.pack_format<interleaved>} : vector<32xbf16> -> vector<16xf32>
        %parallel_loop3A_652 = tpu.unpack_subelements %parallel_loop3A_650, 1 {pack_format = #tpu.pack_format<interleaved>} : vector<32xbf16> -> vector<16xf32>
        %parallel_loop3A_653 = arith.mulf %parallel_loop3A_645, %parallel_loop3A_651 : vector<16xf32>
        %parallel_loop3A_654 = arith.addf %parallel_loop3A_638, %parallel_loop3A_653 : vector<16xf32>
        %parallel_loop3A_655 = arith.mulf %parallel_loop3A_645, %parallel_loop3A_652 : vector<16xf32>
        %parallel_loop3A_656 = arith.addf %parallel_loop3A_640, %parallel_loop3A_655 : vector<16xf32>
        %parallel_loop3A_657 = arith.constant 6 : i32
        %parallel_loop3A_658 = vector.broadcast %parallel_loop3A_657 : i32 to vector<16xi32>
        %parallel_loop3A_659 = vector.shape_cast %parallel_loop3A_658 : vector<16xi32> to vector<16x1xi32>
        %parallel_loop3A_660 = vector.shape_cast %parallel_loop3A_659 : vector<16x1xi32> to vector<16xi32>
        %parallel_loop3A_661 = tpu.dynamic_gather %parallel_loop3A_560[%parallel_loop3A_660] in [0] : vector<16xf32>, vector<16xi32> -> vector<16xf32>
        %parallel_loop3A_662 = arith.constant 6 : i32
        %parallel_loop3A_663 = arith.addi %parallel_loop3A_558, %parallel_loop3A_662 : i32
        %parallel_loop3A_664 = arith.index_cast %parallel_loop3A_663 : i32 to index
        %parallel_loop3A_665 = arith.constant 0 : index
        %parallel_loop3A_666 = tpu.vector_load %arg10[%parallel_loop3A_664, %parallel_loop3A_665] {strides = array<i32>} : memref<3072x32xbf16, #tpu.memory_space<vmem>>, vector<32xbf16>,
        %parallel_loop3A_667 = tpu.unpack_subelements %parallel_loop3A_666, 0 {pack_format = #tpu.pack_format<interleaved>} : vector<32xbf16> -> vector<16xf32>
        %parallel_loop3A_668 = tpu.unpack_subelements %parallel_loop3A_666, 1 {pack_format = #tpu.pack_format<interleaved>} : vector<32xbf16> -> vector<16xf32>
        %parallel_loop3A_669 = arith.mulf %parallel_loop3A_661, %parallel_loop3A_667 : vector<16xf32>
        %parallel_loop3A_670 = arith.addf %parallel_loop3A_654, %parallel_loop3A_669 : vector<16xf32>
        %parallel_loop3A_671 = arith.mulf %parallel_loop3A_661, %parallel_loop3A_668 : vector<16xf32>
        %parallel_loop3A_672 = arith.addf %parallel_loop3A_656, %parallel_loop3A_671 : vector<16xf32>
        %parallel_loop3A_673 = arith.constant 7 : i32
        %parallel_loop3A_674 = vector.broadcast %parallel_loop3A_673 : i32 to vector<16xi32>
        %parallel_loop3A_675 = vector.shape_cast %parallel_loop3A_674 : vector<16xi32> to vector<16x1xi32>
        %parallel_loop3A_676 = vector.shape_cast %parallel_loop3A_675 : vector<16x1xi32> to vector<16xi32>
        %parallel_loop3A_677 = tpu.dynamic_gather %parallel_loop3A_560[%parallel_loop3A_676] in [0] : vector<16xf32>, vector<16xi32> -> vector<16xf32>
        %parallel_loop3A_678 = arith.constant 7 : i32
        %parallel_loop3A_679 = arith.addi %parallel_loop3A_558, %parallel_loop3A_678 : i32
        %parallel_loop3A_680 = arith.index_cast %parallel_loop3A_679 : i32 to index
        %parallel_loop3A_681 = arith.constant 0 : index
        %parallel_loop3A_682 = tpu.vector_load %arg10[%parallel_loop3A_680, %parallel_loop3A_681] {strides = array<i32>} : memref<3072x32xbf16, #tpu.memory_space<vmem>>, vector<32xbf16>,
        %parallel_loop3A_683 = tpu.unpack_subelements %parallel_loop3A_682, 0 {pack_format = #tpu.pack_format<interleaved>} : vector<32xbf16> -> vector<16xf32>
        %parallel_loop3A_684 = tpu.unpack_subelements %parallel_loop3A_682, 1 {pack_format = #tpu.pack_format<interleaved>} : vector<32xbf16> -> vector<16xf32>
        %parallel_loop3A_685 = arith.mulf %parallel_loop3A_677, %parallel_loop3A_683 : vector<16xf32>
        %parallel_loop3A_686 = arith.addf %parallel_loop3A_670, %parallel_loop3A_685 : vector<16xf32>
        %parallel_loop3A_687 = arith.mulf %parallel_loop3A_677, %parallel_loop3A_684 : vector<16xf32>
        %parallel_loop3A_688 = arith.addf %parallel_loop3A_672, %parallel_loop3A_687 : vector<16xf32>
        %parallel_loop3A_689 = arith.constant 8 : i32
        %parallel_loop3A_690 = vector.broadcast %parallel_loop3A_689 : i32 to vector<16xi32>
        %parallel_loop3A_691 = vector.shape_cast %parallel_loop3A_690 : vector<16xi32> to vector<16x1xi32>
        %parallel_loop3A_692 = vector.shape_cast %parallel_loop3A_691 : vector<16x1xi32> to vector<16xi32>
        %parallel_loop3A_693 = tpu.dynamic_gather %parallel_loop3A_560[%parallel_loop3A_692] in [0] : vector<16xf32>, vector<16xi32> -> vector<16xf32>
        %parallel_loop3A_694 = arith.constant 8 : i32
        %parallel_loop3A_695 = arith.addi %parallel_loop3A_558, %parallel_loop3A_694 : i32
        %parallel_loop3A_696 = arith.index_cast %parallel_loop3A_695 : i32 to index
        %parallel_loop3A_697 = arith.constant 0 : index
        %parallel_loop3A_698 = tpu.vector_load %arg10[%parallel_loop3A_696, %parallel_loop3A_697] {strides = array<i32>} : memref<3072x32xbf16, #tpu.memory_space<vmem>>, vector<32xbf16>,
        %parallel_loop3A_699 = tpu.unpack_subelements %parallel_loop3A_698, 0 {pack_format = #tpu.pack_format<interleaved>} : vector<32xbf16> -> vector<16xf32>
        %parallel_loop3A_700 = tpu.unpack_subelements %parallel_loop3A_698, 1 {pack_format = #tpu.pack_format<interleaved>} : vector<32xbf16> -> vector<16xf32>
        %parallel_loop3A_701 = arith.mulf %parallel_loop3A_693, %parallel_loop3A_699 : vector<16xf32>
        %parallel_loop3A_702 = arith.addf %parallel_loop3A_547, %parallel_loop3A_701 : vector<16xf32>
        %parallel_loop3A_703 = arith.mulf %parallel_loop3A_693, %parallel_loop3A_700 : vector<16xf32>
        %parallel_loop3A_704 = arith.addf %parallel_loop3A_549, %parallel_loop3A_703 : vector<16xf32>
        %parallel_loop3A_705 = arith.constant 9 : i32
        %parallel_loop3A_706 = vector.broadcast %parallel_loop3A_705 : i32 to vector<16xi32>
        %parallel_loop3A_707 = vector.shape_cast %parallel_loop3A_706 : vector<16xi32> to vector<16x1xi32>
        %parallel_loop3A_708 = vector.shape_cast %parallel_loop3A_707 : vector<16x1xi32> to vector<16xi32>
        %parallel_loop3A_709 = tpu.dynamic_gather %parallel_loop3A_560[%parallel_loop3A_708] in [0] : vector<16xf32>, vector<16xi32> -> vector<16xf32>
        %parallel_loop3A_710 = arith.constant 9 : i32
        %parallel_loop3A_711 = arith.addi %parallel_loop3A_558, %parallel_loop3A_710 : i32
        %parallel_loop3A_712 = arith.index_cast %parallel_loop3A_711 : i32 to index
        %parallel_loop3A_713 = arith.constant 0 : index
        %parallel_loop3A_714 = tpu.vector_load %arg10[%parallel_loop3A_712, %parallel_loop3A_713] {strides = array<i32>} : memref<3072x32xbf16, #tpu.memory_space<vmem>>, vector<32xbf16>,
        %parallel_loop3A_715 = tpu.unpack_subelements %parallel_loop3A_714, 0 {pack_format = #tpu.pack_format<interleaved>} : vector<32xbf16> -> vector<16xf32>
        %parallel_loop3A_716 = tpu.unpack_subelements %parallel_loop3A_714, 1 {pack_format = #tpu.pack_format<interleaved>} : vector<32xbf16> -> vector<16xf32>
        %parallel_loop3A_717 = arith.mulf %parallel_loop3A_709, %parallel_loop3A_715 : vector<16xf32>
        %parallel_loop3A_718 = arith.addf %parallel_loop3A_702, %parallel_loop3A_717 : vector<16xf32>
        %parallel_loop3A_719 = arith.mulf %parallel_loop3A_709, %parallel_loop3A_716 : vector<16xf32>
        %parallel_loop3A_720 = arith.addf %parallel_loop3A_704, %parallel_loop3A_719 : vector<16xf32>
        %parallel_loop3A_721 = arith.constant 10 : i32
        %parallel_loop3A_722 = vector.broadcast %parallel_loop3A_721 : i32 to vector<16xi32>
        %parallel_loop3A_723 = vector.shape_cast %parallel_loop3A_722 : vector<16xi32> to vector<16x1xi32>
        %parallel_loop3A_724 = vector.shape_cast %parallel_loop3A_723 : vector<16x1xi32> to vector<16xi32>
        %parallel_loop3A_725 = tpu.dynamic_gather %parallel_loop3A_560[%parallel_loop3A_724] in [0] : vector<16xf32>, vector<16xi32> -> vector<16xf32>
        %parallel_loop3A_726 = arith.constant 10 : i32
        %parallel_loop3A_727 = arith.addi %parallel_loop3A_558, %parallel_loop3A_726 : i32
        %parallel_loop3A_728 = arith.index_cast %parallel_loop3A_727 : i32 to index
        %parallel_loop3A_729 = arith.constant 0 : index
        %parallel_loop3A_730 = tpu.vector_load %arg10[%parallel_loop3A_728, %parallel_loop3A_729] {strides = array<i32>} : memref<3072x32xbf16, #tpu.memory_space<vmem>>, vector<32xbf16>,
        %parallel_loop3A_731 = tpu.unpack_subelements %parallel_loop3A_730, 0 {pack_format = #tpu.pack_format<interleaved>} : vector<32xbf16> -> vector<16xf32>
        %parallel_loop3A_732 = tpu.unpack_subelements %parallel_loop3A_730, 1 {pack_format = #tpu.pack_format<interleaved>} : vector<32xbf16> -> vector<16xf32>
        %parallel_loop3A_733 = arith.mulf %parallel_loop3A_725, %parallel_loop3A_731 : vector<16xf32>
        %parallel_loop3A_734 = arith.addf %parallel_loop3A_718, %parallel_loop3A_733 : vector<16xf32>
        %parallel_loop3A_735 = arith.mulf %parallel_loop3A_725, %parallel_loop3A_732 : vector<16xf32>
        %parallel_loop3A_736 = arith.addf %parallel_loop3A_720, %parallel_loop3A_735 : vector<16xf32>
        %parallel_loop3A_737 = arith.constant 11 : i32
        %parallel_loop3A_738 = vector.broadcast %parallel_loop3A_737 : i32 to vector<16xi32>
        %parallel_loop3A_739 = vector.shape_cast %parallel_loop3A_738 : vector<16xi32> to vector<16x1xi32>
        %parallel_loop3A_740 = vector.shape_cast %parallel_loop3A_739 : vector<16x1xi32> to vector<16xi32>
        %parallel_loop3A_741 = tpu.dynamic_gather %parallel_loop3A_560[%parallel_loop3A_740] in [0] : vector<16xf32>, vector<16xi32> -> vector<16xf32>
        %parallel_loop3A_742 = arith.constant 11 : i32
        %parallel_loop3A_743 = arith.addi %parallel_loop3A_558, %parallel_loop3A_742 : i32
        %parallel_loop3A_744 = arith.index_cast %parallel_loop3A_743 : i32 to index
        %parallel_loop3A_745 = arith.constant 0 : index
        %parallel_loop3A_746 = tpu.vector_load %arg10[%parallel_loop3A_744, %parallel_loop3A_745] {strides = array<i32>} : memref<3072x32xbf16, #tpu.memory_space<vmem>>, vector<32xbf16>,
        %parallel_loop3A_747 = tpu.unpack_subelements %parallel_loop3A_746, 0 {pack_format = #tpu.pack_format<interleaved>} : vector<32xbf16> -> vector<16xf32>
        %parallel_loop3A_748 = tpu.unpack_subelements %parallel_loop3A_746, 1 {pack_format = #tpu.pack_format<interleaved>} : vector<32xbf16> -> vector<16xf32>
        %parallel_loop3A_749 = arith.mulf %parallel_loop3A_741, %parallel_loop3A_747 : vector<16xf32>
        %parallel_loop3A_750 = arith.addf %parallel_loop3A_734, %parallel_loop3A_749 : vector<16xf32>
        %parallel_loop3A_751 = arith.mulf %parallel_loop3A_741, %parallel_loop3A_748 : vector<16xf32>
        %parallel_loop3A_752 = arith.addf %parallel_loop3A_736, %parallel_loop3A_751 : vector<16xf32>
        %parallel_loop3A_753 = arith.constant 12 : i32
        %parallel_loop3A_754 = vector.broadcast %parallel_loop3A_753 : i32 to vector<16xi32>
        %parallel_loop3A_755 = vector.shape_cast %parallel_loop3A_754 : vector<16xi32> to vector<16x1xi32>
        %parallel_loop3A_756 = vector.shape_cast %parallel_loop3A_755 : vector<16x1xi32> to vector<16xi32>
        %parallel_loop3A_757 = tpu.dynamic_gather %parallel_loop3A_560[%parallel_loop3A_756] in [0] : vector<16xf32>, vector<16xi32> -> vector<16xf32>
        %parallel_loop3A_758 = arith.constant 12 : i32
        %parallel_loop3A_759 = arith.addi %parallel_loop3A_558, %parallel_loop3A_758 : i32
        %parallel_loop3A_760 = arith.index_cast %parallel_loop3A_759 : i32 to index
        %parallel_loop3A_761 = arith.constant 0 : index
        %parallel_loop3A_762 = tpu.vector_load %arg10[%parallel_loop3A_760, %parallel_loop3A_761] {strides = array<i32>} : memref<3072x32xbf16, #tpu.memory_space<vmem>>, vector<32xbf16>,
        %parallel_loop3A_763 = tpu.unpack_subelements %parallel_loop3A_762, 0 {pack_format = #tpu.pack_format<interleaved>} : vector<32xbf16> -> vector<16xf32>
        %parallel_loop3A_764 = tpu.unpack_subelements %parallel_loop3A_762, 1 {pack_format = #tpu.pack_format<interleaved>} : vector<32xbf16> -> vector<16xf32>
        %parallel_loop3A_765 = arith.mulf %parallel_loop3A_757, %parallel_loop3A_763 : vector<16xf32>
        %parallel_loop3A_766 = arith.addf %parallel_loop3A_750, %parallel_loop3A_765 : vector<16xf32>
        %parallel_loop3A_767 = arith.mulf %parallel_loop3A_757, %parallel_loop3A_764 : vector<16xf32>
        %parallel_loop3A_768 = arith.addf %parallel_loop3A_752, %parallel_loop3A_767 : vector<16xf32>
        %parallel_loop3A_769 = arith.constant 13 : i32
        %parallel_loop3A_770 = vector.broadcast %parallel_loop3A_769 : i32 to vector<16xi32>
        %parallel_loop3A_771 = vector.shape_cast %parallel_loop3A_770 : vector<16xi32> to vector<16x1xi32>
        %parallel_loop3A_772 = vector.shape_cast %parallel_loop3A_771 : vector<16x1xi32> to vector<16xi32>
        %parallel_loop3A_773 = tpu.dynamic_gather %parallel_loop3A_560[%parallel_loop3A_772] in [0] : vector<16xf32>, vector<16xi32> -> vector<16xf32>
        %parallel_loop3A_774 = arith.constant 13 : i32
        %parallel_loop3A_775 = arith.addi %parallel_loop3A_558, %parallel_loop3A_774 : i32
        %parallel_loop3A_776 = arith.index_cast %parallel_loop3A_775 : i32 to index
        %parallel_loop3A_777 = arith.constant 0 : index
        %parallel_loop3A_778 = tpu.vector_load %arg10[%parallel_loop3A_776, %parallel_loop3A_777] {strides = array<i32>} : memref<3072x32xbf16, #tpu.memory_space<vmem>>, vector<32xbf16>,
        %parallel_loop3A_779 = tpu.unpack_subelements %parallel_loop3A_778, 0 {pack_format = #tpu.pack_format<interleaved>} : vector<32xbf16> -> vector<16xf32>
        %parallel_loop3A_780 = tpu.unpack_subelements %parallel_loop3A_778, 1 {pack_format = #tpu.pack_format<interleaved>} : vector<32xbf16> -> vector<16xf32>
        %parallel_loop3A_781 = arith.mulf %parallel_loop3A_773, %parallel_loop3A_779 : vector<16xf32>
        %parallel_loop3A_782 = arith.addf %parallel_loop3A_766, %parallel_loop3A_781 : vector<16xf32>
        %parallel_loop3A_783 = arith.mulf %parallel_loop3A_773, %parallel_loop3A_780 : vector<16xf32>
        %parallel_loop3A_784 = arith.addf %parallel_loop3A_768, %parallel_loop3A_783 : vector<16xf32>
        %parallel_loop3A_785 = arith.constant 14 : i32
        %parallel_loop3A_786 = vector.broadcast %parallel_loop3A_785 : i32 to vector<16xi32>
        %parallel_loop3A_787 = vector.shape_cast %parallel_loop3A_786 : vector<16xi32> to vector<16x1xi32>
        %parallel_loop3A_788 = vector.shape_cast %parallel_loop3A_787 : vector<16x1xi32> to vector<16xi32>
        %parallel_loop3A_789 = tpu.dynamic_gather %parallel_loop3A_560[%parallel_loop3A_788] in [0] : vector<16xf32>, vector<16xi32> -> vector<16xf32>
        %parallel_loop3A_790 = arith.constant 14 : i32
        %parallel_loop3A_791 = arith.addi %parallel_loop3A_558, %parallel_loop3A_790 : i32
        %parallel_loop3A_792 = arith.index_cast %parallel_loop3A_791 : i32 to index
        %parallel_loop3A_793 = arith.constant 0 : index
        %parallel_loop3A_794 = tpu.vector_load %arg10[%parallel_loop3A_792, %parallel_loop3A_793] {strides = array<i32>} : memref<3072x32xbf16, #tpu.memory_space<vmem>>, vector<32xbf16>,
        %parallel_loop3A_795 = tpu.unpack_subelements %parallel_loop3A_794, 0 {pack_format = #tpu.pack_format<interleaved>} : vector<32xbf16> -> vector<16xf32>
        %parallel_loop3A_796 = tpu.unpack_subelements %parallel_loop3A_794, 1 {pack_format = #tpu.pack_format<interleaved>} : vector<32xbf16> -> vector<16xf32>
        %parallel_loop3A_797 = arith.mulf %parallel_loop3A_789, %parallel_loop3A_795 : vector<16xf32>
        %parallel_loop3A_798 = arith.addf %parallel_loop3A_782, %parallel_loop3A_797 : vector<16xf32>
        %parallel_loop3A_799 = arith.mulf %parallel_loop3A_789, %parallel_loop3A_796 : vector<16xf32>
        %parallel_loop3A_800 = arith.addf %parallel_loop3A_784, %parallel_loop3A_799 : vector<16xf32>
        %parallel_loop3A_801 = arith.constant 15 : i32
        %parallel_loop3A_802 = vector.broadcast %parallel_loop3A_801 : i32 to vector<16xi32>
        %parallel_loop3A_803 = vector.shape_cast %parallel_loop3A_802 : vector<16xi32> to vector<16x1xi32>
        %parallel_loop3A_804 = vector.shape_cast %parallel_loop3A_803 : vector<16x1xi32> to vector<16xi32>
        %parallel_loop3A_805 = tpu.dynamic_gather %parallel_loop3A_560[%parallel_loop3A_804] in [0] : vector<16xf32>, vector<16xi32> -> vector<16xf32>
        %parallel_loop3A_806 = arith.constant 15 : i32
        %parallel_loop3A_807 = arith.addi %parallel_loop3A_558, %parallel_loop3A_806 : i32
        %parallel_loop3A_808 = arith.index_cast %parallel_loop3A_807 : i32 to index
        %parallel_loop3A_809 = arith.constant 0 : index
        %parallel_loop3A_810 = tpu.vector_load %arg10[%parallel_loop3A_808, %parallel_loop3A_809] {strides = array<i32>} : memref<3072x32xbf16, #tpu.memory_space<vmem>>, vector<32xbf16>,
        %parallel_loop3A_811 = tpu.unpack_subelements %parallel_loop3A_810, 0 {pack_format = #tpu.pack_format<interleaved>} : vector<32xbf16> -> vector<16xf32>
        %parallel_loop3A_812 = tpu.unpack_subelements %parallel_loop3A_810, 1 {pack_format = #tpu.pack_format<interleaved>} : vector<32xbf16> -> vector<16xf32>
        %parallel_loop3A_813 = arith.mulf %parallel_loop3A_805, %parallel_loop3A_811 : vector<16xf32>
        %parallel_loop3A_814 = arith.addf %parallel_loop3A_798, %parallel_loop3A_813 : vector<16xf32>
        %parallel_loop3A_815 = arith.mulf %parallel_loop3A_805, %parallel_loop3A_812 : vector<16xf32>
        %parallel_loop3A_816 = arith.addf %parallel_loop3A_800, %parallel_loop3A_815 : vector<16xf32>
        %parallel_loop3A_817 = arith.constant 128 : i32
        %parallel_loop3A_818 = arith.muli %parallel_loop3A_258, %parallel_loop3A_817 : i32
        %parallel_loop3A_819 = arith.constant 1536 : i32
        %parallel_loop3A_820 = arith.addi %parallel_loop3A_819, %parallel_loop3A_818 : i32
        %parallel_loop3A_821 = arith.constant 0 : i32
        %parallel_loop3A_822 = arith.addi %parallel_loop3A_820, %parallel_loop3A_821 : i32
        %parallel_loop3A_823 = arith.constant 16 : i32
        %parallel_loop3A_824 = arith.muli %parallel_loop3A_274, %parallel_loop3A_823 : i32
        %parallel_loop3A_825 = arith.addi %parallel_loop3A_822, %parallel_loop3A_824 : i32
        %parallel_loop3A_826 = arith.index_cast %parallel_loop3A_825 : i32 to index
        %parallel_loop3A_827 = tpu.vector_load %arg8[%parallel_loop3A_826] {strides = array<i32>} : memref<3072xf32, #tpu.memory_space<vmem>>, vector<16xf32>,
        %parallel_loop3A_828 = arith.constant 0 : i32
        %parallel_loop3A_829 = vector.broadcast %parallel_loop3A_828 : i32 to vector<16xi32>
        %parallel_loop3A_830 = vector.shape_cast %parallel_loop3A_829 : vector<16xi32> to vector<16x1xi32>
        %parallel_loop3A_831 = vector.shape_cast %parallel_loop3A_830 : vector<16x1xi32> to vector<16xi32>
        %parallel_loop3A_832 = tpu.dynamic_gather %parallel_loop3A_827[%parallel_loop3A_831] in [0] : vector<16xf32>, vector<16xi32> -> vector<16xf32>
        %parallel_loop3A_833 = arith.constant 0 : i32
        %parallel_loop3A_834 = arith.addi %parallel_loop3A_825, %parallel_loop3A_833 : i32
        %parallel_loop3A_835 = arith.index_cast %parallel_loop3A_834 : i32 to index
        %parallel_loop3A_836 = arith.constant 0 : index
        %parallel_loop3A_837 = tpu.vector_load %arg10[%parallel_loop3A_835, %parallel_loop3A_836] {strides = array<i32>} : memref<3072x32xbf16, #tpu.memory_space<vmem>>, vector<32xbf16>,
        %parallel_loop3A_838 = tpu.unpack_subelements %parallel_loop3A_837, 0 {pack_format = #tpu.pack_format<interleaved>} : vector<32xbf16> -> vector<16xf32>
        %parallel_loop3A_839 = tpu.unpack_subelements %parallel_loop3A_837, 1 {pack_format = #tpu.pack_format<interleaved>} : vector<32xbf16> -> vector<16xf32>
        %parallel_loop3A_840 = arith.mulf %parallel_loop3A_832, %parallel_loop3A_838 : vector<16xf32>
        %parallel_loop3A_841 = arith.addf %parallel_loop3A_686, %parallel_loop3A_840 : vector<16xf32>
        %parallel_loop3A_842 = arith.mulf %parallel_loop3A_832, %parallel_loop3A_839 : vector<16xf32>
        %parallel_loop3A_843 = arith.addf %parallel_loop3A_688, %parallel_loop3A_842 : vector<16xf32>
        %parallel_loop3A_844 = arith.constant 1 : i32
        %parallel_loop3A_845 = vector.broadcast %parallel_loop3A_844 : i32 to vector<16xi32>
        %parallel_loop3A_846 = vector.shape_cast %parallel_loop3A_845 : vector<16xi32> to vector<16x1xi32>
        %parallel_loop3A_847 = vector.shape_cast %parallel_loop3A_846 : vector<16x1xi32> to vector<16xi32>
        %parallel_loop3A_848 = tpu.dynamic_gather %parallel_loop3A_827[%parallel_loop3A_847] in [0] : vector<16xf32>, vector<16xi32> -> vector<16xf32>
        %parallel_loop3A_849 = arith.constant 1 : i32
        %parallel_loop3A_850 = arith.addi %parallel_loop3A_825, %parallel_loop3A_849 : i32
        %parallel_loop3A_851 = arith.index_cast %parallel_loop3A_850 : i32 to index
        %parallel_loop3A_852 = arith.constant 0 : index
        %parallel_loop3A_853 = tpu.vector_load %arg10[%parallel_loop3A_851, %parallel_loop3A_852] {strides = array<i32>} : memref<3072x32xbf16, #tpu.memory_space<vmem>>, vector<32xbf16>,
        %parallel_loop3A_854 = tpu.unpack_subelements %parallel_loop3A_853, 0 {pack_format = #tpu.pack_format<interleaved>} : vector<32xbf16> -> vector<16xf32>
        %parallel_loop3A_855 = tpu.unpack_subelements %parallel_loop3A_853, 1 {pack_format = #tpu.pack_format<interleaved>} : vector<32xbf16> -> vector<16xf32>
        %parallel_loop3A_856 = arith.mulf %parallel_loop3A_848, %parallel_loop3A_854 : vector<16xf32>
        %parallel_loop3A_857 = arith.addf %parallel_loop3A_841, %parallel_loop3A_856 : vector<16xf32>
        %parallel_loop3A_858 = arith.mulf %parallel_loop3A_848, %parallel_loop3A_855 : vector<16xf32>
        %parallel_loop3A_859 = arith.addf %parallel_loop3A_843, %parallel_loop3A_858 : vector<16xf32>
        %parallel_loop3A_860 = arith.constant 2 : i32
        %parallel_loop3A_861 = vector.broadcast %parallel_loop3A_860 : i32 to vector<16xi32>
        %parallel_loop3A_862 = vector.shape_cast %parallel_loop3A_861 : vector<16xi32> to vector<16x1xi32>
        %parallel_loop3A_863 = vector.shape_cast %parallel_loop3A_862 : vector<16x1xi32> to vector<16xi32>
        %parallel_loop3A_864 = tpu.dynamic_gather %parallel_loop3A_827[%parallel_loop3A_863] in [0] : vector<16xf32>, vector<16xi32> -> vector<16xf32>
        %parallel_loop3A_865 = arith.constant 2 : i32
        %parallel_loop3A_866 = arith.addi %parallel_loop3A_825, %parallel_loop3A_865 : i32
        %parallel_loop3A_867 = arith.index_cast %parallel_loop3A_866 : i32 to index
        %parallel_loop3A_868 = arith.constant 0 : index
        %parallel_loop3A_869 = tpu.vector_load %arg10[%parallel_loop3A_867, %parallel_loop3A_868] {strides = array<i32>} : memref<3072x32xbf16, #tpu.memory_space<vmem>>, vector<32xbf16>,
        %parallel_loop3A_870 = tpu.unpack_subelements %parallel_loop3A_869, 0 {pack_format = #tpu.pack_format<interleaved>} : vector<32xbf16> -> vector<16xf32>
        %parallel_loop3A_871 = tpu.unpack_subelements %parallel_loop3A_869, 1 {pack_format = #tpu.pack_format<interleaved>} : vector<32xbf16> -> vector<16xf32>
        %parallel_loop3A_872 = arith.mulf %parallel_loop3A_864, %parallel_loop3A_870 : vector<16xf32>
        %parallel_loop3A_873 = arith.addf %parallel_loop3A_857, %parallel_loop3A_872 : vector<16xf32>
        %parallel_loop3A_874 = arith.mulf %parallel_loop3A_864, %parallel_loop3A_871 : vector<16xf32>
        %parallel_loop3A_875 = arith.addf %parallel_loop3A_859, %parallel_loop3A_874 : vector<16xf32>
        %parallel_loop3A_876 = arith.constant 3 : i32
        %parallel_loop3A_877 = vector.broadcast %parallel_loop3A_876 : i32 to vector<16xi32>
        %parallel_loop3A_878 = vector.shape_cast %parallel_loop3A_877 : vector<16xi32> to vector<16x1xi32>
        %parallel_loop3A_879 = vector.shape_cast %parallel_loop3A_878 : vector<16x1xi32> to vector<16xi32>
        %parallel_loop3A_880 = tpu.dynamic_gather %parallel_loop3A_827[%parallel_loop3A_879] in [0] : vector<16xf32>, vector<16xi32> -> vector<16xf32>
        %parallel_loop3A_881 = arith.constant 3 : i32
        %parallel_loop3A_882 = arith.addi %parallel_loop3A_825, %parallel_loop3A_881 : i32
        %parallel_loop3A_883 = arith.index_cast %parallel_loop3A_882 : i32 to index
        %parallel_loop3A_884 = arith.constant 0 : index
        %parallel_loop3A_885 = tpu.vector_load %arg10[%parallel_loop3A_883, %parallel_loop3A_884] {strides = array<i32>} : memref<3072x32xbf16, #tpu.memory_space<vmem>>, vector<32xbf16>,
        %parallel_loop3A_886 = tpu.unpack_subelements %parallel_loop3A_885, 0 {pack_format = #tpu.pack_format<interleaved>} : vector<32xbf16> -> vector<16xf32>
        %parallel_loop3A_887 = tpu.unpack_subelements %parallel_loop3A_885, 1 {pack_format = #tpu.pack_format<interleaved>} : vector<32xbf16> -> vector<16xf32>
        %parallel_loop3A_888 = arith.mulf %parallel_loop3A_880, %parallel_loop3A_886 : vector<16xf32>
        %parallel_loop3A_889 = arith.addf %parallel_loop3A_873, %parallel_loop3A_888 : vector<16xf32>
        %parallel_loop3A_890 = arith.mulf %parallel_loop3A_880, %parallel_loop3A_887 : vector<16xf32>
        %parallel_loop3A_891 = arith.addf %parallel_loop3A_875, %parallel_loop3A_890 : vector<16xf32>
        %parallel_loop3A_892 = arith.constant 4 : i32
        %parallel_loop3A_893 = vector.broadcast %parallel_loop3A_892 : i32 to vector<16xi32>
        %parallel_loop3A_894 = vector.shape_cast %parallel_loop3A_893 : vector<16xi32> to vector<16x1xi32>
        %parallel_loop3A_895 = vector.shape_cast %parallel_loop3A_894 : vector<16x1xi32> to vector<16xi32>
        %parallel_loop3A_896 = tpu.dynamic_gather %parallel_loop3A_827[%parallel_loop3A_895] in [0] : vector<16xf32>, vector<16xi32> -> vector<16xf32>
        %parallel_loop3A_897 = arith.constant 4 : i32
        %parallel_loop3A_898 = arith.addi %parallel_loop3A_825, %parallel_loop3A_897 : i32
        %parallel_loop3A_899 = arith.index_cast %parallel_loop3A_898 : i32 to index
        %parallel_loop3A_900 = arith.constant 0 : index
        %parallel_loop3A_901 = tpu.vector_load %arg10[%parallel_loop3A_899, %parallel_loop3A_900] {strides = array<i32>} : memref<3072x32xbf16, #tpu.memory_space<vmem>>, vector<32xbf16>,
        %parallel_loop3A_902 = tpu.unpack_subelements %parallel_loop3A_901, 0 {pack_format = #tpu.pack_format<interleaved>} : vector<32xbf16> -> vector<16xf32>
        %parallel_loop3A_903 = tpu.unpack_subelements %parallel_loop3A_901, 1 {pack_format = #tpu.pack_format<interleaved>} : vector<32xbf16> -> vector<16xf32>
        %parallel_loop3A_904 = arith.mulf %parallel_loop3A_896, %parallel_loop3A_902 : vector<16xf32>
        %parallel_loop3A_905 = arith.addf %parallel_loop3A_889, %parallel_loop3A_904 : vector<16xf32>
        %parallel_loop3A_906 = arith.mulf %parallel_loop3A_896, %parallel_loop3A_903 : vector<16xf32>
        %parallel_loop3A_907 = arith.addf %parallel_loop3A_891, %parallel_loop3A_906 : vector<16xf32>
        %parallel_loop3A_908 = arith.constant 5 : i32
        %parallel_loop3A_909 = vector.broadcast %parallel_loop3A_908 : i32 to vector<16xi32>
        %parallel_loop3A_910 = vector.shape_cast %parallel_loop3A_909 : vector<16xi32> to vector<16x1xi32>
        %parallel_loop3A_911 = vector.shape_cast %parallel_loop3A_910 : vector<16x1xi32> to vector<16xi32>
        %parallel_loop3A_912 = tpu.dynamic_gather %parallel_loop3A_827[%parallel_loop3A_911] in [0] : vector<16xf32>, vector<16xi32> -> vector<16xf32>
        %parallel_loop3A_913 = arith.constant 5 : i32
        %parallel_loop3A_914 = arith.addi %parallel_loop3A_825, %parallel_loop3A_913 : i32
        %parallel_loop3A_915 = arith.index_cast %parallel_loop3A_914 : i32 to index
        %parallel_loop3A_916 = arith.constant 0 : index
        %parallel_loop3A_917 = tpu.vector_load %arg10[%parallel_loop3A_915, %parallel_loop3A_916] {strides = array<i32>} : memref<3072x32xbf16, #tpu.memory_space<vmem>>, vector<32xbf16>,
        %parallel_loop3A_918 = tpu.unpack_subelements %parallel_loop3A_917, 0 {pack_format = #tpu.pack_format<interleaved>} : vector<32xbf16> -> vector<16xf32>
        %parallel_loop3A_919 = tpu.unpack_subelements %parallel_loop3A_917, 1 {pack_format = #tpu.pack_format<interleaved>} : vector<32xbf16> -> vector<16xf32>
        %parallel_loop3A_920 = arith.mulf %parallel_loop3A_912, %parallel_loop3A_918 : vector<16xf32>
        %parallel_loop3A_921 = arith.addf %parallel_loop3A_905, %parallel_loop3A_920 : vector<16xf32>
        %parallel_loop3A_922 = arith.mulf %parallel_loop3A_912, %parallel_loop3A_919 : vector<16xf32>
        %parallel_loop3A_923 = arith.addf %parallel_loop3A_907, %parallel_loop3A_922 : vector<16xf32>
        %parallel_loop3A_924 = arith.constant 6 : i32
        %parallel_loop3A_925 = vector.broadcast %parallel_loop3A_924 : i32 to vector<16xi32>
        %parallel_loop3A_926 = vector.shape_cast %parallel_loop3A_925 : vector<16xi32> to vector<16x1xi32>
        %parallel_loop3A_927 = vector.shape_cast %parallel_loop3A_926 : vector<16x1xi32> to vector<16xi32>
        %parallel_loop3A_928 = tpu.dynamic_gather %parallel_loop3A_827[%parallel_loop3A_927] in [0] : vector<16xf32>, vector<16xi32> -> vector<16xf32>
        %parallel_loop3A_929 = arith.constant 6 : i32
        %parallel_loop3A_930 = arith.addi %parallel_loop3A_825, %parallel_loop3A_929 : i32
        %parallel_loop3A_931 = arith.index_cast %parallel_loop3A_930 : i32 to index
        %parallel_loop3A_932 = arith.constant 0 : index
        %parallel_loop3A_933 = tpu.vector_load %arg10[%parallel_loop3A_931, %parallel_loop3A_932] {strides = array<i32>} : memref<3072x32xbf16, #tpu.memory_space<vmem>>, vector<32xbf16>,
        %parallel_loop3A_934 = tpu.unpack_subelements %parallel_loop3A_933, 0 {pack_format = #tpu.pack_format<interleaved>} : vector<32xbf16> -> vector<16xf32>
        %parallel_loop3A_935 = tpu.unpack_subelements %parallel_loop3A_933, 1 {pack_format = #tpu.pack_format<interleaved>} : vector<32xbf16> -> vector<16xf32>
        %parallel_loop3A_936 = arith.mulf %parallel_loop3A_928, %parallel_loop3A_934 : vector<16xf32>
        %parallel_loop3A_937 = arith.addf %parallel_loop3A_921, %parallel_loop3A_936 : vector<16xf32>
        %parallel_loop3A_938 = arith.mulf %parallel_loop3A_928, %parallel_loop3A_935 : vector<16xf32>
        %parallel_loop3A_939 = arith.addf %parallel_loop3A_923, %parallel_loop3A_938 : vector<16xf32>
        %parallel_loop3A_940 = arith.constant 7 : i32
        %parallel_loop3A_941 = vector.broadcast %parallel_loop3A_940 : i32 to vector<16xi32>
        %parallel_loop3A_942 = vector.shape_cast %parallel_loop3A_941 : vector<16xi32> to vector<16x1xi32>
        %parallel_loop3A_943 = vector.shape_cast %parallel_loop3A_942 : vector<16x1xi32> to vector<16xi32>
        %parallel_loop3A_944 = tpu.dynamic_gather %parallel_loop3A_827[%parallel_loop3A_943] in [0] : vector<16xf32>, vector<16xi32> -> vector<16xf32>
        %parallel_loop3A_945 = arith.constant 7 : i32
        %parallel_loop3A_946 = arith.addi %parallel_loop3A_825, %parallel_loop3A_945 : i32
        %parallel_loop3A_947 = arith.index_cast %parallel_loop3A_946 : i32 to index
        %parallel_loop3A_948 = arith.constant 0 : index
        %parallel_loop3A_949 = tpu.vector_load %arg10[%parallel_loop3A_947, %parallel_loop3A_948] {strides = array<i32>} : memref<3072x32xbf16, #tpu.memory_space<vmem>>, vector<32xbf16>,
        %parallel_loop3A_950 = tpu.unpack_subelements %parallel_loop3A_949, 0 {pack_format = #tpu.pack_format<interleaved>} : vector<32xbf16> -> vector<16xf32>
        %parallel_loop3A_951 = tpu.unpack_subelements %parallel_loop3A_949, 1 {pack_format = #tpu.pack_format<interleaved>} : vector<32xbf16> -> vector<16xf32>
        %parallel_loop3A_952 = arith.mulf %parallel_loop3A_944, %parallel_loop3A_950 : vector<16xf32>
        %parallel_loop3A_953 = arith.addf %parallel_loop3A_937, %parallel_loop3A_952 : vector<16xf32>
        %parallel_loop3A_954 = arith.mulf %parallel_loop3A_944, %parallel_loop3A_951 : vector<16xf32>
        %parallel_loop3A_955 = arith.addf %parallel_loop3A_939, %parallel_loop3A_954 : vector<16xf32>
        %parallel_loop3A_956 = arith.constant 8 : i32
        %parallel_loop3A_957 = vector.broadcast %parallel_loop3A_956 : i32 to vector<16xi32>
        %parallel_loop3A_958 = vector.shape_cast %parallel_loop3A_957 : vector<16xi32> to vector<16x1xi32>
        %parallel_loop3A_959 = vector.shape_cast %parallel_loop3A_958 : vector<16x1xi32> to vector<16xi32>
        %parallel_loop3A_960 = tpu.dynamic_gather %parallel_loop3A_827[%parallel_loop3A_959] in [0] : vector<16xf32>, vector<16xi32> -> vector<16xf32>
        %parallel_loop3A_961 = arith.constant 8 : i32
        %parallel_loop3A_962 = arith.addi %parallel_loop3A_825, %parallel_loop3A_961 : i32
        %parallel_loop3A_963 = arith.index_cast %parallel_loop3A_962 : i32 to index
        %parallel_loop3A_964 = arith.constant 0 : index
        %parallel_loop3A_965 = tpu.vector_load %arg10[%parallel_loop3A_963, %parallel_loop3A_964] {strides = array<i32>} : memref<3072x32xbf16, #tpu.memory_space<vmem>>, vector<32xbf16>,
        %parallel_loop3A_966 = tpu.unpack_subelements %parallel_loop3A_965, 0 {pack_format = #tpu.pack_format<interleaved>} : vector<32xbf16> -> vector<16xf32>
        %parallel_loop3A_967 = tpu.unpack_subelements %parallel_loop3A_965, 1 {pack_format = #tpu.pack_format<interleaved>} : vector<32xbf16> -> vector<16xf32>
        %parallel_loop3A_968 = arith.mulf %parallel_loop3A_960, %parallel_loop3A_966 : vector<16xf32>
        %parallel_loop3A_969 = arith.addf %parallel_loop3A_814, %parallel_loop3A_968 : vector<16xf32>
        %parallel_loop3A_970 = arith.mulf %parallel_loop3A_960, %parallel_loop3A_967 : vector<16xf32>
        %parallel_loop3A_971 = arith.addf %parallel_loop3A_816, %parallel_loop3A_970 : vector<16xf32>
        %parallel_loop3A_972 = arith.constant 9 : i32
        %parallel_loop3A_973 = vector.broadcast %parallel_loop3A_972 : i32 to vector<16xi32>
        %parallel_loop3A_974 = vector.shape_cast %parallel_loop3A_973 : vector<16xi32> to vector<16x1xi32>
        %parallel_loop3A_975 = vector.shape_cast %parallel_loop3A_974 : vector<16x1xi32> to vector<16xi32>
        %parallel_loop3A_976 = tpu.dynamic_gather %parallel_loop3A_827[%parallel_loop3A_975] in [0] : vector<16xf32>, vector<16xi32> -> vector<16xf32>
        %parallel_loop3A_977 = arith.constant 9 : i32
        %parallel_loop3A_978 = arith.addi %parallel_loop3A_825, %parallel_loop3A_977 : i32
        %parallel_loop3A_979 = arith.index_cast %parallel_loop3A_978 : i32 to index
        %parallel_loop3A_980 = arith.constant 0 : index
        %parallel_loop3A_981 = tpu.vector_load %arg10[%parallel_loop3A_979, %parallel_loop3A_980] {strides = array<i32>} : memref<3072x32xbf16, #tpu.memory_space<vmem>>, vector<32xbf16>,
        %parallel_loop3A_982 = tpu.unpack_subelements %parallel_loop3A_981, 0 {pack_format = #tpu.pack_format<interleaved>} : vector<32xbf16> -> vector<16xf32>
        %parallel_loop3A_983 = tpu.unpack_subelements %parallel_loop3A_981, 1 {pack_format = #tpu.pack_format<interleaved>} : vector<32xbf16> -> vector<16xf32>
        %parallel_loop3A_984 = arith.mulf %parallel_loop3A_976, %parallel_loop3A_982 : vector<16xf32>
        %parallel_loop3A_985 = arith.addf %parallel_loop3A_969, %parallel_loop3A_984 : vector<16xf32>
        %parallel_loop3A_986 = arith.mulf %parallel_loop3A_976, %parallel_loop3A_983 : vector<16xf32>
        %parallel_loop3A_987 = arith.addf %parallel_loop3A_971, %parallel_loop3A_986 : vector<16xf32>
        %parallel_loop3A_988 = arith.constant 10 : i32
        %parallel_loop3A_989 = vector.broadcast %parallel_loop3A_988 : i32 to vector<16xi32>
        %parallel_loop3A_990 = vector.shape_cast %parallel_loop3A_989 : vector<16xi32> to vector<16x1xi32>
        %parallel_loop3A_991 = vector.shape_cast %parallel_loop3A_990 : vector<16x1xi32> to vector<16xi32>
        %parallel_loop3A_992 = tpu.dynamic_gather %parallel_loop3A_827[%parallel_loop3A_991] in [0] : vector<16xf32>, vector<16xi32> -> vector<16xf32>
        %parallel_loop3A_993 = arith.constant 10 : i32
        %parallel_loop3A_994 = arith.addi %parallel_loop3A_825, %parallel_loop3A_993 : i32
        %parallel_loop3A_995 = arith.index_cast %parallel_loop3A_994 : i32 to index
        %parallel_loop3A_996 = arith.constant 0 : index
        %parallel_loop3A_997 = tpu.vector_load %arg10[%parallel_loop3A_995, %parallel_loop3A_996] {strides = array<i32>} : memref<3072x32xbf16, #tpu.memory_space<vmem>>, vector<32xbf16>,
        %parallel_loop3A_998 = tpu.unpack_subelements %parallel_loop3A_997, 0 {pack_format = #tpu.pack_format<interleaved>} : vector<32xbf16> -> vector<16xf32>
        %parallel_loop3A_999 = tpu.unpack_subelements %parallel_loop3A_997, 1 {pack_format = #tpu.pack_format<interleaved>} : vector<32xbf16> -> vector<16xf32>
        %parallel_loop3A_1000 = arith.mulf %parallel_loop3A_992, %parallel_loop3A_998 : vector<16xf32>
        %parallel_loop3A_1001 = arith.addf %parallel_loop3A_985, %parallel_loop3A_1000 : vector<16xf32>
        %parallel_loop3A_1002 = arith.mulf %parallel_loop3A_992, %parallel_loop3A_999 : vector<16xf32>
        %parallel_loop3A_1003 = arith.addf %parallel_loop3A_987, %parallel_loop3A_1002 : vector<16xf32>
        %parallel_loop3A_1004 = arith.constant 11 : i32
        %parallel_loop3A_1005 = vector.broadcast %parallel_loop3A_1004 : i32 to vector<16xi32>
        %parallel_loop3A_1006 = vector.shape_cast %parallel_loop3A_1005 : vector<16xi32> to vector<16x1xi32>
        %parallel_loop3A_1007 = vector.shape_cast %parallel_loop3A_1006 : vector<16x1xi32> to vector<16xi32>
        %parallel_loop3A_1008 = tpu.dynamic_gather %parallel_loop3A_827[%parallel_loop3A_1007] in [0] : vector<16xf32>, vector<16xi32> -> vector<16xf32>
        %parallel_loop3A_1009 = arith.constant 11 : i32
        %parallel_loop3A_1010 = arith.addi %parallel_loop3A_825, %parallel_loop3A_1009 : i32
        %parallel_loop3A_1011 = arith.index_cast %parallel_loop3A_1010 : i32 to index
        %parallel_loop3A_1012 = arith.constant 0 : index
        %parallel_loop3A_1013 = tpu.vector_load %arg10[%parallel_loop3A_1011, %parallel_loop3A_1012] {strides = array<i32>} : memref<3072x32xbf16, #tpu.memory_space<vmem>>, vector<32xbf16>,
        %parallel_loop3A_1014 = tpu.unpack_subelements %parallel_loop3A_1013, 0 {pack_format = #tpu.pack_format<interleaved>} : vector<32xbf16> -> vector<16xf32>
        %parallel_loop3A_1015 = tpu.unpack_subelements %parallel_loop3A_1013, 1 {pack_format = #tpu.pack_format<interleaved>} : vector<32xbf16> -> vector<16xf32>
        %parallel_loop3A_1016 = arith.mulf %parallel_loop3A_1008, %parallel_loop3A_1014 : vector<16xf32>
        %parallel_loop3A_1017 = arith.addf %parallel_loop3A_1001, %parallel_loop3A_1016 : vector<16xf32>
        %parallel_loop3A_1018 = arith.mulf %parallel_loop3A_1008, %parallel_loop3A_1015 : vector<16xf32>
        %parallel_loop3A_1019 = arith.addf %parallel_loop3A_1003, %parallel_loop3A_1018 : vector<16xf32>
        %parallel_loop3A_1020 = arith.constant 12 : i32
        %parallel_loop3A_1021 = vector.broadcast %parallel_loop3A_1020 : i32 to vector<16xi32>
        %parallel_loop3A_1022 = vector.shape_cast %parallel_loop3A_1021 : vector<16xi32> to vector<16x1xi32>
        %parallel_loop3A_1023 = vector.shape_cast %parallel_loop3A_1022 : vector<16x1xi32> to vector<16xi32>
        %parallel_loop3A_1024 = tpu.dynamic_gather %parallel_loop3A_827[%parallel_loop3A_1023] in [0] : vector<16xf32>, vector<16xi32> -> vector<16xf32>
        %parallel_loop3A_1025 = arith.constant 12 : i32
        %parallel_loop3A_1026 = arith.addi %parallel_loop3A_825, %parallel_loop3A_1025 : i32
        %parallel_loop3A_1027 = arith.index_cast %parallel_loop3A_1026 : i32 to index
        %parallel_loop3A_1028 = arith.constant 0 : index
        %parallel_loop3A_1029 = tpu.vector_load %arg10[%parallel_loop3A_1027, %parallel_loop3A_1028] {strides = array<i32>} : memref<3072x32xbf16, #tpu.memory_space<vmem>>, vector<32xbf16>,
        %parallel_loop3A_1030 = tpu.unpack_subelements %parallel_loop3A_1029, 0 {pack_format = #tpu.pack_format<interleaved>} : vector<32xbf16> -> vector<16xf32>
        %parallel_loop3A_1031 = tpu.unpack_subelements %parallel_loop3A_1029, 1 {pack_format = #tpu.pack_format<interleaved>} : vector<32xbf16> -> vector<16xf32>
        %parallel_loop3A_1032 = arith.mulf %parallel_loop3A_1024, %parallel_loop3A_1030 : vector<16xf32>
        %parallel_loop3A_1033 = arith.addf %parallel_loop3A_1017, %parallel_loop3A_1032 : vector<16xf32>
        %parallel_loop3A_1034 = arith.mulf %parallel_loop3A_1024, %parallel_loop3A_1031 : vector<16xf32>
        %parallel_loop3A_1035 = arith.addf %parallel_loop3A_1019, %parallel_loop3A_1034 : vector<16xf32>
        %parallel_loop3A_1036 = arith.constant 13 : i32
        %parallel_loop3A_1037 = vector.broadcast %parallel_loop3A_1036 : i32 to vector<16xi32>
        %parallel_loop3A_1038 = vector.shape_cast %parallel_loop3A_1037 : vector<16xi32> to vector<16x1xi32>
        %parallel_loop3A_1039 = vector.shape_cast %parallel_loop3A_1038 : vector<16x1xi32> to vector<16xi32>
        %parallel_loop3A_1040 = tpu.dynamic_gather %parallel_loop3A_827[%parallel_loop3A_1039] in [0] : vector<16xf32>, vector<16xi32> -> vector<16xf32>
        %parallel_loop3A_1041 = arith.constant 13 : i32
        %parallel_loop3A_1042 = arith.addi %parallel_loop3A_825, %parallel_loop3A_1041 : i32
        %parallel_loop3A_1043 = arith.index_cast %parallel_loop3A_1042 : i32 to index
        %parallel_loop3A_1044 = arith.constant 0 : index
        %parallel_loop3A_1045 = tpu.vector_load %arg10[%parallel_loop3A_1043, %parallel_loop3A_1044] {strides = array<i32>} : memref<3072x32xbf16, #tpu.memory_space<vmem>>, vector<32xbf16>,
        %parallel_loop3A_1046 = tpu.unpack_subelements %parallel_loop3A_1045, 0 {pack_format = #tpu.pack_format<interleaved>} : vector<32xbf16> -> vector<16xf32>
        %parallel_loop3A_1047 = tpu.unpack_subelements %parallel_loop3A_1045, 1 {pack_format = #tpu.pack_format<interleaved>} : vector<32xbf16> -> vector<16xf32>
        %parallel_loop3A_1048 = arith.mulf %parallel_loop3A_1040, %parallel_loop3A_1046 : vector<16xf32>
        %parallel_loop3A_1049 = arith.addf %parallel_loop3A_1033, %parallel_loop3A_1048 : vector<16xf32>
        %parallel_loop3A_1050 = arith.mulf %parallel_loop3A_1040, %parallel_loop3A_1047 : vector<16xf32>
        %parallel_loop3A_1051 = arith.addf %parallel_loop3A_1035, %parallel_loop3A_1050 : vector<16xf32>
        %parallel_loop3A_1052 = arith.constant 14 : i32
        %parallel_loop3A_1053 = vector.broadcast %parallel_loop3A_1052 : i32 to vector<16xi32>
        %parallel_loop3A_1054 = vector.shape_cast %parallel_loop3A_1053 : vector<16xi32> to vector<16x1xi32>
        %parallel_loop3A_1055 = vector.shape_cast %parallel_loop3A_1054 : vector<16x1xi32> to vector<16xi32>
        %parallel_loop3A_1056 = tpu.dynamic_gather %parallel_loop3A_827[%parallel_loop3A_1055] in [0] : vector<16xf32>, vector<16xi32> -> vector<16xf32>
        %parallel_loop3A_1057 = arith.constant 14 : i32
        %parallel_loop3A_1058 = arith.addi %parallel_loop3A_825, %parallel_loop3A_1057 : i32
        %parallel_loop3A_1059 = arith.index_cast %parallel_loop3A_1058 : i32 to index
        %parallel_loop3A_1060 = arith.constant 0 : index
        %parallel_loop3A_1061 = tpu.vector_load %arg10[%parallel_loop3A_1059, %parallel_loop3A_1060] {strides = array<i32>} : memref<3072x32xbf16, #tpu.memory_space<vmem>>, vector<32xbf16>,
        %parallel_loop3A_1062 = tpu.unpack_subelements %parallel_loop3A_1061, 0 {pack_format = #tpu.pack_format<interleaved>} : vector<32xbf16> -> vector<16xf32>
        %parallel_loop3A_1063 = tpu.unpack_subelements %parallel_loop3A_1061, 1 {pack_format = #tpu.pack_format<interleaved>} : vector<32xbf16> -> vector<16xf32>
        %parallel_loop3A_1064 = arith.mulf %parallel_loop3A_1056, %parallel_loop3A_1062 : vector<16xf32>
        %parallel_loop3A_1065 = arith.addf %parallel_loop3A_1049, %parallel_loop3A_1064 : vector<16xf32>
        %parallel_loop3A_1066 = arith.mulf %parallel_loop3A_1056, %parallel_loop3A_1063 : vector<16xf32>
        %parallel_loop3A_1067 = arith.addf %parallel_loop3A_1051, %parallel_loop3A_1066 : vector<16xf32>
        %parallel_loop3A_1068 = arith.constant 15 : i32
        %parallel_loop3A_1069 = vector.broadcast %parallel_loop3A_1068 : i32 to vector<16xi32>
        %parallel_loop3A_1070 = vector.shape_cast %parallel_loop3A_1069 : vector<16xi32> to vector<16x1xi32>
        %parallel_loop3A_1071 = vector.shape_cast %parallel_loop3A_1070 : vector<16x1xi32> to vector<16xi32>
        %parallel_loop3A_1072 = tpu.dynamic_gather %parallel_loop3A_827[%parallel_loop3A_1071] in [0] : vector<16xf32>, vector<16xi32> -> vector<16xf32>
        %parallel_loop3A_1073 = arith.constant 15 : i32
        %parallel_loop3A_1074 = arith.addi %parallel_loop3A_825, %parallel_loop3A_1073 : i32
        %parallel_loop3A_1075 = arith.index_cast %parallel_loop3A_1074 : i32 to index
        %parallel_loop3A_1076 = arith.constant 0 : index
        %parallel_loop3A_1077 = tpu.vector_load %arg10[%parallel_loop3A_1075, %parallel_loop3A_1076] {strides = array<i32>} : memref<3072x32xbf16, #tpu.memory_space<vmem>>, vector<32xbf16>,
        %parallel_loop3A_1078 = tpu.unpack_subelements %parallel_loop3A_1077, 0 {pack_format = #tpu.pack_format<interleaved>} : vector<32xbf16> -> vector<16xf32>
        %parallel_loop3A_1079 = tpu.unpack_subelements %parallel_loop3A_1077, 1 {pack_format = #tpu.pack_format<interleaved>} : vector<32xbf16> -> vector<16xf32>
        %parallel_loop3A_1080 = arith.mulf %parallel_loop3A_1072, %parallel_loop3A_1078 : vector<16xf32>
        %parallel_loop3A_1081 = arith.addf %parallel_loop3A_1065, %parallel_loop3A_1080 : vector<16xf32>
        %parallel_loop3A_1082 = arith.mulf %parallel_loop3A_1072, %parallel_loop3A_1079 : vector<16xf32>
        %parallel_loop3A_1083 = arith.addf %parallel_loop3A_1067, %parallel_loop3A_1082 : vector<16xf32>
        %parallel_loop3A_1084 = arith.constant 128 : i32
        %parallel_loop3A_1085 = arith.muli %parallel_loop3A_258, %parallel_loop3A_1084 : i32
        %parallel_loop3A_1086 = arith.constant 1536 : i32
        %parallel_loop3A_1087 = arith.addi %parallel_loop3A_1086, %parallel_loop3A_1085 : i32
        %parallel_loop3A_1088 = arith.constant 64 : i32
        %parallel_loop3A_1089 = arith.addi %parallel_loop3A_1087, %parallel_loop3A_1088 : i32
        %parallel_loop3A_1090 = arith.constant 16 : i32
        %parallel_loop3A_1091 = arith.muli %parallel_loop3A_274, %parallel_loop3A_1090 : i32
        %parallel_loop3A_1092 = arith.addi %parallel_loop3A_1089, %parallel_loop3A_1091 : i32
        %parallel_loop3A_1093 = arith.index_cast %parallel_loop3A_1092 : i32 to index
        %parallel_loop3A_1094 = tpu.vector_load %arg8[%parallel_loop3A_1093] {strides = array<i32>} : memref<3072xf32, #tpu.memory_space<vmem>>, vector<16xf32>,
        %parallel_loop3A_1095 = arith.constant 0 : i32
        %parallel_loop3A_1096 = vector.broadcast %parallel_loop3A_1095 : i32 to vector<16xi32>
        %parallel_loop3A_1097 = vector.shape_cast %parallel_loop3A_1096 : vector<16xi32> to vector<16x1xi32>
        %parallel_loop3A_1098 = vector.shape_cast %parallel_loop3A_1097 : vector<16x1xi32> to vector<16xi32>
        %parallel_loop3A_1099 = tpu.dynamic_gather %parallel_loop3A_1094[%parallel_loop3A_1098] in [0] : vector<16xf32>, vector<16xi32> -> vector<16xf32>
        %parallel_loop3A_1100 = arith.constant 0 : i32
        %parallel_loop3A_1101 = arith.addi %parallel_loop3A_1092, %parallel_loop3A_1100 : i32
        %parallel_loop3A_1102 = arith.index_cast %parallel_loop3A_1101 : i32 to index
        %parallel_loop3A_1103 = arith.constant 0 : index
        %parallel_loop3A_1104 = tpu.vector_load %arg10[%parallel_loop3A_1102, %parallel_loop3A_1103] {strides = array<i32>} : memref<3072x32xbf16, #tpu.memory_space<vmem>>, vector<32xbf16>,
        %parallel_loop3A_1105 = tpu.unpack_subelements %parallel_loop3A_1104, 0 {pack_format = #tpu.pack_format<interleaved>} : vector<32xbf16> -> vector<16xf32>
        %parallel_loop3A_1106 = tpu.unpack_subelements %parallel_loop3A_1104, 1 {pack_format = #tpu.pack_format<interleaved>} : vector<32xbf16> -> vector<16xf32>
        %parallel_loop3A_1107 = arith.mulf %parallel_loop3A_1099, %parallel_loop3A_1105 : vector<16xf32>
        %parallel_loop3A_1108 = arith.addf %parallel_loop3A_953, %parallel_loop3A_1107 : vector<16xf32>
        %parallel_loop3A_1109 = arith.mulf %parallel_loop3A_1099, %parallel_loop3A_1106 : vector<16xf32>
        %parallel_loop3A_1110 = arith.addf %parallel_loop3A_955, %parallel_loop3A_1109 : vector<16xf32>
        %parallel_loop3A_1111 = arith.constant 1 : i32
        %parallel_loop3A_1112 = vector.broadcast %parallel_loop3A_1111 : i32 to vector<16xi32>
        %parallel_loop3A_1113 = vector.shape_cast %parallel_loop3A_1112 : vector<16xi32> to vector<16x1xi32>
        %parallel_loop3A_1114 = vector.shape_cast %parallel_loop3A_1113 : vector<16x1xi32> to vector<16xi32>
        %parallel_loop3A_1115 = tpu.dynamic_gather %parallel_loop3A_1094[%parallel_loop3A_1114] in [0] : vector<16xf32>, vector<16xi32> -> vector<16xf32>
        %parallel_loop3A_1116 = arith.constant 1 : i32
        %parallel_loop3A_1117 = arith.addi %parallel_loop3A_1092, %parallel_loop3A_1116 : i32
        %parallel_loop3A_1118 = arith.index_cast %parallel_loop3A_1117 : i32 to index
        %parallel_loop3A_1119 = arith.constant 0 : index
        %parallel_loop3A_1120 = tpu.vector_load %arg10[%parallel_loop3A_1118, %parallel_loop3A_1119] {strides = array<i32>} : memref<3072x32xbf16, #tpu.memory_space<vmem>>, vector<32xbf16>,
        %parallel_loop3A_1121 = tpu.unpack_subelements %parallel_loop3A_1120, 0 {pack_format = #tpu.pack_format<interleaved>} : vector<32xbf16> -> vector<16xf32>
        %parallel_loop3A_1122 = tpu.unpack_subelements %parallel_loop3A_1120, 1 {pack_format = #tpu.pack_format<interleaved>} : vector<32xbf16> -> vector<16xf32>
        %parallel_loop3A_1123 = arith.mulf %parallel_loop3A_1115, %parallel_loop3A_1121 : vector<16xf32>
        %parallel_loop3A_1124 = arith.addf %parallel_loop3A_1108, %parallel_loop3A_1123 : vector<16xf32>
        %parallel_loop3A_1125 = arith.mulf %parallel_loop3A_1115, %parallel_loop3A_1122 : vector<16xf32>
        %parallel_loop3A_1126 = arith.addf %parallel_loop3A_1110, %parallel_loop3A_1125 : vector<16xf32>
        %parallel_loop3A_1127 = arith.constant 2 : i32
        %parallel_loop3A_1128 = vector.broadcast %parallel_loop3A_1127 : i32 to vector<16xi32>
        %parallel_loop3A_1129 = vector.shape_cast %parallel_loop3A_1128 : vector<16xi32> to vector<16x1xi32>
        %parallel_loop3A_1130 = vector.shape_cast %parallel_loop3A_1129 : vector<16x1xi32> to vector<16xi32>
        %parallel_loop3A_1131 = tpu.dynamic_gather %parallel_loop3A_1094[%parallel_loop3A_1130] in [0] : vector<16xf32>, vector<16xi32> -> vector<16xf32>
        %parallel_loop3A_1132 = arith.constant 2 : i32
        %parallel_loop3A_1133 = arith.addi %parallel_loop3A_1092, %parallel_loop3A_1132 : i32
        %parallel_loop3A_1134 = arith.index_cast %parallel_loop3A_1133 : i32 to index
        %parallel_loop3A_1135 = arith.constant 0 : index
        %parallel_loop3A_1136 = tpu.vector_load %arg10[%parallel_loop3A_1134, %parallel_loop3A_1135] {strides = array<i32>} : memref<3072x32xbf16, #tpu.memory_space<vmem>>, vector<32xbf16>,
        %parallel_loop3A_1137 = tpu.unpack_subelements %parallel_loop3A_1136, 0 {pack_format = #tpu.pack_format<interleaved>} : vector<32xbf16> -> vector<16xf32>
        %parallel_loop3A_1138 = tpu.unpack_subelements %parallel_loop3A_1136, 1 {pack_format = #tpu.pack_format<interleaved>} : vector<32xbf16> -> vector<16xf32>
        %parallel_loop3A_1139 = arith.mulf %parallel_loop3A_1131, %parallel_loop3A_1137 : vector<16xf32>
        %parallel_loop3A_1140 = arith.addf %parallel_loop3A_1124, %parallel_loop3A_1139 : vector<16xf32>
        %parallel_loop3A_1141 = arith.mulf %parallel_loop3A_1131, %parallel_loop3A_1138 : vector<16xf32>
        %parallel_loop3A_1142 = arith.addf %parallel_loop3A_1126, %parallel_loop3A_1141 : vector<16xf32>
        %parallel_loop3A_1143 = arith.constant 3 : i32
        %parallel_loop3A_1144 = vector.broadcast %parallel_loop3A_1143 : i32 to vector<16xi32>
        %parallel_loop3A_1145 = vector.shape_cast %parallel_loop3A_1144 : vector<16xi32> to vector<16x1xi32>
        %parallel_loop3A_1146 = vector.shape_cast %parallel_loop3A_1145 : vector<16x1xi32> to vector<16xi32>
        %parallel_loop3A_1147 = tpu.dynamic_gather %parallel_loop3A_1094[%parallel_loop3A_1146] in [0] : vector<16xf32>, vector<16xi32> -> vector<16xf32>
        %parallel_loop3A_1148 = arith.constant 3 : i32
        %parallel_loop3A_1149 = arith.addi %parallel_loop3A_1092, %parallel_loop3A_1148 : i32
        %parallel_loop3A_1150 = arith.index_cast %parallel_loop3A_1149 : i32 to index
        %parallel_loop3A_1151 = arith.constant 0 : index
        %parallel_loop3A_1152 = tpu.vector_load %arg10[%parallel_loop3A_1150, %parallel_loop3A_1151] {strides = array<i32>} : memref<3072x32xbf16, #tpu.memory_space<vmem>>, vector<32xbf16>,
        %parallel_loop3A_1153 = tpu.unpack_subelements %parallel_loop3A_1152, 0 {pack_format = #tpu.pack_format<interleaved>} : vector<32xbf16> -> vector<16xf32>
        %parallel_loop3A_1154 = tpu.unpack_subelements %parallel_loop3A_1152, 1 {pack_format = #tpu.pack_format<interleaved>} : vector<32xbf16> -> vector<16xf32>
        %parallel_loop3A_1155 = arith.mulf %parallel_loop3A_1147, %parallel_loop3A_1153 : vector<16xf32>
        %parallel_loop3A_1156 = arith.addf %parallel_loop3A_1140, %parallel_loop3A_1155 : vector<16xf32>
        %parallel_loop3A_1157 = arith.mulf %parallel_loop3A_1147, %parallel_loop3A_1154 : vector<16xf32>
        %parallel_loop3A_1158 = arith.addf %parallel_loop3A_1142, %parallel_loop3A_1157 : vector<16xf32>
        %parallel_loop3A_1159 = arith.constant 4 : i32
        %parallel_loop3A_1160 = vector.broadcast %parallel_loop3A_1159 : i32 to vector<16xi32>
        %parallel_loop3A_1161 = vector.shape_cast %parallel_loop3A_1160 : vector<16xi32> to vector<16x1xi32>
        %parallel_loop3A_1162 = vector.shape_cast %parallel_loop3A_1161 : vector<16x1xi32> to vector<16xi32>
        %parallel_loop3A_1163 = tpu.dynamic_gather %parallel_loop3A_1094[%parallel_loop3A_1162] in [0] : vector<16xf32>, vector<16xi32> -> vector<16xf32>
        %parallel_loop3A_1164 = arith.constant 4 : i32
        %parallel_loop3A_1165 = arith.addi %parallel_loop3A_1092, %parallel_loop3A_1164 : i32
        %parallel_loop3A_1166 = arith.index_cast %parallel_loop3A_1165 : i32 to index
        %parallel_loop3A_1167 = arith.constant 0 : index
        %parallel_loop3A_1168 = tpu.vector_load %arg10[%parallel_loop3A_1166, %parallel_loop3A_1167] {strides = array<i32>} : memref<3072x32xbf16, #tpu.memory_space<vmem>>, vector<32xbf16>,
        %parallel_loop3A_1169 = tpu.unpack_subelements %parallel_loop3A_1168, 0 {pack_format = #tpu.pack_format<interleaved>} : vector<32xbf16> -> vector<16xf32>
        %parallel_loop3A_1170 = tpu.unpack_subelements %parallel_loop3A_1168, 1 {pack_format = #tpu.pack_format<interleaved>} : vector<32xbf16> -> vector<16xf32>
        %parallel_loop3A_1171 = arith.mulf %parallel_loop3A_1163, %parallel_loop3A_1169 : vector<16xf32>
        %parallel_loop3A_1172 = arith.addf %parallel_loop3A_1156, %parallel_loop3A_1171 : vector<16xf32>
        %parallel_loop3A_1173 = arith.mulf %parallel_loop3A_1163, %parallel_loop3A_1170 : vector<16xf32>
        %parallel_loop3A_1174 = arith.addf %parallel_loop3A_1158, %parallel_loop3A_1173 : vector<16xf32>
        %parallel_loop3A_1175 = arith.constant 5 : i32
        %parallel_loop3A_1176 = vector.broadcast %parallel_loop3A_1175 : i32 to vector<16xi32>
        %parallel_loop3A_1177 = vector.shape_cast %parallel_loop3A_1176 : vector<16xi32> to vector<16x1xi32>
        %parallel_loop3A_1178 = vector.shape_cast %parallel_loop3A_1177 : vector<16x1xi32> to vector<16xi32>
        %parallel_loop3A_1179 = tpu.dynamic_gather %parallel_loop3A_1094[%parallel_loop3A_1178] in [0] : vector<16xf32>, vector<16xi32> -> vector<16xf32>
        %parallel_loop3A_1180 = arith.constant 5 : i32
        %parallel_loop3A_1181 = arith.addi %parallel_loop3A_1092, %parallel_loop3A_1180 : i32
        %parallel_loop3A_1182 = arith.index_cast %parallel_loop3A_1181 : i32 to index
        %parallel_loop3A_1183 = arith.constant 0 : index
        %parallel_loop3A_1184 = tpu.vector_load %arg10[%parallel_loop3A_1182, %parallel_loop3A_1183] {strides = array<i32>} : memref<3072x32xbf16, #tpu.memory_space<vmem>>, vector<32xbf16>,
        %parallel_loop3A_1185 = tpu.unpack_subelements %parallel_loop3A_1184, 0 {pack_format = #tpu.pack_format<interleaved>} : vector<32xbf16> -> vector<16xf32>
        %parallel_loop3A_1186 = tpu.unpack_subelements %parallel_loop3A_1184, 1 {pack_format = #tpu.pack_format<interleaved>} : vector<32xbf16> -> vector<16xf32>
        %parallel_loop3A_1187 = arith.mulf %parallel_loop3A_1179, %parallel_loop3A_1185 : vector<16xf32>
        %parallel_loop3A_1188 = arith.addf %parallel_loop3A_1172, %parallel_loop3A_1187 : vector<16xf32>
        %parallel_loop3A_1189 = arith.mulf %parallel_loop3A_1179, %parallel_loop3A_1186 : vector<16xf32>
        %parallel_loop3A_1190 = arith.addf %parallel_loop3A_1174, %parallel_loop3A_1189 : vector<16xf32>
        %parallel_loop3A_1191 = arith.constant 6 : i32
        %parallel_loop3A_1192 = vector.broadcast %parallel_loop3A_1191 : i32 to vector<16xi32>
        %parallel_loop3A_1193 = vector.shape_cast %parallel_loop3A_1192 : vector<16xi32> to vector<16x1xi32>
        %parallel_loop3A_1194 = vector.shape_cast %parallel_loop3A_1193 : vector<16x1xi32> to vector<16xi32>
        %parallel_loop3A_1195 = tpu.dynamic_gather %parallel_loop3A_1094[%parallel_loop3A_1194] in [0] : vector<16xf32>, vector<16xi32> -> vector<16xf32>
        %parallel_loop3A_1196 = arith.constant 6 : i32
        %parallel_loop3A_1197 = arith.addi %parallel_loop3A_1092, %parallel_loop3A_1196 : i32
        %parallel_loop3A_1198 = arith.index_cast %parallel_loop3A_1197 : i32 to index
        %parallel_loop3A_1199 = arith.constant 0 : index
        %parallel_loop3A_1200 = tpu.vector_load %arg10[%parallel_loop3A_1198, %parallel_loop3A_1199] {strides = array<i32>} : memref<3072x32xbf16, #tpu.memory_space<vmem>>, vector<32xbf16>,
        %parallel_loop3A_1201 = tpu.unpack_subelements %parallel_loop3A_1200, 0 {pack_format = #tpu.pack_format<interleaved>} : vector<32xbf16> -> vector<16xf32>
        %parallel_loop3A_1202 = tpu.unpack_subelements %parallel_loop3A_1200, 1 {pack_format = #tpu.pack_format<interleaved>} : vector<32xbf16> -> vector<16xf32>
        %parallel_loop3A_1203 = arith.mulf %parallel_loop3A_1195, %parallel_loop3A_1201 : vector<16xf32>
        %parallel_loop3A_1204 = arith.addf %parallel_loop3A_1188, %parallel_loop3A_1203 : vector<16xf32>
        %parallel_loop3A_1205 = arith.mulf %parallel_loop3A_1195, %parallel_loop3A_1202 : vector<16xf32>
        %parallel_loop3A_1206 = arith.addf %parallel_loop3A_1190, %parallel_loop3A_1205 : vector<16xf32>
        %parallel_loop3A_1207 = arith.constant 7 : i32
        %parallel_loop3A_1208 = vector.broadcast %parallel_loop3A_1207 : i32 to vector<16xi32>
        %parallel_loop3A_1209 = vector.shape_cast %parallel_loop3A_1208 : vector<16xi32> to vector<16x1xi32>
        %parallel_loop3A_1210 = vector.shape_cast %parallel_loop3A_1209 : vector<16x1xi32> to vector<16xi32>
        %parallel_loop3A_1211 = tpu.dynamic_gather %parallel_loop3A_1094[%parallel_loop3A_1210] in [0] : vector<16xf32>, vector<16xi32> -> vector<16xf32>
        %parallel_loop3A_1212 = arith.constant 7 : i32
        %parallel_loop3A_1213 = arith.addi %parallel_loop3A_1092, %parallel_loop3A_1212 : i32
        %parallel_loop3A_1214 = arith.index_cast %parallel_loop3A_1213 : i32 to index
        %parallel_loop3A_1215 = arith.constant 0 : index
        %parallel_loop3A_1216 = tpu.vector_load %arg10[%parallel_loop3A_1214, %parallel_loop3A_1215] {strides = array<i32>} : memref<3072x32xbf16, #tpu.memory_space<vmem>>, vector<32xbf16>,
        %parallel_loop3A_1217 = tpu.unpack_subelements %parallel_loop3A_1216, 0 {pack_format = #tpu.pack_format<interleaved>} : vector<32xbf16> -> vector<16xf32>
        %parallel_loop3A_1218 = tpu.unpack_subelements %parallel_loop3A_1216, 1 {pack_format = #tpu.pack_format<interleaved>} : vector<32xbf16> -> vector<16xf32>
        %parallel_loop3A_1219 = arith.mulf %parallel_loop3A_1211, %parallel_loop3A_1217 : vector<16xf32>
        %parallel_loop3A_1220 = arith.addf %parallel_loop3A_1204, %parallel_loop3A_1219 : vector<16xf32>
        %parallel_loop3A_1221 = arith.mulf %parallel_loop3A_1211, %parallel_loop3A_1218 : vector<16xf32>
        %parallel_loop3A_1222 = arith.addf %parallel_loop3A_1206, %parallel_loop3A_1221 : vector<16xf32>
        %parallel_loop3A_1223 = arith.constant 8 : i32
        %parallel_loop3A_1224 = vector.broadcast %parallel_loop3A_1223 : i32 to vector<16xi32>
        %parallel_loop3A_1225 = vector.shape_cast %parallel_loop3A_1224 : vector<16xi32> to vector<16x1xi32>
        %parallel_loop3A_1226 = vector.shape_cast %parallel_loop3A_1225 : vector<16x1xi32> to vector<16xi32>
        %parallel_loop3A_1227 = tpu.dynamic_gather %parallel_loop3A_1094[%parallel_loop3A_1226] in [0] : vector<16xf32>, vector<16xi32> -> vector<16xf32>
        %parallel_loop3A_1228 = arith.constant 8 : i32
        %parallel_loop3A_1229 = arith.addi %parallel_loop3A_1092, %parallel_loop3A_1228 : i32
        %parallel_loop3A_1230 = arith.index_cast %parallel_loop3A_1229 : i32 to index
        %parallel_loop3A_1231 = arith.constant 0 : index
        %parallel_loop3A_1232 = tpu.vector_load %arg10[%parallel_loop3A_1230, %parallel_loop3A_1231] {strides = array<i32>} : memref<3072x32xbf16, #tpu.memory_space<vmem>>, vector<32xbf16>,
        %parallel_loop3A_1233 = tpu.unpack_subelements %parallel_loop3A_1232, 0 {pack_format = #tpu.pack_format<interleaved>} : vector<32xbf16> -> vector<16xf32>
        %parallel_loop3A_1234 = tpu.unpack_subelements %parallel_loop3A_1232, 1 {pack_format = #tpu.pack_format<interleaved>} : vector<32xbf16> -> vector<16xf32>
        %parallel_loop3A_1235 = arith.mulf %parallel_loop3A_1227, %parallel_loop3A_1233 : vector<16xf32>
        %parallel_loop3A_1236 = arith.addf %parallel_loop3A_1081, %parallel_loop3A_1235 : vector<16xf32>
        %parallel_loop3A_1237 = arith.mulf %parallel_loop3A_1227, %parallel_loop3A_1234 : vector<16xf32>
        %parallel_loop3A_1238 = arith.addf %parallel_loop3A_1083, %parallel_loop3A_1237 : vector<16xf32>
        %parallel_loop3A_1239 = arith.constant 9 : i32
        %parallel_loop3A_1240 = vector.broadcast %parallel_loop3A_1239 : i32 to vector<16xi32>
        %parallel_loop3A_1241 = vector.shape_cast %parallel_loop3A_1240 : vector<16xi32> to vector<16x1xi32>
        %parallel_loop3A_1242 = vector.shape_cast %parallel_loop3A_1241 : vector<16x1xi32> to vector<16xi32>
        %parallel_loop3A_1243 = tpu.dynamic_gather %parallel_loop3A_1094[%parallel_loop3A_1242] in [0] : vector<16xf32>, vector<16xi32> -> vector<16xf32>
        %parallel_loop3A_1244 = arith.constant 9 : i32
        %parallel_loop3A_1245 = arith.addi %parallel_loop3A_1092, %parallel_loop3A_1244 : i32
        %parallel_loop3A_1246 = arith.index_cast %parallel_loop3A_1245 : i32 to index
        %parallel_loop3A_1247 = arith.constant 0 : index
        %parallel_loop3A_1248 = tpu.vector_load %arg10[%parallel_loop3A_1246, %parallel_loop3A_1247] {strides = array<i32>} : memref<3072x32xbf16, #tpu.memory_space<vmem>>, vector<32xbf16>,
        %parallel_loop3A_1249 = tpu.unpack_subelements %parallel_loop3A_1248, 0 {pack_format = #tpu.pack_format<interleaved>} : vector<32xbf16> -> vector<16xf32>
        %parallel_loop3A_1250 = tpu.unpack_subelements %parallel_loop3A_1248, 1 {pack_format = #tpu.pack_format<interleaved>} : vector<32xbf16> -> vector<16xf32>
        %parallel_loop3A_1251 = arith.mulf %parallel_loop3A_1243, %parallel_loop3A_1249 : vector<16xf32>
        %parallel_loop3A_1252 = arith.addf %parallel_loop3A_1236, %parallel_loop3A_1251 : vector<16xf32>
        %parallel_loop3A_1253 = arith.mulf %parallel_loop3A_1243, %parallel_loop3A_1250 : vector<16xf32>
        %parallel_loop3A_1254 = arith.addf %parallel_loop3A_1238, %parallel_loop3A_1253 : vector<16xf32>
        %parallel_loop3A_1255 = arith.constant 10 : i32
        %parallel_loop3A_1256 = vector.broadcast %parallel_loop3A_1255 : i32 to vector<16xi32>
        %parallel_loop3A_1257 = vector.shape_cast %parallel_loop3A_1256 : vector<16xi32> to vector<16x1xi32>
        %parallel_loop3A_1258 = vector.shape_cast %parallel_loop3A_1257 : vector<16x1xi32> to vector<16xi32>
        %parallel_loop3A_1259 = tpu.dynamic_gather %parallel_loop3A_1094[%parallel_loop3A_1258] in [0] : vector<16xf32>, vector<16xi32> -> vector<16xf32>
        %parallel_loop3A_1260 = arith.constant 10 : i32
        %parallel_loop3A_1261 = arith.addi %parallel_loop3A_1092, %parallel_loop3A_1260 : i32
        %parallel_loop3A_1262 = arith.index_cast %parallel_loop3A_1261 : i32 to index
        %parallel_loop3A_1263 = arith.constant 0 : index
        %parallel_loop3A_1264 = tpu.vector_load %arg10[%parallel_loop3A_1262, %parallel_loop3A_1263] {strides = array<i32>} : memref<3072x32xbf16, #tpu.memory_space<vmem>>, vector<32xbf16>,
        %parallel_loop3A_1265 = tpu.unpack_subelements %parallel_loop3A_1264, 0 {pack_format = #tpu.pack_format<interleaved>} : vector<32xbf16> -> vector<16xf32>
        %parallel_loop3A_1266 = tpu.unpack_subelements %parallel_loop3A_1264, 1 {pack_format = #tpu.pack_format<interleaved>} : vector<32xbf16> -> vector<16xf32>
        %parallel_loop3A_1267 = arith.mulf %parallel_loop3A_1259, %parallel_loop3A_1265 : vector<16xf32>
        %parallel_loop3A_1268 = arith.addf %parallel_loop3A_1252, %parallel_loop3A_1267 : vector<16xf32>
        %parallel_loop3A_1269 = arith.mulf %parallel_loop3A_1259, %parallel_loop3A_1266 : vector<16xf32>
        %parallel_loop3A_1270 = arith.addf %parallel_loop3A_1254, %parallel_loop3A_1269 : vector<16xf32>
        %parallel_loop3A_1271 = arith.constant 11 : i32
        %parallel_loop3A_1272 = vector.broadcast %parallel_loop3A_1271 : i32 to vector<16xi32>
        %parallel_loop3A_1273 = vector.shape_cast %parallel_loop3A_1272 : vector<16xi32> to vector<16x1xi32>
        %parallel_loop3A_1274 = vector.shape_cast %parallel_loop3A_1273 : vector<16x1xi32> to vector<16xi32>
        %parallel_loop3A_1275 = tpu.dynamic_gather %parallel_loop3A_1094[%parallel_loop3A_1274] in [0] : vector<16xf32>, vector<16xi32> -> vector<16xf32>
        %parallel_loop3A_1276 = arith.constant 11 : i32
        %parallel_loop3A_1277 = arith.addi %parallel_loop3A_1092, %parallel_loop3A_1276 : i32
        %parallel_loop3A_1278 = arith.index_cast %parallel_loop3A_1277 : i32 to index
        %parallel_loop3A_1279 = arith.constant 0 : index
        %parallel_loop3A_1280 = tpu.vector_load %arg10[%parallel_loop3A_1278, %parallel_loop3A_1279] {strides = array<i32>} : memref<3072x32xbf16, #tpu.memory_space<vmem>>, vector<32xbf16>,
        %parallel_loop3A_1281 = tpu.unpack_subelements %parallel_loop3A_1280, 0 {pack_format = #tpu.pack_format<interleaved>} : vector<32xbf16> -> vector<16xf32>
        %parallel_loop3A_1282 = tpu.unpack_subelements %parallel_loop3A_1280, 1 {pack_format = #tpu.pack_format<interleaved>} : vector<32xbf16> -> vector<16xf32>
        %parallel_loop3A_1283 = arith.mulf %parallel_loop3A_1275, %parallel_loop3A_1281 : vector<16xf32>
        %parallel_loop3A_1284 = arith.addf %parallel_loop3A_1268, %parallel_loop3A_1283 : vector<16xf32>
        %parallel_loop3A_1285 = arith.mulf %parallel_loop3A_1275, %parallel_loop3A_1282 : vector<16xf32>
        %parallel_loop3A_1286 = arith.addf %parallel_loop3A_1270, %parallel_loop3A_1285 : vector<16xf32>
        %parallel_loop3A_1287 = arith.constant 12 : i32
        %parallel_loop3A_1288 = vector.broadcast %parallel_loop3A_1287 : i32 to vector<16xi32>
        %parallel_loop3A_1289 = vector.shape_cast %parallel_loop3A_1288 : vector<16xi32> to vector<16x1xi32>
        %parallel_loop3A_1290 = vector.shape_cast %parallel_loop3A_1289 : vector<16x1xi32> to vector<16xi32>
        %parallel_loop3A_1291 = tpu.dynamic_gather %parallel_loop3A_1094[%parallel_loop3A_1290] in [0] : vector<16xf32>, vector<16xi32> -> vector<16xf32>
        %parallel_loop3A_1292 = arith.constant 12 : i32
        %parallel_loop3A_1293 = arith.addi %parallel_loop3A_1092, %parallel_loop3A_1292 : i32
        %parallel_loop3A_1294 = arith.index_cast %parallel_loop3A_1293 : i32 to index
        %parallel_loop3A_1295 = arith.constant 0 : index
        %parallel_loop3A_1296 = tpu.vector_load %arg10[%parallel_loop3A_1294, %parallel_loop3A_1295] {strides = array<i32>} : memref<3072x32xbf16, #tpu.memory_space<vmem>>, vector<32xbf16>,
        %parallel_loop3A_1297 = tpu.unpack_subelements %parallel_loop3A_1296, 0 {pack_format = #tpu.pack_format<interleaved>} : vector<32xbf16> -> vector<16xf32>
        %parallel_loop3A_1298 = tpu.unpack_subelements %parallel_loop3A_1296, 1 {pack_format = #tpu.pack_format<interleaved>} : vector<32xbf16> -> vector<16xf32>
        %parallel_loop3A_1299 = arith.mulf %parallel_loop3A_1291, %parallel_loop3A_1297 : vector<16xf32>
        %parallel_loop3A_1300 = arith.addf %parallel_loop3A_1284, %parallel_loop3A_1299 : vector<16xf32>
        %parallel_loop3A_1301 = arith.mulf %parallel_loop3A_1291, %parallel_loop3A_1298 : vector<16xf32>
        %parallel_loop3A_1302 = arith.addf %parallel_loop3A_1286, %parallel_loop3A_1301 : vector<16xf32>
        %parallel_loop3A_1303 = arith.constant 13 : i32
        %parallel_loop3A_1304 = vector.broadcast %parallel_loop3A_1303 : i32 to vector<16xi32>
        %parallel_loop3A_1305 = vector.shape_cast %parallel_loop3A_1304 : vector<16xi32> to vector<16x1xi32>
        %parallel_loop3A_1306 = vector.shape_cast %parallel_loop3A_1305 : vector<16x1xi32> to vector<16xi32>
        %parallel_loop3A_1307 = tpu.dynamic_gather %parallel_loop3A_1094[%parallel_loop3A_1306] in [0] : vector<16xf32>, vector<16xi32> -> vector<16xf32>
        %parallel_loop3A_1308 = arith.constant 13 : i32
        %parallel_loop3A_1309 = arith.addi %parallel_loop3A_1092, %parallel_loop3A_1308 : i32
        %parallel_loop3A_1310 = arith.index_cast %parallel_loop3A_1309 : i32 to index
        %parallel_loop3A_1311 = arith.constant 0 : index
        %parallel_loop3A_1312 = tpu.vector_load %arg10[%parallel_loop3A_1310, %parallel_loop3A_1311] {strides = array<i32>} : memref<3072x32xbf16, #tpu.memory_space<vmem>>, vector<32xbf16>,
        %parallel_loop3A_1313 = tpu.unpack_subelements %parallel_loop3A_1312, 0 {pack_format = #tpu.pack_format<interleaved>} : vector<32xbf16> -> vector<16xf32>
        %parallel_loop3A_1314 = tpu.unpack_subelements %parallel_loop3A_1312, 1 {pack_format = #tpu.pack_format<interleaved>} : vector<32xbf16> -> vector<16xf32>
        %parallel_loop3A_1315 = arith.mulf %parallel_loop3A_1307, %parallel_loop3A_1313 : vector<16xf32>
        %parallel_loop3A_1316 = arith.addf %parallel_loop3A_1300, %parallel_loop3A_1315 : vector<16xf32>
        %parallel_loop3A_1317 = arith.mulf %parallel_loop3A_1307, %parallel_loop3A_1314 : vector<16xf32>
        %parallel_loop3A_1318 = arith.addf %parallel_loop3A_1302, %parallel_loop3A_1317 : vector<16xf32>
        %parallel_loop3A_1319 = arith.constant 14 : i32
        %parallel_loop3A_1320 = vector.broadcast %parallel_loop3A_1319 : i32 to vector<16xi32>
        %parallel_loop3A_1321 = vector.shape_cast %parallel_loop3A_1320 : vector<16xi32> to vector<16x1xi32>
        %parallel_loop3A_1322 = vector.shape_cast %parallel_loop3A_1321 : vector<16x1xi32> to vector<16xi32>
        %parallel_loop3A_1323 = tpu.dynamic_gather %parallel_loop3A_1094[%parallel_loop3A_1322] in [0] : vector<16xf32>, vector<16xi32> -> vector<16xf32>
        %parallel_loop3A_1324 = arith.constant 14 : i32
        %parallel_loop3A_1325 = arith.addi %parallel_loop3A_1092, %parallel_loop3A_1324 : i32
        %parallel_loop3A_1326 = arith.index_cast %parallel_loop3A_1325 : i32 to index
        %parallel_loop3A_1327 = arith.constant 0 : index
        %parallel_loop3A_1328 = tpu.vector_load %arg10[%parallel_loop3A_1326, %parallel_loop3A_1327] {strides = array<i32>} : memref<3072x32xbf16, #tpu.memory_space<vmem>>, vector<32xbf16>,
        %parallel_loop3A_1329 = tpu.unpack_subelements %parallel_loop3A_1328, 0 {pack_format = #tpu.pack_format<interleaved>} : vector<32xbf16> -> vector<16xf32>
        %parallel_loop3A_1330 = tpu.unpack_subelements %parallel_loop3A_1328, 1 {pack_format = #tpu.pack_format<interleaved>} : vector<32xbf16> -> vector<16xf32>
        %parallel_loop3A_1331 = arith.mulf %parallel_loop3A_1323, %parallel_loop3A_1329 : vector<16xf32>
        %parallel_loop3A_1332 = arith.addf %parallel_loop3A_1316, %parallel_loop3A_1331 : vector<16xf32>
        %parallel_loop3A_1333 = arith.mulf %parallel_loop3A_1323, %parallel_loop3A_1330 : vector<16xf32>
        %parallel_loop3A_1334 = arith.addf %parallel_loop3A_1318, %parallel_loop3A_1333 : vector<16xf32>
        %parallel_loop3A_1335 = arith.constant 15 : i32
        %parallel_loop3A_1336 = vector.broadcast %parallel_loop3A_1335 : i32 to vector<16xi32>
        %parallel_loop3A_1337 = vector.shape_cast %parallel_loop3A_1336 : vector<16xi32> to vector<16x1xi32>
        %parallel_loop3A_1338 = vector.shape_cast %parallel_loop3A_1337 : vector<16x1xi32> to vector<16xi32>
        %parallel_loop3A_1339 = tpu.dynamic_gather %parallel_loop3A_1094[%parallel_loop3A_1338] in [0] : vector<16xf32>, vector<16xi32> -> vector<16xf32>
        %parallel_loop3A_1340 = arith.constant 15 : i32
        %parallel_loop3A_1341 = arith.addi %parallel_loop3A_1092, %parallel_loop3A_1340 : i32
        %parallel_loop3A_1342 = arith.index_cast %parallel_loop3A_1341 : i32 to index
        %parallel_loop3A_1343 = arith.constant 0 : index
        %parallel_loop3A_1344 = tpu.vector_load %arg10[%parallel_loop3A_1342, %parallel_loop3A_1343] {strides = array<i32>} : memref<3072x32xbf16, #tpu.memory_space<vmem>>, vector<32xbf16>,
        %parallel_loop3A_1345 = tpu.unpack_subelements %parallel_loop3A_1344, 0 {pack_format = #tpu.pack_format<interleaved>} : vector<32xbf16> -> vector<16xf32>
        %parallel_loop3A_1346 = tpu.unpack_subelements %parallel_loop3A_1344, 1 {pack_format = #tpu.pack_format<interleaved>} : vector<32xbf16> -> vector<16xf32>
        %parallel_loop3A_1347 = arith.mulf %parallel_loop3A_1339, %parallel_loop3A_1345 : vector<16xf32>
        %parallel_loop3A_1348 = arith.addf %parallel_loop3A_1332, %parallel_loop3A_1347 : vector<16xf32>
        %parallel_loop3A_1349 = arith.mulf %parallel_loop3A_1339, %parallel_loop3A_1346 : vector<16xf32>
        %parallel_loop3A_1350 = arith.addf %parallel_loop3A_1334, %parallel_loop3A_1349 : vector<16xf32>
        %parallel_loop3A_1351 = arith.constant 8 : i32
        %parallel_loop3A_1352 = arith.muli %parallel_loop3A_258, %parallel_loop3A_1351 : i32
        %parallel_loop3A_1353 = arith.constant 2 : i32
        %parallel_loop3A_1354 = arith.muli %parallel_loop3A_1353, %parallel_loop3A_274 : i32
        %parallel_loop3A_1355 = arith.addi %parallel_loop3A_1352, %parallel_loop3A_1354 : i32
        %parallel_loop3A_1356 = arith.constant 32 : i32
        %parallel_loop3A_1357 = arith.muli %parallel_loop3A_1355, %parallel_loop3A_1356 : i32
        %parallel_loop3A_1358 = arith.index_cast %parallel_loop3A_1357 : i32 to index
        %parallel_loop3A_1359 = tpu.vector_load %arg12[%parallel_loop3A_1358] {strides = array<i32>} : memref<3072xf32, #tpu.memory_space<vmem>>, vector<16xf32>,
        tpu.vector_store %arg12[%parallel_loop3A_1358], %parallel_loop3A_1220 {strides = array<i32>} : memref<3072xf32, #tpu.memory_space<vmem>>, vector<16xf32>,
        %parallel_loop3A_1360 = arith.constant 16 : i32
        %parallel_loop3A_1361 = arith.addi %parallel_loop3A_1357, %parallel_loop3A_1360 : i32
        %parallel_loop3A_1362 = arith.index_cast %parallel_loop3A_1361 : i32 to index
        %parallel_loop3A_1363 = tpu.vector_load %arg12[%parallel_loop3A_1362] {strides = array<i32>} : memref<3072xf32, #tpu.memory_space<vmem>>, vector<16xf32>,
        tpu.vector_store %arg12[%parallel_loop3A_1362], %parallel_loop3A_1222 {strides = array<i32>} : memref<3072xf32, #tpu.memory_space<vmem>>, vector<16xf32>,
        %parallel_loop3A_1364 = arith.constant 32 : i32
        %parallel_loop3A_1365 = arith.addi %parallel_loop3A_1357, %parallel_loop3A_1364 : i32
        %parallel_loop3A_1366 = arith.index_cast %parallel_loop3A_1365 : i32 to index
        %parallel_loop3A_1367 = tpu.vector_load %arg12[%parallel_loop3A_1366] {strides = array<i32>} : memref<3072xf32, #tpu.memory_space<vmem>>, vector<16xf32>,
        tpu.vector_store %arg12[%parallel_loop3A_1366], %parallel_loop3A_1348 {strides = array<i32>} : memref<3072xf32, #tpu.memory_space<vmem>>, vector<16xf32>,
        %parallel_loop3A_1368 = arith.constant 48 : i32
        %parallel_loop3A_1369 = arith.addi %parallel_loop3A_1357, %parallel_loop3A_1368 : i32
        %parallel_loop3A_1370 = arith.index_cast %parallel_loop3A_1369 : i32 to index
        %parallel_loop3A_1371 = tpu.vector_load %arg12[%parallel_loop3A_1370] {strides = array<i32>} : memref<3072xf32, #tpu.memory_space<vmem>>, vector<16xf32>,
        tpu.vector_store %arg12[%parallel_loop3A_1370], %parallel_loop3A_1350 {strides = array<i32>} : memref<3072xf32, #tpu.memory_space<vmem>>, vector<16xf32>,
      } {sc.loop_unroll_factor = 4 : i64, sc.parallel_access}
      %add3A_171 = arith.addi %select_n3A, %add3A_127 : i32
      %mul3A_172 = arith.constant 3072 : i32
      %mul3A_173 = arith.muli %add3A_171, %mul3A_172 : i32
      %dma_start3A_174 = tpu.memref_slice %arg5[%mul3A_173] : memref<3840000xf32, #tpu.memory_space<hbm>> -> memref<3072xf32, #tpu.memory_space<hbm>>
      %dma_start3A_175 = tpu.memref_slice %arg5[%mul3A_173] : memref<3840000xf32, #tpu.memory_space<hbm>> -> memref<3072xf32, #tpu.memory_space<hbm>>
      tpu.enqueue_dma source(%arg12 : memref<3072xf32, #tpu.memory_space<vmem>>) target(%dma_start3A_175 : memref<3072xf32, #tpu.memory_space<hbm>>) target_semaphore(%arg20 : memref<!tpu.dma_semaphore, #tpu.memory_space<semaphore_mem>>)
      %mul3A_176 = arith.constant 2 : i32
      %mul3A_177 = arith.muli %scan3A_122, %mul3A_176 : i32
      %add3A_178 = arith.constant 1 : i32
      %add3A_179 = arith.addi %mul3A_177, %add3A_178 : i32
      %add3A_180 = arith.constant 1 : i32
      %add3A_181 = arith.addi %add3A_179, %add3A_180 : i32
      %lt3A_182 = arith.constant 40 : i32
      %lt3A_183 = arith.cmpi slt, %add3A_181, %lt3A_182 : i32
      %convert_element_type3A_184 = arith.extui %lt3A_183 : i1 to i32
      %cond3A_185 = arith.constant 0 : i32
      %cond3A_186 = arith.cmpi ne, %convert_element_type3A_184, %cond3A_185 : i32
      scf.if %cond3A_186 {
        %dma_wait3A_234 = arith.constant 0 : i32
        %dma_wait3A_235 = tpu.memref_slice %arg6[%dma_wait3A_234] : memref<3072xi32, #tpu.memory_space<vmem>> -> memref<1536xi32, #tpu.memory_space<vmem>>
        %dma_wait3A_236 = arith.constant 0 : i32
        %dma_wait3A_237 = tpu.memref_slice %arg3[%dma_wait3A_236] : memref<3840000xi32, #tpu.memory_space<hbm>> -> memref<1536xi32, #tpu.memory_space<hbm>>
        %dma_wait3A_238 = arith.constant 0 : i32
        %dma_wait3A_239 = tpu.memref_slice %arg6[%dma_wait3A_238] : memref<3072xi32, #tpu.memory_space<vmem>> -> memref<1536xi32, #tpu.memory_space<vmem>>
        %dma_wait3A_240 = arith.constant 0 : i32
        %dma_wait3A_241 = tpu.memref_slice %arg3[%dma_wait3A_240] : memref<3840000xi32, #tpu.memory_space<hbm>> -> memref<1536xi32, #tpu.memory_space<hbm>>
        tpu.wait_dma2 semaphore(%arg14 : memref<!tpu.dma_semaphore, #tpu.memory_space<semaphore_mem>>) src(%dma_wait3A_241 : memref<1536xi32, #tpu.memory_space<hbm>>) dst(%dma_wait3A_239 : memref<1536xi32, #tpu.memory_space<vmem>>)
        %dma_wait3A_242 = arith.constant 1536 : i32
        %dma_wait3A_243 = tpu.memref_slice %arg6[%dma_wait3A_242] : memref<3072xi32, #tpu.memory_space<vmem>> -> memref<1536xi32, #tpu.memory_space<vmem>>
        %dma_wait3A_244 = arith.constant 0 : i32
        %dma_wait3A_245 = tpu.memref_slice %arg3[%dma_wait3A_244] : memref<3840000xi32, #tpu.memory_space<hbm>> -> memref<1536xi32, #tpu.memory_space<hbm>>
        %dma_wait3A_246 = arith.constant 1536 : i32
        %dma_wait3A_247 = tpu.memref_slice %arg6[%dma_wait3A_246] : memref<3072xi32, #tpu.memory_space<vmem>> -> memref<1536xi32, #tpu.memory_space<vmem>>
        %dma_wait3A_248 = arith.constant 0 : i32
        %dma_wait3A_249 = tpu.memref_slice %arg3[%dma_wait3A_248] : memref<3840000xi32, #tpu.memory_space<hbm>> -> memref<1536xi32, #tpu.memory_space<hbm>>
        tpu.wait_dma2 semaphore(%arg14 : memref<!tpu.dma_semaphore, #tpu.memory_space<semaphore_mem>>) src(%dma_wait3A_249 : memref<1536xi32, #tpu.memory_space<hbm>>) dst(%dma_wait3A_247 : memref<1536xi32, #tpu.memory_space<vmem>>)
        %dma_start3A_250 = arith.constant 0 : i32
        %dma_start3A_251 = arith.constant 0 : i32
        %dma_start3A_252 = tpu.memref_slice %arg2[%dma_start3A_250, %dma_start3A_251] : memref<844800x32xbf16, #tpu.memory_space<hbm>> -> memref<844800x32xbf16, #tpu.memory_space<hbm>>
        tpu.enqueue_indirect_dma source(%dma_start3A_252 : memref<844800x32xbf16, #tpu.memory_space<hbm>>) target(%arg10 : memref<3072x32xbf16, #tpu.memory_space<vmem>>) offsets(%arg6 : memref<3072xi32, #tpu.memory_space<vmem>>) semaphore(%arg18 : memref<!tpu.dma_semaphore, #tpu.memory_space<semaphore_mem>>)
      } else {
      }
      %dma_wait3A_187 = arith.constant 0 : i32
      %dma_wait3A_188 = arith.constant 0 : i32
      %dma_wait3A_189 = tpu.memref_slice %arg2[%dma_wait3A_187, %dma_wait3A_188] : memref<844800x32xbf16, #tpu.memory_space<hbm>> -> memref<844800x32xbf16, #tpu.memory_space<hbm>>
      tpu.wait_indirect_dma semaphore(%arg19 : memref<!tpu.dma_semaphore, #tpu.memory_space<semaphore_mem>>) src(%dma_wait3A_189 : memref<844800x32xbf16, #tpu.memory_space<hbm>>) dst(%arg11 : memref<3072x32xbf16, #tpu.memory_space<vmem>>)
      %add3A_190 = arith.constant 2 : i32
      %add3A_191 = arith.addi %add3A_179, %add3A_190 : i32
      %lt3A_192 = arith.constant 40 : i32
      %lt3A_193 = arith.cmpi slt, %add3A_191, %lt3A_192 : i32
      %convert_element_type3A_194 = arith.extui %lt3A_193 : i1 to i32
      %cond3A_195 = arith.constant 0 : i32
      %cond3A_196 = arith.cmpi ne, %convert_element_type3A_194, %cond3A_195 : i32
      scf.if %cond3A_196 {
        %add3A_234 = arith.constant 2 : i32
        %add3A_235 = arith.addi %add3A_179, %add3A_234 : i32
        %add3A_236 = arith.addi %select_n3A, %add3A_235 : i32
        %mul3A_237 = arith.constant 1536 : i32
        %mul3A_238 = arith.muli %add3A_236, %mul3A_237 : i32
        %add3A_239 = arith.constant 0 : i32
        %add3A_240 = arith.addi %add3A_239, %mul3A_238 : i32
        %dma_start3A_241 = arith.constant 0 : i32
        %dma_start3A_242 = tpu.memref_slice %arg7[%dma_start3A_241] : memref<3072xi32, #tpu.memory_space<vmem>> -> memref<1536xi32, #tpu.memory_space<vmem>>
        %dma_start3A_243 = tpu.memref_slice %arg3[%add3A_240] : memref<3840000xi32, #tpu.memory_space<hbm>> -> memref<1536xi32, #tpu.memory_space<hbm>>
        %dma_start3A_244 = arith.constant 0 : i32
        %dma_start3A_245 = tpu.memref_slice %arg7[%dma_start3A_244] : memref<3072xi32, #tpu.memory_space<vmem>> -> memref<1536xi32, #tpu.memory_space<vmem>>
        %dma_start3A_246 = tpu.memref_slice %arg3[%add3A_240] : memref<3840000xi32, #tpu.memory_space<hbm>> -> memref<1536xi32, #tpu.memory_space<hbm>>
        tpu.enqueue_dma source(%dma_start3A_246 : memref<1536xi32, #tpu.memory_space<hbm>>) target(%dma_start3A_245 : memref<1536xi32, #tpu.memory_space<vmem>>) target_semaphore(%arg15 : memref<!tpu.dma_semaphore, #tpu.memory_space<semaphore_mem>>)
        %add3A_247 = arith.addi %select_n3A, %add3A_235 : i32
        %mul3A_248 = arith.constant 1536 : i32
        %mul3A_249 = arith.muli %add3A_247, %mul3A_248 : i32
        %add3A_250 = arith.constant 1920000 : i32
        %add3A_251 = arith.addi %add3A_250, %mul3A_249 : i32
        %dma_start3A_252 = arith.constant 1536 : i32
        %dma_start3A_253 = tpu.memref_slice %arg7[%dma_start3A_252] : memref<3072xi32, #tpu.memory_space<vmem>> -> memref<1536xi32, #tpu.memory_space<vmem>>
        %dma_start3A_254 = tpu.memref_slice %arg3[%add3A_251] : memref<3840000xi32, #tpu.memory_space<hbm>> -> memref<1536xi32, #tpu.memory_space<hbm>>
        %dma_start3A_255 = arith.constant 1536 : i32
        %dma_start3A_256 = tpu.memref_slice %arg7[%dma_start3A_255] : memref<3072xi32, #tpu.memory_space<vmem>> -> memref<1536xi32, #tpu.memory_space<vmem>>
        %dma_start3A_257 = tpu.memref_slice %arg3[%add3A_251] : memref<3840000xi32, #tpu.memory_space<hbm>> -> memref<1536xi32, #tpu.memory_space<hbm>>
        tpu.enqueue_dma source(%dma_start3A_257 : memref<1536xi32, #tpu.memory_space<hbm>>) target(%dma_start3A_256 : memref<1536xi32, #tpu.memory_space<vmem>>) target_semaphore(%arg15 : memref<!tpu.dma_semaphore, #tpu.memory_space<semaphore_mem>>)
      } else {
      }
      %add3A_197 = arith.constant 1 : i32
      %add3A_198 = arith.addi %add3A_179, %add3A_197 : i32
      %lt3A_199 = arith.constant 40 : i32
      %lt3A_200 = arith.cmpi slt, %add3A_198, %lt3A_199 : i32
      %convert_element_type3A_201 = arith.extui %lt3A_200 : i1 to i32
      %cond3A_202 = arith.constant 0 : i32
      %cond3A_203 = arith.cmpi ne, %convert_element_type3A_201, %cond3A_202 : i32
      scf.if %cond3A_203 {
        %add3A_234 = arith.constant 1 : i32
        %add3A_235 = arith.addi %add3A_179, %add3A_234 : i32
        %add3A_236 = arith.addi %select_n3A, %add3A_235 : i32
        %mul3A_237 = arith.constant 1536 : i32
        %mul3A_238 = arith.muli %add3A_236, %mul3A_237 : i32
        %add3A_239 = arith.constant 0 : i32
        %add3A_240 = arith.addi %add3A_239, %mul3A_238 : i32
        %dma_start3A_241 = arith.constant 0 : i32
        %dma_start3A_242 = tpu.memref_slice %arg8[%dma_start3A_241] : memref<3072xf32, #tpu.memory_space<vmem>> -> memref<1536xf32, #tpu.memory_space<vmem>>
        %dma_start3A_243 = tpu.memref_slice %arg4[%add3A_240] : memref<3840000xf32, #tpu.memory_space<hbm>> -> memref<1536xf32, #tpu.memory_space<hbm>>
        %dma_start3A_244 = arith.constant 0 : i32
        %dma_start3A_245 = tpu.memref_slice %arg8[%dma_start3A_244] : memref<3072xf32, #tpu.memory_space<vmem>> -> memref<1536xf32, #tpu.memory_space<vmem>>
        %dma_start3A_246 = tpu.memref_slice %arg4[%add3A_240] : memref<3840000xf32, #tpu.memory_space<hbm>> -> memref<1536xf32, #tpu.memory_space<hbm>>
        tpu.enqueue_dma source(%dma_start3A_246 : memref<1536xf32, #tpu.memory_space<hbm>>) target(%dma_start3A_245 : memref<1536xf32, #tpu.memory_space<vmem>>) target_semaphore(%arg16 : memref<!tpu.dma_semaphore, #tpu.memory_space<semaphore_mem>>)
        %add3A_247 = arith.addi %select_n3A, %add3A_235 : i32
        %mul3A_248 = arith.constant 1536 : i32
        %mul3A_249 = arith.muli %add3A_247, %mul3A_248 : i32
        %add3A_250 = arith.constant 1920000 : i32
        %add3A_251 = arith.addi %add3A_250, %mul3A_249 : i32
        %dma_start3A_252 = arith.constant 1536 : i32
        %dma_start3A_253 = tpu.memref_slice %arg8[%dma_start3A_252] : memref<3072xf32, #tpu.memory_space<vmem>> -> memref<1536xf32, #tpu.memory_space<vmem>>
        %dma_start3A_254 = tpu.memref_slice %arg4[%add3A_251] : memref<3840000xf32, #tpu.memory_space<hbm>> -> memref<1536xf32, #tpu.memory_space<hbm>>
        %dma_start3A_255 = arith.constant 1536 : i32
        %dma_start3A_256 = tpu.memref_slice %arg8[%dma_start3A_255] : memref<3072xf32, #tpu.memory_space<vmem>> -> memref<1536xf32, #tpu.memory_space<vmem>>
        %dma_start3A_257 = tpu.memref_slice %arg4[%add3A_251] : memref<3840000xf32, #tpu.memory_space<hbm>> -> memref<1536xf32, #tpu.memory_space<hbm>>
        tpu.enqueue_dma source(%dma_start3A_257 : memref<1536xf32, #tpu.memory_space<hbm>>) target(%dma_start3A_256 : memref<1536xf32, #tpu.memory_space<vmem>>) target_semaphore(%arg16 : memref<!tpu.dma_semaphore, #tpu.memory_space<semaphore_mem>>)
      } else {
      }
      %dma_wait3A_204 = arith.constant 0 : i32
      %dma_wait3A_205 = tpu.memref_slice %arg9[%dma_wait3A_204] : memref<3072xf32, #tpu.memory_space<vmem>> -> memref<1536xf32, #tpu.memory_space<vmem>>
      %dma_wait3A_206 = arith.constant 0 : i32
      %dma_wait3A_207 = tpu.memref_slice %arg4[%dma_wait3A_206] : memref<3840000xf32, #tpu.memory_space<hbm>> -> memref<1536xf32, #tpu.memory_space<hbm>>
      %dma_wait3A_208 = arith.constant 0 : i32
      %dma_wait3A_209 = tpu.memref_slice %arg9[%dma_wait3A_208] : memref<3072xf32, #tpu.memory_space<vmem>> -> memref<1536xf32, #tpu.memory_space<vmem>>
      %dma_wait3A_210 = arith.constant 0 : i32
      %dma_wait3A_211 = tpu.memref_slice %arg4[%dma_wait3A_210] : memref<3840000xf32, #tpu.memory_space<hbm>> -> memref<1536xf32, #tpu.memory_space<hbm>>
      tpu.wait_dma2 semaphore(%arg17 : memref<!tpu.dma_semaphore, #tpu.memory_space<semaphore_mem>>) src(%dma_wait3A_211 : memref<1536xf32, #tpu.memory_space<hbm>>) dst(%dma_wait3A_209 : memref<1536xf32, #tpu.memory_space<vmem>>)
      %dma_wait3A_212 = arith.constant 1536 : i32
      %dma_wait3A_213 = tpu.memref_slice %arg9[%dma_wait3A_212] : memref<3072xf32, #tpu.memory_space<vmem>> -> memref<1536xf32, #tpu.memory_space<vmem>>
      %dma_wait3A_214 = arith.constant 0 : i32
      %dma_wait3A_215 = tpu.memref_slice %arg4[%dma_wait3A_214] : memref<3840000xf32, #tpu.memory_space<hbm>> -> memref<1536xf32, #tpu.memory_space<hbm>>
      %dma_wait3A_216 = arith.constant 1536 : i32
      %dma_wait3A_217 = tpu.memref_slice %arg9[%dma_wait3A_216] : memref<3072xf32, #tpu.memory_space<vmem>> -> memref<1536xf32, #tpu.memory_space<vmem>>
      %dma_wait3A_218 = arith.constant 0 : i32
      %dma_wait3A_219 = tpu.memref_slice %arg4[%dma_wait3A_218] : memref<3840000xf32, #tpu.memory_space<hbm>> -> memref<1536xf32, #tpu.memory_space<hbm>>
      tpu.wait_dma2 semaphore(%arg17 : memref<!tpu.dma_semaphore, #tpu.memory_space<semaphore_mem>>) src(%dma_wait3A_219 : memref<1536xf32, #tpu.memory_space<hbm>>) dst(%dma_wait3A_217 : memref<1536xf32, #tpu.memory_space<vmem>>)
      %ge3A_220 = arith.constant 2 : i32
      %ge3A_221 = arith.cmpi sge, %add3A_179, %ge3A_220 : i32
      %convert_element_type3A_222 = arith.extui %ge3A_221 : i1 to i32
      %cond3A_223 = arith.constant 0 : i32
      %cond3A_224 = arith.cmpi ne, %convert_element_type3A_222, %cond3A_223 : i32
      scf.if %cond3A_224 {
        %dma_wait3A_234 = arith.constant 0 : i32
        %dma_wait3A_235 = tpu.memref_slice %arg5[%dma_wait3A_234] : memref<3840000xf32, #tpu.memory_space<hbm>> -> memref<3072xf32, #tpu.memory_space<hbm>>
        %dma_wait3A_236 = arith.constant 0 : i32
        %dma_wait3A_237 = tpu.memref_slice %arg5[%dma_wait3A_236] : memref<3840000xf32, #tpu.memory_space<hbm>> -> memref<3072xf32, #tpu.memory_space<hbm>>
        tpu.wait_dma2 semaphore(%arg21 : memref<!tpu.dma_semaphore, #tpu.memory_space<semaphore_mem>>) src(%arg13 : memref<3072xf32, #tpu.memory_space<vmem>>) dst(%dma_wait3A_237 : memref<3072xf32, #tpu.memory_space<hbm>>)
      } else {
      }
      %parallel_loop3A_225 = arith.constant 0 : i32
      %parallel_loop3A_226 = arith.constant 48 : i32
      %parallel_loop3A_227 = arith.constant 1 : i32
      scf.for %parallel_loop3A_234 = %parallel_loop3A_225 to %parallel_loop3A_226 step %parallel_loop3A_227  : i32 {
        %parallel_loop3A_235 = arith.constant 4 : i32
        %parallel_loop3A_236 = arith.divsi %parallel_loop3A_234, %parallel_loop3A_235 : i32
        %parallel_loop3A_237 = arith.constant 0 : i32
        %parallel_loop3A_238 = arith.cmpi sgt, %parallel_loop3A_234, %parallel_loop3A_237 : i32
        %parallel_loop3A_239 = arith.extui %parallel_loop3A_238 : i1 to i32
        %parallel_loop3A_240 = arith.constant 0 : i32
        %parallel_loop3A_241 = arith.cmpi slt, %parallel_loop3A_234, %parallel_loop3A_240 : i32
        %parallel_loop3A_242 = arith.extui %parallel_loop3A_241 : i1 to i32
        %parallel_loop3A_243 = arith.subi %parallel_loop3A_239, %parallel_loop3A_242 : i32
        %parallel_loop3A_244 = arith.constant 0 : i32
        %parallel_loop3A_245 = arith.cmpi sgt, %parallel_loop3A_235, %parallel_loop3A_244 : i32
        %parallel_loop3A_246 = arith.extui %parallel_loop3A_245 : i1 to i32
        %parallel_loop3A_247 = arith.constant 0 : i32
        %parallel_loop3A_248 = arith.cmpi slt, %parallel_loop3A_235, %parallel_loop3A_247 : i32
        %parallel_loop3A_249 = arith.extui %parallel_loop3A_248 : i1 to i32
        %parallel_loop3A_250 = arith.subi %parallel_loop3A_246, %parallel_loop3A_249 : i32
        %parallel_loop3A_251 = arith.cmpi ne, %parallel_loop3A_243, %parallel_loop3A_250 : i32
        %parallel_loop3A_252 = arith.remsi %parallel_loop3A_234, %parallel_loop3A_235 : i32
        %parallel_loop3A_253 = arith.constant 0 : i32
        %parallel_loop3A_254 = arith.cmpi ne, %parallel_loop3A_252, %parallel_loop3A_253 : i32
        %parallel_loop3A_255 = arith.andi %parallel_loop3A_251, %parallel_loop3A_254 : i1
        %parallel_loop3A_256 = arith.constant 1 : i32
        %parallel_loop3A_257 = arith.subi %parallel_loop3A_236, %parallel_loop3A_256 : i32
        %parallel_loop3A_258 = arith.select %parallel_loop3A_255, %parallel_loop3A_257, %parallel_loop3A_236 : i32
        %parallel_loop3A_259 = arith.constant 4 : i32
        %parallel_loop3A_260 = arith.constant 0 : i32
        %parallel_loop3A_261 = arith.cmpi eq, %parallel_loop3A_259, %parallel_loop3A_260 : i32
        %parallel_loop3A_262 = arith.constant 1 : i32
        %parallel_loop3A_263 = arith.select %parallel_loop3A_261, %parallel_loop3A_262, %parallel_loop3A_259 : i32
        %parallel_loop3A_264 = arith.remsi %parallel_loop3A_234, %parallel_loop3A_263 : i32
        %parallel_loop3A_265 = arith.constant 0 : i32
        %parallel_loop3A_266 = arith.cmpi ne, %parallel_loop3A_264, %parallel_loop3A_265 : i32
        %parallel_loop3A_267 = arith.constant 0 : i32
        %parallel_loop3A_268 = arith.cmpi slt, %parallel_loop3A_264, %parallel_loop3A_267 : i32
        %parallel_loop3A_269 = arith.constant 0 : i32
        %parallel_loop3A_270 = arith.cmpi slt, %parallel_loop3A_263, %parallel_loop3A_269 : i32
        %parallel_loop3A_271 = arith.xori %parallel_loop3A_268, %parallel_loop3A_270 : i1
        %parallel_loop3A_272 = arith.andi %parallel_loop3A_271, %parallel_loop3A_266 : i1
        %parallel_loop3A_273 = arith.addi %parallel_loop3A_264, %parallel_loop3A_263 : i32
        %parallel_loop3A_274 = arith.select %parallel_loop3A_272, %parallel_loop3A_273, %parallel_loop3A_264 : i32
        %parallel_loop3A_275 = arith.constant 0.000000e+00 : f32
        %parallel_loop3A_276 = vector.broadcast %parallel_loop3A_275 : f32 to vector<16xf32>
        %parallel_loop3A_277 = arith.constant 0.000000e+00 : f32
        %parallel_loop3A_278 = vector.broadcast %parallel_loop3A_277 : f32 to vector<16xf32>
        %parallel_loop3A_279 = arith.constant 0.000000e+00 : f32
        %parallel_loop3A_280 = vector.broadcast %parallel_loop3A_279 : f32 to vector<16xf32>
        %parallel_loop3A_281 = arith.constant 0.000000e+00 : f32
        %parallel_loop3A_282 = vector.broadcast %parallel_loop3A_281 : f32 to vector<16xf32>
        %parallel_loop3A_283 = arith.constant 128 : i32
        %parallel_loop3A_284 = arith.muli %parallel_loop3A_258, %parallel_loop3A_283 : i32
        %parallel_loop3A_285 = arith.constant 0 : i32
        %parallel_loop3A_286 = arith.addi %parallel_loop3A_285, %parallel_loop3A_284 : i32
        %parallel_loop3A_287 = arith.constant 0 : i32
        %parallel_loop3A_288 = arith.addi %parallel_loop3A_286, %parallel_loop3A_287 : i32
        %parallel_loop3A_289 = arith.constant 16 : i32
        %parallel_loop3A_290 = arith.muli %parallel_loop3A_274, %parallel_loop3A_289 : i32
        %parallel_loop3A_291 = arith.addi %parallel_loop3A_288, %parallel_loop3A_290 : i32
        %parallel_loop3A_292 = arith.index_cast %parallel_loop3A_291 : i32 to index
        %parallel_loop3A_293 = tpu.vector_load %arg9[%parallel_loop3A_292] {strides = array<i32>} : memref<3072xf32, #tpu.memory_space<vmem>>, vector<16xf32>,
        %parallel_loop3A_294 = arith.constant 0 : i32
        %parallel_loop3A_295 = vector.broadcast %parallel_loop3A_294 : i32 to vector<16xi32>
        %parallel_loop3A_296 = vector.shape_cast %parallel_loop3A_295 : vector<16xi32> to vector<16x1xi32>
        %parallel_loop3A_297 = vector.shape_cast %parallel_loop3A_296 : vector<16x1xi32> to vector<16xi32>
        %parallel_loop3A_298 = tpu.dynamic_gather %parallel_loop3A_293[%parallel_loop3A_297] in [0] : vector<16xf32>, vector<16xi32> -> vector<16xf32>
        %parallel_loop3A_299 = arith.constant 0 : i32
        %parallel_loop3A_300 = arith.addi %parallel_loop3A_291, %parallel_loop3A_299 : i32
        %parallel_loop3A_301 = arith.index_cast %parallel_loop3A_300 : i32 to index
        %parallel_loop3A_302 = arith.constant 0 : index
        %parallel_loop3A_303 = tpu.vector_load %arg11[%parallel_loop3A_301, %parallel_loop3A_302] {strides = array<i32>} : memref<3072x32xbf16, #tpu.memory_space<vmem>>, vector<32xbf16>,
        %parallel_loop3A_304 = tpu.unpack_subelements %parallel_loop3A_303, 0 {pack_format = #tpu.pack_format<interleaved>} : vector<32xbf16> -> vector<16xf32>
        %parallel_loop3A_305 = tpu.unpack_subelements %parallel_loop3A_303, 1 {pack_format = #tpu.pack_format<interleaved>} : vector<32xbf16> -> vector<16xf32>
        %parallel_loop3A_306 = arith.mulf %parallel_loop3A_298, %parallel_loop3A_304 : vector<16xf32>
        %parallel_loop3A_307 = arith.addf %parallel_loop3A_276, %parallel_loop3A_306 : vector<16xf32>
        %parallel_loop3A_308 = arith.mulf %parallel_loop3A_298, %parallel_loop3A_305 : vector<16xf32>
        %parallel_loop3A_309 = arith.addf %parallel_loop3A_278, %parallel_loop3A_308 : vector<16xf32>
        %parallel_loop3A_310 = arith.constant 1 : i32
        %parallel_loop3A_311 = vector.broadcast %parallel_loop3A_310 : i32 to vector<16xi32>
        %parallel_loop3A_312 = vector.shape_cast %parallel_loop3A_311 : vector<16xi32> to vector<16x1xi32>
        %parallel_loop3A_313 = vector.shape_cast %parallel_loop3A_312 : vector<16x1xi32> to vector<16xi32>
        %parallel_loop3A_314 = tpu.dynamic_gather %parallel_loop3A_293[%parallel_loop3A_313] in [0] : vector<16xf32>, vector<16xi32> -> vector<16xf32>
        %parallel_loop3A_315 = arith.constant 1 : i32
        %parallel_loop3A_316 = arith.addi %parallel_loop3A_291, %parallel_loop3A_315 : i32
        %parallel_loop3A_317 = arith.index_cast %parallel_loop3A_316 : i32 to index
        %parallel_loop3A_318 = arith.constant 0 : index
        %parallel_loop3A_319 = tpu.vector_load %arg11[%parallel_loop3A_317, %parallel_loop3A_318] {strides = array<i32>} : memref<3072x32xbf16, #tpu.memory_space<vmem>>, vector<32xbf16>,
        %parallel_loop3A_320 = tpu.unpack_subelements %parallel_loop3A_319, 0 {pack_format = #tpu.pack_format<interleaved>} : vector<32xbf16> -> vector<16xf32>
        %parallel_loop3A_321 = tpu.unpack_subelements %parallel_loop3A_319, 1 {pack_format = #tpu.pack_format<interleaved>} : vector<32xbf16> -> vector<16xf32>
        %parallel_loop3A_322 = arith.mulf %parallel_loop3A_314, %parallel_loop3A_320 : vector<16xf32>
        %parallel_loop3A_323 = arith.addf %parallel_loop3A_307, %parallel_loop3A_322 : vector<16xf32>
        %parallel_loop3A_324 = arith.mulf %parallel_loop3A_314, %parallel_loop3A_321 : vector<16xf32>
        %parallel_loop3A_325 = arith.addf %parallel_loop3A_309, %parallel_loop3A_324 : vector<16xf32>
        %parallel_loop3A_326 = arith.constant 2 : i32
        %parallel_loop3A_327 = vector.broadcast %parallel_loop3A_326 : i32 to vector<16xi32>
        %parallel_loop3A_328 = vector.shape_cast %parallel_loop3A_327 : vector<16xi32> to vector<16x1xi32>
        %parallel_loop3A_329 = vector.shape_cast %parallel_loop3A_328 : vector<16x1xi32> to vector<16xi32>
        %parallel_loop3A_330 = tpu.dynamic_gather %parallel_loop3A_293[%parallel_loop3A_329] in [0] : vector<16xf32>, vector<16xi32> -> vector<16xf32>
        %parallel_loop3A_331 = arith.constant 2 : i32
        %parallel_loop3A_332 = arith.addi %parallel_loop3A_291, %parallel_loop3A_331 : i32
        %parallel_loop3A_333 = arith.index_cast %parallel_loop3A_332 : i32 to index
        %parallel_loop3A_334 = arith.constant 0 : index
        %parallel_loop3A_335 = tpu.vector_load %arg11[%parallel_loop3A_333, %parallel_loop3A_334] {strides = array<i32>} : memref<3072x32xbf16, #tpu.memory_space<vmem>>, vector<32xbf16>,
        %parallel_loop3A_336 = tpu.unpack_subelements %parallel_loop3A_335, 0 {pack_format = #tpu.pack_format<interleaved>} : vector<32xbf16> -> vector<16xf32>
        %parallel_loop3A_337 = tpu.unpack_subelements %parallel_loop3A_335, 1 {pack_format = #tpu.pack_format<interleaved>} : vector<32xbf16> -> vector<16xf32>
        %parallel_loop3A_338 = arith.mulf %parallel_loop3A_330, %parallel_loop3A_336 : vector<16xf32>
        %parallel_loop3A_339 = arith.addf %parallel_loop3A_323, %parallel_loop3A_338 : vector<16xf32>
        %parallel_loop3A_340 = arith.mulf %parallel_loop3A_330, %parallel_loop3A_337 : vector<16xf32>
        %parallel_loop3A_341 = arith.addf %parallel_loop3A_325, %parallel_loop3A_340 : vector<16xf32>
        %parallel_loop3A_342 = arith.constant 3 : i32
        %parallel_loop3A_343 = vector.broadcast %parallel_loop3A_342 : i32 to vector<16xi32>
        %parallel_loop3A_344 = vector.shape_cast %parallel_loop3A_343 : vector<16xi32> to vector<16x1xi32>
        %parallel_loop3A_345 = vector.shape_cast %parallel_loop3A_344 : vector<16x1xi32> to vector<16xi32>
        %parallel_loop3A_346 = tpu.dynamic_gather %parallel_loop3A_293[%parallel_loop3A_345] in [0] : vector<16xf32>, vector<16xi32> -> vector<16xf32>
        %parallel_loop3A_347 = arith.constant 3 : i32
        %parallel_loop3A_348 = arith.addi %parallel_loop3A_291, %parallel_loop3A_347 : i32
        %parallel_loop3A_349 = arith.index_cast %parallel_loop3A_348 : i32 to index
        %parallel_loop3A_350 = arith.constant 0 : index
        %parallel_loop3A_351 = tpu.vector_load %arg11[%parallel_loop3A_349, %parallel_loop3A_350] {strides = array<i32>} : memref<3072x32xbf16, #tpu.memory_space<vmem>>, vector<32xbf16>,
        %parallel_loop3A_352 = tpu.unpack_subelements %parallel_loop3A_351, 0 {pack_format = #tpu.pack_format<interleaved>} : vector<32xbf16> -> vector<16xf32>
        %parallel_loop3A_353 = tpu.unpack_subelements %parallel_loop3A_351, 1 {pack_format = #tpu.pack_format<interleaved>} : vector<32xbf16> -> vector<16xf32>
        %parallel_loop3A_354 = arith.mulf %parallel_loop3A_346, %parallel_loop3A_352 : vector<16xf32>
        %parallel_loop3A_355 = arith.addf %parallel_loop3A_339, %parallel_loop3A_354 : vector<16xf32>
        %parallel_loop3A_356 = arith.mulf %parallel_loop3A_346, %parallel_loop3A_353 : vector<16xf32>
        %parallel_loop3A_357 = arith.addf %parallel_loop3A_341, %parallel_loop3A_356 : vector<16xf32>
        %parallel_loop3A_358 = arith.constant 4 : i32
        %parallel_loop3A_359 = vector.broadcast %parallel_loop3A_358 : i32 to vector<16xi32>
        %parallel_loop3A_360 = vector.shape_cast %parallel_loop3A_359 : vector<16xi32> to vector<16x1xi32>
        %parallel_loop3A_361 = vector.shape_cast %parallel_loop3A_360 : vector<16x1xi32> to vector<16xi32>
        %parallel_loop3A_362 = tpu.dynamic_gather %parallel_loop3A_293[%parallel_loop3A_361] in [0] : vector<16xf32>, vector<16xi32> -> vector<16xf32>
        %parallel_loop3A_363 = arith.constant 4 : i32
        %parallel_loop3A_364 = arith.addi %parallel_loop3A_291, %parallel_loop3A_363 : i32
        %parallel_loop3A_365 = arith.index_cast %parallel_loop3A_364 : i32 to index
        %parallel_loop3A_366 = arith.constant 0 : index
        %parallel_loop3A_367 = tpu.vector_load %arg11[%parallel_loop3A_365, %parallel_loop3A_366] {strides = array<i32>} : memref<3072x32xbf16, #tpu.memory_space<vmem>>, vector<32xbf16>,
        %parallel_loop3A_368 = tpu.unpack_subelements %parallel_loop3A_367, 0 {pack_format = #tpu.pack_format<interleaved>} : vector<32xbf16> -> vector<16xf32>
        %parallel_loop3A_369 = tpu.unpack_subelements %parallel_loop3A_367, 1 {pack_format = #tpu.pack_format<interleaved>} : vector<32xbf16> -> vector<16xf32>
        %parallel_loop3A_370 = arith.mulf %parallel_loop3A_362, %parallel_loop3A_368 : vector<16xf32>
        %parallel_loop3A_371 = arith.addf %parallel_loop3A_355, %parallel_loop3A_370 : vector<16xf32>
        %parallel_loop3A_372 = arith.mulf %parallel_loop3A_362, %parallel_loop3A_369 : vector<16xf32>
        %parallel_loop3A_373 = arith.addf %parallel_loop3A_357, %parallel_loop3A_372 : vector<16xf32>
        %parallel_loop3A_374 = arith.constant 5 : i32
        %parallel_loop3A_375 = vector.broadcast %parallel_loop3A_374 : i32 to vector<16xi32>
        %parallel_loop3A_376 = vector.shape_cast %parallel_loop3A_375 : vector<16xi32> to vector<16x1xi32>
        %parallel_loop3A_377 = vector.shape_cast %parallel_loop3A_376 : vector<16x1xi32> to vector<16xi32>
        %parallel_loop3A_378 = tpu.dynamic_gather %parallel_loop3A_293[%parallel_loop3A_377] in [0] : vector<16xf32>, vector<16xi32> -> vector<16xf32>
        %parallel_loop3A_379 = arith.constant 5 : i32
        %parallel_loop3A_380 = arith.addi %parallel_loop3A_291, %parallel_loop3A_379 : i32
        %parallel_loop3A_381 = arith.index_cast %parallel_loop3A_380 : i32 to index
        %parallel_loop3A_382 = arith.constant 0 : index
        %parallel_loop3A_383 = tpu.vector_load %arg11[%parallel_loop3A_381, %parallel_loop3A_382] {strides = array<i32>} : memref<3072x32xbf16, #tpu.memory_space<vmem>>, vector<32xbf16>,
        %parallel_loop3A_384 = tpu.unpack_subelements %parallel_loop3A_383, 0 {pack_format = #tpu.pack_format<interleaved>} : vector<32xbf16> -> vector<16xf32>
        %parallel_loop3A_385 = tpu.unpack_subelements %parallel_loop3A_383, 1 {pack_format = #tpu.pack_format<interleaved>} : vector<32xbf16> -> vector<16xf32>
        %parallel_loop3A_386 = arith.mulf %parallel_loop3A_378, %parallel_loop3A_384 : vector<16xf32>
        %parallel_loop3A_387 = arith.addf %parallel_loop3A_371, %parallel_loop3A_386 : vector<16xf32>
        %parallel_loop3A_388 = arith.mulf %parallel_loop3A_378, %parallel_loop3A_385 : vector<16xf32>
        %parallel_loop3A_389 = arith.addf %parallel_loop3A_373, %parallel_loop3A_388 : vector<16xf32>
        %parallel_loop3A_390 = arith.constant 6 : i32
        %parallel_loop3A_391 = vector.broadcast %parallel_loop3A_390 : i32 to vector<16xi32>
        %parallel_loop3A_392 = vector.shape_cast %parallel_loop3A_391 : vector<16xi32> to vector<16x1xi32>
        %parallel_loop3A_393 = vector.shape_cast %parallel_loop3A_392 : vector<16x1xi32> to vector<16xi32>
        %parallel_loop3A_394 = tpu.dynamic_gather %parallel_loop3A_293[%parallel_loop3A_393] in [0] : vector<16xf32>, vector<16xi32> -> vector<16xf32>
        %parallel_loop3A_395 = arith.constant 6 : i32
        %parallel_loop3A_396 = arith.addi %parallel_loop3A_291, %parallel_loop3A_395 : i32
        %parallel_loop3A_397 = arith.index_cast %parallel_loop3A_396 : i32 to index
        %parallel_loop3A_398 = arith.constant 0 : index
        %parallel_loop3A_399 = tpu.vector_load %arg11[%parallel_loop3A_397, %parallel_loop3A_398] {strides = array<i32>} : memref<3072x32xbf16, #tpu.memory_space<vmem>>, vector<32xbf16>,
        %parallel_loop3A_400 = tpu.unpack_subelements %parallel_loop3A_399, 0 {pack_format = #tpu.pack_format<interleaved>} : vector<32xbf16> -> vector<16xf32>
        %parallel_loop3A_401 = tpu.unpack_subelements %parallel_loop3A_399, 1 {pack_format = #tpu.pack_format<interleaved>} : vector<32xbf16> -> vector<16xf32>
        %parallel_loop3A_402 = arith.mulf %parallel_loop3A_394, %parallel_loop3A_400 : vector<16xf32>
        %parallel_loop3A_403 = arith.addf %parallel_loop3A_387, %parallel_loop3A_402 : vector<16xf32>
        %parallel_loop3A_404 = arith.mulf %parallel_loop3A_394, %parallel_loop3A_401 : vector<16xf32>
        %parallel_loop3A_405 = arith.addf %parallel_loop3A_389, %parallel_loop3A_404 : vector<16xf32>
        %parallel_loop3A_406 = arith.constant 7 : i32
        %parallel_loop3A_407 = vector.broadcast %parallel_loop3A_406 : i32 to vector<16xi32>
        %parallel_loop3A_408 = vector.shape_cast %parallel_loop3A_407 : vector<16xi32> to vector<16x1xi32>
        %parallel_loop3A_409 = vector.shape_cast %parallel_loop3A_408 : vector<16x1xi32> to vector<16xi32>
        %parallel_loop3A_410 = tpu.dynamic_gather %parallel_loop3A_293[%parallel_loop3A_409] in [0] : vector<16xf32>, vector<16xi32> -> vector<16xf32>
        %parallel_loop3A_411 = arith.constant 7 : i32
        %parallel_loop3A_412 = arith.addi %parallel_loop3A_291, %parallel_loop3A_411 : i32
        %parallel_loop3A_413 = arith.index_cast %parallel_loop3A_412 : i32 to index
        %parallel_loop3A_414 = arith.constant 0 : index
        %parallel_loop3A_415 = tpu.vector_load %arg11[%parallel_loop3A_413, %parallel_loop3A_414] {strides = array<i32>} : memref<3072x32xbf16, #tpu.memory_space<vmem>>, vector<32xbf16>,
        %parallel_loop3A_416 = tpu.unpack_subelements %parallel_loop3A_415, 0 {pack_format = #tpu.pack_format<interleaved>} : vector<32xbf16> -> vector<16xf32>
        %parallel_loop3A_417 = tpu.unpack_subelements %parallel_loop3A_415, 1 {pack_format = #tpu.pack_format<interleaved>} : vector<32xbf16> -> vector<16xf32>
        %parallel_loop3A_418 = arith.mulf %parallel_loop3A_410, %parallel_loop3A_416 : vector<16xf32>
        %parallel_loop3A_419 = arith.addf %parallel_loop3A_403, %parallel_loop3A_418 : vector<16xf32>
        %parallel_loop3A_420 = arith.mulf %parallel_loop3A_410, %parallel_loop3A_417 : vector<16xf32>
        %parallel_loop3A_421 = arith.addf %parallel_loop3A_405, %parallel_loop3A_420 : vector<16xf32>
        %parallel_loop3A_422 = arith.constant 8 : i32
        %parallel_loop3A_423 = vector.broadcast %parallel_loop3A_422 : i32 to vector<16xi32>
        %parallel_loop3A_424 = vector.shape_cast %parallel_loop3A_423 : vector<16xi32> to vector<16x1xi32>
        %parallel_loop3A_425 = vector.shape_cast %parallel_loop3A_424 : vector<16x1xi32> to vector<16xi32>
        %parallel_loop3A_426 = tpu.dynamic_gather %parallel_loop3A_293[%parallel_loop3A_425] in [0] : vector<16xf32>, vector<16xi32> -> vector<16xf32>
        %parallel_loop3A_427 = arith.constant 8 : i32
        %parallel_loop3A_428 = arith.addi %parallel_loop3A_291, %parallel_loop3A_427 : i32
        %parallel_loop3A_429 = arith.index_cast %parallel_loop3A_428 : i32 to index
        %parallel_loop3A_430 = arith.constant 0 : index
        %parallel_loop3A_431 = tpu.vector_load %arg11[%parallel_loop3A_429, %parallel_loop3A_430] {strides = array<i32>} : memref<3072x32xbf16, #tpu.memory_space<vmem>>, vector<32xbf16>,
        %parallel_loop3A_432 = tpu.unpack_subelements %parallel_loop3A_431, 0 {pack_format = #tpu.pack_format<interleaved>} : vector<32xbf16> -> vector<16xf32>
        %parallel_loop3A_433 = tpu.unpack_subelements %parallel_loop3A_431, 1 {pack_format = #tpu.pack_format<interleaved>} : vector<32xbf16> -> vector<16xf32>
        %parallel_loop3A_434 = arith.mulf %parallel_loop3A_426, %parallel_loop3A_432 : vector<16xf32>
        %parallel_loop3A_435 = arith.addf %parallel_loop3A_280, %parallel_loop3A_434 : vector<16xf32>
        %parallel_loop3A_436 = arith.mulf %parallel_loop3A_426, %parallel_loop3A_433 : vector<16xf32>
        %parallel_loop3A_437 = arith.addf %parallel_loop3A_282, %parallel_loop3A_436 : vector<16xf32>
        %parallel_loop3A_438 = arith.constant 9 : i32
        %parallel_loop3A_439 = vector.broadcast %parallel_loop3A_438 : i32 to vector<16xi32>
        %parallel_loop3A_440 = vector.shape_cast %parallel_loop3A_439 : vector<16xi32> to vector<16x1xi32>
        %parallel_loop3A_441 = vector.shape_cast %parallel_loop3A_440 : vector<16x1xi32> to vector<16xi32>
        %parallel_loop3A_442 = tpu.dynamic_gather %parallel_loop3A_293[%parallel_loop3A_441] in [0] : vector<16xf32>, vector<16xi32> -> vector<16xf32>
        %parallel_loop3A_443 = arith.constant 9 : i32
        %parallel_loop3A_444 = arith.addi %parallel_loop3A_291, %parallel_loop3A_443 : i32
        %parallel_loop3A_445 = arith.index_cast %parallel_loop3A_444 : i32 to index
        %parallel_loop3A_446 = arith.constant 0 : index
        %parallel_loop3A_447 = tpu.vector_load %arg11[%parallel_loop3A_445, %parallel_loop3A_446] {strides = array<i32>} : memref<3072x32xbf16, #tpu.memory_space<vmem>>, vector<32xbf16>,
        %parallel_loop3A_448 = tpu.unpack_subelements %parallel_loop3A_447, 0 {pack_format = #tpu.pack_format<interleaved>} : vector<32xbf16> -> vector<16xf32>
        %parallel_loop3A_449 = tpu.unpack_subelements %parallel_loop3A_447, 1 {pack_format = #tpu.pack_format<interleaved>} : vector<32xbf16> -> vector<16xf32>
        %parallel_loop3A_450 = arith.mulf %parallel_loop3A_442, %parallel_loop3A_448 : vector<16xf32>
        %parallel_loop3A_451 = arith.addf %parallel_loop3A_435, %parallel_loop3A_450 : vector<16xf32>
        %parallel_loop3A_452 = arith.mulf %parallel_loop3A_442, %parallel_loop3A_449 : vector<16xf32>
        %parallel_loop3A_453 = arith.addf %parallel_loop3A_437, %parallel_loop3A_452 : vector<16xf32>
        %parallel_loop3A_454 = arith.constant 10 : i32
        %parallel_loop3A_455 = vector.broadcast %parallel_loop3A_454 : i32 to vector<16xi32>
        %parallel_loop3A_456 = vector.shape_cast %parallel_loop3A_455 : vector<16xi32> to vector<16x1xi32>
        %parallel_loop3A_457 = vector.shape_cast %parallel_loop3A_456 : vector<16x1xi32> to vector<16xi32>
        %parallel_loop3A_458 = tpu.dynamic_gather %parallel_loop3A_293[%parallel_loop3A_457] in [0] : vector<16xf32>, vector<16xi32> -> vector<16xf32>
        %parallel_loop3A_459 = arith.constant 10 : i32
        %parallel_loop3A_460 = arith.addi %parallel_loop3A_291, %parallel_loop3A_459 : i32
        %parallel_loop3A_461 = arith.index_cast %parallel_loop3A_460 : i32 to index
        %parallel_loop3A_462 = arith.constant 0 : index
        %parallel_loop3A_463 = tpu.vector_load %arg11[%parallel_loop3A_461, %parallel_loop3A_462] {strides = array<i32>} : memref<3072x32xbf16, #tpu.memory_space<vmem>>, vector<32xbf16>,
        %parallel_loop3A_464 = tpu.unpack_subelements %parallel_loop3A_463, 0 {pack_format = #tpu.pack_format<interleaved>} : vector<32xbf16> -> vector<16xf32>
        %parallel_loop3A_465 = tpu.unpack_subelements %parallel_loop3A_463, 1 {pack_format = #tpu.pack_format<interleaved>} : vector<32xbf16> -> vector<16xf32>
        %parallel_loop3A_466 = arith.mulf %parallel_loop3A_458, %parallel_loop3A_464 : vector<16xf32>
        %parallel_loop3A_467 = arith.addf %parallel_loop3A_451, %parallel_loop3A_466 : vector<16xf32>
        %parallel_loop3A_468 = arith.mulf %parallel_loop3A_458, %parallel_loop3A_465 : vector<16xf32>
        %parallel_loop3A_469 = arith.addf %parallel_loop3A_453, %parallel_loop3A_468 : vector<16xf32>
        %parallel_loop3A_470 = arith.constant 11 : i32
        %parallel_loop3A_471 = vector.broadcast %parallel_loop3A_470 : i32 to vector<16xi32>
        %parallel_loop3A_472 = vector.shape_cast %parallel_loop3A_471 : vector<16xi32> to vector<16x1xi32>
        %parallel_loop3A_473 = vector.shape_cast %parallel_loop3A_472 : vector<16x1xi32> to vector<16xi32>
        %parallel_loop3A_474 = tpu.dynamic_gather %parallel_loop3A_293[%parallel_loop3A_473] in [0] : vector<16xf32>, vector<16xi32> -> vector<16xf32>
        %parallel_loop3A_475 = arith.constant 11 : i32
        %parallel_loop3A_476 = arith.addi %parallel_loop3A_291, %parallel_loop3A_475 : i32
        %parallel_loop3A_477 = arith.index_cast %parallel_loop3A_476 : i32 to index
        %parallel_loop3A_478 = arith.constant 0 : index
        %parallel_loop3A_479 = tpu.vector_load %arg11[%parallel_loop3A_477, %parallel_loop3A_478] {strides = array<i32>} : memref<3072x32xbf16, #tpu.memory_space<vmem>>, vector<32xbf16>,
        %parallel_loop3A_480 = tpu.unpack_subelements %parallel_loop3A_479, 0 {pack_format = #tpu.pack_format<interleaved>} : vector<32xbf16> -> vector<16xf32>
        %parallel_loop3A_481 = tpu.unpack_subelements %parallel_loop3A_479, 1 {pack_format = #tpu.pack_format<interleaved>} : vector<32xbf16> -> vector<16xf32>
        %parallel_loop3A_482 = arith.mulf %parallel_loop3A_474, %parallel_loop3A_480 : vector<16xf32>
        %parallel_loop3A_483 = arith.addf %parallel_loop3A_467, %parallel_loop3A_482 : vector<16xf32>
        %parallel_loop3A_484 = arith.mulf %parallel_loop3A_474, %parallel_loop3A_481 : vector<16xf32>
        %parallel_loop3A_485 = arith.addf %parallel_loop3A_469, %parallel_loop3A_484 : vector<16xf32>
        %parallel_loop3A_486 = arith.constant 12 : i32
        %parallel_loop3A_487 = vector.broadcast %parallel_loop3A_486 : i32 to vector<16xi32>
        %parallel_loop3A_488 = vector.shape_cast %parallel_loop3A_487 : vector<16xi32> to vector<16x1xi32>
        %parallel_loop3A_489 = vector.shape_cast %parallel_loop3A_488 : vector<16x1xi32> to vector<16xi32>
        %parallel_loop3A_490 = tpu.dynamic_gather %parallel_loop3A_293[%parallel_loop3A_489] in [0] : vector<16xf32>, vector<16xi32> -> vector<16xf32>
        %parallel_loop3A_491 = arith.constant 12 : i32
        %parallel_loop3A_492 = arith.addi %parallel_loop3A_291, %parallel_loop3A_491 : i32
        %parallel_loop3A_493 = arith.index_cast %parallel_loop3A_492 : i32 to index
        %parallel_loop3A_494 = arith.constant 0 : index
        %parallel_loop3A_495 = tpu.vector_load %arg11[%parallel_loop3A_493, %parallel_loop3A_494] {strides = array<i32>} : memref<3072x32xbf16, #tpu.memory_space<vmem>>, vector<32xbf16>,
        %parallel_loop3A_496 = tpu.unpack_subelements %parallel_loop3A_495, 0 {pack_format = #tpu.pack_format<interleaved>} : vector<32xbf16> -> vector<16xf32>
        %parallel_loop3A_497 = tpu.unpack_subelements %parallel_loop3A_495, 1 {pack_format = #tpu.pack_format<interleaved>} : vector<32xbf16> -> vector<16xf32>
        %parallel_loop3A_498 = arith.mulf %parallel_loop3A_490, %parallel_loop3A_496 : vector<16xf32>
        %parallel_loop3A_499 = arith.addf %parallel_loop3A_483, %parallel_loop3A_498 : vector<16xf32>
        %parallel_loop3A_500 = arith.mulf %parallel_loop3A_490, %parallel_loop3A_497 : vector<16xf32>
        %parallel_loop3A_501 = arith.addf %parallel_loop3A_485, %parallel_loop3A_500 : vector<16xf32>
        %parallel_loop3A_502 = arith.constant 13 : i32
        %parallel_loop3A_503 = vector.broadcast %parallel_loop3A_502 : i32 to vector<16xi32>
        %parallel_loop3A_504 = vector.shape_cast %parallel_loop3A_503 : vector<16xi32> to vector<16x1xi32>
        %parallel_loop3A_505 = vector.shape_cast %parallel_loop3A_504 : vector<16x1xi32> to vector<16xi32>
        %parallel_loop3A_506 = tpu.dynamic_gather %parallel_loop3A_293[%parallel_loop3A_505] in [0] : vector<16xf32>, vector<16xi32> -> vector<16xf32>
        %parallel_loop3A_507 = arith.constant 13 : i32
        %parallel_loop3A_508 = arith.addi %parallel_loop3A_291, %parallel_loop3A_507 : i32
        %parallel_loop3A_509 = arith.index_cast %parallel_loop3A_508 : i32 to index
        %parallel_loop3A_510 = arith.constant 0 : index
        %parallel_loop3A_511 = tpu.vector_load %arg11[%parallel_loop3A_509, %parallel_loop3A_510] {strides = array<i32>} : memref<3072x32xbf16, #tpu.memory_space<vmem>>, vector<32xbf16>,
        %parallel_loop3A_512 = tpu.unpack_subelements %parallel_loop3A_511, 0 {pack_format = #tpu.pack_format<interleaved>} : vector<32xbf16> -> vector<16xf32>
        %parallel_loop3A_513 = tpu.unpack_subelements %parallel_loop3A_511, 1 {pack_format = #tpu.pack_format<interleaved>} : vector<32xbf16> -> vector<16xf32>
        %parallel_loop3A_514 = arith.mulf %parallel_loop3A_506, %parallel_loop3A_512 : vector<16xf32>
        %parallel_loop3A_515 = arith.addf %parallel_loop3A_499, %parallel_loop3A_514 : vector<16xf32>
        %parallel_loop3A_516 = arith.mulf %parallel_loop3A_506, %parallel_loop3A_513 : vector<16xf32>
        %parallel_loop3A_517 = arith.addf %parallel_loop3A_501, %parallel_loop3A_516 : vector<16xf32>
        %parallel_loop3A_518 = arith.constant 14 : i32
        %parallel_loop3A_519 = vector.broadcast %parallel_loop3A_518 : i32 to vector<16xi32>
        %parallel_loop3A_520 = vector.shape_cast %parallel_loop3A_519 : vector<16xi32> to vector<16x1xi32>
        %parallel_loop3A_521 = vector.shape_cast %parallel_loop3A_520 : vector<16x1xi32> to vector<16xi32>
        %parallel_loop3A_522 = tpu.dynamic_gather %parallel_loop3A_293[%parallel_loop3A_521] in [0] : vector<16xf32>, vector<16xi32> -> vector<16xf32>
        %parallel_loop3A_523 = arith.constant 14 : i32
        %parallel_loop3A_524 = arith.addi %parallel_loop3A_291, %parallel_loop3A_523 : i32
        %parallel_loop3A_525 = arith.index_cast %parallel_loop3A_524 : i32 to index
        %parallel_loop3A_526 = arith.constant 0 : index
        %parallel_loop3A_527 = tpu.vector_load %arg11[%parallel_loop3A_525, %parallel_loop3A_526] {strides = array<i32>} : memref<3072x32xbf16, #tpu.memory_space<vmem>>, vector<32xbf16>,
        %parallel_loop3A_528 = tpu.unpack_subelements %parallel_loop3A_527, 0 {pack_format = #tpu.pack_format<interleaved>} : vector<32xbf16> -> vector<16xf32>
        %parallel_loop3A_529 = tpu.unpack_subelements %parallel_loop3A_527, 1 {pack_format = #tpu.pack_format<interleaved>} : vector<32xbf16> -> vector<16xf32>
        %parallel_loop3A_530 = arith.mulf %parallel_loop3A_522, %parallel_loop3A_528 : vector<16xf32>
        %parallel_loop3A_531 = arith.addf %parallel_loop3A_515, %parallel_loop3A_530 : vector<16xf32>
        %parallel_loop3A_532 = arith.mulf %parallel_loop3A_522, %parallel_loop3A_529 : vector<16xf32>
        %parallel_loop3A_533 = arith.addf %parallel_loop3A_517, %parallel_loop3A_532 : vector<16xf32>
        %parallel_loop3A_534 = arith.constant 15 : i32
        %parallel_loop3A_535 = vector.broadcast %parallel_loop3A_534 : i32 to vector<16xi32>
        %parallel_loop3A_536 = vector.shape_cast %parallel_loop3A_535 : vector<16xi32> to vector<16x1xi32>
        %parallel_loop3A_537 = vector.shape_cast %parallel_loop3A_536 : vector<16x1xi32> to vector<16xi32>
        %parallel_loop3A_538 = tpu.dynamic_gather %parallel_loop3A_293[%parallel_loop3A_537] in [0] : vector<16xf32>, vector<16xi32> -> vector<16xf32>
        %parallel_loop3A_539 = arith.constant 15 : i32
        %parallel_loop3A_540 = arith.addi %parallel_loop3A_291, %parallel_loop3A_539 : i32
        %parallel_loop3A_541 = arith.index_cast %parallel_loop3A_540 : i32 to index
        %parallel_loop3A_542 = arith.constant 0 : index
        %parallel_loop3A_543 = tpu.vector_load %arg11[%parallel_loop3A_541, %parallel_loop3A_542] {strides = array<i32>} : memref<3072x32xbf16, #tpu.memory_space<vmem>>, vector<32xbf16>,
        %parallel_loop3A_544 = tpu.unpack_subelements %parallel_loop3A_543, 0 {pack_format = #tpu.pack_format<interleaved>} : vector<32xbf16> -> vector<16xf32>
        %parallel_loop3A_545 = tpu.unpack_subelements %parallel_loop3A_543, 1 {pack_format = #tpu.pack_format<interleaved>} : vector<32xbf16> -> vector<16xf32>
        %parallel_loop3A_546 = arith.mulf %parallel_loop3A_538, %parallel_loop3A_544 : vector<16xf32>
        %parallel_loop3A_547 = arith.addf %parallel_loop3A_531, %parallel_loop3A_546 : vector<16xf32>
        %parallel_loop3A_548 = arith.mulf %parallel_loop3A_538, %parallel_loop3A_545 : vector<16xf32>
        %parallel_loop3A_549 = arith.addf %parallel_loop3A_533, %parallel_loop3A_548 : vector<16xf32>
        %parallel_loop3A_550 = arith.constant 128 : i32
        %parallel_loop3A_551 = arith.muli %parallel_loop3A_258, %parallel_loop3A_550 : i32
        %parallel_loop3A_552 = arith.constant 0 : i32
        %parallel_loop3A_553 = arith.addi %parallel_loop3A_552, %parallel_loop3A_551 : i32
        %parallel_loop3A_554 = arith.constant 64 : i32
        %parallel_loop3A_555 = arith.addi %parallel_loop3A_553, %parallel_loop3A_554 : i32
        %parallel_loop3A_556 = arith.constant 16 : i32
        %parallel_loop3A_557 = arith.muli %parallel_loop3A_274, %parallel_loop3A_556 : i32
        %parallel_loop3A_558 = arith.addi %parallel_loop3A_555, %parallel_loop3A_557 : i32
        %parallel_loop3A_559 = arith.index_cast %parallel_loop3A_558 : i32 to index
        %parallel_loop3A_560 = tpu.vector_load %arg9[%parallel_loop3A_559] {strides = array<i32>} : memref<3072xf32, #tpu.memory_space<vmem>>, vector<16xf32>,
        %parallel_loop3A_561 = arith.constant 0 : i32
        %parallel_loop3A_562 = vector.broadcast %parallel_loop3A_561 : i32 to vector<16xi32>
        %parallel_loop3A_563 = vector.shape_cast %parallel_loop3A_562 : vector<16xi32> to vector<16x1xi32>
        %parallel_loop3A_564 = vector.shape_cast %parallel_loop3A_563 : vector<16x1xi32> to vector<16xi32>
        %parallel_loop3A_565 = tpu.dynamic_gather %parallel_loop3A_560[%parallel_loop3A_564] in [0] : vector<16xf32>, vector<16xi32> -> vector<16xf32>
        %parallel_loop3A_566 = arith.constant 0 : i32
        %parallel_loop3A_567 = arith.addi %parallel_loop3A_558, %parallel_loop3A_566 : i32
        %parallel_loop3A_568 = arith.index_cast %parallel_loop3A_567 : i32 to index
        %parallel_loop3A_569 = arith.constant 0 : index
        %parallel_loop3A_570 = tpu.vector_load %arg11[%parallel_loop3A_568, %parallel_loop3A_569] {strides = array<i32>} : memref<3072x32xbf16, #tpu.memory_space<vmem>>, vector<32xbf16>,
        %parallel_loop3A_571 = tpu.unpack_subelements %parallel_loop3A_570, 0 {pack_format = #tpu.pack_format<interleaved>} : vector<32xbf16> -> vector<16xf32>
        %parallel_loop3A_572 = tpu.unpack_subelements %parallel_loop3A_570, 1 {pack_format = #tpu.pack_format<interleaved>} : vector<32xbf16> -> vector<16xf32>
        %parallel_loop3A_573 = arith.mulf %parallel_loop3A_565, %parallel_loop3A_571 : vector<16xf32>
        %parallel_loop3A_574 = arith.addf %parallel_loop3A_419, %parallel_loop3A_573 : vector<16xf32>
        %parallel_loop3A_575 = arith.mulf %parallel_loop3A_565, %parallel_loop3A_572 : vector<16xf32>
        %parallel_loop3A_576 = arith.addf %parallel_loop3A_421, %parallel_loop3A_575 : vector<16xf32>
        %parallel_loop3A_577 = arith.constant 1 : i32
        %parallel_loop3A_578 = vector.broadcast %parallel_loop3A_577 : i32 to vector<16xi32>
        %parallel_loop3A_579 = vector.shape_cast %parallel_loop3A_578 : vector<16xi32> to vector<16x1xi32>
        %parallel_loop3A_580 = vector.shape_cast %parallel_loop3A_579 : vector<16x1xi32> to vector<16xi32>
        %parallel_loop3A_581 = tpu.dynamic_gather %parallel_loop3A_560[%parallel_loop3A_580] in [0] : vector<16xf32>, vector<16xi32> -> vector<16xf32>
        %parallel_loop3A_582 = arith.constant 1 : i32
        %parallel_loop3A_583 = arith.addi %parallel_loop3A_558, %parallel_loop3A_582 : i32
        %parallel_loop3A_584 = arith.index_cast %parallel_loop3A_583 : i32 to index
        %parallel_loop3A_585 = arith.constant 0 : index
        %parallel_loop3A_586 = tpu.vector_load %arg11[%parallel_loop3A_584, %parallel_loop3A_585] {strides = array<i32>} : memref<3072x32xbf16, #tpu.memory_space<vmem>>, vector<32xbf16>,
        %parallel_loop3A_587 = tpu.unpack_subelements %parallel_loop3A_586, 0 {pack_format = #tpu.pack_format<interleaved>} : vector<32xbf16> -> vector<16xf32>
        %parallel_loop3A_588 = tpu.unpack_subelements %parallel_loop3A_586, 1 {pack_format = #tpu.pack_format<interleaved>} : vector<32xbf16> -> vector<16xf32>
        %parallel_loop3A_589 = arith.mulf %parallel_loop3A_581, %parallel_loop3A_587 : vector<16xf32>
        %parallel_loop3A_590 = arith.addf %parallel_loop3A_574, %parallel_loop3A_589 : vector<16xf32>
        %parallel_loop3A_591 = arith.mulf %parallel_loop3A_581, %parallel_loop3A_588 : vector<16xf32>
        %parallel_loop3A_592 = arith.addf %parallel_loop3A_576, %parallel_loop3A_591 : vector<16xf32>
        %parallel_loop3A_593 = arith.constant 2 : i32
        %parallel_loop3A_594 = vector.broadcast %parallel_loop3A_593 : i32 to vector<16xi32>
        %parallel_loop3A_595 = vector.shape_cast %parallel_loop3A_594 : vector<16xi32> to vector<16x1xi32>
        %parallel_loop3A_596 = vector.shape_cast %parallel_loop3A_595 : vector<16x1xi32> to vector<16xi32>
        %parallel_loop3A_597 = tpu.dynamic_gather %parallel_loop3A_560[%parallel_loop3A_596] in [0] : vector<16xf32>, vector<16xi32> -> vector<16xf32>
        %parallel_loop3A_598 = arith.constant 2 : i32
        %parallel_loop3A_599 = arith.addi %parallel_loop3A_558, %parallel_loop3A_598 : i32
        %parallel_loop3A_600 = arith.index_cast %parallel_loop3A_599 : i32 to index
        %parallel_loop3A_601 = arith.constant 0 : index
        %parallel_loop3A_602 = tpu.vector_load %arg11[%parallel_loop3A_600, %parallel_loop3A_601] {strides = array<i32>} : memref<3072x32xbf16, #tpu.memory_space<vmem>>, vector<32xbf16>,
        %parallel_loop3A_603 = tpu.unpack_subelements %parallel_loop3A_602, 0 {pack_format = #tpu.pack_format<interleaved>} : vector<32xbf16> -> vector<16xf32>
        %parallel_loop3A_604 = tpu.unpack_subelements %parallel_loop3A_602, 1 {pack_format = #tpu.pack_format<interleaved>} : vector<32xbf16> -> vector<16xf32>
        %parallel_loop3A_605 = arith.mulf %parallel_loop3A_597, %parallel_loop3A_603 : vector<16xf32>
        %parallel_loop3A_606 = arith.addf %parallel_loop3A_590, %parallel_loop3A_605 : vector<16xf32>
        %parallel_loop3A_607 = arith.mulf %parallel_loop3A_597, %parallel_loop3A_604 : vector<16xf32>
        %parallel_loop3A_608 = arith.addf %parallel_loop3A_592, %parallel_loop3A_607 : vector<16xf32>
        %parallel_loop3A_609 = arith.constant 3 : i32
        %parallel_loop3A_610 = vector.broadcast %parallel_loop3A_609 : i32 to vector<16xi32>
        %parallel_loop3A_611 = vector.shape_cast %parallel_loop3A_610 : vector<16xi32> to vector<16x1xi32>
        %parallel_loop3A_612 = vector.shape_cast %parallel_loop3A_611 : vector<16x1xi32> to vector<16xi32>
        %parallel_loop3A_613 = tpu.dynamic_gather %parallel_loop3A_560[%parallel_loop3A_612] in [0] : vector<16xf32>, vector<16xi32> -> vector<16xf32>
        %parallel_loop3A_614 = arith.constant 3 : i32
        %parallel_loop3A_615 = arith.addi %parallel_loop3A_558, %parallel_loop3A_614 : i32
        %parallel_loop3A_616 = arith.index_cast %parallel_loop3A_615 : i32 to index
        %parallel_loop3A_617 = arith.constant 0 : index
        %parallel_loop3A_618 = tpu.vector_load %arg11[%parallel_loop3A_616, %parallel_loop3A_617] {strides = array<i32>} : memref<3072x32xbf16, #tpu.memory_space<vmem>>, vector<32xbf16>,
        %parallel_loop3A_619 = tpu.unpack_subelements %parallel_loop3A_618, 0 {pack_format = #tpu.pack_format<interleaved>} : vector<32xbf16> -> vector<16xf32>
        %parallel_loop3A_620 = tpu.unpack_subelements %parallel_loop3A_618, 1 {pack_format = #tpu.pack_format<interleaved>} : vector<32xbf16> -> vector<16xf32>
        %parallel_loop3A_621 = arith.mulf %parallel_loop3A_613, %parallel_loop3A_619 : vector<16xf32>
        %parallel_loop3A_622 = arith.addf %parallel_loop3A_606, %parallel_loop3A_621 : vector<16xf32>
        %parallel_loop3A_623 = arith.mulf %parallel_loop3A_613, %parallel_loop3A_620 : vector<16xf32>
        %parallel_loop3A_624 = arith.addf %parallel_loop3A_608, %parallel_loop3A_623 : vector<16xf32>
        %parallel_loop3A_625 = arith.constant 4 : i32
        %parallel_loop3A_626 = vector.broadcast %parallel_loop3A_625 : i32 to vector<16xi32>
        %parallel_loop3A_627 = vector.shape_cast %parallel_loop3A_626 : vector<16xi32> to vector<16x1xi32>
        %parallel_loop3A_628 = vector.shape_cast %parallel_loop3A_627 : vector<16x1xi32> to vector<16xi32>
        %parallel_loop3A_629 = tpu.dynamic_gather %parallel_loop3A_560[%parallel_loop3A_628] in [0] : vector<16xf32>, vector<16xi32> -> vector<16xf32>
        %parallel_loop3A_630 = arith.constant 4 : i32
        %parallel_loop3A_631 = arith.addi %parallel_loop3A_558, %parallel_loop3A_630 : i32
        %parallel_loop3A_632 = arith.index_cast %parallel_loop3A_631 : i32 to index
        %parallel_loop3A_633 = arith.constant 0 : index
        %parallel_loop3A_634 = tpu.vector_load %arg11[%parallel_loop3A_632, %parallel_loop3A_633] {strides = array<i32>} : memref<3072x32xbf16, #tpu.memory_space<vmem>>, vector<32xbf16>,
        %parallel_loop3A_635 = tpu.unpack_subelements %parallel_loop3A_634, 0 {pack_format = #tpu.pack_format<interleaved>} : vector<32xbf16> -> vector<16xf32>
        %parallel_loop3A_636 = tpu.unpack_subelements %parallel_loop3A_634, 1 {pack_format = #tpu.pack_format<interleaved>} : vector<32xbf16> -> vector<16xf32>
        %parallel_loop3A_637 = arith.mulf %parallel_loop3A_629, %parallel_loop3A_635 : vector<16xf32>
        %parallel_loop3A_638 = arith.addf %parallel_loop3A_622, %parallel_loop3A_637 : vector<16xf32>
        %parallel_loop3A_639 = arith.mulf %parallel_loop3A_629, %parallel_loop3A_636 : vector<16xf32>
        %parallel_loop3A_640 = arith.addf %parallel_loop3A_624, %parallel_loop3A_639 : vector<16xf32>
        %parallel_loop3A_641 = arith.constant 5 : i32
        %parallel_loop3A_642 = vector.broadcast %parallel_loop3A_641 : i32 to vector<16xi32>
        %parallel_loop3A_643 = vector.shape_cast %parallel_loop3A_642 : vector<16xi32> to vector<16x1xi32>
        %parallel_loop3A_644 = vector.shape_cast %parallel_loop3A_643 : vector<16x1xi32> to vector<16xi32>
        %parallel_loop3A_645 = tpu.dynamic_gather %parallel_loop3A_560[%parallel_loop3A_644] in [0] : vector<16xf32>, vector<16xi32> -> vector<16xf32>
        %parallel_loop3A_646 = arith.constant 5 : i32
        %parallel_loop3A_647 = arith.addi %parallel_loop3A_558, %parallel_loop3A_646 : i32
        %parallel_loop3A_648 = arith.index_cast %parallel_loop3A_647 : i32 to index
        %parallel_loop3A_649 = arith.constant 0 : index
        %parallel_loop3A_650 = tpu.vector_load %arg11[%parallel_loop3A_648, %parallel_loop3A_649] {strides = array<i32>} : memref<3072x32xbf16, #tpu.memory_space<vmem>>, vector<32xbf16>,
        %parallel_loop3A_651 = tpu.unpack_subelements %parallel_loop3A_650, 0 {pack_format = #tpu.pack_format<interleaved>} : vector<32xbf16> -> vector<16xf32>
        %parallel_loop3A_652 = tpu.unpack_subelements %parallel_loop3A_650, 1 {pack_format = #tpu.pack_format<interleaved>} : vector<32xbf16> -> vector<16xf32>
        %parallel_loop3A_653 = arith.mulf %parallel_loop3A_645, %parallel_loop3A_651 : vector<16xf32>
        %parallel_loop3A_654 = arith.addf %parallel_loop3A_638, %parallel_loop3A_653 : vector<16xf32>
        %parallel_loop3A_655 = arith.mulf %parallel_loop3A_645, %parallel_loop3A_652 : vector<16xf32>
        %parallel_loop3A_656 = arith.addf %parallel_loop3A_640, %parallel_loop3A_655 : vector<16xf32>
        %parallel_loop3A_657 = arith.constant 6 : i32
        %parallel_loop3A_658 = vector.broadcast %parallel_loop3A_657 : i32 to vector<16xi32>
        %parallel_loop3A_659 = vector.shape_cast %parallel_loop3A_658 : vector<16xi32> to vector<16x1xi32>
        %parallel_loop3A_660 = vector.shape_cast %parallel_loop3A_659 : vector<16x1xi32> to vector<16xi32>
        %parallel_loop3A_661 = tpu.dynamic_gather %parallel_loop3A_560[%parallel_loop3A_660] in [0] : vector<16xf32>, vector<16xi32> -> vector<16xf32>
        %parallel_loop3A_662 = arith.constant 6 : i32
        %parallel_loop3A_663 = arith.addi %parallel_loop3A_558, %parallel_loop3A_662 : i32
        %parallel_loop3A_664 = arith.index_cast %parallel_loop3A_663 : i32 to index
        %parallel_loop3A_665 = arith.constant 0 : index
        %parallel_loop3A_666 = tpu.vector_load %arg11[%parallel_loop3A_664, %parallel_loop3A_665] {strides = array<i32>} : memref<3072x32xbf16, #tpu.memory_space<vmem>>, vector<32xbf16>,
        %parallel_loop3A_667 = tpu.unpack_subelements %parallel_loop3A_666, 0 {pack_format = #tpu.pack_format<interleaved>} : vector<32xbf16> -> vector<16xf32>
        %parallel_loop3A_668 = tpu.unpack_subelements %parallel_loop3A_666, 1 {pack_format = #tpu.pack_format<interleaved>} : vector<32xbf16> -> vector<16xf32>
        %parallel_loop3A_669 = arith.mulf %parallel_loop3A_661, %parallel_loop3A_667 : vector<16xf32>
        %parallel_loop3A_670 = arith.addf %parallel_loop3A_654, %parallel_loop3A_669 : vector<16xf32>
        %parallel_loop3A_671 = arith.mulf %parallel_loop3A_661, %parallel_loop3A_668 : vector<16xf32>
        %parallel_loop3A_672 = arith.addf %parallel_loop3A_656, %parallel_loop3A_671 : vector<16xf32>
        %parallel_loop3A_673 = arith.constant 7 : i32
        %parallel_loop3A_674 = vector.broadcast %parallel_loop3A_673 : i32 to vector<16xi32>
        %parallel_loop3A_675 = vector.shape_cast %parallel_loop3A_674 : vector<16xi32> to vector<16x1xi32>
        %parallel_loop3A_676 = vector.shape_cast %parallel_loop3A_675 : vector<16x1xi32> to vector<16xi32>
        %parallel_loop3A_677 = tpu.dynamic_gather %parallel_loop3A_560[%parallel_loop3A_676] in [0] : vector<16xf32>, vector<16xi32> -> vector<16xf32>
        %parallel_loop3A_678 = arith.constant 7 : i32
        %parallel_loop3A_679 = arith.addi %parallel_loop3A_558, %parallel_loop3A_678 : i32
        %parallel_loop3A_680 = arith.index_cast %parallel_loop3A_679 : i32 to index
        %parallel_loop3A_681 = arith.constant 0 : index
        %parallel_loop3A_682 = tpu.vector_load %arg11[%parallel_loop3A_680, %parallel_loop3A_681] {strides = array<i32>} : memref<3072x32xbf16, #tpu.memory_space<vmem>>, vector<32xbf16>,
        %parallel_loop3A_683 = tpu.unpack_subelements %parallel_loop3A_682, 0 {pack_format = #tpu.pack_format<interleaved>} : vector<32xbf16> -> vector<16xf32>
        %parallel_loop3A_684 = tpu.unpack_subelements %parallel_loop3A_682, 1 {pack_format = #tpu.pack_format<interleaved>} : vector<32xbf16> -> vector<16xf32>
        %parallel_loop3A_685 = arith.mulf %parallel_loop3A_677, %parallel_loop3A_683 : vector<16xf32>
        %parallel_loop3A_686 = arith.addf %parallel_loop3A_670, %parallel_loop3A_685 : vector<16xf32>
        %parallel_loop3A_687 = arith.mulf %parallel_loop3A_677, %parallel_loop3A_684 : vector<16xf32>
        %parallel_loop3A_688 = arith.addf %parallel_loop3A_672, %parallel_loop3A_687 : vector<16xf32>
        %parallel_loop3A_689 = arith.constant 8 : i32
        %parallel_loop3A_690 = vector.broadcast %parallel_loop3A_689 : i32 to vector<16xi32>
        %parallel_loop3A_691 = vector.shape_cast %parallel_loop3A_690 : vector<16xi32> to vector<16x1xi32>
        %parallel_loop3A_692 = vector.shape_cast %parallel_loop3A_691 : vector<16x1xi32> to vector<16xi32>
        %parallel_loop3A_693 = tpu.dynamic_gather %parallel_loop3A_560[%parallel_loop3A_692] in [0] : vector<16xf32>, vector<16xi32> -> vector<16xf32>
        %parallel_loop3A_694 = arith.constant 8 : i32
        %parallel_loop3A_695 = arith.addi %parallel_loop3A_558, %parallel_loop3A_694 : i32
        %parallel_loop3A_696 = arith.index_cast %parallel_loop3A_695 : i32 to index
        %parallel_loop3A_697 = arith.constant 0 : index
        %parallel_loop3A_698 = tpu.vector_load %arg11[%parallel_loop3A_696, %parallel_loop3A_697] {strides = array<i32>} : memref<3072x32xbf16, #tpu.memory_space<vmem>>, vector<32xbf16>,
        %parallel_loop3A_699 = tpu.unpack_subelements %parallel_loop3A_698, 0 {pack_format = #tpu.pack_format<interleaved>} : vector<32xbf16> -> vector<16xf32>
        %parallel_loop3A_700 = tpu.unpack_subelements %parallel_loop3A_698, 1 {pack_format = #tpu.pack_format<interleaved>} : vector<32xbf16> -> vector<16xf32>
        %parallel_loop3A_701 = arith.mulf %parallel_loop3A_693, %parallel_loop3A_699 : vector<16xf32>
        %parallel_loop3A_702 = arith.addf %parallel_loop3A_547, %parallel_loop3A_701 : vector<16xf32>
        %parallel_loop3A_703 = arith.mulf %parallel_loop3A_693, %parallel_loop3A_700 : vector<16xf32>
        %parallel_loop3A_704 = arith.addf %parallel_loop3A_549, %parallel_loop3A_703 : vector<16xf32>
        %parallel_loop3A_705 = arith.constant 9 : i32
        %parallel_loop3A_706 = vector.broadcast %parallel_loop3A_705 : i32 to vector<16xi32>
        %parallel_loop3A_707 = vector.shape_cast %parallel_loop3A_706 : vector<16xi32> to vector<16x1xi32>
        %parallel_loop3A_708 = vector.shape_cast %parallel_loop3A_707 : vector<16x1xi32> to vector<16xi32>
        %parallel_loop3A_709 = tpu.dynamic_gather %parallel_loop3A_560[%parallel_loop3A_708] in [0] : vector<16xf32>, vector<16xi32> -> vector<16xf32>
        %parallel_loop3A_710 = arith.constant 9 : i32
        %parallel_loop3A_711 = arith.addi %parallel_loop3A_558, %parallel_loop3A_710 : i32
        %parallel_loop3A_712 = arith.index_cast %parallel_loop3A_711 : i32 to index
        %parallel_loop3A_713 = arith.constant 0 : index
        %parallel_loop3A_714 = tpu.vector_load %arg11[%parallel_loop3A_712, %parallel_loop3A_713] {strides = array<i32>} : memref<3072x32xbf16, #tpu.memory_space<vmem>>, vector<32xbf16>,
        %parallel_loop3A_715 = tpu.unpack_subelements %parallel_loop3A_714, 0 {pack_format = #tpu.pack_format<interleaved>} : vector<32xbf16> -> vector<16xf32>
        %parallel_loop3A_716 = tpu.unpack_subelements %parallel_loop3A_714, 1 {pack_format = #tpu.pack_format<interleaved>} : vector<32xbf16> -> vector<16xf32>
        %parallel_loop3A_717 = arith.mulf %parallel_loop3A_709, %parallel_loop3A_715 : vector<16xf32>
        %parallel_loop3A_718 = arith.addf %parallel_loop3A_702, %parallel_loop3A_717 : vector<16xf32>
        %parallel_loop3A_719 = arith.mulf %parallel_loop3A_709, %parallel_loop3A_716 : vector<16xf32>
        %parallel_loop3A_720 = arith.addf %parallel_loop3A_704, %parallel_loop3A_719 : vector<16xf32>
        %parallel_loop3A_721 = arith.constant 10 : i32
        %parallel_loop3A_722 = vector.broadcast %parallel_loop3A_721 : i32 to vector<16xi32>
        %parallel_loop3A_723 = vector.shape_cast %parallel_loop3A_722 : vector<16xi32> to vector<16x1xi32>
        %parallel_loop3A_724 = vector.shape_cast %parallel_loop3A_723 : vector<16x1xi32> to vector<16xi32>
        %parallel_loop3A_725 = tpu.dynamic_gather %parallel_loop3A_560[%parallel_loop3A_724] in [0] : vector<16xf32>, vector<16xi32> -> vector<16xf32>
        %parallel_loop3A_726 = arith.constant 10 : i32
        %parallel_loop3A_727 = arith.addi %parallel_loop3A_558, %parallel_loop3A_726 : i32
        %parallel_loop3A_728 = arith.index_cast %parallel_loop3A_727 : i32 to index
        %parallel_loop3A_729 = arith.constant 0 : index
        %parallel_loop3A_730 = tpu.vector_load %arg11[%parallel_loop3A_728, %parallel_loop3A_729] {strides = array<i32>} : memref<3072x32xbf16, #tpu.memory_space<vmem>>, vector<32xbf16>,
        %parallel_loop3A_731 = tpu.unpack_subelements %parallel_loop3A_730, 0 {pack_format = #tpu.pack_format<interleaved>} : vector<32xbf16> -> vector<16xf32>
        %parallel_loop3A_732 = tpu.unpack_subelements %parallel_loop3A_730, 1 {pack_format = #tpu.pack_format<interleaved>} : vector<32xbf16> -> vector<16xf32>
        %parallel_loop3A_733 = arith.mulf %parallel_loop3A_725, %parallel_loop3A_731 : vector<16xf32>
        %parallel_loop3A_734 = arith.addf %parallel_loop3A_718, %parallel_loop3A_733 : vector<16xf32>
        %parallel_loop3A_735 = arith.mulf %parallel_loop3A_725, %parallel_loop3A_732 : vector<16xf32>
        %parallel_loop3A_736 = arith.addf %parallel_loop3A_720, %parallel_loop3A_735 : vector<16xf32>
        %parallel_loop3A_737 = arith.constant 11 : i32
        %parallel_loop3A_738 = vector.broadcast %parallel_loop3A_737 : i32 to vector<16xi32>
        %parallel_loop3A_739 = vector.shape_cast %parallel_loop3A_738 : vector<16xi32> to vector<16x1xi32>
        %parallel_loop3A_740 = vector.shape_cast %parallel_loop3A_739 : vector<16x1xi32> to vector<16xi32>
        %parallel_loop3A_741 = tpu.dynamic_gather %parallel_loop3A_560[%parallel_loop3A_740] in [0] : vector<16xf32>, vector<16xi32> -> vector<16xf32>
        %parallel_loop3A_742 = arith.constant 11 : i32
        %parallel_loop3A_743 = arith.addi %parallel_loop3A_558, %parallel_loop3A_742 : i32
        %parallel_loop3A_744 = arith.index_cast %parallel_loop3A_743 : i32 to index
        %parallel_loop3A_745 = arith.constant 0 : index
        %parallel_loop3A_746 = tpu.vector_load %arg11[%parallel_loop3A_744, %parallel_loop3A_745] {strides = array<i32>} : memref<3072x32xbf16, #tpu.memory_space<vmem>>, vector<32xbf16>,
        %parallel_loop3A_747 = tpu.unpack_subelements %parallel_loop3A_746, 0 {pack_format = #tpu.pack_format<interleaved>} : vector<32xbf16> -> vector<16xf32>
        %parallel_loop3A_748 = tpu.unpack_subelements %parallel_loop3A_746, 1 {pack_format = #tpu.pack_format<interleaved>} : vector<32xbf16> -> vector<16xf32>
        %parallel_loop3A_749 = arith.mulf %parallel_loop3A_741, %parallel_loop3A_747 : vector<16xf32>
        %parallel_loop3A_750 = arith.addf %parallel_loop3A_734, %parallel_loop3A_749 : vector<16xf32>
        %parallel_loop3A_751 = arith.mulf %parallel_loop3A_741, %parallel_loop3A_748 : vector<16xf32>
        %parallel_loop3A_752 = arith.addf %parallel_loop3A_736, %parallel_loop3A_751 : vector<16xf32>
        %parallel_loop3A_753 = arith.constant 12 : i32
        %parallel_loop3A_754 = vector.broadcast %parallel_loop3A_753 : i32 to vector<16xi32>
        %parallel_loop3A_755 = vector.shape_cast %parallel_loop3A_754 : vector<16xi32> to vector<16x1xi32>
        %parallel_loop3A_756 = vector.shape_cast %parallel_loop3A_755 : vector<16x1xi32> to vector<16xi32>
        %parallel_loop3A_757 = tpu.dynamic_gather %parallel_loop3A_560[%parallel_loop3A_756] in [0] : vector<16xf32>, vector<16xi32> -> vector<16xf32>
        %parallel_loop3A_758 = arith.constant 12 : i32
        %parallel_loop3A_759 = arith.addi %parallel_loop3A_558, %parallel_loop3A_758 : i32
        %parallel_loop3A_760 = arith.index_cast %parallel_loop3A_759 : i32 to index
        %parallel_loop3A_761 = arith.constant 0 : index
        %parallel_loop3A_762 = tpu.vector_load %arg11[%parallel_loop3A_760, %parallel_loop3A_761] {strides = array<i32>} : memref<3072x32xbf16, #tpu.memory_space<vmem>>, vector<32xbf16>,
        %parallel_loop3A_763 = tpu.unpack_subelements %parallel_loop3A_762, 0 {pack_format = #tpu.pack_format<interleaved>} : vector<32xbf16> -> vector<16xf32>
        %parallel_loop3A_764 = tpu.unpack_subelements %parallel_loop3A_762, 1 {pack_format = #tpu.pack_format<interleaved>} : vector<32xbf16> -> vector<16xf32>
        %parallel_loop3A_765 = arith.mulf %parallel_loop3A_757, %parallel_loop3A_763 : vector<16xf32>
        %parallel_loop3A_766 = arith.addf %parallel_loop3A_750, %parallel_loop3A_765 : vector<16xf32>
        %parallel_loop3A_767 = arith.mulf %parallel_loop3A_757, %parallel_loop3A_764 : vector<16xf32>
        %parallel_loop3A_768 = arith.addf %parallel_loop3A_752, %parallel_loop3A_767 : vector<16xf32>
        %parallel_loop3A_769 = arith.constant 13 : i32
        %parallel_loop3A_770 = vector.broadcast %parallel_loop3A_769 : i32 to vector<16xi32>
        %parallel_loop3A_771 = vector.shape_cast %parallel_loop3A_770 : vector<16xi32> to vector<16x1xi32>
        %parallel_loop3A_772 = vector.shape_cast %parallel_loop3A_771 : vector<16x1xi32> to vector<16xi32>
        %parallel_loop3A_773 = tpu.dynamic_gather %parallel_loop3A_560[%parallel_loop3A_772] in [0] : vector<16xf32>, vector<16xi32> -> vector<16xf32>
        %parallel_loop3A_774 = arith.constant 13 : i32
        %parallel_loop3A_775 = arith.addi %parallel_loop3A_558, %parallel_loop3A_774 : i32
        %parallel_loop3A_776 = arith.index_cast %parallel_loop3A_775 : i32 to index
        %parallel_loop3A_777 = arith.constant 0 : index
        %parallel_loop3A_778 = tpu.vector_load %arg11[%parallel_loop3A_776, %parallel_loop3A_777] {strides = array<i32>} : memref<3072x32xbf16, #tpu.memory_space<vmem>>, vector<32xbf16>,
        %parallel_loop3A_779 = tpu.unpack_subelements %parallel_loop3A_778, 0 {pack_format = #tpu.pack_format<interleaved>} : vector<32xbf16> -> vector<16xf32>
        %parallel_loop3A_780 = tpu.unpack_subelements %parallel_loop3A_778, 1 {pack_format = #tpu.pack_format<interleaved>} : vector<32xbf16> -> vector<16xf32>
        %parallel_loop3A_781 = arith.mulf %parallel_loop3A_773, %parallel_loop3A_779 : vector<16xf32>
        %parallel_loop3A_782 = arith.addf %parallel_loop3A_766, %parallel_loop3A_781 : vector<16xf32>
        %parallel_loop3A_783 = arith.mulf %parallel_loop3A_773, %parallel_loop3A_780 : vector<16xf32>
        %parallel_loop3A_784 = arith.addf %parallel_loop3A_768, %parallel_loop3A_783 : vector<16xf32>
        %parallel_loop3A_785 = arith.constant 14 : i32
        %parallel_loop3A_786 = vector.broadcast %parallel_loop3A_785 : i32 to vector<16xi32>
        %parallel_loop3A_787 = vector.shape_cast %parallel_loop3A_786 : vector<16xi32> to vector<16x1xi32>
        %parallel_loop3A_788 = vector.shape_cast %parallel_loop3A_787 : vector<16x1xi32> to vector<16xi32>
        %parallel_loop3A_789 = tpu.dynamic_gather %parallel_loop3A_560[%parallel_loop3A_788] in [0] : vector<16xf32>, vector<16xi32> -> vector<16xf32>
        %parallel_loop3A_790 = arith.constant 14 : i32
        %parallel_loop3A_791 = arith.addi %parallel_loop3A_558, %parallel_loop3A_790 : i32
        %parallel_loop3A_792 = arith.index_cast %parallel_loop3A_791 : i32 to index
        %parallel_loop3A_793 = arith.constant 0 : index
        %parallel_loop3A_794 = tpu.vector_load %arg11[%parallel_loop3A_792, %parallel_loop3A_793] {strides = array<i32>} : memref<3072x32xbf16, #tpu.memory_space<vmem>>, vector<32xbf16>,
        %parallel_loop3A_795 = tpu.unpack_subelements %parallel_loop3A_794, 0 {pack_format = #tpu.pack_format<interleaved>} : vector<32xbf16> -> vector<16xf32>
        %parallel_loop3A_796 = tpu.unpack_subelements %parallel_loop3A_794, 1 {pack_format = #tpu.pack_format<interleaved>} : vector<32xbf16> -> vector<16xf32>
        %parallel_loop3A_797 = arith.mulf %parallel_loop3A_789, %parallel_loop3A_795 : vector<16xf32>
        %parallel_loop3A_798 = arith.addf %parallel_loop3A_782, %parallel_loop3A_797 : vector<16xf32>
        %parallel_loop3A_799 = arith.mulf %parallel_loop3A_789, %parallel_loop3A_796 : vector<16xf32>
        %parallel_loop3A_800 = arith.addf %parallel_loop3A_784, %parallel_loop3A_799 : vector<16xf32>
        %parallel_loop3A_801 = arith.constant 15 : i32
        %parallel_loop3A_802 = vector.broadcast %parallel_loop3A_801 : i32 to vector<16xi32>
        %parallel_loop3A_803 = vector.shape_cast %parallel_loop3A_802 : vector<16xi32> to vector<16x1xi32>
        %parallel_loop3A_804 = vector.shape_cast %parallel_loop3A_803 : vector<16x1xi32> to vector<16xi32>
        %parallel_loop3A_805 = tpu.dynamic_gather %parallel_loop3A_560[%parallel_loop3A_804] in [0] : vector<16xf32>, vector<16xi32> -> vector<16xf32>
        %parallel_loop3A_806 = arith.constant 15 : i32
        %parallel_loop3A_807 = arith.addi %parallel_loop3A_558, %parallel_loop3A_806 : i32
        %parallel_loop3A_808 = arith.index_cast %parallel_loop3A_807 : i32 to index
        %parallel_loop3A_809 = arith.constant 0 : index
        %parallel_loop3A_810 = tpu.vector_load %arg11[%parallel_loop3A_808, %parallel_loop3A_809] {strides = array<i32>} : memref<3072x32xbf16, #tpu.memory_space<vmem>>, vector<32xbf16>,
        %parallel_loop3A_811 = tpu.unpack_subelements %parallel_loop3A_810, 0 {pack_format = #tpu.pack_format<interleaved>} : vector<32xbf16> -> vector<16xf32>
        %parallel_loop3A_812 = tpu.unpack_subelements %parallel_loop3A_810, 1 {pack_format = #tpu.pack_format<interleaved>} : vector<32xbf16> -> vector<16xf32>
        %parallel_loop3A_813 = arith.mulf %parallel_loop3A_805, %parallel_loop3A_811 : vector<16xf32>
        %parallel_loop3A_814 = arith.addf %parallel_loop3A_798, %parallel_loop3A_813 : vector<16xf32>
        %parallel_loop3A_815 = arith.mulf %parallel_loop3A_805, %parallel_loop3A_812 : vector<16xf32>
        %parallel_loop3A_816 = arith.addf %parallel_loop3A_800, %parallel_loop3A_815 : vector<16xf32>
        %parallel_loop3A_817 = arith.constant 128 : i32
        %parallel_loop3A_818 = arith.muli %parallel_loop3A_258, %parallel_loop3A_817 : i32
        %parallel_loop3A_819 = arith.constant 1536 : i32
        %parallel_loop3A_820 = arith.addi %parallel_loop3A_819, %parallel_loop3A_818 : i32
        %parallel_loop3A_821 = arith.constant 0 : i32
        %parallel_loop3A_822 = arith.addi %parallel_loop3A_820, %parallel_loop3A_821 : i32
        %parallel_loop3A_823 = arith.constant 16 : i32
        %parallel_loop3A_824 = arith.muli %parallel_loop3A_274, %parallel_loop3A_823 : i32
        %parallel_loop3A_825 = arith.addi %parallel_loop3A_822, %parallel_loop3A_824 : i32
        %parallel_loop3A_826 = arith.index_cast %parallel_loop3A_825 : i32 to index
        %parallel_loop3A_827 = tpu.vector_load %arg9[%parallel_loop3A_826] {strides = array<i32>} : memref<3072xf32, #tpu.memory_space<vmem>>, vector<16xf32>,
        %parallel_loop3A_828 = arith.constant 0 : i32
        %parallel_loop3A_829 = vector.broadcast %parallel_loop3A_828 : i32 to vector<16xi32>
        %parallel_loop3A_830 = vector.shape_cast %parallel_loop3A_829 : vector<16xi32> to vector<16x1xi32>
        %parallel_loop3A_831 = vector.shape_cast %parallel_loop3A_830 : vector<16x1xi32> to vector<16xi32>
        %parallel_loop3A_832 = tpu.dynamic_gather %parallel_loop3A_827[%parallel_loop3A_831] in [0] : vector<16xf32>, vector<16xi32> -> vector<16xf32>
        %parallel_loop3A_833 = arith.constant 0 : i32
        %parallel_loop3A_834 = arith.addi %parallel_loop3A_825, %parallel_loop3A_833 : i32
        %parallel_loop3A_835 = arith.index_cast %parallel_loop3A_834 : i32 to index
        %parallel_loop3A_836 = arith.constant 0 : index
        %parallel_loop3A_837 = tpu.vector_load %arg11[%parallel_loop3A_835, %parallel_loop3A_836] {strides = array<i32>} : memref<3072x32xbf16, #tpu.memory_space<vmem>>, vector<32xbf16>,
        %parallel_loop3A_838 = tpu.unpack_subelements %parallel_loop3A_837, 0 {pack_format = #tpu.pack_format<interleaved>} : vector<32xbf16> -> vector<16xf32>
        %parallel_loop3A_839 = tpu.unpack_subelements %parallel_loop3A_837, 1 {pack_format = #tpu.pack_format<interleaved>} : vector<32xbf16> -> vector<16xf32>
        %parallel_loop3A_840 = arith.mulf %parallel_loop3A_832, %parallel_loop3A_838 : vector<16xf32>
        %parallel_loop3A_841 = arith.addf %parallel_loop3A_686, %parallel_loop3A_840 : vector<16xf32>
        %parallel_loop3A_842 = arith.mulf %parallel_loop3A_832, %parallel_loop3A_839 : vector<16xf32>
        %parallel_loop3A_843 = arith.addf %parallel_loop3A_688, %parallel_loop3A_842 : vector<16xf32>
        %parallel_loop3A_844 = arith.constant 1 : i32
        %parallel_loop3A_845 = vector.broadcast %parallel_loop3A_844 : i32 to vector<16xi32>
        %parallel_loop3A_846 = vector.shape_cast %parallel_loop3A_845 : vector<16xi32> to vector<16x1xi32>
        %parallel_loop3A_847 = vector.shape_cast %parallel_loop3A_846 : vector<16x1xi32> to vector<16xi32>
        %parallel_loop3A_848 = tpu.dynamic_gather %parallel_loop3A_827[%parallel_loop3A_847] in [0] : vector<16xf32>, vector<16xi32> -> vector<16xf32>
        %parallel_loop3A_849 = arith.constant 1 : i32
        %parallel_loop3A_850 = arith.addi %parallel_loop3A_825, %parallel_loop3A_849 : i32
        %parallel_loop3A_851 = arith.index_cast %parallel_loop3A_850 : i32 to index
        %parallel_loop3A_852 = arith.constant 0 : index
        %parallel_loop3A_853 = tpu.vector_load %arg11[%parallel_loop3A_851, %parallel_loop3A_852] {strides = array<i32>} : memref<3072x32xbf16, #tpu.memory_space<vmem>>, vector<32xbf16>,
        %parallel_loop3A_854 = tpu.unpack_subelements %parallel_loop3A_853, 0 {pack_format = #tpu.pack_format<interleaved>} : vector<32xbf16> -> vector<16xf32>
        %parallel_loop3A_855 = tpu.unpack_subelements %parallel_loop3A_853, 1 {pack_format = #tpu.pack_format<interleaved>} : vector<32xbf16> -> vector<16xf32>
        %parallel_loop3A_856 = arith.mulf %parallel_loop3A_848, %parallel_loop3A_854 : vector<16xf32>
        %parallel_loop3A_857 = arith.addf %parallel_loop3A_841, %parallel_loop3A_856 : vector<16xf32>
        %parallel_loop3A_858 = arith.mulf %parallel_loop3A_848, %parallel_loop3A_855 : vector<16xf32>
        %parallel_loop3A_859 = arith.addf %parallel_loop3A_843, %parallel_loop3A_858 : vector<16xf32>
        %parallel_loop3A_860 = arith.constant 2 : i32
        %parallel_loop3A_861 = vector.broadcast %parallel_loop3A_860 : i32 to vector<16xi32>
        %parallel_loop3A_862 = vector.shape_cast %parallel_loop3A_861 : vector<16xi32> to vector<16x1xi32>
        %parallel_loop3A_863 = vector.shape_cast %parallel_loop3A_862 : vector<16x1xi32> to vector<16xi32>
        %parallel_loop3A_864 = tpu.dynamic_gather %parallel_loop3A_827[%parallel_loop3A_863] in [0] : vector<16xf32>, vector<16xi32> -> vector<16xf32>
        %parallel_loop3A_865 = arith.constant 2 : i32
        %parallel_loop3A_866 = arith.addi %parallel_loop3A_825, %parallel_loop3A_865 : i32
        %parallel_loop3A_867 = arith.index_cast %parallel_loop3A_866 : i32 to index
        %parallel_loop3A_868 = arith.constant 0 : index
        %parallel_loop3A_869 = tpu.vector_load %arg11[%parallel_loop3A_867, %parallel_loop3A_868] {strides = array<i32>} : memref<3072x32xbf16, #tpu.memory_space<vmem>>, vector<32xbf16>,
        %parallel_loop3A_870 = tpu.unpack_subelements %parallel_loop3A_869, 0 {pack_format = #tpu.pack_format<interleaved>} : vector<32xbf16> -> vector<16xf32>
        %parallel_loop3A_871 = tpu.unpack_subelements %parallel_loop3A_869, 1 {pack_format = #tpu.pack_format<interleaved>} : vector<32xbf16> -> vector<16xf32>
        %parallel_loop3A_872 = arith.mulf %parallel_loop3A_864, %parallel_loop3A_870 : vector<16xf32>
        %parallel_loop3A_873 = arith.addf %parallel_loop3A_857, %parallel_loop3A_872 : vector<16xf32>
        %parallel_loop3A_874 = arith.mulf %parallel_loop3A_864, %parallel_loop3A_871 : vector<16xf32>
        %parallel_loop3A_875 = arith.addf %parallel_loop3A_859, %parallel_loop3A_874 : vector<16xf32>
        %parallel_loop3A_876 = arith.constant 3 : i32
        %parallel_loop3A_877 = vector.broadcast %parallel_loop3A_876 : i32 to vector<16xi32>
        %parallel_loop3A_878 = vector.shape_cast %parallel_loop3A_877 : vector<16xi32> to vector<16x1xi32>
        %parallel_loop3A_879 = vector.shape_cast %parallel_loop3A_878 : vector<16x1xi32> to vector<16xi32>
        %parallel_loop3A_880 = tpu.dynamic_gather %parallel_loop3A_827[%parallel_loop3A_879] in [0] : vector<16xf32>, vector<16xi32> -> vector<16xf32>
        %parallel_loop3A_881 = arith.constant 3 : i32
        %parallel_loop3A_882 = arith.addi %parallel_loop3A_825, %parallel_loop3A_881 : i32
        %parallel_loop3A_883 = arith.index_cast %parallel_loop3A_882 : i32 to index
        %parallel_loop3A_884 = arith.constant 0 : index
        %parallel_loop3A_885 = tpu.vector_load %arg11[%parallel_loop3A_883, %parallel_loop3A_884] {strides = array<i32>} : memref<3072x32xbf16, #tpu.memory_space<vmem>>, vector<32xbf16>,
        %parallel_loop3A_886 = tpu.unpack_subelements %parallel_loop3A_885, 0 {pack_format = #tpu.pack_format<interleaved>} : vector<32xbf16> -> vector<16xf32>
        %parallel_loop3A_887 = tpu.unpack_subelements %parallel_loop3A_885, 1 {pack_format = #tpu.pack_format<interleaved>} : vector<32xbf16> -> vector<16xf32>
        %parallel_loop3A_888 = arith.mulf %parallel_loop3A_880, %parallel_loop3A_886 : vector<16xf32>
        %parallel_loop3A_889 = arith.addf %parallel_loop3A_873, %parallel_loop3A_888 : vector<16xf32>
        %parallel_loop3A_890 = arith.mulf %parallel_loop3A_880, %parallel_loop3A_887 : vector<16xf32>
        %parallel_loop3A_891 = arith.addf %parallel_loop3A_875, %parallel_loop3A_890 : vector<16xf32>
        %parallel_loop3A_892 = arith.constant 4 : i32
        %parallel_loop3A_893 = vector.broadcast %parallel_loop3A_892 : i32 to vector<16xi32>
        %parallel_loop3A_894 = vector.shape_cast %parallel_loop3A_893 : vector<16xi32> to vector<16x1xi32>
        %parallel_loop3A_895 = vector.shape_cast %parallel_loop3A_894 : vector<16x1xi32> to vector<16xi32>
        %parallel_loop3A_896 = tpu.dynamic_gather %parallel_loop3A_827[%parallel_loop3A_895] in [0] : vector<16xf32>, vector<16xi32> -> vector<16xf32>
        %parallel_loop3A_897 = arith.constant 4 : i32
        %parallel_loop3A_898 = arith.addi %parallel_loop3A_825, %parallel_loop3A_897 : i32
        %parallel_loop3A_899 = arith.index_cast %parallel_loop3A_898 : i32 to index
        %parallel_loop3A_900 = arith.constant 0 : index
        %parallel_loop3A_901 = tpu.vector_load %arg11[%parallel_loop3A_899, %parallel_loop3A_900] {strides = array<i32>} : memref<3072x32xbf16, #tpu.memory_space<vmem>>, vector<32xbf16>,
        %parallel_loop3A_902 = tpu.unpack_subelements %parallel_loop3A_901, 0 {pack_format = #tpu.pack_format<interleaved>} : vector<32xbf16> -> vector<16xf32>
        %parallel_loop3A_903 = tpu.unpack_subelements %parallel_loop3A_901, 1 {pack_format = #tpu.pack_format<interleaved>} : vector<32xbf16> -> vector<16xf32>
        %parallel_loop3A_904 = arith.mulf %parallel_loop3A_896, %parallel_loop3A_902 : vector<16xf32>
        %parallel_loop3A_905 = arith.addf %parallel_loop3A_889, %parallel_loop3A_904 : vector<16xf32>
        %parallel_loop3A_906 = arith.mulf %parallel_loop3A_896, %parallel_loop3A_903 : vector<16xf32>
        %parallel_loop3A_907 = arith.addf %parallel_loop3A_891, %parallel_loop3A_906 : vector<16xf32>
        %parallel_loop3A_908 = arith.constant 5 : i32
        %parallel_loop3A_909 = vector.broadcast %parallel_loop3A_908 : i32 to vector<16xi32>
        %parallel_loop3A_910 = vector.shape_cast %parallel_loop3A_909 : vector<16xi32> to vector<16x1xi32>
        %parallel_loop3A_911 = vector.shape_cast %parallel_loop3A_910 : vector<16x1xi32> to vector<16xi32>
        %parallel_loop3A_912 = tpu.dynamic_gather %parallel_loop3A_827[%parallel_loop3A_911] in [0] : vector<16xf32>, vector<16xi32> -> vector<16xf32>
        %parallel_loop3A_913 = arith.constant 5 : i32
        %parallel_loop3A_914 = arith.addi %parallel_loop3A_825, %parallel_loop3A_913 : i32
        %parallel_loop3A_915 = arith.index_cast %parallel_loop3A_914 : i32 to index
        %parallel_loop3A_916 = arith.constant 0 : index
        %parallel_loop3A_917 = tpu.vector_load %arg11[%parallel_loop3A_915, %parallel_loop3A_916] {strides = array<i32>} : memref<3072x32xbf16, #tpu.memory_space<vmem>>, vector<32xbf16>,
        %parallel_loop3A_918 = tpu.unpack_subelements %parallel_loop3A_917, 0 {pack_format = #tpu.pack_format<interleaved>} : vector<32xbf16> -> vector<16xf32>
        %parallel_loop3A_919 = tpu.unpack_subelements %parallel_loop3A_917, 1 {pack_format = #tpu.pack_format<interleaved>} : vector<32xbf16> -> vector<16xf32>
        %parallel_loop3A_920 = arith.mulf %parallel_loop3A_912, %parallel_loop3A_918 : vector<16xf32>
        %parallel_loop3A_921 = arith.addf %parallel_loop3A_905, %parallel_loop3A_920 : vector<16xf32>
        %parallel_loop3A_922 = arith.mulf %parallel_loop3A_912, %parallel_loop3A_919 : vector<16xf32>
        %parallel_loop3A_923 = arith.addf %parallel_loop3A_907, %parallel_loop3A_922 : vector<16xf32>
        %parallel_loop3A_924 = arith.constant 6 : i32
        %parallel_loop3A_925 = vector.broadcast %parallel_loop3A_924 : i32 to vector<16xi32>
        %parallel_loop3A_926 = vector.shape_cast %parallel_loop3A_925 : vector<16xi32> to vector<16x1xi32>
        %parallel_loop3A_927 = vector.shape_cast %parallel_loop3A_926 : vector<16x1xi32> to vector<16xi32>
        %parallel_loop3A_928 = tpu.dynamic_gather %parallel_loop3A_827[%parallel_loop3A_927] in [0] : vector<16xf32>, vector<16xi32> -> vector<16xf32>
        %parallel_loop3A_929 = arith.constant 6 : i32
        %parallel_loop3A_930 = arith.addi %parallel_loop3A_825, %parallel_loop3A_929 : i32
        %parallel_loop3A_931 = arith.index_cast %parallel_loop3A_930 : i32 to index
        %parallel_loop3A_932 = arith.constant 0 : index
        %parallel_loop3A_933 = tpu.vector_load %arg11[%parallel_loop3A_931, %parallel_loop3A_932] {strides = array<i32>} : memref<3072x32xbf16, #tpu.memory_space<vmem>>, vector<32xbf16>,
        %parallel_loop3A_934 = tpu.unpack_subelements %parallel_loop3A_933, 0 {pack_format = #tpu.pack_format<interleaved>} : vector<32xbf16> -> vector<16xf32>
        %parallel_loop3A_935 = tpu.unpack_subelements %parallel_loop3A_933, 1 {pack_format = #tpu.pack_format<interleaved>} : vector<32xbf16> -> vector<16xf32>
        %parallel_loop3A_936 = arith.mulf %parallel_loop3A_928, %parallel_loop3A_934 : vector<16xf32>
        %parallel_loop3A_937 = arith.addf %parallel_loop3A_921, %parallel_loop3A_936 : vector<16xf32>
        %parallel_loop3A_938 = arith.mulf %parallel_loop3A_928, %parallel_loop3A_935 : vector<16xf32>
        %parallel_loop3A_939 = arith.addf %parallel_loop3A_923, %parallel_loop3A_938 : vector<16xf32>
        %parallel_loop3A_940 = arith.constant 7 : i32
        %parallel_loop3A_941 = vector.broadcast %parallel_loop3A_940 : i32 to vector<16xi32>
        %parallel_loop3A_942 = vector.shape_cast %parallel_loop3A_941 : vector<16xi32> to vector<16x1xi32>
        %parallel_loop3A_943 = vector.shape_cast %parallel_loop3A_942 : vector<16x1xi32> to vector<16xi32>
        %parallel_loop3A_944 = tpu.dynamic_gather %parallel_loop3A_827[%parallel_loop3A_943] in [0] : vector<16xf32>, vector<16xi32> -> vector<16xf32>
        %parallel_loop3A_945 = arith.constant 7 : i32
        %parallel_loop3A_946 = arith.addi %parallel_loop3A_825, %parallel_loop3A_945 : i32
        %parallel_loop3A_947 = arith.index_cast %parallel_loop3A_946 : i32 to index
        %parallel_loop3A_948 = arith.constant 0 : index
        %parallel_loop3A_949 = tpu.vector_load %arg11[%parallel_loop3A_947, %parallel_loop3A_948] {strides = array<i32>} : memref<3072x32xbf16, #tpu.memory_space<vmem>>, vector<32xbf16>,
        %parallel_loop3A_950 = tpu.unpack_subelements %parallel_loop3A_949, 0 {pack_format = #tpu.pack_format<interleaved>} : vector<32xbf16> -> vector<16xf32>
        %parallel_loop3A_951 = tpu.unpack_subelements %parallel_loop3A_949, 1 {pack_format = #tpu.pack_format<interleaved>} : vector<32xbf16> -> vector<16xf32>
        %parallel_loop3A_952 = arith.mulf %parallel_loop3A_944, %parallel_loop3A_950 : vector<16xf32>
        %parallel_loop3A_953 = arith.addf %parallel_loop3A_937, %parallel_loop3A_952 : vector<16xf32>
        %parallel_loop3A_954 = arith.mulf %parallel_loop3A_944, %parallel_loop3A_951 : vector<16xf32>
        %parallel_loop3A_955 = arith.addf %parallel_loop3A_939, %parallel_loop3A_954 : vector<16xf32>
        %parallel_loop3A_956 = arith.constant 8 : i32
        %parallel_loop3A_957 = vector.broadcast %parallel_loop3A_956 : i32 to vector<16xi32>
        %parallel_loop3A_958 = vector.shape_cast %parallel_loop3A_957 : vector<16xi32> to vector<16x1xi32>
        %parallel_loop3A_959 = vector.shape_cast %parallel_loop3A_958 : vector<16x1xi32> to vector<16xi32>
        %parallel_loop3A_960 = tpu.dynamic_gather %parallel_loop3A_827[%parallel_loop3A_959] in [0] : vector<16xf32>, vector<16xi32> -> vector<16xf32>
        %parallel_loop3A_961 = arith.constant 8 : i32
        %parallel_loop3A_962 = arith.addi %parallel_loop3A_825, %parallel_loop3A_961 : i32
        %parallel_loop3A_963 = arith.index_cast %parallel_loop3A_962 : i32 to index
        %parallel_loop3A_964 = arith.constant 0 : index
        %parallel_loop3A_965 = tpu.vector_load %arg11[%parallel_loop3A_963, %parallel_loop3A_964] {strides = array<i32>} : memref<3072x32xbf16, #tpu.memory_space<vmem>>, vector<32xbf16>,
        %parallel_loop3A_966 = tpu.unpack_subelements %parallel_loop3A_965, 0 {pack_format = #tpu.pack_format<interleaved>} : vector<32xbf16> -> vector<16xf32>
        %parallel_loop3A_967 = tpu.unpack_subelements %parallel_loop3A_965, 1 {pack_format = #tpu.pack_format<interleaved>} : vector<32xbf16> -> vector<16xf32>
        %parallel_loop3A_968 = arith.mulf %parallel_loop3A_960, %parallel_loop3A_966 : vector<16xf32>
        %parallel_loop3A_969 = arith.addf %parallel_loop3A_814, %parallel_loop3A_968 : vector<16xf32>
        %parallel_loop3A_970 = arith.mulf %parallel_loop3A_960, %parallel_loop3A_967 : vector<16xf32>
        %parallel_loop3A_971 = arith.addf %parallel_loop3A_816, %parallel_loop3A_970 : vector<16xf32>
        %parallel_loop3A_972 = arith.constant 9 : i32
        %parallel_loop3A_973 = vector.broadcast %parallel_loop3A_972 : i32 to vector<16xi32>
        %parallel_loop3A_974 = vector.shape_cast %parallel_loop3A_973 : vector<16xi32> to vector<16x1xi32>
        %parallel_loop3A_975 = vector.shape_cast %parallel_loop3A_974 : vector<16x1xi32> to vector<16xi32>
        %parallel_loop3A_976 = tpu.dynamic_gather %parallel_loop3A_827[%parallel_loop3A_975] in [0] : vector<16xf32>, vector<16xi32> -> vector<16xf32>
        %parallel_loop3A_977 = arith.constant 9 : i32
        %parallel_loop3A_978 = arith.addi %parallel_loop3A_825, %parallel_loop3A_977 : i32
        %parallel_loop3A_979 = arith.index_cast %parallel_loop3A_978 : i32 to index
        %parallel_loop3A_980 = arith.constant 0 : index
        %parallel_loop3A_981 = tpu.vector_load %arg11[%parallel_loop3A_979, %parallel_loop3A_980] {strides = array<i32>} : memref<3072x32xbf16, #tpu.memory_space<vmem>>, vector<32xbf16>,
        %parallel_loop3A_982 = tpu.unpack_subelements %parallel_loop3A_981, 0 {pack_format = #tpu.pack_format<interleaved>} : vector<32xbf16> -> vector<16xf32>
        %parallel_loop3A_983 = tpu.unpack_subelements %parallel_loop3A_981, 1 {pack_format = #tpu.pack_format<interleaved>} : vector<32xbf16> -> vector<16xf32>
        %parallel_loop3A_984 = arith.mulf %parallel_loop3A_976, %parallel_loop3A_982 : vector<16xf32>
        %parallel_loop3A_985 = arith.addf %parallel_loop3A_969, %parallel_loop3A_984 : vector<16xf32>
        %parallel_loop3A_986 = arith.mulf %parallel_loop3A_976, %parallel_loop3A_983 : vector<16xf32>
        %parallel_loop3A_987 = arith.addf %parallel_loop3A_971, %parallel_loop3A_986 : vector<16xf32>
        %parallel_loop3A_988 = arith.constant 10 : i32
        %parallel_loop3A_989 = vector.broadcast %parallel_loop3A_988 : i32 to vector<16xi32>
        %parallel_loop3A_990 = vector.shape_cast %parallel_loop3A_989 : vector<16xi32> to vector<16x1xi32>
        %parallel_loop3A_991 = vector.shape_cast %parallel_loop3A_990 : vector<16x1xi32> to vector<16xi32>
        %parallel_loop3A_992 = tpu.dynamic_gather %parallel_loop3A_827[%parallel_loop3A_991] in [0] : vector<16xf32>, vector<16xi32> -> vector<16xf32>
        %parallel_loop3A_993 = arith.constant 10 : i32
        %parallel_loop3A_994 = arith.addi %parallel_loop3A_825, %parallel_loop3A_993 : i32
        %parallel_loop3A_995 = arith.index_cast %parallel_loop3A_994 : i32 to index
        %parallel_loop3A_996 = arith.constant 0 : index
        %parallel_loop3A_997 = tpu.vector_load %arg11[%parallel_loop3A_995, %parallel_loop3A_996] {strides = array<i32>} : memref<3072x32xbf16, #tpu.memory_space<vmem>>, vector<32xbf16>,
        %parallel_loop3A_998 = tpu.unpack_subelements %parallel_loop3A_997, 0 {pack_format = #tpu.pack_format<interleaved>} : vector<32xbf16> -> vector<16xf32>
        %parallel_loop3A_999 = tpu.unpack_subelements %parallel_loop3A_997, 1 {pack_format = #tpu.pack_format<interleaved>} : vector<32xbf16> -> vector<16xf32>
        %parallel_loop3A_1000 = arith.mulf %parallel_loop3A_992, %parallel_loop3A_998 : vector<16xf32>
        %parallel_loop3A_1001 = arith.addf %parallel_loop3A_985, %parallel_loop3A_1000 : vector<16xf32>
        %parallel_loop3A_1002 = arith.mulf %parallel_loop3A_992, %parallel_loop3A_999 : vector<16xf32>
        %parallel_loop3A_1003 = arith.addf %parallel_loop3A_987, %parallel_loop3A_1002 : vector<16xf32>
        %parallel_loop3A_1004 = arith.constant 11 : i32
        %parallel_loop3A_1005 = vector.broadcast %parallel_loop3A_1004 : i32 to vector<16xi32>
        %parallel_loop3A_1006 = vector.shape_cast %parallel_loop3A_1005 : vector<16xi32> to vector<16x1xi32>
        %parallel_loop3A_1007 = vector.shape_cast %parallel_loop3A_1006 : vector<16x1xi32> to vector<16xi32>
        %parallel_loop3A_1008 = tpu.dynamic_gather %parallel_loop3A_827[%parallel_loop3A_1007] in [0] : vector<16xf32>, vector<16xi32> -> vector<16xf32>
        %parallel_loop3A_1009 = arith.constant 11 : i32
        %parallel_loop3A_1010 = arith.addi %parallel_loop3A_825, %parallel_loop3A_1009 : i32
        %parallel_loop3A_1011 = arith.index_cast %parallel_loop3A_1010 : i32 to index
        %parallel_loop3A_1012 = arith.constant 0 : index
        %parallel_loop3A_1013 = tpu.vector_load %arg11[%parallel_loop3A_1011, %parallel_loop3A_1012] {strides = array<i32>} : memref<3072x32xbf16, #tpu.memory_space<vmem>>, vector<32xbf16>,
        %parallel_loop3A_1014 = tpu.unpack_subelements %parallel_loop3A_1013, 0 {pack_format = #tpu.pack_format<interleaved>} : vector<32xbf16> -> vector<16xf32>
        %parallel_loop3A_1015 = tpu.unpack_subelements %parallel_loop3A_1013, 1 {pack_format = #tpu.pack_format<interleaved>} : vector<32xbf16> -> vector<16xf32>
        %parallel_loop3A_1016 = arith.mulf %parallel_loop3A_1008, %parallel_loop3A_1014 : vector<16xf32>
        %parallel_loop3A_1017 = arith.addf %parallel_loop3A_1001, %parallel_loop3A_1016 : vector<16xf32>
        %parallel_loop3A_1018 = arith.mulf %parallel_loop3A_1008, %parallel_loop3A_1015 : vector<16xf32>
        %parallel_loop3A_1019 = arith.addf %parallel_loop3A_1003, %parallel_loop3A_1018 : vector<16xf32>
        %parallel_loop3A_1020 = arith.constant 12 : i32
        %parallel_loop3A_1021 = vector.broadcast %parallel_loop3A_1020 : i32 to vector<16xi32>
        %parallel_loop3A_1022 = vector.shape_cast %parallel_loop3A_1021 : vector<16xi32> to vector<16x1xi32>
        %parallel_loop3A_1023 = vector.shape_cast %parallel_loop3A_1022 : vector<16x1xi32> to vector<16xi32>
        %parallel_loop3A_1024 = tpu.dynamic_gather %parallel_loop3A_827[%parallel_loop3A_1023] in [0] : vector<16xf32>, vector<16xi32> -> vector<16xf32>
        %parallel_loop3A_1025 = arith.constant 12 : i32
        %parallel_loop3A_1026 = arith.addi %parallel_loop3A_825, %parallel_loop3A_1025 : i32
        %parallel_loop3A_1027 = arith.index_cast %parallel_loop3A_1026 : i32 to index
        %parallel_loop3A_1028 = arith.constant 0 : index
        %parallel_loop3A_1029 = tpu.vector_load %arg11[%parallel_loop3A_1027, %parallel_loop3A_1028] {strides = array<i32>} : memref<3072x32xbf16, #tpu.memory_space<vmem>>, vector<32xbf16>,
        %parallel_loop3A_1030 = tpu.unpack_subelements %parallel_loop3A_1029, 0 {pack_format = #tpu.pack_format<interleaved>} : vector<32xbf16> -> vector<16xf32>
        %parallel_loop3A_1031 = tpu.unpack_subelements %parallel_loop3A_1029, 1 {pack_format = #tpu.pack_format<interleaved>} : vector<32xbf16> -> vector<16xf32>
        %parallel_loop3A_1032 = arith.mulf %parallel_loop3A_1024, %parallel_loop3A_1030 : vector<16xf32>
        %parallel_loop3A_1033 = arith.addf %parallel_loop3A_1017, %parallel_loop3A_1032 : vector<16xf32>
        %parallel_loop3A_1034 = arith.mulf %parallel_loop3A_1024, %parallel_loop3A_1031 : vector<16xf32>
        %parallel_loop3A_1035 = arith.addf %parallel_loop3A_1019, %parallel_loop3A_1034 : vector<16xf32>
        %parallel_loop3A_1036 = arith.constant 13 : i32
        %parallel_loop3A_1037 = vector.broadcast %parallel_loop3A_1036 : i32 to vector<16xi32>
        %parallel_loop3A_1038 = vector.shape_cast %parallel_loop3A_1037 : vector<16xi32> to vector<16x1xi32>
        %parallel_loop3A_1039 = vector.shape_cast %parallel_loop3A_1038 : vector<16x1xi32> to vector<16xi32>
        %parallel_loop3A_1040 = tpu.dynamic_gather %parallel_loop3A_827[%parallel_loop3A_1039] in [0] : vector<16xf32>, vector<16xi32> -> vector<16xf32>
        %parallel_loop3A_1041 = arith.constant 13 : i32
        %parallel_loop3A_1042 = arith.addi %parallel_loop3A_825, %parallel_loop3A_1041 : i32
        %parallel_loop3A_1043 = arith.index_cast %parallel_loop3A_1042 : i32 to index
        %parallel_loop3A_1044 = arith.constant 0 : index
        %parallel_loop3A_1045 = tpu.vector_load %arg11[%parallel_loop3A_1043, %parallel_loop3A_1044] {strides = array<i32>} : memref<3072x32xbf16, #tpu.memory_space<vmem>>, vector<32xbf16>,
        %parallel_loop3A_1046 = tpu.unpack_subelements %parallel_loop3A_1045, 0 {pack_format = #tpu.pack_format<interleaved>} : vector<32xbf16> -> vector<16xf32>
        %parallel_loop3A_1047 = tpu.unpack_subelements %parallel_loop3A_1045, 1 {pack_format = #tpu.pack_format<interleaved>} : vector<32xbf16> -> vector<16xf32>
        %parallel_loop3A_1048 = arith.mulf %parallel_loop3A_1040, %parallel_loop3A_1046 : vector<16xf32>
        %parallel_loop3A_1049 = arith.addf %parallel_loop3A_1033, %parallel_loop3A_1048 : vector<16xf32>
        %parallel_loop3A_1050 = arith.mulf %parallel_loop3A_1040, %parallel_loop3A_1047 : vector<16xf32>
        %parallel_loop3A_1051 = arith.addf %parallel_loop3A_1035, %parallel_loop3A_1050 : vector<16xf32>
        %parallel_loop3A_1052 = arith.constant 14 : i32
        %parallel_loop3A_1053 = vector.broadcast %parallel_loop3A_1052 : i32 to vector<16xi32>
        %parallel_loop3A_1054 = vector.shape_cast %parallel_loop3A_1053 : vector<16xi32> to vector<16x1xi32>
        %parallel_loop3A_1055 = vector.shape_cast %parallel_loop3A_1054 : vector<16x1xi32> to vector<16xi32>
        %parallel_loop3A_1056 = tpu.dynamic_gather %parallel_loop3A_827[%parallel_loop3A_1055] in [0] : vector<16xf32>, vector<16xi32> -> vector<16xf32>
        %parallel_loop3A_1057 = arith.constant 14 : i32
        %parallel_loop3A_1058 = arith.addi %parallel_loop3A_825, %parallel_loop3A_1057 : i32
        %parallel_loop3A_1059 = arith.index_cast %parallel_loop3A_1058 : i32 to index
        %parallel_loop3A_1060 = arith.constant 0 : index
        %parallel_loop3A_1061 = tpu.vector_load %arg11[%parallel_loop3A_1059, %parallel_loop3A_1060] {strides = array<i32>} : memref<3072x32xbf16, #tpu.memory_space<vmem>>, vector<32xbf16>,
        %parallel_loop3A_1062 = tpu.unpack_subelements %parallel_loop3A_1061, 0 {pack_format = #tpu.pack_format<interleaved>} : vector<32xbf16> -> vector<16xf32>
        %parallel_loop3A_1063 = tpu.unpack_subelements %parallel_loop3A_1061, 1 {pack_format = #tpu.pack_format<interleaved>} : vector<32xbf16> -> vector<16xf32>
        %parallel_loop3A_1064 = arith.mulf %parallel_loop3A_1056, %parallel_loop3A_1062 : vector<16xf32>
        %parallel_loop3A_1065 = arith.addf %parallel_loop3A_1049, %parallel_loop3A_1064 : vector<16xf32>
        %parallel_loop3A_1066 = arith.mulf %parallel_loop3A_1056, %parallel_loop3A_1063 : vector<16xf32>
        %parallel_loop3A_1067 = arith.addf %parallel_loop3A_1051, %parallel_loop3A_1066 : vector<16xf32>
        %parallel_loop3A_1068 = arith.constant 15 : i32
        %parallel_loop3A_1069 = vector.broadcast %parallel_loop3A_1068 : i32 to vector<16xi32>
        %parallel_loop3A_1070 = vector.shape_cast %parallel_loop3A_1069 : vector<16xi32> to vector<16x1xi32>
        %parallel_loop3A_1071 = vector.shape_cast %parallel_loop3A_1070 : vector<16x1xi32> to vector<16xi32>
        %parallel_loop3A_1072 = tpu.dynamic_gather %parallel_loop3A_827[%parallel_loop3A_1071] in [0] : vector<16xf32>, vector<16xi32> -> vector<16xf32>
        %parallel_loop3A_1073 = arith.constant 15 : i32
        %parallel_loop3A_1074 = arith.addi %parallel_loop3A_825, %parallel_loop3A_1073 : i32
        %parallel_loop3A_1075 = arith.index_cast %parallel_loop3A_1074 : i32 to index
        %parallel_loop3A_1076 = arith.constant 0 : index
        %parallel_loop3A_1077 = tpu.vector_load %arg11[%parallel_loop3A_1075, %parallel_loop3A_1076] {strides = array<i32>} : memref<3072x32xbf16, #tpu.memory_space<vmem>>, vector<32xbf16>,
        %parallel_loop3A_1078 = tpu.unpack_subelements %parallel_loop3A_1077, 0 {pack_format = #tpu.pack_format<interleaved>} : vector<32xbf16> -> vector<16xf32>
        %parallel_loop3A_1079 = tpu.unpack_subelements %parallel_loop3A_1077, 1 {pack_format = #tpu.pack_format<interleaved>} : vector<32xbf16> -> vector<16xf32>
        %parallel_loop3A_1080 = arith.mulf %parallel_loop3A_1072, %parallel_loop3A_1078 : vector<16xf32>
        %parallel_loop3A_1081 = arith.addf %parallel_loop3A_1065, %parallel_loop3A_1080 : vector<16xf32>
        %parallel_loop3A_1082 = arith.mulf %parallel_loop3A_1072, %parallel_loop3A_1079 : vector<16xf32>
        %parallel_loop3A_1083 = arith.addf %parallel_loop3A_1067, %parallel_loop3A_1082 : vector<16xf32>
        %parallel_loop3A_1084 = arith.constant 128 : i32
        %parallel_loop3A_1085 = arith.muli %parallel_loop3A_258, %parallel_loop3A_1084 : i32
        %parallel_loop3A_1086 = arith.constant 1536 : i32
        %parallel_loop3A_1087 = arith.addi %parallel_loop3A_1086, %parallel_loop3A_1085 : i32
        %parallel_loop3A_1088 = arith.constant 64 : i32
        %parallel_loop3A_1089 = arith.addi %parallel_loop3A_1087, %parallel_loop3A_1088 : i32
        %parallel_loop3A_1090 = arith.constant 16 : i32
        %parallel_loop3A_1091 = arith.muli %parallel_loop3A_274, %parallel_loop3A_1090 : i32
        %parallel_loop3A_1092 = arith.addi %parallel_loop3A_1089, %parallel_loop3A_1091 : i32
        %parallel_loop3A_1093 = arith.index_cast %parallel_loop3A_1092 : i32 to index
        %parallel_loop3A_1094 = tpu.vector_load %arg9[%parallel_loop3A_1093] {strides = array<i32>} : memref<3072xf32, #tpu.memory_space<vmem>>, vector<16xf32>,
        %parallel_loop3A_1095 = arith.constant 0 : i32
        %parallel_loop3A_1096 = vector.broadcast %parallel_loop3A_1095 : i32 to vector<16xi32>
        %parallel_loop3A_1097 = vector.shape_cast %parallel_loop3A_1096 : vector<16xi32> to vector<16x1xi32>
        %parallel_loop3A_1098 = vector.shape_cast %parallel_loop3A_1097 : vector<16x1xi32> to vector<16xi32>
        %parallel_loop3A_1099 = tpu.dynamic_gather %parallel_loop3A_1094[%parallel_loop3A_1098] in [0] : vector<16xf32>, vector<16xi32> -> vector<16xf32>
        %parallel_loop3A_1100 = arith.constant 0 : i32
        %parallel_loop3A_1101 = arith.addi %parallel_loop3A_1092, %parallel_loop3A_1100 : i32
        %parallel_loop3A_1102 = arith.index_cast %parallel_loop3A_1101 : i32 to index
        %parallel_loop3A_1103 = arith.constant 0 : index
        %parallel_loop3A_1104 = tpu.vector_load %arg11[%parallel_loop3A_1102, %parallel_loop3A_1103] {strides = array<i32>} : memref<3072x32xbf16, #tpu.memory_space<vmem>>, vector<32xbf16>,
        %parallel_loop3A_1105 = tpu.unpack_subelements %parallel_loop3A_1104, 0 {pack_format = #tpu.pack_format<interleaved>} : vector<32xbf16> -> vector<16xf32>
        %parallel_loop3A_1106 = tpu.unpack_subelements %parallel_loop3A_1104, 1 {pack_format = #tpu.pack_format<interleaved>} : vector<32xbf16> -> vector<16xf32>
        %parallel_loop3A_1107 = arith.mulf %parallel_loop3A_1099, %parallel_loop3A_1105 : vector<16xf32>
        %parallel_loop3A_1108 = arith.addf %parallel_loop3A_953, %parallel_loop3A_1107 : vector<16xf32>
        %parallel_loop3A_1109 = arith.mulf %parallel_loop3A_1099, %parallel_loop3A_1106 : vector<16xf32>
        %parallel_loop3A_1110 = arith.addf %parallel_loop3A_955, %parallel_loop3A_1109 : vector<16xf32>
        %parallel_loop3A_1111 = arith.constant 1 : i32
        %parallel_loop3A_1112 = vector.broadcast %parallel_loop3A_1111 : i32 to vector<16xi32>
        %parallel_loop3A_1113 = vector.shape_cast %parallel_loop3A_1112 : vector<16xi32> to vector<16x1xi32>
        %parallel_loop3A_1114 = vector.shape_cast %parallel_loop3A_1113 : vector<16x1xi32> to vector<16xi32>
        %parallel_loop3A_1115 = tpu.dynamic_gather %parallel_loop3A_1094[%parallel_loop3A_1114] in [0] : vector<16xf32>, vector<16xi32> -> vector<16xf32>
        %parallel_loop3A_1116 = arith.constant 1 : i32
        %parallel_loop3A_1117 = arith.addi %parallel_loop3A_1092, %parallel_loop3A_1116 : i32
        %parallel_loop3A_1118 = arith.index_cast %parallel_loop3A_1117 : i32 to index
        %parallel_loop3A_1119 = arith.constant 0 : index
        %parallel_loop3A_1120 = tpu.vector_load %arg11[%parallel_loop3A_1118, %parallel_loop3A_1119] {strides = array<i32>} : memref<3072x32xbf16, #tpu.memory_space<vmem>>, vector<32xbf16>,
        %parallel_loop3A_1121 = tpu.unpack_subelements %parallel_loop3A_1120, 0 {pack_format = #tpu.pack_format<interleaved>} : vector<32xbf16> -> vector<16xf32>
        %parallel_loop3A_1122 = tpu.unpack_subelements %parallel_loop3A_1120, 1 {pack_format = #tpu.pack_format<interleaved>} : vector<32xbf16> -> vector<16xf32>
        %parallel_loop3A_1123 = arith.mulf %parallel_loop3A_1115, %parallel_loop3A_1121 : vector<16xf32>
        %parallel_loop3A_1124 = arith.addf %parallel_loop3A_1108, %parallel_loop3A_1123 : vector<16xf32>
        %parallel_loop3A_1125 = arith.mulf %parallel_loop3A_1115, %parallel_loop3A_1122 : vector<16xf32>
        %parallel_loop3A_1126 = arith.addf %parallel_loop3A_1110, %parallel_loop3A_1125 : vector<16xf32>
        %parallel_loop3A_1127 = arith.constant 2 : i32
        %parallel_loop3A_1128 = vector.broadcast %parallel_loop3A_1127 : i32 to vector<16xi32>
        %parallel_loop3A_1129 = vector.shape_cast %parallel_loop3A_1128 : vector<16xi32> to vector<16x1xi32>
        %parallel_loop3A_1130 = vector.shape_cast %parallel_loop3A_1129 : vector<16x1xi32> to vector<16xi32>
        %parallel_loop3A_1131 = tpu.dynamic_gather %parallel_loop3A_1094[%parallel_loop3A_1130] in [0] : vector<16xf32>, vector<16xi32> -> vector<16xf32>
        %parallel_loop3A_1132 = arith.constant 2 : i32
        %parallel_loop3A_1133 = arith.addi %parallel_loop3A_1092, %parallel_loop3A_1132 : i32
        %parallel_loop3A_1134 = arith.index_cast %parallel_loop3A_1133 : i32 to index
        %parallel_loop3A_1135 = arith.constant 0 : index
        %parallel_loop3A_1136 = tpu.vector_load %arg11[%parallel_loop3A_1134, %parallel_loop3A_1135] {strides = array<i32>} : memref<3072x32xbf16, #tpu.memory_space<vmem>>, vector<32xbf16>,
        %parallel_loop3A_1137 = tpu.unpack_subelements %parallel_loop3A_1136, 0 {pack_format = #tpu.pack_format<interleaved>} : vector<32xbf16> -> vector<16xf32>
        %parallel_loop3A_1138 = tpu.unpack_subelements %parallel_loop3A_1136, 1 {pack_format = #tpu.pack_format<interleaved>} : vector<32xbf16> -> vector<16xf32>
        %parallel_loop3A_1139 = arith.mulf %parallel_loop3A_1131, %parallel_loop3A_1137 : vector<16xf32>
        %parallel_loop3A_1140 = arith.addf %parallel_loop3A_1124, %parallel_loop3A_1139 : vector<16xf32>
        %parallel_loop3A_1141 = arith.mulf %parallel_loop3A_1131, %parallel_loop3A_1138 : vector<16xf32>
        %parallel_loop3A_1142 = arith.addf %parallel_loop3A_1126, %parallel_loop3A_1141 : vector<16xf32>
        %parallel_loop3A_1143 = arith.constant 3 : i32
        %parallel_loop3A_1144 = vector.broadcast %parallel_loop3A_1143 : i32 to vector<16xi32>
        %parallel_loop3A_1145 = vector.shape_cast %parallel_loop3A_1144 : vector<16xi32> to vector<16x1xi32>
        %parallel_loop3A_1146 = vector.shape_cast %parallel_loop3A_1145 : vector<16x1xi32> to vector<16xi32>
        %parallel_loop3A_1147 = tpu.dynamic_gather %parallel_loop3A_1094[%parallel_loop3A_1146] in [0] : vector<16xf32>, vector<16xi32> -> vector<16xf32>
        %parallel_loop3A_1148 = arith.constant 3 : i32
        %parallel_loop3A_1149 = arith.addi %parallel_loop3A_1092, %parallel_loop3A_1148 : i32
        %parallel_loop3A_1150 = arith.index_cast %parallel_loop3A_1149 : i32 to index
        %parallel_loop3A_1151 = arith.constant 0 : index
        %parallel_loop3A_1152 = tpu.vector_load %arg11[%parallel_loop3A_1150, %parallel_loop3A_1151] {strides = array<i32>} : memref<3072x32xbf16, #tpu.memory_space<vmem>>, vector<32xbf16>,
        %parallel_loop3A_1153 = tpu.unpack_subelements %parallel_loop3A_1152, 0 {pack_format = #tpu.pack_format<interleaved>} : vector<32xbf16> -> vector<16xf32>
        %parallel_loop3A_1154 = tpu.unpack_subelements %parallel_loop3A_1152, 1 {pack_format = #tpu.pack_format<interleaved>} : vector<32xbf16> -> vector<16xf32>
        %parallel_loop3A_1155 = arith.mulf %parallel_loop3A_1147, %parallel_loop3A_1153 : vector<16xf32>
        %parallel_loop3A_1156 = arith.addf %parallel_loop3A_1140, %parallel_loop3A_1155 : vector<16xf32>
        %parallel_loop3A_1157 = arith.mulf %parallel_loop3A_1147, %parallel_loop3A_1154 : vector<16xf32>
        %parallel_loop3A_1158 = arith.addf %parallel_loop3A_1142, %parallel_loop3A_1157 : vector<16xf32>
        %parallel_loop3A_1159 = arith.constant 4 : i32
        %parallel_loop3A_1160 = vector.broadcast %parallel_loop3A_1159 : i32 to vector<16xi32>
        %parallel_loop3A_1161 = vector.shape_cast %parallel_loop3A_1160 : vector<16xi32> to vector<16x1xi32>
        %parallel_loop3A_1162 = vector.shape_cast %parallel_loop3A_1161 : vector<16x1xi32> to vector<16xi32>
        %parallel_loop3A_1163 = tpu.dynamic_gather %parallel_loop3A_1094[%parallel_loop3A_1162] in [0] : vector<16xf32>, vector<16xi32> -> vector<16xf32>
        %parallel_loop3A_1164 = arith.constant 4 : i32
        %parallel_loop3A_1165 = arith.addi %parallel_loop3A_1092, %parallel_loop3A_1164 : i32
        %parallel_loop3A_1166 = arith.index_cast %parallel_loop3A_1165 : i32 to index
        %parallel_loop3A_1167 = arith.constant 0 : index
        %parallel_loop3A_1168 = tpu.vector_load %arg11[%parallel_loop3A_1166, %parallel_loop3A_1167] {strides = array<i32>} : memref<3072x32xbf16, #tpu.memory_space<vmem>>, vector<32xbf16>,
        %parallel_loop3A_1169 = tpu.unpack_subelements %parallel_loop3A_1168, 0 {pack_format = #tpu.pack_format<interleaved>} : vector<32xbf16> -> vector<16xf32>
        %parallel_loop3A_1170 = tpu.unpack_subelements %parallel_loop3A_1168, 1 {pack_format = #tpu.pack_format<interleaved>} : vector<32xbf16> -> vector<16xf32>
        %parallel_loop3A_1171 = arith.mulf %parallel_loop3A_1163, %parallel_loop3A_1169 : vector<16xf32>
        %parallel_loop3A_1172 = arith.addf %parallel_loop3A_1156, %parallel_loop3A_1171 : vector<16xf32>
        %parallel_loop3A_1173 = arith.mulf %parallel_loop3A_1163, %parallel_loop3A_1170 : vector<16xf32>
        %parallel_loop3A_1174 = arith.addf %parallel_loop3A_1158, %parallel_loop3A_1173 : vector<16xf32>
        %parallel_loop3A_1175 = arith.constant 5 : i32
        %parallel_loop3A_1176 = vector.broadcast %parallel_loop3A_1175 : i32 to vector<16xi32>
        %parallel_loop3A_1177 = vector.shape_cast %parallel_loop3A_1176 : vector<16xi32> to vector<16x1xi32>
        %parallel_loop3A_1178 = vector.shape_cast %parallel_loop3A_1177 : vector<16x1xi32> to vector<16xi32>
        %parallel_loop3A_1179 = tpu.dynamic_gather %parallel_loop3A_1094[%parallel_loop3A_1178] in [0] : vector<16xf32>, vector<16xi32> -> vector<16xf32>
        %parallel_loop3A_1180 = arith.constant 5 : i32
        %parallel_loop3A_1181 = arith.addi %parallel_loop3A_1092, %parallel_loop3A_1180 : i32
        %parallel_loop3A_1182 = arith.index_cast %parallel_loop3A_1181 : i32 to index
        %parallel_loop3A_1183 = arith.constant 0 : index
        %parallel_loop3A_1184 = tpu.vector_load %arg11[%parallel_loop3A_1182, %parallel_loop3A_1183] {strides = array<i32>} : memref<3072x32xbf16, #tpu.memory_space<vmem>>, vector<32xbf16>,
        %parallel_loop3A_1185 = tpu.unpack_subelements %parallel_loop3A_1184, 0 {pack_format = #tpu.pack_format<interleaved>} : vector<32xbf16> -> vector<16xf32>
        %parallel_loop3A_1186 = tpu.unpack_subelements %parallel_loop3A_1184, 1 {pack_format = #tpu.pack_format<interleaved>} : vector<32xbf16> -> vector<16xf32>
        %parallel_loop3A_1187 = arith.mulf %parallel_loop3A_1179, %parallel_loop3A_1185 : vector<16xf32>
        %parallel_loop3A_1188 = arith.addf %parallel_loop3A_1172, %parallel_loop3A_1187 : vector<16xf32>
        %parallel_loop3A_1189 = arith.mulf %parallel_loop3A_1179, %parallel_loop3A_1186 : vector<16xf32>
        %parallel_loop3A_1190 = arith.addf %parallel_loop3A_1174, %parallel_loop3A_1189 : vector<16xf32>
        %parallel_loop3A_1191 = arith.constant 6 : i32
        %parallel_loop3A_1192 = vector.broadcast %parallel_loop3A_1191 : i32 to vector<16xi32>
        %parallel_loop3A_1193 = vector.shape_cast %parallel_loop3A_1192 : vector<16xi32> to vector<16x1xi32>
        %parallel_loop3A_1194 = vector.shape_cast %parallel_loop3A_1193 : vector<16x1xi32> to vector<16xi32>
        %parallel_loop3A_1195 = tpu.dynamic_gather %parallel_loop3A_1094[%parallel_loop3A_1194] in [0] : vector<16xf32>, vector<16xi32> -> vector<16xf32>
        %parallel_loop3A_1196 = arith.constant 6 : i32
        %parallel_loop3A_1197 = arith.addi %parallel_loop3A_1092, %parallel_loop3A_1196 : i32
        %parallel_loop3A_1198 = arith.index_cast %parallel_loop3A_1197 : i32 to index
        %parallel_loop3A_1199 = arith.constant 0 : index
        %parallel_loop3A_1200 = tpu.vector_load %arg11[%parallel_loop3A_1198, %parallel_loop3A_1199] {strides = array<i32>} : memref<3072x32xbf16, #tpu.memory_space<vmem>>, vector<32xbf16>,
        %parallel_loop3A_1201 = tpu.unpack_subelements %parallel_loop3A_1200, 0 {pack_format = #tpu.pack_format<interleaved>} : vector<32xbf16> -> vector<16xf32>
        %parallel_loop3A_1202 = tpu.unpack_subelements %parallel_loop3A_1200, 1 {pack_format = #tpu.pack_format<interleaved>} : vector<32xbf16> -> vector<16xf32>
        %parallel_loop3A_1203 = arith.mulf %parallel_loop3A_1195, %parallel_loop3A_1201 : vector<16xf32>
        %parallel_loop3A_1204 = arith.addf %parallel_loop3A_1188, %parallel_loop3A_1203 : vector<16xf32>
        %parallel_loop3A_1205 = arith.mulf %parallel_loop3A_1195, %parallel_loop3A_1202 : vector<16xf32>
        %parallel_loop3A_1206 = arith.addf %parallel_loop3A_1190, %parallel_loop3A_1205 : vector<16xf32>
        %parallel_loop3A_1207 = arith.constant 7 : i32
        %parallel_loop3A_1208 = vector.broadcast %parallel_loop3A_1207 : i32 to vector<16xi32>
        %parallel_loop3A_1209 = vector.shape_cast %parallel_loop3A_1208 : vector<16xi32> to vector<16x1xi32>
        %parallel_loop3A_1210 = vector.shape_cast %parallel_loop3A_1209 : vector<16x1xi32> to vector<16xi32>
        %parallel_loop3A_1211 = tpu.dynamic_gather %parallel_loop3A_1094[%parallel_loop3A_1210] in [0] : vector<16xf32>, vector<16xi32> -> vector<16xf32>
        %parallel_loop3A_1212 = arith.constant 7 : i32
        %parallel_loop3A_1213 = arith.addi %parallel_loop3A_1092, %parallel_loop3A_1212 : i32
        %parallel_loop3A_1214 = arith.index_cast %parallel_loop3A_1213 : i32 to index
        %parallel_loop3A_1215 = arith.constant 0 : index
        %parallel_loop3A_1216 = tpu.vector_load %arg11[%parallel_loop3A_1214, %parallel_loop3A_1215] {strides = array<i32>} : memref<3072x32xbf16, #tpu.memory_space<vmem>>, vector<32xbf16>,
        %parallel_loop3A_1217 = tpu.unpack_subelements %parallel_loop3A_1216, 0 {pack_format = #tpu.pack_format<interleaved>} : vector<32xbf16> -> vector<16xf32>
        %parallel_loop3A_1218 = tpu.unpack_subelements %parallel_loop3A_1216, 1 {pack_format = #tpu.pack_format<interleaved>} : vector<32xbf16> -> vector<16xf32>
        %parallel_loop3A_1219 = arith.mulf %parallel_loop3A_1211, %parallel_loop3A_1217 : vector<16xf32>
        %parallel_loop3A_1220 = arith.addf %parallel_loop3A_1204, %parallel_loop3A_1219 : vector<16xf32>
        %parallel_loop3A_1221 = arith.mulf %parallel_loop3A_1211, %parallel_loop3A_1218 : vector<16xf32>
        %parallel_loop3A_1222 = arith.addf %parallel_loop3A_1206, %parallel_loop3A_1221 : vector<16xf32>
        %parallel_loop3A_1223 = arith.constant 8 : i32
        %parallel_loop3A_1224 = vector.broadcast %parallel_loop3A_1223 : i32 to vector<16xi32>
        %parallel_loop3A_1225 = vector.shape_cast %parallel_loop3A_1224 : vector<16xi32> to vector<16x1xi32>
        %parallel_loop3A_1226 = vector.shape_cast %parallel_loop3A_1225 : vector<16x1xi32> to vector<16xi32>
        %parallel_loop3A_1227 = tpu.dynamic_gather %parallel_loop3A_1094[%parallel_loop3A_1226] in [0] : vector<16xf32>, vector<16xi32> -> vector<16xf32>
        %parallel_loop3A_1228 = arith.constant 8 : i32
        %parallel_loop3A_1229 = arith.addi %parallel_loop3A_1092, %parallel_loop3A_1228 : i32
        %parallel_loop3A_1230 = arith.index_cast %parallel_loop3A_1229 : i32 to index
        %parallel_loop3A_1231 = arith.constant 0 : index
        %parallel_loop3A_1232 = tpu.vector_load %arg11[%parallel_loop3A_1230, %parallel_loop3A_1231] {strides = array<i32>} : memref<3072x32xbf16, #tpu.memory_space<vmem>>, vector<32xbf16>,
        %parallel_loop3A_1233 = tpu.unpack_subelements %parallel_loop3A_1232, 0 {pack_format = #tpu.pack_format<interleaved>} : vector<32xbf16> -> vector<16xf32>
        %parallel_loop3A_1234 = tpu.unpack_subelements %parallel_loop3A_1232, 1 {pack_format = #tpu.pack_format<interleaved>} : vector<32xbf16> -> vector<16xf32>
        %parallel_loop3A_1235 = arith.mulf %parallel_loop3A_1227, %parallel_loop3A_1233 : vector<16xf32>
        %parallel_loop3A_1236 = arith.addf %parallel_loop3A_1081, %parallel_loop3A_1235 : vector<16xf32>
        %parallel_loop3A_1237 = arith.mulf %parallel_loop3A_1227, %parallel_loop3A_1234 : vector<16xf32>
        %parallel_loop3A_1238 = arith.addf %parallel_loop3A_1083, %parallel_loop3A_1237 : vector<16xf32>
        %parallel_loop3A_1239 = arith.constant 9 : i32
        %parallel_loop3A_1240 = vector.broadcast %parallel_loop3A_1239 : i32 to vector<16xi32>
        %parallel_loop3A_1241 = vector.shape_cast %parallel_loop3A_1240 : vector<16xi32> to vector<16x1xi32>
        %parallel_loop3A_1242 = vector.shape_cast %parallel_loop3A_1241 : vector<16x1xi32> to vector<16xi32>
        %parallel_loop3A_1243 = tpu.dynamic_gather %parallel_loop3A_1094[%parallel_loop3A_1242] in [0] : vector<16xf32>, vector<16xi32> -> vector<16xf32>
        %parallel_loop3A_1244 = arith.constant 9 : i32
        %parallel_loop3A_1245 = arith.addi %parallel_loop3A_1092, %parallel_loop3A_1244 : i32
        %parallel_loop3A_1246 = arith.index_cast %parallel_loop3A_1245 : i32 to index
        %parallel_loop3A_1247 = arith.constant 0 : index
        %parallel_loop3A_1248 = tpu.vector_load %arg11[%parallel_loop3A_1246, %parallel_loop3A_1247] {strides = array<i32>} : memref<3072x32xbf16, #tpu.memory_space<vmem>>, vector<32xbf16>,
        %parallel_loop3A_1249 = tpu.unpack_subelements %parallel_loop3A_1248, 0 {pack_format = #tpu.pack_format<interleaved>} : vector<32xbf16> -> vector<16xf32>
        %parallel_loop3A_1250 = tpu.unpack_subelements %parallel_loop3A_1248, 1 {pack_format = #tpu.pack_format<interleaved>} : vector<32xbf16> -> vector<16xf32>
        %parallel_loop3A_1251 = arith.mulf %parallel_loop3A_1243, %parallel_loop3A_1249 : vector<16xf32>
        %parallel_loop3A_1252 = arith.addf %parallel_loop3A_1236, %parallel_loop3A_1251 : vector<16xf32>
        %parallel_loop3A_1253 = arith.mulf %parallel_loop3A_1243, %parallel_loop3A_1250 : vector<16xf32>
        %parallel_loop3A_1254 = arith.addf %parallel_loop3A_1238, %parallel_loop3A_1253 : vector<16xf32>
        %parallel_loop3A_1255 = arith.constant 10 : i32
        %parallel_loop3A_1256 = vector.broadcast %parallel_loop3A_1255 : i32 to vector<16xi32>
        %parallel_loop3A_1257 = vector.shape_cast %parallel_loop3A_1256 : vector<16xi32> to vector<16x1xi32>
        %parallel_loop3A_1258 = vector.shape_cast %parallel_loop3A_1257 : vector<16x1xi32> to vector<16xi32>
        %parallel_loop3A_1259 = tpu.dynamic_gather %parallel_loop3A_1094[%parallel_loop3A_1258] in [0] : vector<16xf32>, vector<16xi32> -> vector<16xf32>
        %parallel_loop3A_1260 = arith.constant 10 : i32
        %parallel_loop3A_1261 = arith.addi %parallel_loop3A_1092, %parallel_loop3A_1260 : i32
        %parallel_loop3A_1262 = arith.index_cast %parallel_loop3A_1261 : i32 to index
        %parallel_loop3A_1263 = arith.constant 0 : index
        %parallel_loop3A_1264 = tpu.vector_load %arg11[%parallel_loop3A_1262, %parallel_loop3A_1263] {strides = array<i32>} : memref<3072x32xbf16, #tpu.memory_space<vmem>>, vector<32xbf16>,
        %parallel_loop3A_1265 = tpu.unpack_subelements %parallel_loop3A_1264, 0 {pack_format = #tpu.pack_format<interleaved>} : vector<32xbf16> -> vector<16xf32>
        %parallel_loop3A_1266 = tpu.unpack_subelements %parallel_loop3A_1264, 1 {pack_format = #tpu.pack_format<interleaved>} : vector<32xbf16> -> vector<16xf32>
        %parallel_loop3A_1267 = arith.mulf %parallel_loop3A_1259, %parallel_loop3A_1265 : vector<16xf32>
        %parallel_loop3A_1268 = arith.addf %parallel_loop3A_1252, %parallel_loop3A_1267 : vector<16xf32>
        %parallel_loop3A_1269 = arith.mulf %parallel_loop3A_1259, %parallel_loop3A_1266 : vector<16xf32>
        %parallel_loop3A_1270 = arith.addf %parallel_loop3A_1254, %parallel_loop3A_1269 : vector<16xf32>
        %parallel_loop3A_1271 = arith.constant 11 : i32
        %parallel_loop3A_1272 = vector.broadcast %parallel_loop3A_1271 : i32 to vector<16xi32>
        %parallel_loop3A_1273 = vector.shape_cast %parallel_loop3A_1272 : vector<16xi32> to vector<16x1xi32>
        %parallel_loop3A_1274 = vector.shape_cast %parallel_loop3A_1273 : vector<16x1xi32> to vector<16xi32>
        %parallel_loop3A_1275 = tpu.dynamic_gather %parallel_loop3A_1094[%parallel_loop3A_1274] in [0] : vector<16xf32>, vector<16xi32> -> vector<16xf32>
        %parallel_loop3A_1276 = arith.constant 11 : i32
        %parallel_loop3A_1277 = arith.addi %parallel_loop3A_1092, %parallel_loop3A_1276 : i32
        %parallel_loop3A_1278 = arith.index_cast %parallel_loop3A_1277 : i32 to index
        %parallel_loop3A_1279 = arith.constant 0 : index
        %parallel_loop3A_1280 = tpu.vector_load %arg11[%parallel_loop3A_1278, %parallel_loop3A_1279] {strides = array<i32>} : memref<3072x32xbf16, #tpu.memory_space<vmem>>, vector<32xbf16>,
        %parallel_loop3A_1281 = tpu.unpack_subelements %parallel_loop3A_1280, 0 {pack_format = #tpu.pack_format<interleaved>} : vector<32xbf16> -> vector<16xf32>
        %parallel_loop3A_1282 = tpu.unpack_subelements %parallel_loop3A_1280, 1 {pack_format = #tpu.pack_format<interleaved>} : vector<32xbf16> -> vector<16xf32>
        %parallel_loop3A_1283 = arith.mulf %parallel_loop3A_1275, %parallel_loop3A_1281 : vector<16xf32>
        %parallel_loop3A_1284 = arith.addf %parallel_loop3A_1268, %parallel_loop3A_1283 : vector<16xf32>
        %parallel_loop3A_1285 = arith.mulf %parallel_loop3A_1275, %parallel_loop3A_1282 : vector<16xf32>
        %parallel_loop3A_1286 = arith.addf %parallel_loop3A_1270, %parallel_loop3A_1285 : vector<16xf32>
        %parallel_loop3A_1287 = arith.constant 12 : i32
        %parallel_loop3A_1288 = vector.broadcast %parallel_loop3A_1287 : i32 to vector<16xi32>
        %parallel_loop3A_1289 = vector.shape_cast %parallel_loop3A_1288 : vector<16xi32> to vector<16x1xi32>
        %parallel_loop3A_1290 = vector.shape_cast %parallel_loop3A_1289 : vector<16x1xi32> to vector<16xi32>
        %parallel_loop3A_1291 = tpu.dynamic_gather %parallel_loop3A_1094[%parallel_loop3A_1290] in [0] : vector<16xf32>, vector<16xi32> -> vector<16xf32>
        %parallel_loop3A_1292 = arith.constant 12 : i32
        %parallel_loop3A_1293 = arith.addi %parallel_loop3A_1092, %parallel_loop3A_1292 : i32
        %parallel_loop3A_1294 = arith.index_cast %parallel_loop3A_1293 : i32 to index
        %parallel_loop3A_1295 = arith.constant 0 : index
        %parallel_loop3A_1296 = tpu.vector_load %arg11[%parallel_loop3A_1294, %parallel_loop3A_1295] {strides = array<i32>} : memref<3072x32xbf16, #tpu.memory_space<vmem>>, vector<32xbf16>,
        %parallel_loop3A_1297 = tpu.unpack_subelements %parallel_loop3A_1296, 0 {pack_format = #tpu.pack_format<interleaved>} : vector<32xbf16> -> vector<16xf32>
        %parallel_loop3A_1298 = tpu.unpack_subelements %parallel_loop3A_1296, 1 {pack_format = #tpu.pack_format<interleaved>} : vector<32xbf16> -> vector<16xf32>
        %parallel_loop3A_1299 = arith.mulf %parallel_loop3A_1291, %parallel_loop3A_1297 : vector<16xf32>
        %parallel_loop3A_1300 = arith.addf %parallel_loop3A_1284, %parallel_loop3A_1299 : vector<16xf32>
        %parallel_loop3A_1301 = arith.mulf %parallel_loop3A_1291, %parallel_loop3A_1298 : vector<16xf32>
        %parallel_loop3A_1302 = arith.addf %parallel_loop3A_1286, %parallel_loop3A_1301 : vector<16xf32>
        %parallel_loop3A_1303 = arith.constant 13 : i32
        %parallel_loop3A_1304 = vector.broadcast %parallel_loop3A_1303 : i32 to vector<16xi32>
        %parallel_loop3A_1305 = vector.shape_cast %parallel_loop3A_1304 : vector<16xi32> to vector<16x1xi32>
        %parallel_loop3A_1306 = vector.shape_cast %parallel_loop3A_1305 : vector<16x1xi32> to vector<16xi32>
        %parallel_loop3A_1307 = tpu.dynamic_gather %parallel_loop3A_1094[%parallel_loop3A_1306] in [0] : vector<16xf32>, vector<16xi32> -> vector<16xf32>
        %parallel_loop3A_1308 = arith.constant 13 : i32
        %parallel_loop3A_1309 = arith.addi %parallel_loop3A_1092, %parallel_loop3A_1308 : i32
        %parallel_loop3A_1310 = arith.index_cast %parallel_loop3A_1309 : i32 to index
        %parallel_loop3A_1311 = arith.constant 0 : index
        %parallel_loop3A_1312 = tpu.vector_load %arg11[%parallel_loop3A_1310, %parallel_loop3A_1311] {strides = array<i32>} : memref<3072x32xbf16, #tpu.memory_space<vmem>>, vector<32xbf16>,
        %parallel_loop3A_1313 = tpu.unpack_subelements %parallel_loop3A_1312, 0 {pack_format = #tpu.pack_format<interleaved>} : vector<32xbf16> -> vector<16xf32>
        %parallel_loop3A_1314 = tpu.unpack_subelements %parallel_loop3A_1312, 1 {pack_format = #tpu.pack_format<interleaved>} : vector<32xbf16> -> vector<16xf32>
        %parallel_loop3A_1315 = arith.mulf %parallel_loop3A_1307, %parallel_loop3A_1313 : vector<16xf32>
        %parallel_loop3A_1316 = arith.addf %parallel_loop3A_1300, %parallel_loop3A_1315 : vector<16xf32>
        %parallel_loop3A_1317 = arith.mulf %parallel_loop3A_1307, %parallel_loop3A_1314 : vector<16xf32>
        %parallel_loop3A_1318 = arith.addf %parallel_loop3A_1302, %parallel_loop3A_1317 : vector<16xf32>
        %parallel_loop3A_1319 = arith.constant 14 : i32
        %parallel_loop3A_1320 = vector.broadcast %parallel_loop3A_1319 : i32 to vector<16xi32>
        %parallel_loop3A_1321 = vector.shape_cast %parallel_loop3A_1320 : vector<16xi32> to vector<16x1xi32>
        %parallel_loop3A_1322 = vector.shape_cast %parallel_loop3A_1321 : vector<16x1xi32> to vector<16xi32>
        %parallel_loop3A_1323 = tpu.dynamic_gather %parallel_loop3A_1094[%parallel_loop3A_1322] in [0] : vector<16xf32>, vector<16xi32> -> vector<16xf32>
        %parallel_loop3A_1324 = arith.constant 14 : i32
        %parallel_loop3A_1325 = arith.addi %parallel_loop3A_1092, %parallel_loop3A_1324 : i32
        %parallel_loop3A_1326 = arith.index_cast %parallel_loop3A_1325 : i32 to index
        %parallel_loop3A_1327 = arith.constant 0 : index
        %parallel_loop3A_1328 = tpu.vector_load %arg11[%parallel_loop3A_1326, %parallel_loop3A_1327] {strides = array<i32>} : memref<3072x32xbf16, #tpu.memory_space<vmem>>, vector<32xbf16>,
        %parallel_loop3A_1329 = tpu.unpack_subelements %parallel_loop3A_1328, 0 {pack_format = #tpu.pack_format<interleaved>} : vector<32xbf16> -> vector<16xf32>
        %parallel_loop3A_1330 = tpu.unpack_subelements %parallel_loop3A_1328, 1 {pack_format = #tpu.pack_format<interleaved>} : vector<32xbf16> -> vector<16xf32>
        %parallel_loop3A_1331 = arith.mulf %parallel_loop3A_1323, %parallel_loop3A_1329 : vector<16xf32>
        %parallel_loop3A_1332 = arith.addf %parallel_loop3A_1316, %parallel_loop3A_1331 : vector<16xf32>
        %parallel_loop3A_1333 = arith.mulf %parallel_loop3A_1323, %parallel_loop3A_1330 : vector<16xf32>
        %parallel_loop3A_1334 = arith.addf %parallel_loop3A_1318, %parallel_loop3A_1333 : vector<16xf32>
        %parallel_loop3A_1335 = arith.constant 15 : i32
        %parallel_loop3A_1336 = vector.broadcast %parallel_loop3A_1335 : i32 to vector<16xi32>
        %parallel_loop3A_1337 = vector.shape_cast %parallel_loop3A_1336 : vector<16xi32> to vector<16x1xi32>
        %parallel_loop3A_1338 = vector.shape_cast %parallel_loop3A_1337 : vector<16x1xi32> to vector<16xi32>
        %parallel_loop3A_1339 = tpu.dynamic_gather %parallel_loop3A_1094[%parallel_loop3A_1338] in [0] : vector<16xf32>, vector<16xi32> -> vector<16xf32>
        %parallel_loop3A_1340 = arith.constant 15 : i32
        %parallel_loop3A_1341 = arith.addi %parallel_loop3A_1092, %parallel_loop3A_1340 : i32
        %parallel_loop3A_1342 = arith.index_cast %parallel_loop3A_1341 : i32 to index
        %parallel_loop3A_1343 = arith.constant 0 : index
        %parallel_loop3A_1344 = tpu.vector_load %arg11[%parallel_loop3A_1342, %parallel_loop3A_1343] {strides = array<i32>} : memref<3072x32xbf16, #tpu.memory_space<vmem>>, vector<32xbf16>,
        %parallel_loop3A_1345 = tpu.unpack_subelements %parallel_loop3A_1344, 0 {pack_format = #tpu.pack_format<interleaved>} : vector<32xbf16> -> vector<16xf32>
        %parallel_loop3A_1346 = tpu.unpack_subelements %parallel_loop3A_1344, 1 {pack_format = #tpu.pack_format<interleaved>} : vector<32xbf16> -> vector<16xf32>
        %parallel_loop3A_1347 = arith.mulf %parallel_loop3A_1339, %parallel_loop3A_1345 : vector<16xf32>
        %parallel_loop3A_1348 = arith.addf %parallel_loop3A_1332, %parallel_loop3A_1347 : vector<16xf32>
        %parallel_loop3A_1349 = arith.mulf %parallel_loop3A_1339, %parallel_loop3A_1346 : vector<16xf32>
        %parallel_loop3A_1350 = arith.addf %parallel_loop3A_1334, %parallel_loop3A_1349 : vector<16xf32>
        %parallel_loop3A_1351 = arith.constant 8 : i32
        %parallel_loop3A_1352 = arith.muli %parallel_loop3A_258, %parallel_loop3A_1351 : i32
        %parallel_loop3A_1353 = arith.constant 2 : i32
        %parallel_loop3A_1354 = arith.muli %parallel_loop3A_1353, %parallel_loop3A_274 : i32
        %parallel_loop3A_1355 = arith.addi %parallel_loop3A_1352, %parallel_loop3A_1354 : i32
        %parallel_loop3A_1356 = arith.constant 32 : i32
        %parallel_loop3A_1357 = arith.muli %parallel_loop3A_1355, %parallel_loop3A_1356 : i32
        %parallel_loop3A_1358 = arith.index_cast %parallel_loop3A_1357 : i32 to index
        %parallel_loop3A_1359 = tpu.vector_load %arg13[%parallel_loop3A_1358] {strides = array<i32>} : memref<3072xf32, #tpu.memory_space<vmem>>, vector<16xf32>,
        tpu.vector_store %arg13[%parallel_loop3A_1358], %parallel_loop3A_1220 {strides = array<i32>} : memref<3072xf32, #tpu.memory_space<vmem>>, vector<16xf32>,
        %parallel_loop3A_1360 = arith.constant 16 : i32
        %parallel_loop3A_1361 = arith.addi %parallel_loop3A_1357, %parallel_loop3A_1360 : i32
        %parallel_loop3A_1362 = arith.index_cast %parallel_loop3A_1361 : i32 to index
        %parallel_loop3A_1363 = tpu.vector_load %arg13[%parallel_loop3A_1362] {strides = array<i32>} : memref<3072xf32, #tpu.memory_space<vmem>>, vector<16xf32>,
        tpu.vector_store %arg13[%parallel_loop3A_1362], %parallel_loop3A_1222 {strides = array<i32>} : memref<3072xf32, #tpu.memory_space<vmem>>, vector<16xf32>,
        %parallel_loop3A_1364 = arith.constant 32 : i32
        %parallel_loop3A_1365 = arith.addi %parallel_loop3A_1357, %parallel_loop3A_1364 : i32
        %parallel_loop3A_1366 = arith.index_cast %parallel_loop3A_1365 : i32 to index
        %parallel_loop3A_1367 = tpu.vector_load %arg13[%parallel_loop3A_1366] {strides = array<i32>} : memref<3072xf32, #tpu.memory_space<vmem>>, vector<16xf32>,
        tpu.vector_store %arg13[%parallel_loop3A_1366], %parallel_loop3A_1348 {strides = array<i32>} : memref<3072xf32, #tpu.memory_space<vmem>>, vector<16xf32>,
        %parallel_loop3A_1368 = arith.constant 48 : i32
        %parallel_loop3A_1369 = arith.addi %parallel_loop3A_1357, %parallel_loop3A_1368 : i32
        %parallel_loop3A_1370 = arith.index_cast %parallel_loop3A_1369 : i32 to index
        %parallel_loop3A_1371 = tpu.vector_load %arg13[%parallel_loop3A_1370] {strides = array<i32>} : memref<3072xf32, #tpu.memory_space<vmem>>, vector<16xf32>,
        tpu.vector_store %arg13[%parallel_loop3A_1370], %parallel_loop3A_1350 {strides = array<i32>} : memref<3072xf32, #tpu.memory_space<vmem>>, vector<16xf32>,
      } {sc.loop_unroll_factor = 4 : i64, sc.parallel_access}
      %add3A_228 = arith.addi %select_n3A, %add3A_179 : i32
      %mul3A_229 = arith.constant 3072 : i32
      %mul3A_230 = arith.muli %add3A_228, %mul3A_229 : i32
      %dma_start3A_231 = tpu.memref_slice %arg5[%mul3A_230] : memref<3840000xf32, #tpu.memory_space<hbm>> -> memref<3072xf32, #tpu.memory_space<hbm>>
      %dma_start3A_232 = tpu.memref_slice %arg5[%mul3A_230] : memref<3840000xf32, #tpu.memory_space<hbm>> -> memref<3072xf32, #tpu.memory_space<hbm>>
      tpu.enqueue_dma source(%arg13 : memref<3072xf32, #tpu.memory_space<vmem>>) target(%dma_start3A_232 : memref<3072xf32, #tpu.memory_space<hbm>>) target_semaphore(%arg21 : memref<!tpu.dma_semaphore, #tpu.memory_space<semaphore_mem>>)
      %scan3A_233 = arith.constant 0 : i32
      scf.yield %scan3A_233 : i32
    }
    %scan3A_113 = arith.constant 20 : i32
    %dma_wait3A_114 = arith.constant 0 : i32
    %dma_wait3A_115 = tpu.memref_slice %arg5[%dma_wait3A_114] : memref<3840000xf32, #tpu.memory_space<hbm>> -> memref<3072xf32, #tpu.memory_space<hbm>>
    %dma_wait3A_116 = arith.constant 0 : i32
    %dma_wait3A_117 = tpu.memref_slice %arg5[%dma_wait3A_116] : memref<3840000xf32, #tpu.memory_space<hbm>> -> memref<3072xf32, #tpu.memory_space<hbm>>
    tpu.wait_dma2 semaphore(%arg20 : memref<!tpu.dma_semaphore, #tpu.memory_space<semaphore_mem>>) src(%arg12 : memref<3072xf32, #tpu.memory_space<vmem>>) dst(%dma_wait3A_117 : memref<3072xf32, #tpu.memory_space<hbm>>)
    %dma_wait3A_118 = arith.constant 0 : i32
    %dma_wait3A_119 = tpu.memref_slice %arg5[%dma_wait3A_118] : memref<3840000xf32, #tpu.memory_space<hbm>> -> memref<3072xf32, #tpu.memory_space<hbm>>
    %dma_wait3A_120 = arith.constant 0 : i32
    %dma_wait3A_121 = tpu.memref_slice %arg5[%dma_wait3A_120] : memref<3840000xf32, #tpu.memory_space<hbm>> -> memref<3072xf32, #tpu.memory_space<hbm>>
    tpu.wait_dma2 semaphore(%arg21 : memref<!tpu.dma_semaphore, #tpu.memory_space<semaphore_mem>>) src(%arg13 : memref<3072xf32, #tpu.memory_space<vmem>>) dst(%dma_wait3A_121 : memref<3072xf32, #tpu.memory_space<hbm>>)
    return
  }
}

module attributes {stable_mosaic.version = 14 : i64} {
  func.func @_vproj_body(%arg0: i32, %arg1: i32, %arg2: memref<1x3520x256xf32, #tpu.memory_space<vmem>>, %arg3: memref<256x256xf32, #tpu.memory_space<vmem>>, %arg4: memref<1x256xf32, #tpu.memory_space<vmem>>, %arg5: memref<1x3520x256xbf16, #tpu.memory_space<vmem>>) attributes {dimension_semantics = [#tpu.dimension_semantics<arbitrary>, #tpu.dimension_semantics<arbitrary>], iteration_bounds = array<i64: 6, 5>, scalar_prefetch = 0 : i64, scratch_operands = 0 : i64, tpu.core_type = #tpu.core_type<tc>, window_params = [{transform_indices = @transform_0, window_bounds = array<i64: 1, 3520, 256>}, {pipeline_mode = #tpu.pipeline_mode<synchronous>, transform_indices = @transform_1, window_bounds = array<i64: 256, 256>}, {pipeline_mode = #tpu.pipeline_mode<synchronous>, transform_indices = @transform_2, window_bounds = array<i64: 1, 256>}, {transform_indices = @transform_3, window_bounds = array<i64: 1, 3520, 256>}]} {
    %get3A = arith.constant 0 : index
    %get3A_0 = arith.constant 0 : index
    %get3A_1 = arith.constant 0 : index
    %get3A_2 = vector.load %arg2[%get3A, %get3A_0, %get3A_1] : memref<1x3520x256xf32, #tpu.memory_space<vmem>>, vector<1x3520x256xf32>
    %get3A_3 = vector.shape_cast %get3A_2 : vector<1x3520x256xf32> to vector<3520x256xf32>
    %get3A_4 = arith.constant 0 : index
    %get3A_5 = arith.constant 0 : index
    %get3A_6 = vector.load %arg3[%get3A_4, %get3A_5] : memref<256x256xf32, #tpu.memory_space<vmem>>, vector<256x256xf32>
    %dot_general3A = arith.constant dense<0.000000e+00> : vector<3520x256xf32>
    %dot_general3A_7 = tpu.matmul %get3A_3, %get3A_6, %dot_general3A {dimension_numbers = #tpu.dot_dimension_numbers<[1], [0], [0], [1], [0, 0, 1, 1], [], []>, transpose_lhs_hint = false} : vector<3520x256xf32>, vector<256x256xf32>, vector<3520x256xf32> -> vector<3520x256xf32>
    %get3A_8 = arith.constant 0 : index
    %get3A_9 = arith.constant 0 : index
    %get3A_10 = vector.load %arg4[%get3A_8, %get3A_9] : memref<1x256xf32, #tpu.memory_space<vmem>>, vector<1x256xf32>
    %get3A_11 = vector.shape_cast %get3A_10 : vector<1x256xf32> to vector<256xf32>
    %broadcast_in_dim3A = vector.shape_cast %get3A_11 : vector<256xf32> to vector<1x256xf32>
    %add3A = vector.broadcast %broadcast_in_dim3A : vector<1x256xf32> to vector<3520x256xf32>
    %add3A_12 = arith.addf %dot_general3A_7, %add3A : vector<3520x256xf32>
    %convert_element_type3A = arith.truncf %add3A_12 : vector<3520x256xf32> to vector<3520x256xbf16>
    %swap3A = arith.constant 0 : index
    %swap3A_13 = arith.constant 0 : index
    %swap3A_14 = arith.constant 0 : index
    %swap3A_15 = vector.load %arg5[%swap3A, %swap3A_13, %swap3A_14] : memref<1x3520x256xbf16, #tpu.memory_space<vmem>>, vector<1x3520x256xbf16>
    %swap3A_16 = vector.shape_cast %swap3A_15 : vector<1x3520x256xbf16> to vector<3520x256xbf16>
    %swap3A_17 = vector.shape_cast %convert_element_type3A : vector<3520x256xbf16> to vector<1x3520x256xbf16>
    tpu.vector_store %arg5[%swap3A, %swap3A_13, %swap3A_14], %swap3A_17 {strides = array<i32>} : memref<1x3520x256xbf16, #tpu.memory_space<vmem>>, vector<1x3520x256xbf16>,
    return
  }
  func.func @transform_0(%arg0: i32, %arg1: i32) -> (i32, i32, i32) {
    %c0_i32 = arith.constant 0 : i32
    %c0_i32_0 = arith.constant 0 : i32
    return %arg0, %arg1, %c0_i32 : i32, i32, i32
  }
  func.func @transform_1(%arg0: i32, %arg1: i32) -> (i32, i32) {
    %c0_i32 = arith.constant 0 : i32
    %c0_i32_0 = arith.constant 0 : i32
    %c0_i32_1 = arith.constant 0 : i32
    return %c0_i32, %c0_i32_0 : i32, i32
  }
  func.func @transform_2(%arg0: i32, %arg1: i32) -> (i32, i32) {
    %c0_i32 = arith.constant 0 : i32
    %c0_i32_0 = arith.constant 0 : i32
    %c0_i32_1 = arith.constant 0 : i32
    return %c0_i32, %c0_i32_0 : i32, i32
  }
  func.func @transform_3(%arg0: i32, %arg1: i32) -> (i32, i32, i32) {
    %c0_i32 = arith.constant 0 : i32
    %c0_i32_0 = arith.constant 0 : i32
    return %arg0, %arg1, %c0_i32 : i32, i32, i32
  }
}

module attributes {stable_mosaic.version = 14 : i64} {
  func.func @_locs_body(%arg0: i32, %arg1: memref<1000x256xf32, #tpu.memory_space<vmem>>, %arg2: memref<1000x8xf32, #tpu.memory_space<vmem>>, %arg3: memref<256x128xf32, #tpu.memory_space<vmem>>, %arg4: memref<1x128xf32, #tpu.memory_space<vmem>>, %arg5: memref<256x64xf32, #tpu.memory_space<vmem>>, %arg6: memref<1x64xf32, #tpu.memory_space<vmem>>, %arg7: memref<64x64xf32, #tpu.memory_space<vmem>>, %arg8: memref<2x1000x128xi32, #tpu.memory_space<vmem>>, %arg9: memref<2x1000x128xf32, #tpu.memory_space<vmem>>) attributes {dimension_semantics = [#tpu.dimension_semantics<arbitrary>], iteration_bounds = array<i64: 15>, scalar_prefetch = 0 : i64, scratch_operands = 0 : i64, tpu.core_type = #tpu.core_type<tc>, window_params = [{transform_indices = @transform_0, window_bounds = array<i64: 1000, 256>}, {transform_indices = @transform_1, window_bounds = array<i64: 1000, 8>}, {pipeline_mode = #tpu.pipeline_mode<synchronous>, transform_indices = @transform_2, window_bounds = array<i64: 256, 128>}, {pipeline_mode = #tpu.pipeline_mode<synchronous>, transform_indices = @transform_3, window_bounds = array<i64: 1, 128>}, {pipeline_mode = #tpu.pipeline_mode<synchronous>, transform_indices = @transform_4, window_bounds = array<i64: 256, 64>}, {pipeline_mode = #tpu.pipeline_mode<synchronous>, transform_indices = @transform_5, window_bounds = array<i64: 1, 64>}, {pipeline_mode = #tpu.pipeline_mode<synchronous>, transform_indices = @transform_6, window_bounds = array<i64: 64, 64>}, {transform_indices = @transform_7, window_bounds = array<i64: 2, 1000, 128>}, {transform_indices = @transform_8, window_bounds = array<i64: 2, 1000, 128>}]} {
    %mul3A = arith.constant 1000 : i32
    %mul3A_0 = arith.muli %arg0, %mul3A : i32
    %get3A = arith.constant 0 : index
    %get3A_1 = arith.constant 0 : index
    %get3A_2 = vector.load %arg1[%get3A, %get3A_1] : memref<1000x256xf32, #tpu.memory_space<vmem>>, vector<1000x256xf32>
    %get3A_3 = arith.constant 0 : index
    %get3A_4 = arith.constant 0 : index
    %get3A_5 = vector.load %arg3[%get3A_3, %get3A_4] : memref<256x128xf32, #tpu.memory_space<vmem>>, vector<256x128xf32>
    %dot_general3A = arith.constant dense<0.000000e+00> : vector<1000x128xf32>
    %dot_general3A_6 = tpu.matmul %get3A_2, %get3A_5, %dot_general3A {dimension_numbers = #tpu.dot_dimension_numbers<[1], [0], [0], [1], [0, 0, 1, 1], [], []>, transpose_lhs_hint = false} : vector<1000x256xf32>, vector<256x128xf32>, vector<1000x128xf32> -> vector<1000x128xf32>
    %get3A_7 = arith.constant 0 : index
    %get3A_8 = arith.constant 0 : index
    %get3A_9 = vector.load %arg4[%get3A_7, %get3A_8] : memref<1x128xf32, #tpu.memory_space<vmem>>, vector<1x128xf32>
    %get3A_10 = vector.shape_cast %get3A_9 : vector<1x128xf32> to vector<128xf32>
    %broadcast_in_dim3A = vector.shape_cast %get3A_10 : vector<128xf32> to vector<1x128xf32>
    %add3A = vector.broadcast %broadcast_in_dim3A : vector<1x128xf32> to vector<1000x128xf32>
    %add3A_11 = arith.addf %dot_general3A_6, %add3A : vector<1000x128xf32>
    %get3A_12 = arith.constant 0 : index
    %get3A_13 = arith.constant 0 : index
    %get3A_14 = vector.load %arg5[%get3A_12, %get3A_13] : memref<256x64xf32, #tpu.memory_space<vmem>>, vector<256x64xf32>
    %dot_general3A_15 = arith.constant dense<0.000000e+00> : vector<1000x64xf32>
    %dot_general3A_16 = tpu.matmul %get3A_2, %get3A_14, %dot_general3A_15 {dimension_numbers = #tpu.dot_dimension_numbers<[1], [0], [0], [1], [0, 0, 1, 1], [], []>, transpose_lhs_hint = false} : vector<1000x256xf32>, vector<256x64xf32>, vector<1000x64xf32> -> vector<1000x64xf32>
    %get3A_17 = arith.constant 0 : index
    %get3A_18 = arith.constant 0 : index
    %get3A_19 = vector.load %arg6[%get3A_17, %get3A_18] : memref<1x64xf32, #tpu.memory_space<vmem>>, vector<1x64xf32>
    %get3A_20 = vector.shape_cast %get3A_19 : vector<1x64xf32> to vector<64xf32>
    %broadcast_in_dim3A_21 = vector.shape_cast %get3A_20 : vector<64xf32> to vector<1x64xf32>
    %add3A_22 = vector.broadcast %broadcast_in_dim3A_21 : vector<1x64xf32> to vector<1000x64xf32>
    %add3A_23 = arith.addf %dot_general3A_16, %add3A_22 : vector<1000x64xf32>
    %exp3A = math.exp %add3A_23 : vector<1000x64xf32>
    %get3A_24 = arith.constant 0 : index
    %get3A_25 = arith.constant 0 : index
    %get3A_26 = vector.load %arg7[%get3A_24, %get3A_25] : memref<64x64xf32, #tpu.memory_space<vmem>>, vector<64x64xf32>
    %dot_general3A_27 = arith.constant dense<0.000000e+00> : vector<1000x64xf32>
    %dot_general3A_28 = tpu.matmul %exp3A, %get3A_26, %dot_general3A_27 {dimension_numbers = #tpu.dot_dimension_numbers<[1], [0], [0], [1], [0, 0, 1, 1], [], []>, transpose_lhs_hint = false} : vector<1000x64xf32>, vector<64x64xf32>, vector<1000x64xf32> -> vector<1000x64xf32>
    %div3A = arith.divf %exp3A, %dot_general3A_28 : vector<1000x64xf32>
    %iota3A = tpu.iota {dimensions = array<i32: 1>} : vector<1000x128xi32>
    %jit3A = arith.constant 8 : i32
    %eq3A = arith.constant 0 : i32
    %eq3A_29 = arith.cmpi eq, %jit3A, %eq3A : i32
    %jit3A_30 = arith.constant 1 : i32
    %select_n3A = arith.select %eq3A_29, %jit3A_30, %jit3A : i32
    %rem3A = vector.broadcast %select_n3A : i32 to vector<1000x128xi32>
    %rem3A_31 = arith.remsi %iota3A, %rem3A : vector<1000x128xi32>
    %ne3A = arith.constant 0 : i32
    %ne3A_32 = vector.broadcast %ne3A : i32 to vector<1000x128xi32>
    %ne3A_33 = arith.cmpi ne, %rem3A_31, %ne3A_32 : vector<1000x128xi32>
    %lt3A = arith.constant 0 : i32
    %lt3A_34 = vector.broadcast %lt3A : i32 to vector<1000x128xi32>
    %lt3A_35 = arith.cmpi slt, %rem3A_31, %lt3A_34 : vector<1000x128xi32>
    %lt3A_36 = arith.constant 0 : i32
    %lt3A_37 = arith.cmpi slt, %select_n3A, %lt3A_36 : i32
    %ne3A_38 = vector.broadcast %lt3A_37 : i1 to vector<1000x128xi1>
    %ne3A_39 = vector.broadcast %ne3A_38 : vector<1000x128xi1> to vector<1000x128xi1>
    %ne3A_40 = arith.xori %lt3A_35, %ne3A_39 : vector<1000x128xi1>
    %and3A = arith.andi %ne3A_40, %ne3A_33 : vector<1000x128xi1>
    %add3A_41 = vector.broadcast %select_n3A : i32 to vector<1000x128xi32>
    %add3A_42 = arith.addi %rem3A_31, %add3A_41 : vector<1000x128xi32>
    %select_n3A_43 = arith.select %and3A, %add3A_42, %rem3A_31 : vector<1000x128xi1>, vector<1000x128xi32>
    %jit3A_44 = arith.constant 4 : i32
    %eq3A_45 = arith.constant 0 : i32
    %eq3A_46 = arith.cmpi eq, %jit3A_44, %eq3A_45 : i32
    %jit3A_47 = arith.constant 1 : i32
    %select_n3A_48 = arith.select %eq3A_46, %jit3A_47, %jit3A_44 : i32
    %rem3A_49 = vector.broadcast %select_n3A_48 : i32 to vector<1000x128xi32>
    %rem3A_50 = arith.remsi %select_n3A_43, %rem3A_49 : vector<1000x128xi32>
    %ne3A_51 = arith.constant 0 : i32
    %ne3A_52 = vector.broadcast %ne3A_51 : i32 to vector<1000x128xi32>
    %ne3A_53 = arith.cmpi ne, %rem3A_50, %ne3A_52 : vector<1000x128xi32>
    %lt3A_54 = arith.constant 0 : i32
    %lt3A_55 = vector.broadcast %lt3A_54 : i32 to vector<1000x128xi32>
    %lt3A_56 = arith.cmpi slt, %rem3A_50, %lt3A_55 : vector<1000x128xi32>
    %lt3A_57 = arith.constant 0 : i32
    %lt3A_58 = arith.cmpi slt, %select_n3A_48, %lt3A_57 : i32
    %ne3A_59 = vector.broadcast %lt3A_58 : i1 to vector<1000x128xi1>
    %ne3A_60 = vector.broadcast %ne3A_59 : vector<1000x128xi1> to vector<1000x128xi1>
    %ne3A_61 = arith.xori %lt3A_56, %ne3A_60 : vector<1000x128xi1>
    %and3A_62 = arith.andi %ne3A_61, %ne3A_53 : vector<1000x128xi1>
    %add3A_63 = vector.broadcast %select_n3A_48 : i32 to vector<1000x128xi32>
    %add3A_64 = arith.addi %rem3A_50, %add3A_63 : vector<1000x128xi32>
    %select_n3A_65 = arith.select %and3A_62, %add3A_64, %rem3A_50 : vector<1000x128xi1>, vector<1000x128xi32>
    %mul3A_66 = arith.constant 2 : i32
    %mul3A_67 = vector.broadcast %mul3A_66 : i32 to vector<1000x128xi32>
    %mul3A_68 = arith.muli %mul3A_67, %select_n3A_65 : vector<1000x128xi32>
    %ge3A = arith.constant 64 : i32
    %ge3A_69 = vector.broadcast %ge3A : i32 to vector<1000x128xi32>
    %ge3A_70 = arith.cmpi sge, %iota3A, %ge3A_69 : vector<1000x128xi32>
    %convert_element_type3A = arith.extui %ge3A_70 : vector<1000x128xi1> to vector<1000x128xi32>
    %add3A_71 = arith.addi %mul3A_68, %convert_element_type3A : vector<1000x128xi32>
    %get3A_72 = arith.constant 0 : index
    %get3A_73 = arith.constant 0 : index
    %get3A_74 = vector.load %arg2[%get3A_72, %get3A_73] : memref<1000x8xf32, #tpu.memory_space<vmem>>, vector<1000x8xf32>
    %reshape3A = vector.shape_cast %add3A_71 : vector<1000x128xi32> to vector<1000x128x1xi32>
    %gather3A = vector.shape_cast %reshape3A : vector<1000x128x1xi32> to vector<1000x128xi32>
    %gather3A_75 = tpu.dynamic_gather %get3A_74[%gather3A] in [1] : vector<1000x8xf32>, vector<1000x128xi32> -> vector<1000x128xf32>
    %lt3A_76 = arith.constant 64 : i32
    %lt3A_77 = vector.broadcast %lt3A_76 : i32 to vector<1000x128xi32>
    %lt3A_78 = arith.cmpi slt, %iota3A, %lt3A_77 : vector<1000x128xi32>
    %jit3A_79 = arith.constant 0.00568181835 : f32
    %jit3A_80 = arith.constant 0.00999999977 : f32
    %broadcast_in_dim3A_81 = vector.broadcast %jit3A_79 : f32 to vector<1000x128xf32>
    %broadcast_in_dim3A_82 = vector.broadcast %jit3A_80 : f32 to vector<1000x128xf32>
    %select_n3A_83 = arith.select %lt3A_78, %broadcast_in_dim3A_81, %broadcast_in_dim3A_82 : vector<1000x128xi1>, vector<1000x128xf32>
    %lt3A_84 = arith.constant 64 : i32
    %lt3A_85 = vector.broadcast %lt3A_84 : i32 to vector<1000x128xi32>
    %lt3A_86 = arith.cmpi slt, %iota3A, %lt3A_85 : vector<1000x128xi32>
    %jit3A_87 = arith.constant 1.760000e+02 : f32
    %jit3A_88 = arith.constant 1.000000e+02 : f32
    %broadcast_in_dim3A_89 = vector.broadcast %jit3A_87 : f32 to vector<1000x128xf32>
    %broadcast_in_dim3A_90 = vector.broadcast %jit3A_88 : f32 to vector<1000x128xf32>
    %select_n3A_91 = arith.select %lt3A_86, %broadcast_in_dim3A_89, %broadcast_in_dim3A_90 : vector<1000x128xi1>, vector<1000x128xf32>
    %mul3A_92 = arith.mulf %add3A_11, %select_n3A_83 : vector<1000x128xf32>
    %add3A_93 = arith.addf %gather3A_75, %mul3A_92 : vector<1000x128xf32>
    %mul3A_94 = arith.mulf %add3A_93, %select_n3A_91 : vector<1000x128xf32>
    %sub3A = arith.constant 5.000000e-01 : f32
    %sub3A_95 = vector.broadcast %sub3A : f32 to vector<1000x128xf32>
    %sub3A_96 = arith.subf %mul3A_94, %sub3A_95 : vector<1000x128xf32>
    %slice3A = vector.extract_strided_slice %sub3A_96 {offsets = [0, 0], sizes = [1000, 64], strides = [1, 1]} : vector<1000x128xf32> to vector<1000x64xf32>
    %slice3A_97 = vector.extract_strided_slice %sub3A_96 {offsets = [0, 64], sizes = [1000, 64], strides = [1, 1]} : vector<1000x128xf32> to vector<1000x64xf32>
    %floor3A = math.floor %slice3A : vector<1000x64xf32>
    %floor3A_98 = math.floor %slice3A_97 : vector<1000x64xf32>
    %sub3A_99 = arith.subf %slice3A, %floor3A : vector<1000x64xf32>
    %sub3A_100 = arith.subf %slice3A_97, %floor3A_98 : vector<1000x64xf32>
    %convert_element_type3A_101 = arith.fptosi %floor3A : vector<1000x64xf32> to vector<1000x64xi32>
    %convert_element_type3A_102 = arith.fptosi %floor3A_98 : vector<1000x64xf32> to vector<1000x64xi32>
    %iota3A_103 = tpu.iota {dimensions = array<i32: 1>} : vector<1000x64xi32>
    %iota3A_104 = tpu.iota {dimensions = array<i32: 0>} : vector<1000x64xi32>
    %add3A_105 = vector.broadcast %mul3A_0 : i32 to vector<1000x64xi32>
    %add3A_106 = arith.addi %add3A_105, %iota3A_104 : vector<1000x64xi32>
    %jit3A_107 = arith.constant 2500 : i32
    %div3A_108 = vector.broadcast %jit3A_107 : i32 to vector<1000x64xi32>
    %div3A_109 = arith.divsi %add3A_106, %div3A_108 : vector<1000x64xi32>
    %sign3A = arith.constant 0 : i32
    %sign3A_110 = vector.broadcast %sign3A : i32 to vector<1000x64xi32>
    %sign3A_111 = arith.cmpi sgt, %add3A_106, %sign3A_110 : vector<1000x64xi32>
    %sign3A_112 = arith.extui %sign3A_111 : vector<1000x64xi1> to vector<1000x64xi32>
    %sign3A_113 = arith.constant 0 : i32
    %sign3A_114 = vector.broadcast %sign3A_113 : i32 to vector<1000x64xi32>
    %sign3A_115 = arith.cmpi slt, %add3A_106, %sign3A_114 : vector<1000x64xi32>
    %sign3A_116 = arith.extui %sign3A_115 : vector<1000x64xi1> to vector<1000x64xi32>
    %sign3A_117 = arith.subi %sign3A_112, %sign3A_116 : vector<1000x64xi32>
    %sign3A_118 = arith.constant 0 : i32
    %sign3A_119 = arith.cmpi sgt, %jit3A_107, %sign3A_118 : i32
    %sign3A_120 = arith.extui %sign3A_119 : i1 to i32
    %sign3A_121 = arith.constant 0 : i32
    %sign3A_122 = arith.cmpi slt, %jit3A_107, %sign3A_121 : i32
    %sign3A_123 = arith.extui %sign3A_122 : i1 to i32
    %sign3A_124 = arith.subi %sign3A_120, %sign3A_123 : i32
    %ne3A_125 = vector.broadcast %sign3A_124 : i32 to vector<1000x64xi32>
    %ne3A_126 = arith.cmpi ne, %sign3A_117, %ne3A_125 : vector<1000x64xi32>
    %rem3A_127 = vector.broadcast %jit3A_107 : i32 to vector<1000x64xi32>
    %rem3A_128 = arith.remsi %add3A_106, %rem3A_127 : vector<1000x64xi32>
    %ne3A_129 = arith.constant 0 : i32
    %ne3A_130 = vector.broadcast %ne3A_129 : i32 to vector<1000x64xi32>
    %ne3A_131 = arith.cmpi ne, %rem3A_128, %ne3A_130 : vector<1000x64xi32>
    %and3A_132 = arith.andi %ne3A_126, %ne3A_131 : vector<1000x64xi1>
    %sub3A_133 = arith.constant 1 : i32
    %sub3A_134 = vector.broadcast %sub3A_133 : i32 to vector<1000x64xi32>
    %sub3A_135 = arith.subi %div3A_109, %sub3A_134 : vector<1000x64xi32>
    %select_n3A_136 = arith.select %and3A_132, %sub3A_135, %div3A_109 : vector<1000x64xi1>, vector<1000x64xi32>
    %mul3A_137 = arith.constant 17600 : i32
    %mul3A_138 = vector.broadcast %mul3A_137 : i32 to vector<1000x64xi32>
    %mul3A_139 = arith.muli %select_n3A_136, %mul3A_138 : vector<1000x64xi32>
    %mul3A_140 = arith.constant 8 : i32
    %mul3A_141 = vector.broadcast %mul3A_140 : i32 to vector<1000x64xi32>
    %mul3A_142 = arith.muli %mul3A_139, %mul3A_141 : vector<1000x64xi32>
    %shift_right_arithmetic3A = arith.constant 3 : i32
    %shift_right_arithmetic3A_143 = vector.broadcast %shift_right_arithmetic3A : i32 to vector<1000x64xi32>
    %shift_right_arithmetic3A_144 = arith.shrsi %iota3A_103, %shift_right_arithmetic3A_143 : vector<1000x64xi32>
    %add3A_145 = arith.addi %mul3A_142, %shift_right_arithmetic3A_144 : vector<1000x64xi32>
    %add3A_146 = arith.constant 0 : i32
    %add3A_147 = vector.broadcast %add3A_146 : i32 to vector<1000x64xi32>
    %add3A_148 = arith.addi %convert_element_type3A_101, %add3A_147 : vector<1000x64xi32>
    %add3A_149 = arith.constant 0 : i32
    %add3A_150 = vector.broadcast %add3A_149 : i32 to vector<1000x64xi32>
    %add3A_151 = arith.addi %convert_element_type3A_102, %add3A_150 : vector<1000x64xi32>
    %ge3A_152 = arith.constant 0 : i32
    %ge3A_153 = vector.broadcast %ge3A_152 : i32 to vector<1000x64xi32>
    %ge3A_154 = arith.cmpi sge, %add3A_148, %ge3A_153 : vector<1000x64xi32>
    %lt3A_155 = arith.constant 176 : i32
    %lt3A_156 = vector.broadcast %lt3A_155 : i32 to vector<1000x64xi32>
    %lt3A_157 = arith.cmpi slt, %add3A_148, %lt3A_156 : vector<1000x64xi32>
    %and3A_158 = arith.andi %ge3A_154, %lt3A_157 : vector<1000x64xi1>
    %ge3A_159 = arith.constant 0 : i32
    %ge3A_160 = vector.broadcast %ge3A_159 : i32 to vector<1000x64xi32>
    %ge3A_161 = arith.cmpi sge, %add3A_151, %ge3A_160 : vector<1000x64xi32>
    %and3A_162 = arith.andi %and3A_158, %ge3A_161 : vector<1000x64xi1>
    %lt3A_163 = arith.constant 100 : i32
    %lt3A_164 = vector.broadcast %lt3A_163 : i32 to vector<1000x64xi32>
    %lt3A_165 = arith.cmpi slt, %add3A_151, %lt3A_164 : vector<1000x64xi32>
    %and3A_166 = arith.andi %and3A_162, %lt3A_165 : vector<1000x64xi1>
    %sub3A_167 = arith.constant 1.000000e+00 : f32
    %sub3A_168 = vector.broadcast %sub3A_167 : f32 to vector<1000x64xf32>
    %sub3A_169 = arith.subf %sub3A_168, %sub3A_99 : vector<1000x64xf32>
    %sub3A_170 = arith.constant 1.000000e+00 : f32
    %sub3A_171 = vector.broadcast %sub3A_170 : f32 to vector<1000x64xf32>
    %sub3A_172 = arith.subf %sub3A_171, %sub3A_100 : vector<1000x64xf32>
    %jit3A_173 = arith.constant 0 : i32
    %jit3A_174 = arith.constant 99 : i32
    %max3A = vector.broadcast %jit3A_173 : i32 to vector<1000x64xi32>
    %max3A_175 = arith.maxsi %max3A, %add3A_151 : vector<1000x64xi32>
    %min3A = vector.broadcast %jit3A_174 : i32 to vector<1000x64xi32>
    %min3A_176 = arith.minsi %min3A, %max3A_175 : vector<1000x64xi32>
    %mul3A_177 = arith.constant 176 : i32
    %mul3A_178 = vector.broadcast %mul3A_177 : i32 to vector<1000x64xi32>
    %mul3A_179 = arith.muli %min3A_176, %mul3A_178 : vector<1000x64xi32>
    %jit3A_180 = arith.constant 0 : i32
    %jit3A_181 = arith.constant 175 : i32
    %max3A_182 = vector.broadcast %jit3A_180 : i32 to vector<1000x64xi32>
    %max3A_183 = arith.maxsi %max3A_182, %add3A_148 : vector<1000x64xi32>
    %min3A_184 = vector.broadcast %jit3A_181 : i32 to vector<1000x64xi32>
    %min3A_185 = arith.minsi %min3A_184, %max3A_183 : vector<1000x64xi32>
    %add3A_186 = arith.addi %mul3A_179, %min3A_185 : vector<1000x64xi32>
    %mul3A_187 = arith.constant 8 : i32
    %mul3A_188 = vector.broadcast %mul3A_187 : i32 to vector<1000x64xi32>
    %mul3A_189 = arith.muli %add3A_186, %mul3A_188 : vector<1000x64xi32>
    %add3A_190 = arith.addi %add3A_145, %mul3A_189 : vector<1000x64xi32>
    %mul3A_191 = arith.mulf %div3A, %sub3A_169 : vector<1000x64xf32>
    %mul3A_192 = arith.mulf %mul3A_191, %sub3A_172 : vector<1000x64xf32>
    %convert_element_type3A_193 = arith.extui %and3A_166 : vector<1000x64xi1> to vector<1000x64xi32>
    %convert_element_type3A_194 = arith.sitofp %convert_element_type3A_193 : vector<1000x64xi32> to vector<1000x64xf32>
    %mul3A_195 = arith.mulf %mul3A_192, %convert_element_type3A_194 : vector<1000x64xf32>
    %add3A_196 = arith.constant 1 : i32
    %add3A_197 = vector.broadcast %add3A_196 : i32 to vector<1000x64xi32>
    %add3A_198 = arith.addi %convert_element_type3A_101, %add3A_197 : vector<1000x64xi32>
    %add3A_199 = arith.constant 0 : i32
    %add3A_200 = vector.broadcast %add3A_199 : i32 to vector<1000x64xi32>
    %add3A_201 = arith.addi %convert_element_type3A_102, %add3A_200 : vector<1000x64xi32>
    %ge3A_202 = arith.constant 0 : i32
    %ge3A_203 = vector.broadcast %ge3A_202 : i32 to vector<1000x64xi32>
    %ge3A_204 = arith.cmpi sge, %add3A_198, %ge3A_203 : vector<1000x64xi32>
    %lt3A_205 = arith.constant 176 : i32
    %lt3A_206 = vector.broadcast %lt3A_205 : i32 to vector<1000x64xi32>
    %lt3A_207 = arith.cmpi slt, %add3A_198, %lt3A_206 : vector<1000x64xi32>
    %and3A_208 = arith.andi %ge3A_204, %lt3A_207 : vector<1000x64xi1>
    %ge3A_209 = arith.constant 0 : i32
    %ge3A_210 = vector.broadcast %ge3A_209 : i32 to vector<1000x64xi32>
    %ge3A_211 = arith.cmpi sge, %add3A_201, %ge3A_210 : vector<1000x64xi32>
    %and3A_212 = arith.andi %and3A_208, %ge3A_211 : vector<1000x64xi1>
    %lt3A_213 = arith.constant 100 : i32
    %lt3A_214 = vector.broadcast %lt3A_213 : i32 to vector<1000x64xi32>
    %lt3A_215 = arith.cmpi slt, %add3A_201, %lt3A_214 : vector<1000x64xi32>
    %and3A_216 = arith.andi %and3A_212, %lt3A_215 : vector<1000x64xi1>
    %sub3A_217 = arith.constant 1.000000e+00 : f32
    %sub3A_218 = vector.broadcast %sub3A_217 : f32 to vector<1000x64xf32>
    %sub3A_219 = arith.subf %sub3A_218, %sub3A_100 : vector<1000x64xf32>
    %jit3A_220 = arith.constant 0 : i32
    %jit3A_221 = arith.constant 99 : i32
    %max3A_222 = vector.broadcast %jit3A_220 : i32 to vector<1000x64xi32>
    %max3A_223 = arith.maxsi %max3A_222, %add3A_201 : vector<1000x64xi32>
    %min3A_224 = vector.broadcast %jit3A_221 : i32 to vector<1000x64xi32>
    %min3A_225 = arith.minsi %min3A_224, %max3A_223 : vector<1000x64xi32>
    %mul3A_226 = arith.constant 176 : i32
    %mul3A_227 = vector.broadcast %mul3A_226 : i32 to vector<1000x64xi32>
    %mul3A_228 = arith.muli %min3A_225, %mul3A_227 : vector<1000x64xi32>
    %jit3A_229 = arith.constant 0 : i32
    %jit3A_230 = arith.constant 175 : i32
    %max3A_231 = vector.broadcast %jit3A_229 : i32 to vector<1000x64xi32>
    %max3A_232 = arith.maxsi %max3A_231, %add3A_198 : vector<1000x64xi32>
    %min3A_233 = vector.broadcast %jit3A_230 : i32 to vector<1000x64xi32>
    %min3A_234 = arith.minsi %min3A_233, %max3A_232 : vector<1000x64xi32>
    %add3A_235 = arith.addi %mul3A_228, %min3A_234 : vector<1000x64xi32>
    %mul3A_236 = arith.constant 8 : i32
    %mul3A_237 = vector.broadcast %mul3A_236 : i32 to vector<1000x64xi32>
    %mul3A_238 = arith.muli %add3A_235, %mul3A_237 : vector<1000x64xi32>
    %add3A_239 = arith.addi %add3A_145, %mul3A_238 : vector<1000x64xi32>
    %mul3A_240 = arith.mulf %div3A, %sub3A_99 : vector<1000x64xf32>
    %mul3A_241 = arith.mulf %mul3A_240, %sub3A_219 : vector<1000x64xf32>
    %convert_element_type3A_242 = arith.extui %and3A_216 : vector<1000x64xi1> to vector<1000x64xi32>
    %convert_element_type3A_243 = arith.sitofp %convert_element_type3A_242 : vector<1000x64xi32> to vector<1000x64xf32>
    %mul3A_244 = arith.mulf %mul3A_241, %convert_element_type3A_243 : vector<1000x64xf32>
    %add3A_245 = arith.constant 0 : i32
    %add3A_246 = vector.broadcast %add3A_245 : i32 to vector<1000x64xi32>
    %add3A_247 = arith.addi %convert_element_type3A_101, %add3A_246 : vector<1000x64xi32>
    %add3A_248 = arith.constant 1 : i32
    %add3A_249 = vector.broadcast %add3A_248 : i32 to vector<1000x64xi32>
    %add3A_250 = arith.addi %convert_element_type3A_102, %add3A_249 : vector<1000x64xi32>
    %ge3A_251 = arith.constant 0 : i32
    %ge3A_252 = vector.broadcast %ge3A_251 : i32 to vector<1000x64xi32>
    %ge3A_253 = arith.cmpi sge, %add3A_247, %ge3A_252 : vector<1000x64xi32>
    %lt3A_254 = arith.constant 176 : i32
    %lt3A_255 = vector.broadcast %lt3A_254 : i32 to vector<1000x64xi32>
    %lt3A_256 = arith.cmpi slt, %add3A_247, %lt3A_255 : vector<1000x64xi32>
    %and3A_257 = arith.andi %ge3A_253, %lt3A_256 : vector<1000x64xi1>
    %ge3A_258 = arith.constant 0 : i32
    %ge3A_259 = vector.broadcast %ge3A_258 : i32 to vector<1000x64xi32>
    %ge3A_260 = arith.cmpi sge, %add3A_250, %ge3A_259 : vector<1000x64xi32>
    %and3A_261 = arith.andi %and3A_257, %ge3A_260 : vector<1000x64xi1>
    %lt3A_262 = arith.constant 100 : i32
    %lt3A_263 = vector.broadcast %lt3A_262 : i32 to vector<1000x64xi32>
    %lt3A_264 = arith.cmpi slt, %add3A_250, %lt3A_263 : vector<1000x64xi32>
    %and3A_265 = arith.andi %and3A_261, %lt3A_264 : vector<1000x64xi1>
    %sub3A_266 = arith.constant 1.000000e+00 : f32
    %sub3A_267 = vector.broadcast %sub3A_266 : f32 to vector<1000x64xf32>
    %sub3A_268 = arith.subf %sub3A_267, %sub3A_99 : vector<1000x64xf32>
    %jit3A_269 = arith.constant 0 : i32
    %jit3A_270 = arith.constant 99 : i32
    %max3A_271 = vector.broadcast %jit3A_269 : i32 to vector<1000x64xi32>
    %max3A_272 = arith.maxsi %max3A_271, %add3A_250 : vector<1000x64xi32>
    %min3A_273 = vector.broadcast %jit3A_270 : i32 to vector<1000x64xi32>
    %min3A_274 = arith.minsi %min3A_273, %max3A_272 : vector<1000x64xi32>
    %mul3A_275 = arith.constant 176 : i32
    %mul3A_276 = vector.broadcast %mul3A_275 : i32 to vector<1000x64xi32>
    %mul3A_277 = arith.muli %min3A_274, %mul3A_276 : vector<1000x64xi32>
    %jit3A_278 = arith.constant 0 : i32
    %jit3A_279 = arith.constant 175 : i32
    %max3A_280 = vector.broadcast %jit3A_278 : i32 to vector<1000x64xi32>
    %max3A_281 = arith.maxsi %max3A_280, %add3A_247 : vector<1000x64xi32>
    %min3A_282 = vector.broadcast %jit3A_279 : i32 to vector<1000x64xi32>
    %min3A_283 = arith.minsi %min3A_282, %max3A_281 : vector<1000x64xi32>
    %add3A_284 = arith.addi %mul3A_277, %min3A_283 : vector<1000x64xi32>
    %mul3A_285 = arith.constant 8 : i32
    %mul3A_286 = vector.broadcast %mul3A_285 : i32 to vector<1000x64xi32>
    %mul3A_287 = arith.muli %add3A_284, %mul3A_286 : vector<1000x64xi32>
    %add3A_288 = arith.addi %add3A_145, %mul3A_287 : vector<1000x64xi32>
    %mul3A_289 = arith.mulf %div3A, %sub3A_268 : vector<1000x64xf32>
    %mul3A_290 = arith.mulf %mul3A_289, %sub3A_100 : vector<1000x64xf32>
    %convert_element_type3A_291 = arith.extui %and3A_265 : vector<1000x64xi1> to vector<1000x64xi32>
    %convert_element_type3A_292 = arith.sitofp %convert_element_type3A_291 : vector<1000x64xi32> to vector<1000x64xf32>
    %mul3A_293 = arith.mulf %mul3A_290, %convert_element_type3A_292 : vector<1000x64xf32>
    %add3A_294 = arith.constant 1 : i32
    %add3A_295 = vector.broadcast %add3A_294 : i32 to vector<1000x64xi32>
    %add3A_296 = arith.addi %convert_element_type3A_101, %add3A_295 : vector<1000x64xi32>
    %add3A_297 = arith.constant 1 : i32
    %add3A_298 = vector.broadcast %add3A_297 : i32 to vector<1000x64xi32>
    %add3A_299 = arith.addi %convert_element_type3A_102, %add3A_298 : vector<1000x64xi32>
    %ge3A_300 = arith.constant 0 : i32
    %ge3A_301 = vector.broadcast %ge3A_300 : i32 to vector<1000x64xi32>
    %ge3A_302 = arith.cmpi sge, %add3A_296, %ge3A_301 : vector<1000x64xi32>
    %lt3A_303 = arith.constant 176 : i32
    %lt3A_304 = vector.broadcast %lt3A_303 : i32 to vector<1000x64xi32>
    %lt3A_305 = arith.cmpi slt, %add3A_296, %lt3A_304 : vector<1000x64xi32>
    %and3A_306 = arith.andi %ge3A_302, %lt3A_305 : vector<1000x64xi1>
    %ge3A_307 = arith.constant 0 : i32
    %ge3A_308 = vector.broadcast %ge3A_307 : i32 to vector<1000x64xi32>
    %ge3A_309 = arith.cmpi sge, %add3A_299, %ge3A_308 : vector<1000x64xi32>
    %and3A_310 = arith.andi %and3A_306, %ge3A_309 : vector<1000x64xi1>
    %lt3A_311 = arith.constant 100 : i32
    %lt3A_312 = vector.broadcast %lt3A_311 : i32 to vector<1000x64xi32>
    %lt3A_313 = arith.cmpi slt, %add3A_299, %lt3A_312 : vector<1000x64xi32>
    %and3A_314 = arith.andi %and3A_310, %lt3A_313 : vector<1000x64xi1>
    %jit3A_315 = arith.constant 0 : i32
    %jit3A_316 = arith.constant 99 : i32
    %max3A_317 = vector.broadcast %jit3A_315 : i32 to vector<1000x64xi32>
    %max3A_318 = arith.maxsi %max3A_317, %add3A_299 : vector<1000x64xi32>
    %min3A_319 = vector.broadcast %jit3A_316 : i32 to vector<1000x64xi32>
    %min3A_320 = arith.minsi %min3A_319, %max3A_318 : vector<1000x64xi32>
    %mul3A_321 = arith.constant 176 : i32
    %mul3A_322 = vector.broadcast %mul3A_321 : i32 to vector<1000x64xi32>
    %mul3A_323 = arith.muli %min3A_320, %mul3A_322 : vector<1000x64xi32>
    %jit3A_324 = arith.constant 0 : i32
    %jit3A_325 = arith.constant 175 : i32
    %max3A_326 = vector.broadcast %jit3A_324 : i32 to vector<1000x64xi32>
    %max3A_327 = arith.maxsi %max3A_326, %add3A_296 : vector<1000x64xi32>
    %min3A_328 = vector.broadcast %jit3A_325 : i32 to vector<1000x64xi32>
    %min3A_329 = arith.minsi %min3A_328, %max3A_327 : vector<1000x64xi32>
    %add3A_330 = arith.addi %mul3A_323, %min3A_329 : vector<1000x64xi32>
    %mul3A_331 = arith.constant 8 : i32
    %mul3A_332 = vector.broadcast %mul3A_331 : i32 to vector<1000x64xi32>
    %mul3A_333 = arith.muli %add3A_330, %mul3A_332 : vector<1000x64xi32>
    %add3A_334 = arith.addi %add3A_145, %mul3A_333 : vector<1000x64xi32>
    %mul3A_335 = arith.mulf %div3A, %sub3A_99 : vector<1000x64xf32>
    %mul3A_336 = arith.mulf %mul3A_335, %sub3A_100 : vector<1000x64xf32>
    %convert_element_type3A_337 = arith.extui %and3A_314 : vector<1000x64xi1> to vector<1000x64xi32>
    %convert_element_type3A_338 = arith.sitofp %convert_element_type3A_337 : vector<1000x64xi32> to vector<1000x64xf32>
    %mul3A_339 = arith.mulf %mul3A_336, %convert_element_type3A_338 : vector<1000x64xf32>
    %concatenate3A = tpu.concatenate %add3A_190, %add3A_239 in 1 : vector<1000x64xi32>, vector<1000x64xi32> -> vector<1000x128xi32>
    %swap3A = arith.constant 0 : index
    %swap3A_340 = arith.constant 0 : index
    %swap3A_341 = arith.constant 0 : index
    %swap3A_342 = vector.load %arg8[%swap3A, %swap3A_340, %swap3A_341] : memref<2x1000x128xi32, #tpu.memory_space<vmem>>, vector<1x1000x128xi32>
    %swap3A_343 = vector.shape_cast %swap3A_342 : vector<1x1000x128xi32> to vector<1000x128xi32>
    %swap3A_344 = vector.shape_cast %concatenate3A : vector<1000x128xi32> to vector<1x1000x128xi32>
    tpu.vector_store %arg8[%swap3A, %swap3A_340, %swap3A_341], %swap3A_344 {strides = array<i32>} : memref<2x1000x128xi32, #tpu.memory_space<vmem>>, vector<1x1000x128xi32>,
    %concatenate3A_345 = tpu.concatenate %add3A_288, %add3A_334 in 1 : vector<1000x64xi32>, vector<1000x64xi32> -> vector<1000x128xi32>
    %swap3A_346 = arith.constant 1 : index
    %swap3A_347 = arith.constant 0 : index
    %swap3A_348 = arith.constant 0 : index
    %swap3A_349 = vector.load %arg8[%swap3A_346, %swap3A_347, %swap3A_348] : memref<2x1000x128xi32, #tpu.memory_space<vmem>>, vector<1x1000x128xi32>
    %swap3A_350 = vector.shape_cast %swap3A_349 : vector<1x1000x128xi32> to vector<1000x128xi32>
    %swap3A_351 = vector.shape_cast %concatenate3A_345 : vector<1000x128xi32> to vector<1x1000x128xi32>
    tpu.vector_store %arg8[%swap3A_346, %swap3A_347, %swap3A_348], %swap3A_351 {strides = array<i32>} : memref<2x1000x128xi32, #tpu.memory_space<vmem>>, vector<1x1000x128xi32>,
    %concatenate3A_352 = tpu.concatenate %mul3A_195, %mul3A_244 in 1 : vector<1000x64xf32>, vector<1000x64xf32> -> vector<1000x128xf32>
    %swap3A_353 = arith.constant 0 : index
    %swap3A_354 = arith.constant 0 : index
    %swap3A_355 = arith.constant 0 : index
    %swap3A_356 = vector.load %arg9[%swap3A_353, %swap3A_354, %swap3A_355] : memref<2x1000x128xf32, #tpu.memory_space<vmem>>, vector<1x1000x128xf32>
    %swap3A_357 = vector.shape_cast %swap3A_356 : vector<1x1000x128xf32> to vector<1000x128xf32>
    %swap3A_358 = vector.shape_cast %concatenate3A_352 : vector<1000x128xf32> to vector<1x1000x128xf32>
    tpu.vector_store %arg9[%swap3A_353, %swap3A_354, %swap3A_355], %swap3A_358 {strides = array<i32>} : memref<2x1000x128xf32, #tpu.memory_space<vmem>>, vector<1x1000x128xf32>,
    %concatenate3A_359 = tpu.concatenate %mul3A_293, %mul3A_339 in 1 : vector<1000x64xf32>, vector<1000x64xf32> -> vector<1000x128xf32>
    %swap3A_360 = arith.constant 1 : index
    %swap3A_361 = arith.constant 0 : index
    %swap3A_362 = arith.constant 0 : index
    %swap3A_363 = vector.load %arg9[%swap3A_360, %swap3A_361, %swap3A_362] : memref<2x1000x128xf32, #tpu.memory_space<vmem>>, vector<1x1000x128xf32>
    %swap3A_364 = vector.shape_cast %swap3A_363 : vector<1x1000x128xf32> to vector<1000x128xf32>
    %swap3A_365 = vector.shape_cast %concatenate3A_359 : vector<1000x128xf32> to vector<1x1000x128xf32>
    tpu.vector_store %arg9[%swap3A_360, %swap3A_361, %swap3A_362], %swap3A_365 {strides = array<i32>} : memref<2x1000x128xf32, #tpu.memory_space<vmem>>, vector<1x1000x128xf32>,
    return
  }
  func.func @transform_0(%arg0: i32) -> (i32, i32) {
    %c0_i32 = arith.constant 0 : i32
    %c0_i32_0 = arith.constant 0 : i32
    return %arg0, %c0_i32 : i32, i32
  }
  func.func @transform_1(%arg0: i32) -> (i32, i32) {
    %c0_i32 = arith.constant 0 : i32
    %c0_i32_0 = arith.constant 0 : i32
    return %arg0, %c0_i32 : i32, i32
  }
  func.func @transform_2(%arg0: i32) -> (i32, i32) {
    %c0_i32 = arith.constant 0 : i32
    %c0_i32_0 = arith.constant 0 : i32
    %c0_i32_1 = arith.constant 0 : i32
    return %c0_i32, %c0_i32_0 : i32, i32
  }
  func.func @transform_3(%arg0: i32) -> (i32, i32) {
    %c0_i32 = arith.constant 0 : i32
    %c0_i32_0 = arith.constant 0 : i32
    %c0_i32_1 = arith.constant 0 : i32
    return %c0_i32, %c0_i32_0 : i32, i32
  }
  func.func @transform_4(%arg0: i32) -> (i32, i32) {
    %c0_i32 = arith.constant 0 : i32
    %c0_i32_0 = arith.constant 0 : i32
    %c0_i32_1 = arith.constant 0 : i32
    return %c0_i32, %c0_i32_0 : i32, i32
  }
  func.func @transform_5(%arg0: i32) -> (i32, i32) {
    %c0_i32 = arith.constant 0 : i32
    %c0_i32_0 = arith.constant 0 : i32
    %c0_i32_1 = arith.constant 0 : i32
    return %c0_i32, %c0_i32_0 : i32, i32
  }
  func.func @transform_6(%arg0: i32) -> (i32, i32) {
    %c0_i32 = arith.constant 0 : i32
    %c0_i32_0 = arith.constant 0 : i32
    %c0_i32_1 = arith.constant 0 : i32
    return %c0_i32, %c0_i32_0 : i32, i32
  }
  func.func @transform_7(%arg0: i32) -> (i32, i32, i32) {
    %c0_i32 = arith.constant 0 : i32
    %c0_i32_0 = arith.constant 0 : i32
    %c0_i32_1 = arith.constant 0 : i32
    return %c0_i32, %arg0, %c0_i32_0 : i32, i32, i32
  }
  func.func @transform_8(%arg0: i32) -> (i32, i32, i32) {
    %c0_i32 = arith.constant 0 : i32
    %c0_i32_0 = arith.constant 0 : i32
    %c0_i32_1 = arith.constant 0 : i32
    return %c0_i32, %arg0, %c0_i32_0 : i32, i32, i32
  }
}

</mosaic_0001>

<sc_bundles>
// kernel: kernel.5.cloned.1.call-start
scs
__scs_entry_jumppad:
0x0: {  	(pc) =	sbr.rel $0x88, $3  }
0x1: {  	(tag) =	ssettag $0x0;
	lr =	simm.s32 $0x1  }
0x2: {  	[smem:$0x3F98] =	sst lr;
	_ =	strace $0xD0000000  }
0x3: {  	_ = 	snop  }
0x4: {  	_ = 	snop  }
0x5: {  	_ = 	snop  }
0x6: {  	_ = 	snop  }
0x7: {  	_ = 	snop  }
__scs_overlays_trampoline_lowered:
0x8: {  	[smem:$0x3FA7] =	sst s0  }
0x9: {  	[smem:$0x3FA8] =	sst s1  }
0xa: {  	[smem:$0x3FA9] =	sst s2  }
0xb: {  	[smem:$0x3FAA] =	sst s3  }
0xc: {  	[smem:$0x3FAB] =	sst s4  }
0xd: {  	[smem:$0x3FAC] =	sst s5  }
0xe: {  	[smem:$0x3FAD] =	sst s6  }
0xf: {  	[smem:$0x3FAE] =	sst s7  }
0x10: {  	[smem:$0x3FAF] =	sst s8  }
0x11: {  	[smem:$0x3FB0] =	sst s9;
	s0 =	simm.s32 @!p0 $0x0  }
0x12: {  	s1 =	sld [smem:$0x3F96];
	s0 =	simm.s32 @p0 $0x1  }
0x13: {  	[smem:$0x3FB1] =	sst s0;
	s0 =	simm.s32 @!p1 $0x0  }
0x14: {  	s2 =	sld [smem:$0x3F95];
	s0 =	simm.s32 @p1 $0x1  }
0x15: {  	[smem:$0x3FB2] =	sst s0;
	s0 =	simm.s32 @!p2 $0x0  }
0x16: {  	s3 =	sld [smem:$0x3FDB];
	s0 =	simm.s32 @p2 $0x1  }
0x17: {  	s4 =	simm.s32 $0x1BF5;
	[smem:$0x3FB4] =	sst s0  }
0x18: {  	s0 =	sld [smem:$0x3F97];
	_ =	swait.ge [sflag:s4], $0x0  }
0x19: {  	s7 =	sld [smem:$0x3F98]  }
0x1a: {  	s8 =	sadd.s32 $0xFFFFE003, lr  }
0x1b: {  	s9 =	sadd.s32 $0xFFFFFEF7, lr;
	s5 =	simm.s32 $0xFFFFFFFF;
	p2 =	slt.u32 s8, $0xFFFFF086  }
0x1c: {  	p1 =	slt.u32 s9, $0xF7A;
	s5 =	simm.s32 @!p2 $0x0  }
0x1d: {  	s5 =	simm.s32 @p1 $0x1;
	p0 =	seq.s32 s7, s2  }
0x1e: {  	s7 =	smul.u32 @!p0 $0xF7A, s2;
	p2 =	seq.s32 @!p0 s5, $0x0  }
0x1f: {  	s9 =	smul.u32 $0xF7A, s1;
	s8 =	simm.s32 @!p0 $0x1BF5;
	p2 =	por !p2, p0  }
0x20: {  	[sflag:s8] =	ssyncset.s32 @!p0 $0xFFFFF086;
	s6 =	sadd.s32 @!p0 s3, s7;
	s7 =	simm.s32 @!p0 $0x108  }
0x21: {  	s3 =	sadd.s32 s3, s9;
	s6 =	sadd.s32 @!p0 $0x88, s6;
	s7 =	simm.s32 @p2 $0x1082  }
0x22: {  	[simem:s7], [sflag:s8] =	dma.local @!p0 [hbm:s6], $0xF7A  }
0x23: {  	s9 =	sor.u32 $0xD0000000, s2;
	s6 =	simm.s32 $0x108;
	_ =	swait.ge @!p0 [sflag:s8], $0x0  }
0x24: {  	s3 =	sadd.s32 $0x88, s3;
	s6 =	simm.s32 @!p1 $0x1082;
	[sflag:s4] =	ssyncset.s32 $0xFFFFF086  }
0x25: {  	[simem:s6], [sflag:s4] =	dma.local [hbm:s3], $0xF7A  }
0x26: {  	[smem:$0x3F98] =	sst s1;
	(tag) =	ssettag s2;
	_ =	strace s9  }
0x27: {  	s1 =	sld [smem:$0x3FA8]  }
0x28: {  	s2 =	sld [smem:$0x3FA9]  }
0x29: {  	s4 =	sld [smem:$0x3FAB]  }
0x2a: {  	p0 =	seq.s32 s5, $0x0;
	s5 =	sld [smem:$0x3FAC]  }
0x2b: {  	s6 =	sld [smem:$0x3FAD]  }
0x2c: {  	s7 =	sld [smem:$0x3FAE]  }
0x2d: {  	s3 =	simm.s32 $0x108;
	s8 =	sld [smem:$0x3FAF]  }
0x2e: {  	s3 =	simm.s32 @!p0 $0x1082;
	s9 =	sld [smem:$0x3FB0]  }
0x2f: {  	lr =	sadd.s32 s0, s3;
	s0 =	sld [smem:$0x3FA7]  }
0x30: {  	s3 =	sld [smem:$0x3FAA]  }
0x31: {  	[smem:$0x3FB3] =	sst s10  }
0x32: {  	s10 =	sld [smem:$0x3FB1];
	_ =	sdelay $0x3  }
0x33: {  	p0 =	seq.s32 s10, $0x1;
	s10 =	sld [smem:$0x3FB3];
	_ =	sdelay $0x3  }
0x34: {  	[smem:$0x3FB3] =	sst s10  }
0x35: {  	s10 =	sld [smem:$0x3FB2];
	_ =	sdelay $0x3  }
0x36: {  	p1 =	seq.s32 s10, $0x1;
	s10 =	sld [smem:$0x3FB3];
	_ =	sdelay $0x3  }
0x37: {  	[smem:$0x3FB3] =	sst s10  }
0x38: {  	s10 =	sld [smem:$0x3FB4]  }
0x39: {  	_ = 	snop;
	(pc) =	sbr.ind lr, $3  }
0x3a: {  	_ = 	snop  }
0x3b: {  	_ = 	snop  }
0x3c: {  	p2 =	seq.s32 s10, $0x1;
	s10 =	sld [smem:$0x3FB3]  }
0x3d: {  	_ =	shalt  }
0x3e: {  	_ =	shalt  }
0x3f: {  	_ =	shalt  }
0x40: {  	_ =	shalt  }
0x41: {  	_ =	shalt  }
0x42: {  	_ =	shalt  }
0x43: {  	_ =	shalt  }
0x44: {  	_ =	shalt  }
0x45: {  	_ =	shalt  }
0x46: {  	_ =	shalt  }
0x47: {  	_ =	shalt  }
0x48: {  	_ =	shalt  }
0x49: {  	_ =	shalt  }
0x4a: {  	_ =	shalt  }
0x4b: {  	_ =	shalt  }
0x4c: {  	_ =	shalt  }
0x4d: {  	_ =	shalt  }
0x4e: {  	_ =	shalt  }
0x4f: {  	_ =	shalt  }
0x50: {  	_ =	shalt  }
0x51: {  	_ =	shalt  }
0x52: {  	_ =	shalt  }
0x53: {  	_ =	shalt  }
0x54: {  	_ =	shalt  }
0x55: {  	_ =	shalt  }
0x56: {  	_ =	shalt  }
0x57: {  	_ =	shalt  }
0x58: {  	_ =	shalt  }
0x59: {  	_ =	shalt  }
0x5a: {  	_ =	shalt  }
0x5b: {  	_ =	shalt  }
0x5c: {  	_ =	shalt  }
0x5d: {  	_ =	shalt  }
0x5e: {  	_ =	shalt  }
0x5f: {  	_ =	shalt  }
0x60: {  	_ =	shalt  }
0x61: {  	_ =	shalt  }
0x62: {  	_ =	shalt  }
0x63: {  	_ =	shalt  }
0x64: {  	_ =	shalt  }
0x65: {  	_ =	shalt  }
0x66: {  	_ =	shalt  }
0x67: {  	_ =	shalt  }
0x68: {  	_ =	shalt  }
0x69: {  	_ =	shalt  }
0x6a: {  	_ =	shalt  }
0x6b: {  	_ =	shalt  }
0x6c: {  	_ =	shalt  }
0x6d: {  	_ =	shalt  }
0x6e: {  	_ =	shalt  }
0x6f: {  	_ =	shalt  }
0x70: {  	_ =	shalt  }
0x71: {  	_ =	shalt  }
0x72: {  	_ =	shalt  }
0x73: {  	_ =	shalt  }
0x74: {  	_ =	shalt  }
0x75: {  	_ =	shalt  }
0x76: {  	_ =	shalt  }
0x77: {  	_ =	shalt  }
0x78: {  	_ =	shalt  }
0x79: {  	_ =	shalt  }
0x7a: {  	_ =	shalt  }
0x7b: {  	_ =	shalt  }
0x7c: {  	_ =	shalt  }
0x7d: {  	_ =	shalt  }
0x7e: {  	_ =	shalt  }
0x7f: {  	_ =	shalt  }
0x80: {  	_ =	shalt  }
0x81: {  	_ =	shalt  }
0x82: {  	_ =	shalt  }
0x83: {  	_ =	shalt  }
0x84: {  	_ =	shalt  }
0x85: {  	_ =	shalt  }
0x86: {  	_ =	shalt  }
0x87: {  	_ =	shalt  }
.Lfunc_end0:
.L_simem_size_0:
called_computation.1_lowered:
.L_overlay_start_0:
0x88: {  	s2 =	sld [smem:$0x3FD9]  }
0x89: {  	s3 =	sld [smem:$0x3FFE];
	_ =	sdelay $0x1  }
0x8a: {  	s1 =	srdreg.scid  }
0x8b: {  	s0 =	sand.u32 $0x1, s1  }
0x8c: {  	s16 =	sshll.u32 s0, $0xA;
	s2 =	sadd.s32 s3, s2  }
0x8d: {  	s2 =	sadd.s32 s2, s16  }
0x8e: {  	[smem:$0x3FBF] =	sst s2  }
0x8f: {  	_ = 	snop  }
0x90: {  	(tm) =	ssettm $0x1  }
0x91: {  	s17 =	sld [smem:$0x3FFB];
	_ =	sdelay $0x3  }
0x92: {  	_ =	strace s17  }
0x93: {  	s2 =	sld [smem:$0x3FFC];
	_ =	sdelay $0x3  }
0x94: {  	_ =	strace s2  }
0x95: {  	s2 =	sld [smem:$0x3FFD];
	_ =	sdelay $0x3  }
0x96: {  	_ =	strace s2  }
0x97: {  	_ =	strace $0x8FFFFFFF  }
0x98: {  	s18 =	sld [smem:$0x3FDB];
	_ =	sdelay $0x1  }
0x99: {  	s19 =	simm.s32 $_scs_section_size  }
0x9a: {  	s4 =	simm.s32 $_size__tile_overlayer_lowered;
	s5 =	simm.s32 $_tile_overlayer_lowered  }
0x9b: {  	s22 =	simm.s32 $0x1BFF;
	s21 =	sshll.u32 s5, $0x1;
	s2 =	sadd.s32 s19, s18  }
0x9c: {  	s6 =	simm.s32 $0x0;
	s20 =	sshll.u32 s4, $0x1;
	s4 =	sadd.s32 s21, s2  }
0x9d: {  	[timem:s6], [sflag:s22] =	dma.local [hbm:s4], s20  }
0x9e: {  	_ =	swait.ge [sflag:s22], s20  }
0x9f: {  	s3 =	ssub.s32 $0x0, s20;
	[sflag:s22] =	ssyncset.done $0x0  }
0xa0: {  	[sflag:s22] =	ssyncadd.s32 s3;
	_ =	sdelay $0x1  }
0xa1: {  	s23 =	simm.s32 $0x1B8B  }
0xa2: {  	_ =	swait.ge [sflag:s23], $0x1  }
0xa3: {  	[sflag:s23] =	ssyncset.done $0x0  }
0xa4: {  	s25 =	simm.s32 $0x1B8E;
	s24 =	sld [smem:$0x3FFE];
	[sflag:s23] =	ssyncadd.s32 $0xFFFFFFFF  }
0xa5: {  	s26 =	simm.s32 $execute0_lowered;
	[smem:$0x3FD2] =	sst s25  }
0xa6: {  	s4 =	sshll.u32 s26, $0x1;
	_ =	strace $0x80000049;
	[dreg:$0x1] =	wrdreg $0xFFFFFFFF  }
0xa7: {  	s28 =	simm.s32 $_size_execute0_lowered;
	s2 =	sadd.s32 s2, s4;
	[dreg:$0x0] =	wrdreg $0x0  }
0xa8: {  	s4 =	sshll.u32 s28, $0x1;
	[dreg:$0x2] =	wrdreg s2  }
0xa9: {  	[dreg:$0x3] =	wrdreg s4  }
0xaa: {  	[dreg:$0x4] =	wrdreg $0xC0  }
0xab: {  	_ =	task [dreg:s6], $0x5FFFF  }
0xac: {  	[dreg:$0x1] =	wrdreg $0xFFFFFFFF  }
0xad: {  	[dreg:$0x0] =	wrdreg $0x60  }
0xae: {  	[dreg:$0x2] =	wrdreg s24  }
0xaf: {  	[dreg:$0x3] =	wrdreg $0x9  }
0xb0: {  	_ =	task.clear_ibuf [dreg:s6], $0x4FFFF;
	_ =	strace $0x90000049  }
0xb1: {  	s29 =	simm.s32 $0x9;
	_ =	strace $0x8000004B  }
0xb2: {  	_ =	swait.ge [sflag:s29], $0x1  }
0xb3: {  	[sflag:s29] =	ssyncadd.s32 $0xFFFFFFFF  }
0xb4: {  	_ =	strace $0x9000004B  }
0xb5: {  	_ =	sfence  }
0xb6: {  	s30 =	sld [smem:$0x0];
	_ =	sdelay $0x2  }
0xb7: {  	s31 =	sshll.u32 s1, $0xD;
	s1 =	sshrl.u32 s1, $0x2  }
0xb8: {  	s3 =	sand.u32 $0x4000, s31;
	s1 =	sadd.s32 s1, s30  }
0xb9: {  	s0 =	sor.u32 s3, s0;
	s1 =	sshll.u32 s1, $0x11  }
0xba: {  	s0 =	sor.u32 s1, s0  }
0xbb: {  	s0 =	sadd.s32 $0x8F2B, s0  }
0xbc: {  	[sflag:s0] =	ssyncadd.remote.s32 $0x1  }
0xbd: {  	_ =	sfence.sel $0xFFFF  }
0xbe: {  	[dreg:$0x0] =	wrdreg $0xFFFFFFFF;
	(pc) =	sbr.abs _section_cstart, $3  }
0xbf: {  	[dreg:$0x1] =	wrdreg $0xFFFFFFFF  }
0xc0: {  	_ =	task.clear_ibuf [dreg:s6], $0x2FFFF;
	_ =	strace $0x9FFFFFFF  }
0xc1: {  	(tm) =	ssettm $0x7FFFFFFF  }
tec
execute0_lowered:
.L_overlay_start_1:
0x0: {  	(tag) =	ssettag $0x1  }
0x1: {  	s0 =	srdreg.scid;
	s1 =	stileid.u32  }
0x2: {  	s0 =	sand.u32 $0x1, s0;
	s1 =	sshll.u32 s1, $0x1  }
0x3: {  	s1 =	sor.u32 s0, s1  }
0x4: {  	s2 =	smul.u32 $0x270CAE, s1  }
0x5: {  	s1 =	smul.u32 $0x4BA, s1  }
0x6: {  	s7 =	rddreg [dreg:$0x0];
	s17 =	simm.s32 $0x1;
	s3 =	sshrl.u32 s2, $0x10  }
0x7: {  	s18 =	simm.s32 $0xC00;
	s28 =	simm.s32 $0x2A00;
	s1 =	ssub.s32 s1, s3  }
0x8: {  	s29 =	simm.s32 $0x3;
	s30 =	simm.s32 $0x1B000;
	s1 =	sand.u32 $0xFFFE, s1  }
0x9: {  	s31 =	simm.s32 $0x4;
	s16 =	simm.s32 $0x8;
	s1 =	sshrl.u32 s1, $0x1  }
0xa: {  	s19 =	simm.s32 $0x0;
	s0 =	ssub.s32 $0x2, s0;
	s1 =	sadd.s32 s3, s1  }
0xb: {  	s5 =	sadd.s32 $0x33BA00, s7;
	s9 =	sshrl.u32 s0, $0x1;
	s3 =	sshrl.u32 s1, $0x4  }
0xc: {  	s0 =	ssub.s32 s0, s9;
	s2 =	simm.s32 $0x0;
	s1 =	smul.u32 $0x600, s3  }
0xd: {  	s6 =	sadd.s32 $0x3B0E00, s7;
	s0 =	smax.u32 s0, $0x1;
	[smem:$0x7FF] =	sst s2  }
0xe: {  	_ =	strace $0x8000004A;
	[dreg:$0x7] =	wrdreg s0;
	s1 =	sshrl.u32 s1, $0x3  }
0xf: {  	s8 =	sadd.s32 s5, s1;
	s10 =	sadd.s32 $0x3A980, s1;
	s1 =	sadd.s32 s6, s1  }
0x10: {  	v0 =	vimm.s32 $0x0;
	s4 =	sadd.s32 $0x2A00, s7;
	s23 =	sadd.s32 s5, s10;
	[dreg:$0x5] =	wrdreg s1  }
0x11: {  	v1 =	vimm.s32 $0x1;
	v2 =	vimm.s32 $0x2;
	v3 =	vimm.s32 $0x3;
	s7 =	sadd.s32 $0x19F200, s7;
	s24 =	sadd.s32 $0xC0, s8;
	[dreg:$0x2] =	wrdreg s23  }
0x12: {  	v4 =	vimm.s32 $0x4;
	v5 =	vimm.s32 $0x5;
	v6 =	vimm.s32 $0x6;
	s0 =	simm.s32 $0x7;
	s25 =	sadd.s32 $0x3AA40, s8;
	[dreg:$0x3] =	wrdreg s24  }
0x13: {  	v7 =	vimm.s32 $0x7;
	v8 =	vimm.s32 $0x8;
	v9 =	vimm.s32 $0x9;
	s14 =	sadd.s32 $0x3, s3;
	s26 =	sadd.s32 s6, s10;
	[dreg:$0x4] =	wrdreg s25  }
0x14: {  	v10 =	vimm.s32 $0xA;
	v11 =	vimm.s32 $0xB;
	v12 =	vimm.s32 $0xC;
	s1 =	simm.s32 $0x1BC00;
	[dreg:$0x6] =	wrdreg s26;
	s23 =	simm.s32 $0x2  }
0x15: {  	v13 =	vimm.s32 $0xD;
	v14 =	vimm.s32 $0xE;
	v15 =	vimm.s32 $0xF;
	s24 =	simm.s32 $0xF000;
	s25 =	simm.s32 $0x5;
	s26 =	simm.s32 $0x2400  }
.LBB2_1:
0x16: {  	[tilespmem:s2], [sflag:$0x1] =	stream.linear.gather [hbm4b:s8+s2], $0x600, $0x38;
	[tilespmem:$0x1C800] =	vst v63  }
0x17: {  	s9 =	rddreg [dreg:$0x2];
	s10 =	simm.s32 $0x600  }
0x18: {  	[tilespmem:s10], [sflag:$0x1] =	stream.linear.gather [hbm4b:s9+s2], $0x600, $0x38;
	[tilespmem:$0x1C800] =	vst v63  }
0x19: {  	_ =	swait.ge [sflag:s17], $0x600  }
0x1a: {  	[sflag:s17] =	ssyncset.done $0x0  }
0x1b: {  	[sflag:s17] =	ssyncadd.s32 $0xFFFFFA00  }
0x1c: {  	_ =	swait.ge [sflag:s17], $0x600  }
0x1d: {  	[sflag:s17] =	ssyncset.done $0x0  }
0x1e: {  	s10 =	simm.s32 $0x3000;
	[sflag:s17] =	ssyncadd.s32 $0xFFFFFA00  }
0x1f: {  	[tilespmem:s10], [sflag:$0x5] =	stream.indirect.gather [hbm4b:s4+s18], $0x10, s2, s18, $0xb8;
	[tilespmem:$0x1C800] =	vst v63  }
0x20: {  	s11 =	rddreg [dreg:$0x3]  }
0x21: {  	[tilespmem:s18], [sflag:$0x2] =	stream.linear.gather [hbm4b:s11+s2], $0x600, $0x38;
	[tilespmem:$0x1C800] =	vst v63  }
0x22: {  	s13 =	simm.s32 $0x1200;
	s12 =	rddreg [dreg:$0x4]  }
0x23: {  	[tilespmem:s13], [sflag:$0x2] =	stream.linear.gather [hbm4b:s12+s2], $0x600, $0x38;
	[tilespmem:$0x1C800] =	vst v63  }
0x24: {  	s20 =	simm.s32 $0x1800;
	s15 =	rddreg [dreg:$0x5]  }
0x25: {  	[tilespmem:s20], [sflag:$0x3] =	stream.linear.gather [hbm4b:s15+s2], $0x600, $0x38;
	[tilespmem:$0x1C800] =	vst v63  }
0x26: {  	s22 =	simm.s32 $0x1E00;
	s21 =	rddreg [dreg:$0x6];
	s20 =	simm.s32 $0x0  }
0x27: {  	[tilespmem:s22], [sflag:$0x3] =	stream.linear.gather [hbm4b:s21+s2], $0x600, $0x38;
	[tilespmem:$0x1C800] =	vst v63  }
.LBB2_2:
0x28: {  	_ =	swait.ge [sflag:s23], $0x600  }
0x29: {  	[sflag:s23] =	ssyncset.done $0x0  }
0x2a: {  	s9 =	sshll.u32 s20, $0x1;
	[sflag:s23] =	ssyncadd.s32 $0xFFFFFA00  }
0x2b: {  	p0 =	seq.s32 s20, $0x13;
	s22 =	sadd.s32 $0x2, s9;
	_ =	swait.ge [sflag:s23], $0x600  }
0x2c: {  	s10 =	sadd.s32 @!p0 s3, s22;
	[sflag:s23] =	ssyncset.done $0x0  }
0x2d: {  	s10 =	smul.u32 @!p0 $0x600, s10;
	[sflag:s23] =	ssyncadd.s32 $0xFFFFFA00  }
0x2e: {  	[tilespmem:s24], [sflag:$0x6] =	stream.indirect.gather [hbm4b:s4+s18], $0x10, s18, s18, $0xb8;
	[tilespmem:$0x1C800] =	vst v63  }
0x2f: {  	s11 =	sshllo.u32 s20, $0x1;
	s12 =	simm.s32 @!p0 $0x0;
	_ =	swait.ge [sflag:s25], $0xC000  }
0x30: {  	s21 =	sadd.s32 s3, s11;
	s10 =	sshrl.u32 @!p0 s10, $0x3;
	[sflag:s25] =	ssyncset.done $0x0  }
0x31: {  	s13 =	smul.u32 $0x600, s21;
	s10 =	sadd.s32 @!p0 s5, s10;
	[sflag:s25] =	ssyncadd.s32 $0xFFFF4000  }
0x32: {  	[tilespmem:s12], [sflag:$0x1] =	stream.linear.gather @!p0 [hbm4b:s10+s12], $0x600, $0x38;
	[tilespmem:$0x1C800] =	vst v63  }
0x33: {  	s11 =	simm.s32 @!p0 $0x600;
	s15 =	sshrl.u32 s13, $0x3;
	s10 =	sadd.s32 @!p0 $0x3A980, s10  }
0x34: {  	[tilespmem:s11], [sflag:$0x1] =	stream.linear.gather @!p0 [hbm4b:s10+s12], $0x600, $0x38;
	[tilespmem:$0x1C800] =	vst v63  }
0x35: {  	s10 =	sadd.s32 s6, s15  }
0x36: {  	[tilespmem:s26], [sflag:$0x4] =	stream.linear.gather [hbm4b:s10+s2], $0x600, $0x38;
	[tilespmem:$0x1C800] =	vst v63  }
0x37: {  	s10 =	sadd.s32 $0x3A980, s10  }
0x38: {  	[tilespmem:s28], [sflag:$0x4] =	stream.linear.gather [hbm4b:s10+s2], $0x600, $0x38;
	[tilespmem:$0x1C800] =	vst v63  }
0x39: {  	_ =	swait.ge [sflag:s29], $0x600  }
0x3a: {  	[sflag:s29] =	ssyncset.done $0x0  }
0x3b: {  	[sflag:s29] =	ssyncadd.s32 $0xFFFFFA00  }
0x3c: {  	_ =	swait.ge [sflag:s29], $0x600  }
0x3d: {  	p0 =	seq.s32 s20, $0x0;
	[sflag:s29] =	ssyncset.done $0x0  }
0x3e: {  	s10 =	simm.s32 @!p0 $0x7;
	[sflag:s29] =	ssyncadd.s32 $0xFFFFFA00  }
0x3f: {  	_ =	swait.ge @!p0 [sflag:s10], $0xC00  }
0x40: {  	[sflag:s10] =	ssyncset.done @!p0 $0x0  }
0x41: {  	[sflag:s10] =	ssyncadd.s32 @!p0 $0xFFFFF400;
	s10 =	simm.s32 $0x0  }
.LBB2_3:
0x42: {  	s12 =	sshll.u32 s10, $0x5;
	s13 =	sshll.u32 s10, $0x9  }
0x43: {  	v17 =	vld [tilespmem:s12+$0x1800];
	s11 =	sand.u32 $0x3FFFFE00, s13  }
0x44: {  	v16 =	vld [tilespmem:s11+$0x3000]  }
0x45: {  	v18 =	vld [tilespmem:s11+$0x3010]  }
0x46: {  	v21 =	vld [tilespmem:s11+$0x3020]  }
0x47: {  	v23 =	vld [tilespmem:s11+$0x3030]  }
0x48: {  	v37 =	vld [tilespmem:s11+$0x3040];
	v19 =	vperm.xlane v17, v0  }
0x49: {  	v40 =	vld [tilespmem:s11+$0x3050];
	v22 =	vperm.xlane v17, v1;
	v24 =	vperm.xlane v17, v2  }
0x4a: {  	v45 =	vld [tilespmem:s11+$0x3060];
	v25 =	vperm.xlane v17, v3;
	v43 =	vperm.xlane v17, v4  }
0x4b: {  	v50 =	vld [tilespmem:s11+$0x3070];
	v46 =	vperm.xlane v17, v5;
	v52 =	vperm.xlane v17, v6  }
0x4c: {  	v53 =	vld [tilespmem:s11+$0x3080];
	v58 =	vperm.xlane v17, v7;
	v27 =	vperm.xlane v17, v9  }
0x4d: {  	v56 =	vld [tilespmem:s11+$0x3090];
	v29 =	vperm.xlane v17, v10;
	v30 =	vperm.xlane v17, v11;
	v20 =	vunpack.i.l.bf16.f32 v16  }
0x4e: {  	v26 =	vld [tilespmem:s11+$0x30A0];
	v16 =	vunpack.i.u.bf16.f32 v16;
	v35 =	vunpack.i.l.bf16.f32 v18;
	v18 =	vunpack.i.u.bf16.f32 v18  }
0x4f: {  	v28 =	vld [tilespmem:s11+$0x30B0];
	v36 =	vunpack.i.l.bf16.f32 v21;
	v21 =	vunpack.i.u.bf16.f32 v21;
	v39 =	vunpack.i.l.bf16.f32 v23  }
0x50: {  	v42 =	vunpack.i.u.bf16.f32 v23;
	v44 =	vunpack.i.l.bf16.f32 v37;
	v48 =	vunpack.i.l.bf16.f32 v40  }
0x51: {  	v49 =	vunpack.i.u.bf16.f32 v40;
	v54 =	vunpack.i.u.bf16.f32 v45;
	v23 =	vunpack.i.l.bf16.f32 v45  }
0x52: {  	v59 =	vunpack.i.u.bf16.f32 v50;
	v60 =	vunpack.i.l.bf16.f32 v53;
	v61 =	vunpack.i.l.bf16.f32 v56  }
0x53: {  	v62 =	vunpack.i.l.bf16.f32 v26;
	v26 =	vunpack.i.u.bf16.f32 v26;
	v16 =	vmul.f32 v16, v19  }
0x54: {  	v33 =	vunpack.i.l.bf16.f32 v28;
	v45 =	vperm.xlane v17, v14;
	v20 =	vmul.f32 v20, v19  }
0x55: {  	v19 =	vmul.f32 v35, v22;
	v18 =	vmul.f32 v18, v22;
	v16 =	vadd.f32 $0.0e+00, v16  }
0x56: {  	v63 =	vld [tilespmem:s11+$0x30C0];
	v38 =	vmul.f32 v21, v24;
	v41 =	vmul.f32 v39, v25;
	v20 =	vadd.f32 $0.0e+00, v20  }
0x57: {  	v40 =	vld [tilespmem:s11+$0x30E0];
	v22 =	vunpack.i.u.bf16.f32 v37;
	v21 =	vmul.f32 v48, v46;
	v16 =	vadd.f32 v18, v16  }
0x58: {  	v51 =	vmul.f32 v49, v46;
	v55 =	vmul.f32 v23, v52;
	v19 =	vadd.f32 v19, v20  }
0x59: {  	s15 =	sor.u32 $0x400, s13;
	v20 =	vmul.f32 v36, v24;
	v18 =	vmul.f32 v42, v25;
	v16 =	vadd.f32 v38, v16  }
0x5a: {  	s15 =	sand.u32 $0x3FFFFE00, s15;
	v32 =	vmul.f32 v26, v29;
	v37 =	vunpack.i.u.bf16.f32 v28;
	v47 =	vmul.f32 v22, v43  }
0x5b: {  	v46 =	vld [tilespmem:s15+$0x3000];
	v22 =	vunpack.i.l.bf16.f32 v50;
	v19 =	vadd.f32 v20, v19;
	v16 =	vadd.f32 v18, v16  }
0x5c: {  	v34 =	vld [tilespmem:s11+$0x30D0];
	v39 =	vunpack.i.l.bf16.f32 v63;
	v22 =	vmul.f32 v22, v58;
	v26 =	vunpack.i.l.bf16.f32 v40  }
0x5d: {  	v42 =	vld [tilespmem:s11+$0x30F0];
	v20 =	vmul.f32 v44, v43;
	v19 =	vadd.f32 v41, v19;
	v16 =	vadd.f32 v47, v16  }
0x5e: {  	v24 =	vunpack.i.u.bf16.f32 v53;
	v36 =	vmul.f32 v33, v30;
	v48 =	vmul.f32 v26, v45  }
0x5f: {  	v49 =	vld [tilespmem:s11+$0x3410];
	v19 =	vadd.f32 v20, v19;
	v20 =	vmul.f32 v54, v52;
	v16 =	vadd.f32 v51, v16  }
0x60: {  	v53 =	vunpack.i.l.bf16.f32 v46;
	v28 =	vunpack.i.u.bf16.f32 v46;
	v38 =	vperm.xlane v17, v12  }
0x61: {  	v43 =	vunpack.i.u.bf16.f32 v34;
	v57 =	vadd.f32 v20, v16;
	v16 =	vperm.xlane v17, v8  }
0x62: {  	v41 =	vperm.xlane v17, v13;
	v47 =	vunpack.i.u.bf16.f32 v40;
	v52 =	vunpack.i.u.bf16.f32 v42  }
0x63: {  	v19 =	vadd.f32 v21, v19;
	v21 =	vunpack.i.u.bf16.f32 v56;
	v25 =	vmul.f32 v60, v16  }
0x64: {  	v54 =	vld [tilespmem:s11+$0x3420];
	v56 =	vunpack.i.l.bf16.f32 v49;
	v20 =	vmul.f32 v59, v58;
	v16 =	vmul.f32 v24, v16  }
0x65: {  	v18 =	vadd.f32 v55, v19;
	v24 =	vmul.f32 v61, v27;
	v25 =	vadd.f32 $0.0e+00, v25  }
0x66: {  	v21 =	vmul.f32 v21, v27;
	v19 =	vadd.f32 v20, v57;
	v57 =	vld [tilespmem:s11+$0x3430];
	v16 =	vadd.f32 $0.0e+00, v16  }
0x67: {  	v17 =	vperm.xlane v17, v15;
	v24 =	vadd.f32 v24, v25;
	v25 =	vmul.f32 v62, v29  }
0x68: {  	v33 =	vld [tilespmem:s11+$0x3450];
	v59 =	vunpack.i.u.bf16.f32 v49;
	v27 =	vunpack.i.u.bf16.f32 v63;
	v16 =	vadd.f32 v21, v16  }
0x69: {  	v18 =	vadd.f32 v22, v18;
	v61 =	vunpack.i.l.bf16.f32 v54;
	v35 =	vadd.f32 v25, v24  }
0x6a: {  	v21 =	vmul.f32 v37, v30;
	v62 =	vld [tilespmem:s11+$0x3440];
	v16 =	vadd.f32 v32, v16;
	v24 =	vmul.f32 v39, v38  }
0x6b: {  	v25 =	vmul.f32 v27, v38;
	v32 =	vunpack.i.l.bf16.f32 v57;
	v38 =	vld [tilespmem:s11+$0x3460];
	v23 =	vadd.f32 v36, v35  }
0x6c: {  	v21 =	vadd.f32 v21, v16;
	v16 =	vunpack.i.l.bf16.f32 v34;
	v35 =	vunpack.i.u.bf16.f32 v57;
	v57 =	vld [tilespmem:s11+$0x34B0]  }
0x6d: {  	v27 =	vunpack.i.l.bf16.f32 v42;
	v42 =	vunpack.i.u.bf16.f32 v33;
	v44 =	vmul.f32 v16, v41;
	v16 =	vld [tilespmem:s12+$0x1840]  }
0x6e: {  	v27 =	vmul.f32 v27, v17;
	v17 =	vmul.f32 v52, v17;
	v23 =	vadd.f32 v24, v23  }
0x6f: {  	v37 =	vunpack.i.l.bf16.f32 v62;
	v21 =	vadd.f32 v25, v21;
	v24 =	vmul.f32 v43, v41  }
0x70: {  	v25 =	vmul.f32 v47, v45;
	v41 =	vunpack.i.l.bf16.f32 v33;
	v43 =	vld [tilespmem:s11+$0x3470];
	v23 =	vadd.f32 v44, v23  }
0x71: {  	v47 =	vunpack.i.u.bf16.f32 v38;
	v21 =	vadd.f32 v24, v21;
	v33 =	vunpack.i.l.bf16.f32 v57  }
0x72: {  	v50 =	vadd.f32 v48, v23;
	v51 =	vperm.xlane v16, v0;
	v55 =	vperm.xlane v16, v1  }
0x73: {  	v21 =	vadd.f32 v25, v21;
	v60 =	vperm.xlane v16, v2;
	v63 =	vperm.xlane v16, v3  }
0x74: {  	v25 =	vunpack.i.u.bf16.f32 v54;
	v36 =	vperm.xlane v16, v4;
	v39 =	vperm.xlane v16, v5  }
0x75: {  	v46 =	vld [tilespmem:s11+$0x3480];
	v45 =	vperm.xlane v16, v6;
	v52 =	vunpack.i.u.bf16.f32 v43;
	v24 =	vmul.f32 v53, v51  }
0x76: {  	v26 =	vunpack.i.l.bf16.f32 v43;
	v22 =	vmul.f32 v28, v51;
	v58 =	vmul.f32 v56, v55  }
0x77: {  	v31 =	vmul.f32 v25, v60;
	v34 =	vmul.f32 v32, v63;
	v28 =	vunpack.i.u.bf16.f32 v62  }
0x78: {  	v23 =	vmul.f32 v37, v36;
	v44 =	vmul.f32 v42, v39;
	v25 =	vunpack.i.l.bf16.f32 v38  }
0x79: {  	v49 =	vld [tilespmem:s11+$0x3490];
	v20 =	vadd.f32 v27, v50;
	v17 =	vadd.f32 v17, v21;
	v50 =	vperm.xlane v16, v8  }
0x7a: {  	v54 =	vld [tilespmem:s11+$0x34A0];
	v51 =	vperm.xlane v16, v7;
	v53 =	vunpack.i.l.bf16.f32 v46;
	v37 =	vperm.xlane v16, v12  }
0x7b: {  	v40 =	vmul.f32 v28, v36;
	v48 =	vmul.f32 v25, v45;
	v18 =	vadd.f32 v24, v18  }
0x7c: {  	v19 =	vadd.f32 v22, v19;
	v22 =	vmul.f32 v59, v55;
	v24 =	vmul.f32 v61, v60  }
0x7d: {  	v28 =	vunpack.i.u.bf16.f32 v46;
	v25 =	vmul.f32 v53, v50;
	v55 =	vperm.xlane v16, v9  }
0x7e: {  	v56 =	vunpack.i.l.bf16.f32 v49;
	v21 =	vmul.f32 v28, v50;
	v26 =	vmul.f32 v26, v51  }
0x7f: {  	v62 =	vld [tilespmem:s11+$0x34C0];
	v59 =	vunpack.i.u.bf16.f32 v49;
	v60 =	vperm.xlane v16, v10;
	v61 =	vunpack.i.l.bf16.f32 v54  }
0x80: {  	v27 =	vunpack.i.u.bf16.f32 v54;
	v18 =	vadd.f32 v58, v18;
	v19 =	vadd.f32 v22, v19  }
0x81: {  	v22 =	vmul.f32 v35, v63;
	v20 =	vadd.f32 v25, v20;
	v58 =	vmul.f32 v56, v55  }
0x82: {  	v17 =	vadd.f32 v21, v17;
	v21 =	vmul.f32 v59, v55;
	v25 =	vmul.f32 v61, v60  }
0x83: {  	v36 =	vunpack.i.u.bf16.f32 v57;
	v63 =	vperm.xlane v16, v11;
	v32 =	vmul.f32 v27, v60;
	v56 =	vld [tilespmem:s11+$0x9030]  }
0x84: {  	v61 =	vld [tilespmem:s11+$0x9040];
	v38 =	vunpack.i.l.bf16.f32 v62;
	v28 =	vunpack.i.u.bf16.f32 v62;
	v18 =	vadd.f32 v24, v18  }
0x85: {  	v19 =	vadd.f32 v31, v19;
	v24 =	vmul.f32 v41, v39;
	v20 =	vadd.f32 v58, v20  }
0x86: {  	v17 =	vadd.f32 v21, v17;
	v35 =	vmul.f32 v33, v63;
	v21 =	vmul.f32 v36, v63;
	v39 =	vld [tilespmem:s11+$0x34E0]  }
0x87: {  	v41 =	vld [tilespmem:s11+$0x34F0];
	v18 =	vadd.f32 v34, v18;
	v19 =	vadd.f32 v22, v19;
	v22 =	vmul.f32 v52, v51  }
0x88: {  	v20 =	vadd.f32 v25, v20;
	v17 =	vadd.f32 v32, v17;
	v31 =	vunpack.i.l.bf16.f32 v56  }
0x89: {  	v34 =	vld [tilespmem:s11+$0x34D0];
	v36 =	vunpack.i.l.bf16.f32 v61;
	v27 =	vunpack.i.u.bf16.f32 v61;
	v18 =	vadd.f32 v23, v18  }
0x8a: {  	v52 =	vld [tilespmem:s11+$0x9020];
	v19 =	vadd.f32 v40, v19;
	v23 =	vmul.f32 v47, v45;
	v20 =	vadd.f32 v35, v20  }
0x8b: {  	v32 =	vld [tilespmem:s11+$0x9050];
	v40 =	vperm.xlane v16, v13;
	v21 =	vadd.f32 v21, v17;
	v46 =	vunpack.i.u.bf16.f32 v39  }
0x8c: {  	s15 =	sadd.s32 $0x6000, s13;
	v25 =	vunpack.i.l.bf16.f32 v39;
	v50 =	vunpack.i.u.bf16.f32 v41;
	v18 =	vadd.f32 v24, v18  }
0x8d: {  	s15 =	sand.u32 $0x3FFFFE00, s15;
	v19 =	vadd.f32 v44, v19;
	v24 =	vmul.f32 v28, v37;
	v44 =	vperm.xlane v16, v14  }
0x8e: {  	v45 =	vld [tilespmem:s15+$0x3000];
	v16 =	vperm.xlane v16, v15;
	v28 =	vunpack.i.l.bf16.f32 v41;
	v17 =	vunpack.i.l.bf16.f32 v34  }
0x8f: {  	v42 =	vunpack.i.u.bf16.f32 v34;
	v60 =	vunpack.i.l.bf16.f32 v52;
	v34 =	vunpack.i.u.bf16.f32 v56  }
0x90: {  	v41 =	vunpack.i.u.bf16.f32 v32;
	v19 =	vadd.f32 v23, v19;
	v23 =	vmul.f32 v38, v37  }
0x91: {  	v18 =	vadd.f32 v48, v18;
	v43 =	vmul.f32 v17, v40;
	v17 =	vld [tilespmem:s12+$0x1E00];
	v47 =	vmul.f32 v25, v44  }
0x92: {  	v56 =	vld [tilespmem:s11+$0x90B0];
	v21 =	vadd.f32 v24, v21;
	v24 =	vmul.f32 v46, v44;
	v28 =	vmul.f32 v28, v16  }
0x93: {  	v48 =	vld [tilespmem:s11+$0x9010];
	v16 =	vmul.f32 v50, v16;
	v51 =	vunpack.i.l.bf16.f32 v45;
	v53 =	vunpack.i.u.bf16.f32 v45  }
0x94: {  	v20 =	vadd.f32 v23, v20;
	v23 =	vmul.f32 v42, v40;
	v18 =	vadd.f32 v26, v18  }
0x95: {  	v37 =	vld [tilespmem:s11+$0x9060];
	v19 =	vadd.f32 v22, v19;
	v26 =	vunpack.i.u.bf16.f32 v52;
	v40 =	vunpack.i.l.bf16.f32 v32  }
0x96: {  	v20 =	vadd.f32 v43, v20;
	v21 =	vadd.f32 v23, v21;
	v49 =	vperm.xlane v17, v0  }
0x97: {  	v61 =	vld [tilespmem:s11+$0x90C0];
	v32 =	vunpack.i.l.bf16.f32 v56;
	v54 =	vperm.xlane v17, v1;
	v59 =	vperm.xlane v17, v2  }
0x98: {  	v55 =	vunpack.i.l.bf16.f32 v48;
	v62 =	vperm.xlane v17, v3;
	v35 =	vperm.xlane v17, v4  }
0x99: {  	v45 =	vld [tilespmem:s11+$0x9080];
	v58 =	vunpack.i.u.bf16.f32 v48;
	v38 =	vperm.xlane v17, v5;
	v44 =	vperm.xlane v17, v6  }
0x9a: {  	v42 =	vld [tilespmem:s11+$0x9070];
	v46 =	vunpack.i.u.bf16.f32 v37;
	v25 =	vunpack.i.l.bf16.f32 v37;
	v50 =	vperm.xlane v17, v7  }
0x9b: {  	v21 =	vadd.f32 v24, v21;
	v24 =	vmul.f32 v51, v49;
	v22 =	vmul.f32 v53, v49  }
0x9c: {  	v37 =	vunpack.i.l.bf16.f32 v61;
	v57 =	vmul.f32 v55, v54;
	v63 =	vmul.f32 v26, v59  }
0x9d: {  	v20 =	vadd.f32 v47, v20;
	v33 =	vmul.f32 v31, v62;
	v23 =	vmul.f32 v36, v35  }
0x9e: {  	v52 =	vunpack.i.l.bf16.f32 v45;
	v39 =	vmul.f32 v27, v35;
	v43 =	vmul.f32 v41, v38  }
0x9f: {  	v48 =	vld [tilespmem:s11+$0x9090];
	v47 =	vmul.f32 v25, v44;
	v49 =	vperm.xlane v17, v8;
	v51 =	vunpack.i.u.bf16.f32 v42  }
0xa0: {  	s15 =	sadd.s32 $0x6400, s13;
	v27 =	vunpack.i.u.bf16.f32 v45;
	v26 =	vunpack.i.l.bf16.f32 v42;
	v35 =	vunpack.i.u.bf16.f32 v56  }
0xa1: {  	s15 =	sand.u32 $0x3FFFFE00, s15;
	v53 =	vld [tilespmem:s11+$0x90A0];
	v36 =	vperm.xlane v17, v12;
	v20 =	vadd.f32 v28, v20;
	v16 =	vadd.f32 v16, v21  }
0xa2: {  	v45 =	vld [tilespmem:s15+$0x3000];
	v26 =	vmul.f32 v26, v50;
	v19 =	vadd.f32 v22, v19;
	v22 =	vmul.f32 v58, v54  }
0xa3: {  	v56 =	vld [tilespmem:s11+$0x9430];
	v18 =	vadd.f32 v24, v18;
	v24 =	vmul.f32 v60, v59;
	v25 =	vmul.f32 v52, v49  }
0xa4: {  	v54 =	vperm.xlane v17, v9;
	v59 =	vperm.xlane v17, v10;
	v55 =	vunpack.i.l.bf16.f32 v48  }
0xa5: {  	v58 =	vunpack.i.u.bf16.f32 v48;
	v18 =	vadd.f32 v57, v18;
	v19 =	vadd.f32 v22, v19  }
0xa6: {  	v52 =	vld [tilespmem:s11+$0x9420];
	v22 =	vmul.f32 v34, v62;
	v20 =	vadd.f32 v25, v20;
	v57 =	vmul.f32 v55, v54  }
0xa7: {  	v62 =	vperm.xlane v17, v11;
	v60 =	vunpack.i.l.bf16.f32 v53;
	v18 =	vadd.f32 v24, v18  }
0xa8: {  	v41 =	vld [tilespmem:s11+$0x90F0];
	v28 =	vunpack.i.u.bf16.f32 v53;
	v53 =	vunpack.i.u.bf16.f32 v45;
	v31 =	vunpack.i.l.bf16.f32 v56  }
0xa9: {  	v48 =	vld [tilespmem:s11+$0x9410];
	v19 =	vadd.f32 v63, v19;
	v24 =	vmul.f32 v40, v38;
	v18 =	vadd.f32 v33, v18  }
0xaa: {  	v20 =	vadd.f32 v57, v20;
	v25 =	vmul.f32 v60, v59;
	v63 =	vmul.f32 v28, v59  }
0xab: {  	v34 =	vmul.f32 v32, v62;
	v60 =	vunpack.i.l.bf16.f32 v52;
	v18 =	vadd.f32 v23, v18  }
0xac: {  	v19 =	vadd.f32 v22, v19;
	v22 =	vmul.f32 v51, v50;
	v20 =	vadd.f32 v25, v20  }
0xad: {  	v38 =	vld [tilespmem:s11+$0x90E0];
	v50 =	vunpack.i.u.bf16.f32 v41;
	v51 =	vunpack.i.l.bf16.f32 v45;
	v18 =	vadd.f32 v24, v18  }
0xae: {  	v33 =	vld [tilespmem:s11+$0x90D0];
	v55 =	vunpack.i.l.bf16.f32 v48;
	v19 =	vadd.f32 v39, v19;
	v23 =	vmul.f32 v46, v44  }
0xaf: {  	v39 =	vperm.xlane v17, v13;
	v21 =	vadd.f32 v47, v18;
	v18 =	vmul.f32 v27, v49  }
0xb0: {  	v20 =	vadd.f32 v34, v20;
	v44 =	vperm.xlane v17, v14;
	v17 =	vperm.xlane v17, v15  }
0xb1: {  	v32 =	vld [tilespmem:s11+$0x9450];
	v34 =	vunpack.i.u.bf16.f32 v56;
	v16 =	vadd.f32 v18, v16;
	v18 =	vmul.f32 v58, v54  }
0xb2: {  	v46 =	vunpack.i.u.bf16.f32 v38;
	v25 =	vunpack.i.l.bf16.f32 v38;
	v19 =	vadd.f32 v43, v19  }
0xb3: {  	v40 =	vunpack.i.l.bf16.f32 v33;
	v42 =	vunpack.i.u.bf16.f32 v33;
	v16 =	vadd.f32 v18, v16  }
0xb4: {  	v19 =	vadd.f32 v23, v19;
	v27 =	vunpack.i.u.bf16.f32 v61;
	v23 =	vmul.f32 v37, v36  }
0xb5: {  	v45 =	vld [tilespmem:s11+$0x9480];
	v43 =	vmul.f32 v40, v39;
	v18 =	vmul.f32 v35, v62;
	v16 =	vadd.f32 v63, v16  }
0xb6: {  	v47 =	vmul.f32 v25, v44;
	v61 =	vld [tilespmem:s11+$0x9440];
	v40 =	vunpack.i.l.bf16.f32 v32;
	v24 =	vmul.f32 v27, v36  }
0xb7: {  	v27 =	vunpack.i.l.bf16.f32 v41;
	v41 =	vunpack.i.u.bf16.f32 v32;
	v16 =	vadd.f32 v18, v16;
	v18 =	vld [tilespmem:s12+$0x1E40]  }
0xb8: {  	v20 =	vadd.f32 v23, v20;
	v23 =	vmul.f32 v42, v39;
	v21 =	vadd.f32 v26, v21  }
0xb9: {  	v19 =	vadd.f32 v22, v19;
	v27 =	vmul.f32 v27, v17;
	v58 =	vunpack.i.u.bf16.f32 v48  }
0xba: {  	v37 =	vld [tilespmem:s11+$0x9460];
	v26 =	vunpack.i.u.bf16.f32 v52;
	v17 =	vmul.f32 v50, v17;
	v52 =	vunpack.i.l.bf16.f32 v45  }
0xbb: {  	v20 =	vadd.f32 v43, v20;
	v16 =	vadd.f32 v24, v16;
	v24 =	vmul.f32 v46, v44  }
0xbc: {  	v36 =	vunpack.i.l.bf16.f32 v61;
	v49 =	vperm.xlane v18, v0;
	v54 =	vperm.xlane v18, v1  }
0xbd: {  	v28 =	vunpack.i.u.bf16.f32 v61;
	v59 =	vperm.xlane v18, v2;
	v62 =	vperm.xlane v18, v3  }
0xbe: {  	v56 =	vld [tilespmem:s11+$0x94B0];
	v16 =	vadd.f32 v23, v16;
	v35 =	vperm.xlane v18, v4;
	v38 =	vperm.xlane v18, v5  }
0xbf: {  	v42 =	vld [tilespmem:s11+$0x9470];
	v25 =	vunpack.i.l.bf16.f32 v37;
	v44 =	vperm.xlane v18, v6;
	v50 =	vperm.xlane v18, v7  }
0xc0: {  	v48 =	vld [tilespmem:s11+$0x9490];
	v16 =	vadd.f32 v24, v16;
	v24 =	vmul.f32 v51, v49;
	v22 =	vmul.f32 v53, v49  }
0xc1: {  	v61 =	vld [tilespmem:s11+$0x94C0];
	v20 =	vadd.f32 v47, v20;
	v57 =	vmul.f32 v55, v54;
	v63 =	vmul.f32 v26, v59  }
0xc2: {  	v46 =	vunpack.i.u.bf16.f32 v37;
	v37 =	vld [tilespmem:s11+$0x94E0];
	v33 =	vmul.f32 v31, v62;
	v23 =	vmul.f32 v36, v35  }
0xc3: {  	v20 =	vadd.f32 v27, v20;
	v39 =	vmul.f32 v28, v35;
	v43 =	vmul.f32 v41, v38  }
0xc4: {  	v47 =	vmul.f32 v25, v44;
	v49 =	vperm.xlane v18, v8;
	v51 =	vunpack.i.u.bf16.f32 v42  }
0xc5: {  	v28 =	vunpack.i.u.bf16.f32 v45;
	v26 =	vunpack.i.l.bf16.f32 v42;
	v55 =	vunpack.i.l.bf16.f32 v48  }
0xc6: {  	v31 =	vunpack.i.l.bf16.f32 v56;
	v35 =	vperm.xlane v18, v12;
	v36 =	vunpack.i.l.bf16.f32 v61  }
0xc7: {  	v53 =	vld [tilespmem:s11+$0x94A0];
	v45 =	vunpack.i.u.bf16.f32 v37;
	v26 =	vmul.f32 v26, v50;
	v21 =	vadd.f32 v24, v21  }
0xc8: {  	v41 =	vld [tilespmem:s11+$0x94F0];
	v19 =	vadd.f32 v22, v19;
	v22 =	vmul.f32 v58, v54;
	v24 =	vmul.f32 v60, v59  }
0xc9: {  	v16 =	vadd.f32 v17, v16;
	v25 =	vmul.f32 v52, v49;
	v54 =	vperm.xlane v18, v9  }
0xca: {  	v58 =	vunpack.i.u.bf16.f32 v48;
	v59 =	vperm.xlane v18, v10;
	v21 =	vadd.f32 v57, v21  }
0xcb: {  	v32 =	vld [tilespmem:s11+$0x94D0];
	v19 =	vadd.f32 v22, v19;
	v22 =	vmul.f32 v34, v62;
	v20 =	vadd.f32 v25, v20  }
0xcc: {  	v57 =	vmul.f32 v55, v54;
	v62 =	vperm.xlane v18, v11;
	v34 =	vunpack.i.u.bf16.f32 v56  }
0xcd: {  	v60 =	vunpack.i.l.bf16.f32 v53;
	v27 =	vunpack.i.u.bf16.f32 v53;
	v48 =	vunpack.i.u.bf16.f32 v41  }
0xce: {  	v21 =	vadd.f32 v24, v21;
	v19 =	vadd.f32 v63, v19;
	v24 =	vmul.f32 v40, v38  }
0xcf: {  	v20 =	vadd.f32 v57, v20;
	v25 =	vmul.f32 v60, v59;
	v63 =	vmul.f32 v27, v59;
	v57 =	vld [tilespmem:s11+$0x3140]  }
0xd0: {  	v38 =	vperm.xlane v18, v13;
	v40 =	vunpack.i.l.bf16.f32 v32;
	v27 =	vunpack.i.u.bf16.f32 v32  }
0xd1: {  	v59 =	vld [tilespmem:s11+$0x3150];
	v21 =	vadd.f32 v33, v21;
	v19 =	vadd.f32 v22, v19;
	v22 =	vmul.f32 v51, v50  }
0xd2: {  	v20 =	vadd.f32 v25, v20;
	v33 =	vmul.f32 v31, v62;
	v42 =	vmul.f32 v27, v38;
	v50 =	vld [tilespmem:s11+$0x3120]  }
0xd3: {  	s15 =	sor.u32 $0x100, s13;
	v25 =	vunpack.i.l.bf16.f32 v37;
	v21 =	vadd.f32 v23, v21;
	v19 =	vadd.f32 v39, v19  }
0xd4: {  	s15 =	sand.u32 $0x3FFFFF00, s15;
	v23 =	vmul.f32 v46, v44;
	v20 =	vadd.f32 v33, v20;
	v29 =	vunpack.i.u.bf16.f32 v57  }
0xd5: {  	v44 =	vld [tilespmem:s15+$0x3000];
	v21 =	vadd.f32 v24, v21;
	v19 =	vadd.f32 v43, v19;
	v24 =	vmul.f32 v40, v38  }
0xd6: {  	v46 =	vld [tilespmem:s11+$0x3110];
	v43 =	vperm.xlane v18, v14;
	v18 =	vperm.xlane v18, v15;
	v38 =	vunpack.i.l.bf16.f32 v59  }
0xd7: {  	v56 =	vunpack.i.l.bf16.f32 v50;
	v19 =	vadd.f32 v23, v19;
	v23 =	vmul.f32 v36, v35  }
0xd8: {  	v17 =	vadd.f32 v47, v21;
	v21 =	vmul.f32 v28, v49;
	v28 =	vunpack.i.u.bf16.f32 v61  }
0xd9: {  	v25 =	vmul.f32 v25, v43;
	v39 =	vmul.f32 v28, v35;
	v23 =	vadd.f32 v23, v20;
	v20 =	vld [tilespmem:s12+$0x1810]  }
0xda: {  	v49 =	vunpack.i.l.bf16.f32 v44;
	v51 =	vunpack.i.u.bf16.f32 v44;
	v28 =	vunpack.i.l.bf16.f32 v41  }
0xdb: {  	v53 =	vunpack.i.l.bf16.f32 v46;
	v16 =	vadd.f32 v21, v16;
	v21 =	vmul.f32 v58, v54  }
0xdc: {  	v27 =	vunpack.i.u.bf16.f32 v46;
	v17 =	vadd.f32 v26, v17;
	v54 =	vld [tilespmem:s11+$0x3130];
	v28 =	vmul.f32 v28, v18  }
0xdd: {  	v18 =	vmul.f32 v48, v18;
	v16 =	vadd.f32 v21, v16;
	v21 =	vmul.f32 v34, v62  }
0xde: {  	v40 =	vld [tilespmem:s11+$0x3170];
	v23 =	vadd.f32 v24, v23;
	v24 =	vmul.f32 v45, v43;
	v47 =	vperm.xlane v20, v0  }
0xdf: {  	v35 =	vld [tilespmem:s11+$0x3160];
	v34 =	vunpack.i.l.bf16.f32 v57;
	v52 =	vperm.xlane v20, v1;
	v31 =	vperm.xlane v20, v2  }
0xe0: {  	v43 =	vld [tilespmem:s11+$0x3180];
	v16 =	vadd.f32 v63, v16;
	v32 =	vperm.xlane v20, v3;
	v63 =	vperm.xlane v20, v4  }
0xe1: {  	v46 =	vld [tilespmem:s11+$0x3190];
	v58 =	vunpack.i.l.bf16.f32 v54;
	v36 =	vperm.xlane v20, v5;
	v48 =	vperm.xlane v20, v7  }
0xe2: {  	v62 =	vunpack.i.u.bf16.f32 v54;
	v26 =	vmul.f32 v53, v52;
	v55 =	vmul.f32 v27, v52  }
0xe3: {  	v16 =	vadd.f32 v21, v16;
	v27 =	vmul.f32 v56, v31;
	v61 =	vmul.f32 v58, v32  }
0xe4: {  	v44 =	vunpack.i.u.bf16.f32 v35;
	v33 =	vmul.f32 v62, v32;
	v37 =	vmul.f32 v29, v63  }
0xe5: {  	v54 =	vld [tilespmem:s11+$0x31B0];
	v30 =	vunpack.i.u.bf16.f32 v43;
	v52 =	vperm.xlane v20, v9;
	v16 =	vadd.f32 v39, v16  }
0xe6: {  	v29 =	vunpack.i.l.bf16.f32 v40;
	v53 =	vunpack.i.l.bf16.f32 v46;
	v39 =	vunpack.i.u.bf16.f32 v59  }
0xe7: {  	v29 =	vmul.f32 v29, v48;
	v41 =	vmul.f32 v39, v36;
	v21 =	vadd.f32 v42, v16  }
0xe8: {  	v56 =	vld [tilespmem:s11+$0x31C0];
	v16 =	vadd.f32 v22, v19;
	v19 =	vadd.f32 v25, v23;
	v22 =	vmul.f32 v51, v47  }
0xe9: {  	v59 =	vld [tilespmem:s11+$0x31D0];
	v25 =	vunpack.i.u.bf16.f32 v50;
	v42 =	vperm.xlane v20, v6;
	v50 =	vunpack.i.l.bf16.f32 v43  }
0xea: {  	v51 =	vld [tilespmem:s11+$0x31A0];
	v58 =	vunpack.i.l.bf16.f32 v54;
	v62 =	vunpack.i.u.bf16.f32 v54;
	v43 =	vperm.xlane v20, v14  }
0xeb: {  	v25 =	vmul.f32 v25, v31;
	v21 =	vadd.f32 v24, v21;
	v24 =	vmul.f32 v49, v47  }
0xec: {  	v22 =	vadd.f32 $0.0e+00, v22;
	v19 =	vadd.f32 v28, v19;
	v47 =	vperm.xlane v20, v8  }
0xed: {  	v49 =	vunpack.i.u.bf16.f32 v40;
	v31 =	vunpack.i.u.bf16.f32 v56;
	v24 =	vadd.f32 $0.0e+00, v24  }
0xee: {  	v39 =	vunpack.i.l.bf16.f32 v59;
	v22 =	vadd.f32 v55, v22;
	v18 =	vadd.f32 v18, v21  }
0xef: {  	v21 =	vmul.f32 v30, v47;
	v30 =	vmul.f32 v53, v52;
	v55 =	vunpack.i.l.bf16.f32 v51  }
0xf0: {  	v40 =	vld [tilespmem:s11+$0x31F0];
	v28 =	vunpack.i.u.bf16.f32 v51;
	v24 =	vadd.f32 v26, v24;
	v22 =	vadd.f32 v25, v22  }
0xf1: {  	v25 =	vmul.f32 v34, v63;
	v26 =	vmul.f32 v38, v36;
	v21 =	vadd.f32 $0.0e+00, v21  }
0xf2: {  	v34 =	vperm.xlane v20, v11;
	v63 =	vperm.xlane v20, v12;
	v36 =	vunpack.i.l.bf16.f32 v56  }
0xf3: {  	v51 =	vld [tilespmem:s11+$0x3520];
	v38 =	vperm.xlane v20, v13;
	v60 =	vadd.f32 v27, v24;
	v22 =	vadd.f32 v33, v22  }
0xf4: {  	v27 =	vunpack.i.l.bf16.f32 v35;
	v33 =	vperm.xlane v20, v10;
	v24 =	vmul.f32 v49, v48  }
0xf5: {  	v20 =	vperm.xlane v20, v15;
	v49 =	vunpack.i.u.bf16.f32 v40;
	v45 =	vmul.f32 v27, v42  }
0xf6: {  	v27 =	vmul.f32 v50, v47;
	v23 =	vadd.f32 v61, v60;
	v57 =	vmul.f32 v28, v33  }
0xf7: {  	v22 =	vadd.f32 v37, v22;
	v61 =	vmul.f32 v58, v34;
	v28 =	vmul.f32 v31, v63  }
0xf8: {  	v47 =	vld [tilespmem:s11+$0x3510];
	v31 =	vunpack.i.l.bf16.f32 v40;
	v58 =	vunpack.i.l.bf16.f32 v51;
	v23 =	vadd.f32 v25, v23  }
0xf9: {  	v27 =	vadd.f32 $0.0e+00, v27;
	v31 =	vmul.f32 v31, v20;
	v20 =	vmul.f32 v49, v20  }
0xfa: {  	v37 =	vld [tilespmem:s11+$0x31E0];
	v22 =	vadd.f32 v41, v22;
	v23 =	vadd.f32 v26, v23;
	v26 =	vunpack.i.u.bf16.f32 v46  }
0xfb: {  	s15 =	sor.u32 $0x500, s13;
	v40 =	vld [tilespmem:s11+$0x3560];
	v25 =	vmul.f32 v44, v42;
	v41 =	vunpack.i.u.bf16.f32 v59;
	v26 =	vmul.f32 v26, v52  }
0xfc: {  	s15 =	sand.u32 $0x3FFFFF00, s15;
	v54 =	vld [tilespmem:s11+$0x3530];
	v42 =	vmul.f32 v39, v38;
	v27 =	vadd.f32 v30, v27;
	v30 =	vmul.f32 v55, v33  }
0xfd: {  	v44 =	vld [tilespmem:s15+$0x3000];
	v22 =	vadd.f32 v25, v22;
	v53 =	vunpack.i.l.bf16.f32 v47;
	v21 =	vadd.f32 v26, v21  }
0xfe: {  	v56 =	vunpack.i.u.bf16.f32 v47;
	v60 =	vadd.f32 v30, v27;
	v27 =	vmul.f32 v36, v63  }
0xff: {  	v59 =	vld [tilespmem:s11+$0x3540];
	v30 =	vunpack.i.l.bf16.f32 v37;
	v26 =	vmul.f32 v62, v34;
	v21 =	vadd.f32 v57, v21  }
0x100: {  	v63 =	vld [tilespmem:s11+$0x3550];
	v49 =	vunpack.i.u.bf16.f32 v40;
	v23 =	vadd.f32 v45, v23;
	v45 =	vunpack.i.u.bf16.f32 v37  }
0x101: {  	v46 =	vmul.f32 v30, v43;
	v25 =	vadd.f32 v61, v60;
	v26 =	vadd.f32 v26, v21;
	v21 =	vld [tilespmem:s12+$0x1850]  }
0x102: {  	v22 =	vadd.f32 v24, v22;
	v37 =	vunpack.i.u.bf16.f32 v54;
	v50 =	vunpack.i.l.bf16.f32 v44  }
0x103: {  	v32 =	vunpack.i.u.bf16.f32 v44;
	v62 =	vunpack.i.l.bf16.f32 v54;
	v25 =	vadd.f32 v27, v25  }
0x104: {  	v39 =	vunpack.i.l.bf16.f32 v59;
	v23 =	vadd.f32 v29, v23;
	v29 =	vunpack.i.u.bf16.f32 v51  }
0x105: {  	v27 =	vmul.f32 v41, v38;
	v44 =	vunpack.i.u.bf16.f32 v63;
	v25 =	vadd.f32 v42, v25  }
0x106: {  	v26 =	vadd.f32 v28, v26;
	v28 =	vmul.f32 v45, v43;
	v48 =	vperm.xlane v21, v0  }
0x107: {  	v24 =	vadd.f32 v46, v25;
	v52 =	vperm.xlane v21, v1;
	v57 =	vperm.xlane v21, v2  }
0x108: {  	v26 =	vadd.f32 v27, v26;
	v60 =	vperm.xlane v21, v3;
	v38 =	vperm.xlane v21, v4  }
0x109: {  	v43 =	vunpack.i.l.bf16.f32 v63;
	v45 =	vld [tilespmem:s11+$0x3570];
	v41 =	vperm.xlane v21, v5;
	v47 =	vperm.xlane v21, v6  }
0x10a: {  	v25 =	vadd.f32 v28, v26;
	v28 =	vmul.f32 v50, v48;
	v26 =	vmul.f32 v32, v48  }
0x10b: {  	v24 =	vadd.f32 v31, v24;
	v55 =	vmul.f32 v53, v52;
	v61 =	vmul.f32 v29, v57  }
0x10c: {  	v36 =	vmul.f32 v62, v60;
	v32 =	vunpack.i.u.bf16.f32 v59;
	v27 =	vmul.f32 v39, v38  }
0x10d: {  	v51 =	vld [tilespmem:s11+$0x3590];
	v46 =	vmul.f32 v44, v41;
	v29 =	vunpack.i.l.bf16.f32 v40;
	v53 =	vperm.xlane v21, v7  }
0x10e: {  	v54 =	vunpack.i.u.bf16.f32 v45;
	v30 =	vunpack.i.l.bf16.f32 v45;
	v62 =	vperm.xlane v21, v10  }
0x10f: {  	v48 =	vld [tilespmem:s11+$0x3580];
	v42 =	vmul.f32 v32, v38;
	v50 =	vmul.f32 v29, v47;
	v23 =	vadd.f32 v28, v23  }
0x110: {  	v59 =	vld [tilespmem:s11+$0x35B0];
	v22 =	vadd.f32 v26, v22;
	v26 =	vmul.f32 v56, v52;
	v28 =	vmul.f32 v58, v57  }
0x111: {  	v20 =	vadd.f32 v20, v25;
	v52 =	vperm.xlane v21, v8;
	v57 =	vperm.xlane v21, v9  }
0x112: {  	v58 =	vunpack.i.l.bf16.f32 v51;
	v30 =	vmul.f32 v30, v53;
	v23 =	vadd.f32 v55, v23  }
0x113: {  	v56 =	vld [tilespmem:s11+$0x35A0];
	v22 =	vadd.f32 v26, v22;
	v26 =	vmul.f32 v37, v60;
	v60 =	vmul.f32 v58, v57  }
0x114: {  	v37 =	vperm.xlane v21, v11;
	v55 =	vunpack.i.l.bf16.f32 v48;
	v32 =	vunpack.i.u.bf16.f32 v48  }
0x115: {  	v39 =	vunpack.i.l.bf16.f32 v59;
	v23 =	vadd.f32 v28, v23;
	v28 =	vmul.f32 v43, v41  }
0x116: {  	v22 =	vadd.f32 v61, v22;
	v29 =	vmul.f32 v55, v52;
	v25 =	vmul.f32 v32, v52  }
0x117: {  	v45 =	vld [tilespmem:s11+$0x35E0];
	v61 =	vunpack.i.u.bf16.f32 v51;
	v41 =	vmul.f32 v39, v37;
	v43 =	vperm.xlane v21, v12  }
0x118: {  	s15 =	sadd.s32 $0x6100, s13;
	v40 =	vld [tilespmem:s11+$0x35D0];
	v51 =	vperm.xlane v21, v14;
	v63 =	vunpack.i.l.bf16.f32 v56;
	v23 =	vadd.f32 v36, v23  }
0x119: {  	s15 =	sand.u32 $0x3FFFFF00, s15;
	v48 =	vld [tilespmem:s11+$0x35F0];
	v31 =	vunpack.i.u.bf16.f32 v56;
	v22 =	vadd.f32 v26, v22;
	v24 =	vadd.f32 v29, v24  }
0x11a: {  	v52 =	vld [tilespmem:s15+$0x3000];
	v20 =	vadd.f32 v25, v20;
	v25 =	vmul.f32 v61, v57;
	v29 =	vmul.f32 v63, v62  }
0x11b: {  	v55 =	vld [tilespmem:s11+$0x9110];
	v38 =	vmul.f32 v31, v62;
	v26 =	vmul.f32 v54, v53  }
0x11c: {  	v39 =	vld [tilespmem:s11+$0x9140];
	v53 =	vunpack.i.u.bf16.f32 v45;
	v23 =	vadd.f32 v27, v23;
	v22 =	vadd.f32 v42, v22  }
0x11d: {  	v27 =	vmul.f32 v49, v47;
	v24 =	vadd.f32 v60, v24;
	v20 =	vadd.f32 v25, v20  }
0x11e: {  	v36 =	vld [tilespmem:s11+$0x35C0];
	v42 =	vunpack.i.u.bf16.f32 v59;
	v47 =	vunpack.i.l.bf16.f32 v40;
	v49 =	vunpack.i.u.bf16.f32 v40  }
0x11f: {  	v63 =	vld [tilespmem:s11+$0x9130];
	v57 =	vunpack.i.u.bf16.f32 v48;
	v25 =	vmul.f32 v42, v37;
	v58 =	vunpack.i.l.bf16.f32 v52  }
0x120: {  	v60 =	vunpack.i.u.bf16.f32 v52;
	v62 =	vunpack.i.l.bf16.f32 v55;
	v23 =	vadd.f32 v28, v23  }
0x121: {  	v31 =	vunpack.i.u.bf16.f32 v39;
	v22 =	vadd.f32 v46, v22;
	v24 =	vadd.f32 v29, v24  }
0x122: {  	v20 =	vadd.f32 v38, v20;
	v46 =	vperm.xlane v21, v13;
	v29 =	vunpack.i.l.bf16.f32 v45  }
0x123: {  	v59 =	vld [tilespmem:s11+$0x9120];
	v21 =	vperm.xlane v21, v15;
	v44 =	vunpack.i.l.bf16.f32 v36;
	v32 =	vunpack.i.u.bf16.f32 v36  }
0x124: {  	v54 =	vmul.f32 v29, v51;
	v36 =	vunpack.i.u.bf16.f32 v55;
	v42 =	vunpack.i.l.bf16.f32 v63  }
0x125: {  	v45 =	vunpack.i.u.bf16.f32 v63;
	v23 =	vadd.f32 v50, v23;
	v22 =	vadd.f32 v27, v22  }
0x126: {  	v24 =	vadd.f32 v41, v24;
	v27 =	vmul.f32 v44, v43;
	v25 =	vadd.f32 v25, v20;
	v20 =	vld [tilespmem:s12+$0x1E10]  }
0x127: {  	v28 =	vmul.f32 v32, v43;
	v50 =	vmul.f32 v47, v46;
	v32 =	vunpack.i.l.bf16.f32 v48  }
0x128: {  	v47 =	vunpack.i.l.bf16.f32 v39;
	v32 =	vmul.f32 v32, v21;
	v38 =	vunpack.i.l.bf16.f32 v59  }
0x129: {  	v43 =	vld [tilespmem:s11+$0x9150];
	v21 =	vmul.f32 v57, v21;
	v24 =	vadd.f32 v27, v24;
	v25 =	vadd.f32 v28, v25  }
0x12a: {  	v27 =	vmul.f32 v49, v46;
	v28 =	vmul.f32 v53, v51;
	v23 =	vadd.f32 v30, v23  }
0x12b: {  	v22 =	vadd.f32 v26, v22;
	v30 =	vunpack.i.u.bf16.f32 v59;
	v56 =	vperm.xlane v20, v0  }
0x12c: {  	v48 =	vld [tilespmem:s11+$0x9160];
	v24 =	vadd.f32 v50, v24;
	v61 =	vperm.xlane v20, v1;
	v37 =	vperm.xlane v20, v2  }
0x12d: {  	v25 =	vadd.f32 v27, v25;
	v40 =	vperm.xlane v20, v3;
	v46 =	vperm.xlane v20, v4  }
0x12e: {  	v49 =	vperm.xlane v20, v5;
	v51 =	vunpack.i.l.bf16.f32 v43;
	v55 =	vperm.xlane v20, v6  }
0x12f: {  	v53 =	vld [tilespmem:s11+$0x9170];
	v25 =	vadd.f32 v28, v25;
	v28 =	vmul.f32 v58, v56;
	v26 =	vmul.f32 v60, v56  }
0x130: {  	v39 =	vld [tilespmem:s11+$0x91B0];
	v52 =	vunpack.i.u.bf16.f32 v43;
	v35 =	vmul.f32 v62, v61;
	v41 =	vmul.f32 v30, v37  }
0x131: {  	v29 =	vunpack.i.l.bf16.f32 v48;
	v44 =	vmul.f32 v42, v40;
	v27 =	vmul.f32 v47, v46  }
0x132: {  	v24 =	vadd.f32 v54, v24;
	v50 =	vmul.f32 v31, v46;
	v54 =	vmul.f32 v52, v49  }
0x133: {  	v59 =	vld [tilespmem:s11+$0x9190];
	v57 =	vunpack.i.u.bf16.f32 v48;
	v58 =	vmul.f32 v29, v55;
	v60 =	vperm.xlane v20, v8  }
0x134: {  	v62 =	vunpack.i.u.bf16.f32 v53;
	v30 =	vunpack.i.l.bf16.f32 v53;
	v42 =	vperm.xlane v20, v10  }
0x135: {  	v56 =	vld [tilespmem:s11+$0x9180];
	v47 =	vunpack.i.l.bf16.f32 v39;
	v24 =	vadd.f32 v32, v24;
	v23 =	vadd.f32 v28, v23  }
0x136: {  	v22 =	vadd.f32 v26, v22;
	v26 =	vmul.f32 v36, v61;
	v28 =	vmul.f32 v38, v37  }
0x137: {  	v21 =	vadd.f32 v21, v25;
	v61 =	vperm.xlane v20, v7;
	v37 =	vperm.xlane v20, v9  }
0x138: {  	v36 =	vld [tilespmem:s11+$0x91A0];
	v38 =	vunpack.i.l.bf16.f32 v59;
	v22 =	vadd.f32 v26, v22;
	v26 =	vmul.f32 v45, v40  }
0x139: {  	v23 =	vadd.f32 v35, v23;
	v30 =	vmul.f32 v30, v61;
	v40 =	vmul.f32 v38, v37  }
0x13a: {  	v45 =	vperm.xlane v20, v11;
	v63 =	vunpack.i.l.bf16.f32 v56;
	v31 =	vunpack.i.u.bf16.f32 v56  }
0x13b: {  	v53 =	vld [tilespmem:s11+$0x91E0];
	v23 =	vadd.f32 v28, v23;
	v22 =	vadd.f32 v41, v22;
	v28 =	vmul.f32 v51, v49  }
0x13c: {  	v29 =	vmul.f32 v63, v60;
	v41 =	vunpack.i.u.bf16.f32 v59;
	v49 =	vmul.f32 v47, v45  }
0x13d: {  	v48 =	vld [tilespmem:s11+$0x91D0];
	v51 =	vperm.xlane v20, v12;
	v59 =	vperm.xlane v20, v14;
	v43 =	vunpack.i.l.bf16.f32 v36  }
0x13e: {  	v63 =	vld [tilespmem:s11+$0x9510];
	v32 =	vunpack.i.u.bf16.f32 v36;
	v23 =	vadd.f32 v44, v23;
	v22 =	vadd.f32 v26, v22  }
0x13f: {  	v24 =	vadd.f32 v29, v24;
	v29 =	vmul.f32 v43, v42;
	v46 =	vmul.f32 v32, v42  }
0x140: {  	v26 =	vmul.f32 v62, v61;
	v61 =	vunpack.i.u.bf16.f32 v53;
	v22 =	vadd.f32 v50, v22  }
0x141: {  	v44 =	vld [tilespmem:s11+$0x91C0];
	v23 =	vadd.f32 v27, v23;
	v27 =	vmul.f32 v57, v55;
	v24 =	vadd.f32 v40, v24  }
0x142: {  	v50 =	vunpack.i.u.bf16.f32 v39;
	v55 =	vunpack.i.l.bf16.f32 v48;
	v22 =	vadd.f32 v54, v22  }
0x143: {  	v56 =	vld [tilespmem:s11+$0x91F0];
	v57 =	vunpack.i.u.bf16.f32 v48;
	v42 =	vunpack.i.l.bf16.f32 v63;
	v23 =	vadd.f32 v28, v23  }
0x144: {  	v43 =	vld [tilespmem:s11+$0x9530];
	v24 =	vadd.f32 v29, v24;
	v25 =	vadd.f32 v27, v22;
	v22 =	vmul.f32 v31, v60  }
0x145: {  	v39 =	vld [tilespmem:s11+$0x9520];
	v54 =	vperm.xlane v20, v13;
	v29 =	vunpack.i.l.bf16.f32 v53;
	v20 =	vperm.xlane v20, v15  }
0x146: {  	v48 =	vld [tilespmem:s11+$0x9540];
	v52 =	vunpack.i.l.bf16.f32 v44;
	v21 =	vadd.f32 v22, v21;
	v22 =	vmul.f32 v41, v37  }
0x147: {  	v62 =	vmul.f32 v29, v59;
	v23 =	vadd.f32 v58, v23;
	v24 =	vadd.f32 v49, v24  }
0x148: {  	s15 =	sadd.s32 $0x6500, s13;
	v31 =	vunpack.i.u.bf16.f32 v44;
	v27 =	vmul.f32 v52, v51;
	v21 =	vadd.f32 v22, v21  }
0x149: {  	s15 =	sand.u32 $0x3FFFFF00, s15;
	v58 =	vmul.f32 v55, v54;
	v28 =	vmul.f32 v31, v51;
	v31 =	vunpack.i.l.bf16.f32 v56  }
0x14a: {  	v60 =	vld [tilespmem:s15+$0x3000];
	v47 =	vunpack.i.l.bf16.f32 v39;
	v22 =	vmul.f32 v50, v45;
	v21 =	vadd.f32 v46, v21  }
0x14b: {  	v52 =	vld [tilespmem:s11+$0x9550];
	v51 =	vunpack.i.l.bf16.f32 v43;
	v32 =	vunpack.i.u.bf16.f32 v48;
	v24 =	vadd.f32 v27, v24  }
0x14c: {  	v27 =	vmul.f32 v57, v54;
	v23 =	vadd.f32 v30, v23;
	v21 =	vadd.f32 v22, v21;
	v22 =	vld [tilespmem:s12+$0x1E50]  }
0x14d: {  	v25 =	vadd.f32 v26, v25;
	v37 =	vunpack.i.u.bf16.f32 v56;
	v31 =	vmul.f32 v31, v20  }
0x14e: {  	v30 =	vunpack.i.u.bf16.f32 v39;
	v54 =	vunpack.i.u.bf16.f32 v43;
	v56 =	vunpack.i.l.bf16.f32 v48  }
0x14f: {  	v20 =	vmul.f32 v37, v20;
	v24 =	vadd.f32 v58, v24;
	v45 =	vunpack.i.u.bf16.f32 v63  }
0x150: {  	v57 =	vld [tilespmem:s11+$0x9560];
	v38 =	vunpack.i.l.bf16.f32 v60;
	v40 =	vunpack.i.u.bf16.f32 v60;
	v21 =	vadd.f32 v28, v21  }
0x151: {  	v60 =	vunpack.i.l.bf16.f32 v52;
	v28 =	vmul.f32 v61, v59;
	v36 =	vperm.xlane v22, v0  }
0x152: {  	v21 =	vadd.f32 v27, v21;
	v41 =	vperm.xlane v22, v1;
	v46 =	vperm.xlane v22, v2  }
0x153: {  	v24 =	vadd.f32 v62, v24;
	v62 =	vld [tilespmem:s11+$0x9570];
	v49 =	vperm.xlane v22, v3;
	v55 =	vperm.xlane v22, v4  }
0x154: {  	v37 =	vld [tilespmem:s11+$0x9580];
	v58 =	vperm.xlane v22, v5;
	v21 =	vadd.f32 v28, v21;
	v28 =	vmul.f32 v38, v36  }
0x155: {  	v29 =	vunpack.i.l.bf16.f32 v57;
	v26 =	vmul.f32 v40, v36;
	v44 =	vmul.f32 v42, v41  }
0x156: {  	v24 =	vadd.f32 v31, v24;
	v50 =	vmul.f32 v30, v46;
	v53 =	vmul.f32 v51, v49  }
0x157: {  	v48 =	vld [tilespmem:s11+$0x95B0];
	v61 =	vunpack.i.u.bf16.f32 v52;
	v27 =	vmul.f32 v56, v55;
	v59 =	vmul.f32 v32, v55  }
0x158: {  	v43 =	vunpack.i.u.bf16.f32 v62;
	v63 =	vmul.f32 v61, v58;
	v36 =	vperm.xlane v22, v6  }
0x159: {  	v38 =	vunpack.i.u.bf16.f32 v57;
	v42 =	vperm.xlane v22, v7;
	v32 =	vunpack.i.u.bf16.f32 v37  }
0x15a: {  	v40 =	vld [tilespmem:s11+$0x9590];
	v30 =	vunpack.i.l.bf16.f32 v62;
	v51 =	vperm.xlane v22, v10;
	v23 =	vadd.f32 v28, v23  }
0x15b: {  	v57 =	vld [tilespmem:s11+$0x95D0];
	v25 =	vadd.f32 v26, v25;
	v26 =	vmul.f32 v45, v41;
	v28 =	vmul.f32 v47, v46  }
0x15c: {  	v56 =	vunpack.i.l.bf16.f32 v48;
	v39 =	vmul.f32 v29, v36;
	v41 =	vperm.xlane v22, v8  }
0x15d: {  	v46 =	vperm.xlane v22, v9;
	v30 =	vmul.f32 v30, v42;
	v23 =	vadd.f32 v44, v23  }
0x15e: {  	v45 =	vld [tilespmem:s11+$0x95A0];
	v25 =	vadd.f32 v26, v25;
	v26 =	vmul.f32 v54, v49;
	v44 =	vunpack.i.l.bf16.f32 v37  }
0x15f: {  	v20 =	vadd.f32 v20, v21;
	v54 =	vperm.xlane v22, v11;
	v29 =	vmul.f32 v44, v41  }
0x160: {  	v47 =	vunpack.i.l.bf16.f32 v40;
	v37 =	vunpack.i.l.bf16.f32 v57;
	v23 =	vadd.f32 v28, v23  }
0x161: {  	v62 =	vld [tilespmem:s11+$0x95E0];
	v25 =	vadd.f32 v50, v25;
	v28 =	vmul.f32 v60, v58;
	v49 =	vmul.f32 v47, v46  }
0x162: {  	v50 =	vunpack.i.u.bf16.f32 v40;
	v58 =	vmul.f32 v56, v54;
	v60 =	vperm.xlane v22, v12  }
0x163: {  	v40 =	vperm.xlane v22, v14;
	v24 =	vadd.f32 v29, v24;
	v52 =	vunpack.i.l.bf16.f32 v45  }
0x164: {  	v31 =	vunpack.i.u.bf16.f32 v45;
	v23 =	vadd.f32 v53, v23;
	v29 =	vmul.f32 v52, v51  }
0x165: {  	v25 =	vadd.f32 v26, v25;
	v55 =	vmul.f32 v31, v51;
	v26 =	vmul.f32 v43, v42  }
0x166: {  	v53 =	vld [tilespmem:s11+$0x95C0];
	v31 =	vunpack.i.u.bf16.f32 v57;
	v42 =	vunpack.i.u.bf16.f32 v62;
	v24 =	vadd.f32 v49, v24  }
0x167: {  	v47 =	vld [tilespmem:s11+$0x3220];
	v23 =	vadd.f32 v27, v23;
	v25 =	vadd.f32 v59, v25;
	v27 =	vmul.f32 v38, v36  }
0x168: {  	v43 =	vld [tilespmem:s11+$0x3210];
	v59 =	vunpack.i.u.bf16.f32 v48;
	v24 =	vadd.f32 v29, v24;
	v29 =	vunpack.i.l.bf16.f32 v62  }
0x169: {  	v38 =	vld [tilespmem:s11+$0x95F0];
	v23 =	vadd.f32 v28, v23;
	v25 =	vadd.f32 v63, v25;
	v63 =	vperm.xlane v22, v13  }
0x16a: {  	v56 =	vld [tilespmem:s11+$0x3250];
	v29 =	vmul.f32 v29, v40;
	v22 =	vperm.xlane v22, v15;
	v24 =	vadd.f32 v58, v24  }
0x16b: {  	v61 =	vunpack.i.l.bf16.f32 v53;
	v21 =	vadd.f32 v39, v23;
	v23 =	vadd.f32 v27, v25  }
0x16c: {  	s15 =	sor.u32 $0x200, s13;
	v25 =	vmul.f32 v32, v41;
	v32 =	vunpack.i.u.bf16.f32 v53;
	v27 =	vmul.f32 v61, v60  }
0x16d: {  	s15 =	sand.u32 $0x3FFFFE00, s15;
	v51 =	vld [tilespmem:s11+$0x3230];
	v28 =	vmul.f32 v37, v63;
	v39 =	vmul.f32 v31, v63;
	v31 =	vunpack.i.u.bf16.f32 v43  }
0x16e: {  	v41 =	vld [tilespmem:s15+$0x3000];
	v53 =	vunpack.i.l.bf16.f32 v47;
	v36 =	vmul.f32 v32, v60;
	v45 =	vunpack.i.u.bf16.f32 v38  }
0x16f: {  	v32 =	vunpack.i.l.bf16.f32 v38;
	v38 =	vunpack.i.l.bf16.f32 v56;
	v27 =	vadd.f32 v27, v24;
	v24 =	vld [tilespmem:s12+$0x1820]  }
0x170: {  	v20 =	vadd.f32 v25, v20;
	v25 =	vmul.f32 v50, v46;
	v21 =	vadd.f32 v30, v21  }
0x171: {  	v50 =	vunpack.i.l.bf16.f32 v43;
	v32 =	vmul.f32 v32, v22;
	v22 =	vmul.f32 v45, v22  }
0x172: {  	v43 =	vld [tilespmem:s11+$0x3280];
	v20 =	vadd.f32 v25, v20;
	v25 =	vmul.f32 v59, v54;
	v27 =	vadd.f32 v28, v27  }
0x173: {  	v28 =	vmul.f32 v42, v40;
	v54 =	vld [tilespmem:s11+$0x3240];
	v59 =	vunpack.i.u.bf16.f32 v51;
	v46 =	vunpack.i.l.bf16.f32 v41  }
0x174: {  	v40 =	vld [tilespmem:s11+$0x3270];
	v48 =	vunpack.i.u.bf16.f32 v41;
	v20 =	vadd.f32 v55, v20;
	v44 =	vperm.xlane v24, v0  }
0x175: {  	v55 =	vunpack.i.l.bf16.f32 v51;
	v49 =	vperm.xlane v24, v1;
	v35 =	vperm.xlane v24, v2  }
0x176: {  	v60 =	vperm.xlane v24, v4;
	v42 =	vperm.xlane v24, v6;
	v20 =	vadd.f32 v25, v20  }
0x177: {  	v34 =	vunpack.i.u.bf16.f32 v43;
	v30 =	vmul.f32 v50, v49;
	v52 =	vmul.f32 v31, v49  }
0x178: {  	v31 =	vmul.f32 v53, v35;
	v62 =	vunpack.i.l.bf16.f32 v54;
	v20 =	vadd.f32 v36, v20  }
0x179: {  	v51 =	vld [tilespmem:s11+$0x32A0];
	v33 =	vunpack.i.u.bf16.f32 v54;
	v49 =	vunpack.i.u.bf16.f32 v40;
	v50 =	vunpack.i.l.bf16.f32 v43  }
0x17a: {  	v36 =	vperm.xlane v24, v3;
	v37 =	vmul.f32 v33, v60;
	v25 =	vadd.f32 v39, v20  }
0x17b: {  	v63 =	vld [tilespmem:s11+$0x3260];
	v33 =	vunpack.i.l.bf16.f32 v40;
	v20 =	vadd.f32 v26, v23;
	v23 =	vadd.f32 v29, v27  }
0x17c: {  	v26 =	vmul.f32 v48, v44;
	v29 =	vunpack.i.u.bf16.f32 v47;
	v58 =	vmul.f32 v55, v36  }
0x17d: {  	v61 =	vmul.f32 v59, v36;
	v36 =	vperm.xlane v24, v5;
	v39 =	vunpack.i.u.bf16.f32 v56  }
0x17e: {  	v47 =	vperm.xlane v24, v8;
	v48 =	vperm.xlane v24, v7;
	v55 =	vunpack.i.l.bf16.f32 v51;
	v56 =	vld [tilespmem:s11+$0x32C0]  }
0x17f: {  	v29 =	vmul.f32 v29, v35;
	v25 =	vadd.f32 v28, v25;
	v28 =	vmul.f32 v46, v44  }
0x180: {  	v54 =	vld [tilespmem:s11+$0x32B0];
	v26 =	vadd.f32 $0.0e+00, v26;
	v41 =	vmul.f32 v39, v36;
	v44 =	vunpack.i.u.bf16.f32 v63  }
0x181: {  	v46 =	vld [tilespmem:s11+$0x3290];
	v23 =	vadd.f32 v32, v23;
	v33 =	vmul.f32 v33, v48;
	v28 =	vadd.f32 $0.0e+00, v28  }
0x182: {  	v32 =	vunpack.i.u.bf16.f32 v51;
	v26 =	vadd.f32 v52, v26;
	v22 =	vadd.f32 v22, v25  }
0x183: {  	v52 =	vperm.xlane v24, v9;
	v25 =	vmul.f32 v34, v47;
	v39 =	vunpack.i.l.bf16.f32 v56  }
0x184: {  	v35 =	vunpack.i.u.bf16.f32 v56;
	v28 =	vadd.f32 v30, v28;
	v26 =	vadd.f32 v29, v26  }
0x185: {  	v29 =	vmul.f32 v62, v60;
	v30 =	vmul.f32 v38, v36;
	v25 =	vadd.f32 $0.0e+00, v25  }
0x186: {  	v40 =	vld [tilespmem:s11+$0x32E0];
	v38 =	vperm.xlane v24, v11;
	v62 =	vunpack.i.u.bf16.f32 v54;
	v53 =	vunpack.i.l.bf16.f32 v46  }
0x187: {  	v57 =	vadd.f32 v31, v28;
	v26 =	vadd.f32 v61, v26;
	v34 =	vmul.f32 v53, v52  }
0x188: {  	v43 =	vld [tilespmem:s11+$0x32F0];
	v31 =	vunpack.i.l.bf16.f32 v63;
	v28 =	vmul.f32 v49, v48;
	v63 =	vperm.xlane v24, v12  }
0x189: {  	v59 =	vld [tilespmem:s11+$0x32D0];
	v45 =	vmul.f32 v31, v42;
	v31 =	vmul.f32 v50, v47;
	v27 =	vadd.f32 v58, v57  }
0x18a: {  	s15 =	sor.u32 $0x600, s13;
	v26 =	vadd.f32 v37, v26;
	v37 =	vperm.xlane v24, v10;
	v58 =	vunpack.i.l.bf16.f32 v54  }
0x18b: {  	s15 =	sand.u32 $0x3FFFFE00, s15;
	v48 =	vunpack.i.u.bf16.f32 v40;
	v31 =	vadd.f32 $0.0e+00, v31;
	v61 =	vmul.f32 v58, v38  }
0x18c: {  	v47 =	vld [tilespmem:s15+$0x3000];
	v27 =	vadd.f32 v29, v27;
	v29 =	vmul.f32 v44, v42;
	v57 =	vmul.f32 v32, v37  }
0x18d: {  	v26 =	vadd.f32 v41, v26;
	v41 =	vperm.xlane v24, v13;
	v32 =	vmul.f32 v35, v63  }
0x18e: {  	v42 =	vunpack.i.l.bf16.f32 v59;
	v44 =	vunpack.i.u.bf16.f32 v59;
	v35 =	vunpack.i.l.bf16.f32 v43  }
0x18f: {  	v31 =	vadd.f32 v34, v31;
	v34 =	vmul.f32 v55, v37;
	v27 =	vadd.f32 v30, v27  }
0x190: {  	v26 =	vadd.f32 v29, v26;
	v30 =	vunpack.i.u.bf16.f32 v46;
	v46 =	vperm.xlane v24, v14  }
0x191: {  	v50 =	vld [tilespmem:s11+$0x3610];
	v24 =	vperm.xlane v24, v15;
	v53 =	vunpack.i.l.bf16.f32 v47;
	v30 =	vmul.f32 v30, v52  }
0x192: {  	v54 =	vld [tilespmem:s11+$0x3620];
	v60 =	vadd.f32 v34, v31;
	v31 =	vmul.f32 v39, v63;
	v52 =	vunpack.i.u.bf16.f32 v43  }
0x193: {  	v27 =	vadd.f32 v45, v27;
	v45 =	vmul.f32 v42, v41;
	v42 =	vld [tilespmem:s11+$0x3650];
	v25 =	vadd.f32 v30, v25  }
0x194: {  	v36 =	vunpack.i.u.bf16.f32 v47;
	v35 =	vmul.f32 v35, v24;
	v24 =	vmul.f32 v52, v24;
	v52 =	vld [tilespmem:s11+$0x3670]  }
0x195: {  	v29 =	vadd.f32 v61, v60;
	v30 =	vmul.f32 v62, v38;
	v62 =	vld [tilespmem:s11+$0x3640];
	v25 =	vadd.f32 v57, v25  }
0x196: {  	v56 =	vunpack.i.l.bf16.f32 v50;
	v59 =	vunpack.i.u.bf16.f32 v50;
	v34 =	vunpack.i.l.bf16.f32 v40;
	v57 =	vld [tilespmem:s11+$0x3630]  }
0x197: {  	v49 =	vmul.f32 v34, v46;
	v29 =	vadd.f32 v31, v29;
	v30 =	vadd.f32 v30, v25;
	v25 =	vld [tilespmem:s12+$0x1860]  }
0x198: {  	v26 =	vadd.f32 v28, v26;
	v61 =	vunpack.i.l.bf16.f32 v54;
	v27 =	vadd.f32 v33, v27  }
0x199: {  	v33 =	vunpack.i.u.bf16.f32 v54;
	v31 =	vmul.f32 v44, v41;
	v29 =	vadd.f32 v45, v29  }
0x19a: {  	v50 =	vunpack.i.l.bf16.f32 v42;
	v34 =	vunpack.i.l.bf16.f32 v52;
	v30 =	vadd.f32 v32, v30  }
0x19b: {  	v32 =	vmul.f32 v48, v46;
	v28 =	vadd.f32 v49, v29;
	v46 =	vunpack.i.l.bf16.f32 v62  }
0x19c: {  	v41 =	vunpack.i.l.bf16.f32 v57;
	v51 =	vperm.xlane v25, v0;
	v55 =	vperm.xlane v25, v1  }
0x19d: {  	v47 =	vld [tilespmem:s11+$0x3660];
	v30 =	vadd.f32 v31, v30;
	v60 =	vperm.xlane v25, v2;
	v63 =	vperm.xlane v25, v3  }
0x19e: {  	v44 =	vunpack.i.u.bf16.f32 v57;
	v45 =	vperm.xlane v25, v4;
	v48 =	vperm.xlane v25, v5  }
0x19f: {  	v54 =	vperm.xlane v25, v6;
	v29 =	vadd.f32 v32, v30;
	v32 =	vmul.f32 v53, v51  }
0x1a0: {  	v28 =	vadd.f32 v35, v28;
	v30 =	vmul.f32 v36, v51;
	v58 =	vmul.f32 v56, v55  }
0x1a1: {  	v40 =	vmul.f32 v33, v60;
	v43 =	vmul.f32 v41, v63;
	v36 =	vunpack.i.u.bf16.f32 v62  }
0x1a2: {  	v31 =	vmul.f32 v46, v45;
	v51 =	vunpack.i.u.bf16.f32 v42;
	v56 =	vunpack.i.u.bf16.f32 v47  }
0x1a3: {  	v33 =	vunpack.i.l.bf16.f32 v47;
	v49 =	vmul.f32 v36, v45;
	v53 =	vmul.f32 v51, v48  }
0x1a4: {  	v42 =	vld [tilespmem:s11+$0x36B0];
	v57 =	vmul.f32 v33, v54;
	v24 =	vadd.f32 v24, v29;
	v27 =	vadd.f32 v32, v27  }
0x1a5: {  	v45 =	vperm.xlane v25, v10;
	v26 =	vadd.f32 v30, v26;
	v30 =	vmul.f32 v59, v55;
	v55 =	vld [tilespmem:s11+$0x3680]  }
0x1a6: {  	v47 =	vld [tilespmem:s11+$0x36C0];
	v32 =	vmul.f32 v61, v60;
	v60 =	vperm.xlane v25, v7;
	v27 =	vadd.f32 v58, v27  }
0x1a7: {  	v59 =	vperm.xlane v25, v8;
	v61 =	vunpack.i.u.bf16.f32 v52;
	v26 =	vadd.f32 v30, v26  }
0x1a8: {  	v51 =	vld [tilespmem:s11+$0x36D0];
	v30 =	vmul.f32 v44, v63;
	v34 =	vmul.f32 v34, v60;
	v27 =	vadd.f32 v32, v27  }
0x1a9: {  	v58 =	vld [tilespmem:s11+$0x3690];
	v26 =	vadd.f32 v40, v26;
	v32 =	vmul.f32 v50, v48;
	v40 =	vperm.xlane v25, v9  }
0x1aa: {  	v63 =	vld [tilespmem:s11+$0x36A0];
	v48 =	vperm.xlane v25, v11;
	v50 =	vunpack.i.l.bf16.f32 v42;
	v62 =	vunpack.i.l.bf16.f32 v55  }
0x1ab: {  	v36 =	vunpack.i.u.bf16.f32 v55;
	v55 =	vunpack.i.l.bf16.f32 v47;
	v27 =	vadd.f32 v43, v27  }
0x1ac: {  	v26 =	vadd.f32 v30, v26;
	v33 =	vmul.f32 v62, v59;
	v29 =	vmul.f32 v36, v59  }
0x1ad: {  	v30 =	vmul.f32 v61, v60;
	v52 =	vmul.f32 v50, v48;
	v36 =	vunpack.i.u.bf16.f32 v47  }
0x1ae: {  	v60 =	vunpack.i.u.bf16.f32 v51;
	v62 =	vperm.xlane v25, v14;
	v41 =	vunpack.i.l.bf16.f32 v58  }
0x1af: {  	v44 =	vunpack.i.u.bf16.f32 v58;
	v46 =	vunpack.i.l.bf16.f32 v63;
	v35 =	vunpack.i.u.bf16.f32 v63  }
0x1b0: {  	v58 =	vunpack.i.l.bf16.f32 v51;
	v27 =	vadd.f32 v31, v27;
	v26 =	vadd.f32 v49, v26  }
0x1b1: {  	s15 =	sadd.s32 $0x6200, s13;
	v59 =	vld [tilespmem:s11+$0x36F0];
	v31 =	vmul.f32 v56, v54;
	v28 =	vadd.f32 v33, v28;
	v43 =	vmul.f32 v41, v40  }
0x1b2: {  	s15 =	sand.u32 $0x3FFFFE00, s15;
	v24 =	vadd.f32 v29, v24;
	v29 =	vmul.f32 v44, v40;
	v33 =	vmul.f32 v46, v45  }
0x1b3: {  	v63 =	vld [tilespmem:s15+$0x3000];
	v49 =	vmul.f32 v35, v45;
	v54 =	vperm.xlane v25, v12;
	v27 =	vadd.f32 v32, v27  }
0x1b4: {  	v56 =	vld [tilespmem:s11+$0x36E0];
	v26 =	vadd.f32 v53, v26;
	v28 =	vadd.f32 v43, v28;
	v53 =	vunpack.i.u.bf16.f32 v42  }
0x1b5: {  	v40 =	vld [tilespmem:s11+$0x9210];
	v24 =	vadd.f32 v29, v24;
	v32 =	vmul.f32 v36, v54;
	v29 =	vmul.f32 v53, v48  }
0x1b6: {  	v42 =	vunpack.i.u.bf16.f32 v59;
	v36 =	vunpack.i.l.bf16.f32 v59;
	v27 =	vadd.f32 v57, v27  }
0x1b7: {  	v26 =	vadd.f32 v31, v26;
	v28 =	vadd.f32 v33, v28;
	v31 =	vmul.f32 v55, v54  }
0x1b8: {  	v44 =	vld [tilespmem:s11+$0x9220];
	v24 =	vadd.f32 v49, v24;
	v57 =	vperm.xlane v25, v13;
	v25 =	vperm.xlane v25, v15  }
0x1b9: {  	v48 =	vld [tilespmem:s11+$0x9230];
	v43 =	vunpack.i.l.bf16.f32 v63;
	v45 =	vunpack.i.u.bf16.f32 v63;
	v38 =	vunpack.i.u.bf16.f32 v56  }
0x1ba: {  	v53 =	vld [tilespmem:s11+$0x9240];
	v33 =	vunpack.i.l.bf16.f32 v56;
	v47 =	vunpack.i.l.bf16.f32 v40;
	v28 =	vadd.f32 v52, v28  }
0x1bb: {  	v29 =	vadd.f32 v29, v24;
	v61 =	vmul.f32 v58, v57;
	v24 =	vld [tilespmem:s12+$0x1E20];
	v39 =	vmul.f32 v33, v62  }
0x1bc: {  	v27 =	vadd.f32 v34, v27;
	v26 =	vadd.f32 v30, v26;
	v36 =	vmul.f32 v36, v25  }
0x1bd: {  	v52 =	vunpack.i.l.bf16.f32 v44;
	v34 =	vunpack.i.u.bf16.f32 v44;
	v25 =	vmul.f32 v42, v25  }
0x1be: {  	v28 =	vadd.f32 v31, v28;
	v29 =	vadd.f32 v32, v29;
	v31 =	vmul.f32 v60, v57  }
0x1bf: {  	v32 =	vmul.f32 v38, v62;
	v56 =	vunpack.i.l.bf16.f32 v48;
	v59 =	vunpack.i.u.bf16.f32 v48  }
0x1c0: {  	v35 =	vunpack.i.u.bf16.f32 v53;
	v41 =	vperm.xlane v24, v0;
	v46 =	vperm.xlane v24, v1  }
0x1c1: {  	v28 =	vadd.f32 v61, v28;
	v51 =	vperm.xlane v24, v2;
	v54 =	vperm.xlane v24, v3  }
0x1c2: {  	v57 =	vld [tilespmem:s11+$0x9250];
	v29 =	vadd.f32 v31, v29;
	v60 =	vperm.xlane v24, v4;
	v63 =	vperm.xlane v24, v5  }
0x1c3: {  	v62 =	vld [tilespmem:s11+$0x9260];
	v61 =	vunpack.i.l.bf16.f32 v53;
	v48 =	vperm.xlane v24, v8;
	v53 =	vperm.xlane v24, v9  }
0x1c4: {  	v44 =	vld [tilespmem:s11+$0x9280];
	v29 =	vadd.f32 v32, v29;
	v32 =	vmul.f32 v43, v41;
	v30 =	vmul.f32 v45, v41  }
0x1c5: {  	v50 =	vunpack.i.u.bf16.f32 v40;
	v49 =	vmul.f32 v47, v46;
	v55 =	vmul.f32 v34, v51  }
0x1c6: {  	v28 =	vadd.f32 v39, v28;
	v58 =	vmul.f32 v56, v54;
	v31 =	vmul.f32 v61, v60  }
0x1c7: {  	v38 =	vmul.f32 v35, v60;
	v39 =	vunpack.i.l.bf16.f32 v57;
	v40 =	vunpack.i.u.bf16.f32 v57  }
0x1c8: {  	v43 =	vperm.xlane v24, v6;
	v45 =	vunpack.i.u.bf16.f32 v62;
	v33 =	vunpack.i.l.bf16.f32 v62  }
0x1c9: {  	v41 =	vld [tilespmem:s11+$0x9270];
	v35 =	vunpack.i.u.bf16.f32 v44;
	v61 =	vperm.xlane v24, v11;
	v28 =	vadd.f32 v36, v28  }
0x1ca: {  	v47 =	vld [tilespmem:s11+$0x9290];
	v42 =	vmul.f32 v40, v63;
	v27 =	vadd.f32 v32, v27;
	v26 =	vadd.f32 v30, v26  }
0x1cb: {  	v60 =	vld [tilespmem:s11+$0x92C0];
	v30 =	vmul.f32 v50, v46;
	v32 =	vmul.f32 v52, v51;
	v51 =	vunpack.i.l.bf16.f32 v44  }
0x1cc: {  	v25 =	vadd.f32 v25, v29;
	v40 =	vld [tilespmem:s11+$0x92D0];
	v46 =	vmul.f32 v33, v43;
	v33 =	vmul.f32 v51, v48  }
0x1cd: {  	v52 =	vld [tilespmem:s11+$0x92A0];
	v51 =	vperm.xlane v24, v14;
	v27 =	vadd.f32 v49, v27;
	v26 =	vadd.f32 v30, v26  }
0x1ce: {  	v30 =	vmul.f32 v59, v54;
	v49 =	vperm.xlane v24, v7;
	v50 =	vunpack.i.u.bf16.f32 v41  }
0x1cf: {  	v34 =	vunpack.i.l.bf16.f32 v41;
	v54 =	vunpack.i.l.bf16.f32 v47;
	v28 =	vadd.f32 v33, v28  }
0x1d0: {  	v57 =	vunpack.i.u.bf16.f32 v47;
	v44 =	vunpack.i.l.bf16.f32 v60;
	v27 =	vadd.f32 v32, v27  }
0x1d1: {  	v26 =	vadd.f32 v55, v26;
	v32 =	vmul.f32 v39, v63;
	v34 =	vmul.f32 v34, v49  }
0x1d2: {  	v55 =	vld [tilespmem:s11+$0x92B0];
	v56 =	vmul.f32 v54, v53;
	v47 =	vunpack.i.l.bf16.f32 v40;
	v59 =	vunpack.i.l.bf16.f32 v52  }
0x1d3: {  	s15 =	sadd.s32 $0x6600, s13;
	v36 =	vunpack.i.u.bf16.f32 v52;
	v27 =	vadd.f32 v58, v27;
	v26 =	vadd.f32 v30, v26  }
0x1d4: {  	s15 =	sand.u32 $0x3FFFFE00, s15;
	v58 =	vperm.xlane v24, v10;
	v28 =	vadd.f32 v56, v28;
	v30 =	vmul.f32 v50, v49  }
0x1d5: {  	v52 =	vld [tilespmem:s15+$0x3000];
	v27 =	vadd.f32 v31, v27;
	v26 =	vadd.f32 v38, v26;
	v31 =	vmul.f32 v45, v43  }
0x1d6: {  	v49 =	vunpack.i.u.bf16.f32 v40;
	v33 =	vmul.f32 v59, v58;
	v62 =	vmul.f32 v36, v58  }
0x1d7: {  	v43 =	vperm.xlane v24, v12;
	v63 =	vunpack.i.l.bf16.f32 v55;
	v26 =	vadd.f32 v42, v26  }
0x1d8: {  	v45 =	vld [tilespmem:s11+$0x92E0];
	v27 =	vadd.f32 v32, v27;
	v28 =	vadd.f32 v33, v28;
	v41 =	vmul.f32 v63, v61  }
0x1d9: {  	v59 =	vld [tilespmem:s11+$0x9620];
	v42 =	vunpack.i.u.bf16.f32 v55;
	v29 =	vadd.f32 v31, v26;
	v26 =	vmul.f32 v35, v48  }
0x1da: {  	v58 =	vunpack.i.l.bf16.f32 v52;
	v27 =	vadd.f32 v46, v27;
	v28 =	vadd.f32 v41, v28  }
0x1db: {  	v31 =	vmul.f32 v44, v43;
	v25 =	vadd.f32 v26, v25;
	v26 =	vmul.f32 v57, v53  }
0x1dc: {  	v55 =	vld [tilespmem:s11+$0x9610];
	v35 =	vunpack.i.u.bf16.f32 v60;
	v46 =	vperm.xlane v24, v13;
	v24 =	vperm.xlane v24, v15  }
0x1dd: {  	v63 =	vld [tilespmem:s11+$0x9630];
	v60 =	vunpack.i.u.bf16.f32 v52;
	v32 =	vmul.f32 v35, v43;
	v25 =	vadd.f32 v26, v25  }
0x1de: {  	v48 =	vld [tilespmem:s11+$0x92F0];
	v33 =	vunpack.i.l.bf16.f32 v45;
	v41 =	vunpack.i.l.bf16.f32 v59;
	v28 =	vadd.f32 v31, v28  }
0x1df: {  	v50 =	vmul.f32 v47, v46;
	v26 =	vmul.f32 v42, v61;
	v25 =	vadd.f32 v62, v25  }
0x1e0: {  	v31 =	vmul.f32 v49, v46;
	v53 =	vunpack.i.u.bf16.f32 v45;
	v27 =	vadd.f32 v34, v27  }
0x1e1: {  	v54 =	vmul.f32 v33, v51;
	v29 =	vadd.f32 v30, v29;
	v25 =	vadd.f32 v26, v25;
	v26 =	vld [tilespmem:s12+$0x1E60]  }
0x1e2: {  	v34 =	vunpack.i.u.bf16.f32 v59;
	v39 =	vunpack.i.u.bf16.f32 v55;
	v28 =	vadd.f32 v50, v28  }
0x1e3: {  	v46 =	vld [tilespmem:s11+$0x9650];
	v45 =	vunpack.i.l.bf16.f32 v63;
	v57 =	vunpack.i.u.bf16.f32 v48;
	v35 =	vunpack.i.l.bf16.f32 v48  }
0x1e4: {  	v48 =	vunpack.i.u.bf16.f32 v63;
	v28 =	vadd.f32 v54, v28;
	v35 =	vmul.f32 v35, v24  }
0x1e5: {  	v24 =	vmul.f32 v57, v24;
	v25 =	vadd.f32 v32, v25;
	v32 =	vmul.f32 v53, v51  }
0x1e6: {  	v42 =	vld [tilespmem:s11+$0x9640];
	v62 =	vunpack.i.l.bf16.f32 v55;
	v56 =	vperm.xlane v26, v0;
	v61 =	vperm.xlane v26, v1  }
0x1e7: {  	v25 =	vadd.f32 v31, v25;
	v40 =	vperm.xlane v26, v2;
	v43 =	vperm.xlane v26, v3  }
0x1e8: {  	v54 =	vunpack.i.l.bf16.f32 v46;
	v51 =	vld [tilespmem:s11+$0x9660];
	v49 =	vperm.xlane v26, v4;
	v52 =	vperm.xlane v26, v5  }
0x1e9: {  	v63 =	vperm.xlane v26, v8;
	v25 =	vadd.f32 v32, v25;
	v32 =	vmul.f32 v58, v56  }
0x1ea: {  	v55 =	vunpack.i.u.bf16.f32 v46;
	v30 =	vmul.f32 v60, v56;
	v36 =	vmul.f32 v62, v61  }
0x1eb: {  	v50 =	vunpack.i.l.bf16.f32 v42;
	v44 =	vmul.f32 v34, v40;
	v47 =	vmul.f32 v45, v43  }
0x1ec: {  	v59 =	vld [tilespmem:s11+$0x9680];
	v28 =	vadd.f32 v35, v28;
	v31 =	vmul.f32 v50, v49;
	v57 =	vmul.f32 v55, v52  }
0x1ed: {  	v56 =	vld [tilespmem:s11+$0x9670];
	v58 =	vperm.xlane v26, v6;
	v60 =	vunpack.i.u.bf16.f32 v51;
	v33 =	vunpack.i.l.bf16.f32 v51  }
0x1ee: {  	v62 =	vld [tilespmem:s11+$0x9690];
	v27 =	vadd.f32 v32, v27;
	v29 =	vadd.f32 v30, v29;
	v30 =	vmul.f32 v39, v61  }
0x1ef: {  	v51 =	vld [tilespmem:s11+$0x96C0];
	v24 =	vadd.f32 v24, v25;
	v32 =	vmul.f32 v41, v40;
	v61 =	vmul.f32 v33, v58  }
0x1f0: {  	v40 =	vperm.xlane v26, v7;
	v27 =	vadd.f32 v36, v27;
	v29 =	vadd.f32 v30, v29  }
0x1f1: {  	v30 =	vmul.f32 v48, v43;
	v36 =	vunpack.i.u.bf16.f32 v42;
	v42 =	vunpack.i.l.bf16.f32 v59  }
0x1f2: {  	v46 =	vld [tilespmem:s11+$0x96B0];
	v53 =	vmul.f32 v36, v49;
	v41 =	vunpack.i.u.bf16.f32 v56;
	v36 =	vunpack.i.u.bf16.f32 v59  }
0x1f3: {  	v33 =	vmul.f32 v42, v63;
	v34 =	vunpack.i.l.bf16.f32 v56;
	v45 =	vunpack.i.l.bf16.f32 v62  }
0x1f4: {  	v43 =	vld [tilespmem:s11+$0x96A0];
	v48 =	vunpack.i.u.bf16.f32 v62;
	v49 =	vperm.xlane v26, v10;
	v59 =	vunpack.i.l.bf16.f32 v51  }
0x1f5: {  	v42 =	vperm.xlane v26, v14;
	v27 =	vadd.f32 v32, v27;
	v32 =	vmul.f32 v54, v52  }
0x1f6: {  	v29 =	vadd.f32 v44, v29;
	v44 =	vperm.xlane v26, v9;
	v34 =	vmul.f32 v34, v40  }
0x1f7: {  	v52 =	vperm.xlane v26, v11;
	v54 =	vunpack.i.l.bf16.f32 v46;
	v28 =	vadd.f32 v33, v28  }
0x1f8: {  	v55 =	vld [tilespmem:s11+$0x96D0];
	v27 =	vadd.f32 v47, v27;
	v29 =	vadd.f32 v30, v29;
	v47 =	vmul.f32 v45, v44  }
0x1f9: {  	v30 =	vmul.f32 v41, v40;
	v56 =	vmul.f32 v54, v52;
	v40 =	vld [tilespmem:s11+$0x96F0];
	v50 =	vunpack.i.l.bf16.f32 v43  }
0x1fa: {  	s15 =	sor.u32 $0x300, s13;
	v35 =	vunpack.i.u.bf16.f32 v43;
	v27 =	vadd.f32 v31, v27;
	v29 =	vadd.f32 v53, v29  }
0x1fb: {  	s15 =	sand.u32 $0x3FFFFF00, s15;
	v31 =	vmul.f32 v60, v58;
	v28 =	vadd.f32 v47, v28;
	v33 =	vmul.f32 v50, v49  }
0x1fc: {  	v43 =	vld [tilespmem:s15+$0x3000];
	v53 =	vmul.f32 v35, v49;
	v58 =	vperm.xlane v26, v12;
	v27 =	vadd.f32 v32, v27  }
0x1fd: {  	v60 =	vld [tilespmem:s11+$0x96E0];
	v35 =	vunpack.i.u.bf16.f32 v55;
	v29 =	vadd.f32 v57, v29;
	v28 =	vadd.f32 v33, v28  }
0x1fe: {  	v49 =	vld [tilespmem:s11+$0x3320];
	v57 =	vunpack.i.u.bf16.f32 v46;
	v47 =	vunpack.i.u.bf16.f32 v40;
	v25 =	vadd.f32 v61, v27  }
0x1ff: {  	v27 =	vadd.f32 v31, v29;
	v29 =	vmul.f32 v36, v63;
	v28 =	vadd.f32 v56, v28  }
0x200: {  	v36 =	vunpack.i.u.bf16.f32 v51;
	v31 =	vmul.f32 v59, v58;
	v61 =	vperm.xlane v26, v13  }
0x201: {  	v45 =	vld [tilespmem:s11+$0x3310];
	v63 =	vunpack.i.l.bf16.f32 v55;
	v26 =	vperm.xlane v26, v15;
	v50 =	vunpack.i.u.bf16.f32 v43  }
0x202: {  	v62 =	vmul.f32 v36, v58;
	v33 =	vunpack.i.l.bf16.f32 v60;
	v36 =	vunpack.i.l.bf16.f32 v40  }
0x203: {  	v56 =	vld [tilespmem:s11+$0x3340];
	v55 =	vunpack.i.l.bf16.f32 v49;
	v24 =	vadd.f32 v29, v24;
	v29 =	vmul.f32 v48, v44  }
0x204: {  	v31 =	vadd.f32 v31, v28;
	v32 =	vmul.f32 v63, v61;
	v28 =	vld [tilespmem:s12+$0x1830];
	v41 =	vmul.f32 v35, v61  }
0x205: {  	v58 =	vld [tilespmem:s11+$0x3350];
	v44 =	vunpack.i.u.bf16.f32 v60;
	v33 =	vmul.f32 v33, v42;
	v25 =	vadd.f32 v34, v25  }
0x206: {  	v48 =	vunpack.i.l.bf16.f32 v43;
	v36 =	vmul.f32 v36, v26;
	v35 =	vunpack.i.u.bf16.f32 v45  }
0x207: {  	v26 =	vmul.f32 v47, v26;
	v24 =	vadd.f32 v29, v24;
	v29 =	vmul.f32 v57, v52  }
0x208: {  	v31 =	vadd.f32 v32, v31;
	v32 =	vmul.f32 v44, v42;
	v52 =	vunpack.i.l.bf16.f32 v45  }
0x209: {  	v37 =	vunpack.i.u.bf16.f32 v56;
	v24 =	vadd.f32 v53, v24;
	v53 =	vld [tilespmem:s11+$0x3330];
	v46 =	vperm.xlane v28, v0  }
0x20a: {  	v44 =	vunpack.i.l.bf16.f32 v58;
	v51 =	vperm.xlane v28, v1;
	v39 =	vperm.xlane v28, v2  }
0x20b: {  	v40 =	vperm.xlane v28, v3;
	v42 =	vperm.xlane v28, v5;
	v24 =	vadd.f32 v29, v24  }
0x20c: {  	v45 =	vunpack.i.u.bf16.f32 v58;
	v58 =	vperm.xlane v28, v9;
	v34 =	vmul.f32 v52, v51  }
0x20d: {  	v54 =	vmul.f32 v35, v51;
	v35 =	vmul.f32 v55, v39;
	v24 =	vadd.f32 v62, v24  }
0x20e: {  	v47 =	vmul.f32 v45, v42;
	v62 =	vperm.xlane v28, v4;
	v57 =	vunpack.i.l.bf16.f32 v53  }
0x20f: {  	v61 =	vunpack.i.u.bf16.f32 v53;
	v53 =	vperm.xlane v28, v8;
	v29 =	vadd.f32 v41, v24  }
0x210: {  	v24 =	vadd.f32 v30, v27;
	v27 =	vadd.f32 v33, v31;
	v30 =	vmul.f32 v50, v46;
	v41 =	vld [tilespmem:s11+$0x3360]  }
0x211: {  	v33 =	vunpack.i.u.bf16.f32 v49;
	v60 =	vmul.f32 v57, v40;
	v63 =	vmul.f32 v61, v40;
	v49 =	vld [tilespmem:s11+$0x3380]  }
0x212: {  	v40 =	vunpack.i.l.bf16.f32 v56;
	v57 =	vld [tilespmem:s11+$0x33A0];
	v29 =	vadd.f32 v32, v29;
	v32 =	vmul.f32 v48, v46  }
0x213: {  	v43 =	vmul.f32 v37, v62;
	v33 =	vmul.f32 v33, v39;
	v30 =	vadd.f32 $0.0e+00, v30  }
0x214: {  	v48 =	vperm.xlane v28, v6;
	v27 =	vadd.f32 v36, v27;
	v32 =	vadd.f32 $0.0e+00, v32  }
0x215: {  	v46 =	vld [tilespmem:s11+$0x3370];
	v30 =	vadd.f32 v54, v30;
	v26 =	vadd.f32 v26, v29;
	v54 =	vperm.xlane v28, v7  }
0x216: {  	v50 =	vunpack.i.u.bf16.f32 v41;
	v56 =	vunpack.i.l.bf16.f32 v49;
	v38 =	vunpack.i.u.bf16.f32 v49  }
0x217: {  	v61 =	vunpack.i.l.bf16.f32 v57;
	v36 =	vunpack.i.u.bf16.f32 v57;
	v49 =	vperm.xlane v28, v12  }
0x218: {  	v45 =	vld [tilespmem:s11+$0x33D0];
	v57 =	vperm.xlane v28, v14;
	v30 =	vadd.f32 v33, v30;
	v33 =	vmul.f32 v40, v62  }
0x219: {  	v32 =	vadd.f32 v34, v32;
	v34 =	vmul.f32 v44, v42;
	v29 =	vmul.f32 v38, v53  }
0x21a: {  	v52 =	vld [tilespmem:s11+$0x3390];
	v42 =	vperm.xlane v28, v11;
	v55 =	vunpack.i.u.bf16.f32 v46;
	v37 =	vunpack.i.l.bf16.f32 v46  }
0x21b: {  	v62 =	vld [tilespmem:s11+$0x33C0];
	v59 =	vadd.f32 v35, v32;
	v30 =	vadd.f32 v63, v30;
	v35 =	vunpack.i.l.bf16.f32 v41  }
0x21c: {  	v37 =	vmul.f32 v37, v54;
	v29 =	vadd.f32 $0.0e+00, v29;
	v41 =	vperm.xlane v28, v10  }
0x21d: {  	v32 =	vmul.f32 v55, v54;
	v55 =	vunpack.i.u.bf16.f32 v45;
	v51 =	vmul.f32 v35, v48  }
0x21e: {  	v54 =	vld [tilespmem:s11+$0x33F0];
	v35 =	vmul.f32 v56, v53;
	v53 =	vunpack.i.l.bf16.f32 v45;
	v31 =	vadd.f32 v60, v59  }
0x21f: {  	v30 =	vadd.f32 v43, v30;
	v59 =	vunpack.i.l.bf16.f32 v52;
	v63 =	vmul.f32 v36, v41  }
0x220: {  	v60 =	vld [tilespmem:s11+$0x33B0];
	v35 =	vadd.f32 $0.0e+00, v35;
	v38 =	vmul.f32 v59, v58;
	v39 =	vunpack.i.u.bf16.f32 v62  }
0x221: {  	v31 =	vadd.f32 v33, v31;
	v30 =	vadd.f32 v47, v30;
	v33 =	vmul.f32 v50, v48  }
0x222: {  	v50 =	vunpack.i.l.bf16.f32 v62;
	v36 =	vmul.f32 v39, v49;
	v35 =	vadd.f32 v38, v35  }
0x223: {  	v38 =	vmul.f32 v61, v41;
	v39 =	vunpack.i.l.bf16.f32 v54;
	v31 =	vadd.f32 v34, v31  }
0x224: {  	v30 =	vadd.f32 v33, v30;
	v34 =	vunpack.i.u.bf16.f32 v52;
	v52 =	vperm.xlane v28, v13  }
0x225: {  	s15 =	sor.u32 $0x700, s13;
	v61 =	vld [tilespmem:s11+$0x3710];
	v28 =	vperm.xlane v28, v15;
	v34 =	vmul.f32 v34, v58;
	v44 =	vunpack.i.l.bf16.f32 v60  }
0x226: {  	s15 =	sand.u32 $0x3FFFFF00, s15;
	v45 =	vld [tilespmem:s11+$0x3720];
	v46 =	vadd.f32 v38, v35;
	v48 =	vunpack.i.u.bf16.f32 v60;
	v35 =	vmul.f32 v50, v49  }
0x227: {  	v58 =	vld [tilespmem:s15+$0x3000];
	v31 =	vadd.f32 v51, v31;
	v47 =	vmul.f32 v44, v42;
	v56 =	vmul.f32 v53, v52  }
0x228: {  	v51 =	vld [tilespmem:s11+$0x33E0];
	v30 =	vadd.f32 v32, v30;
	v39 =	vmul.f32 v39, v28;
	v29 =	vadd.f32 v34, v29  }
0x229: {  	v53 =	vld [tilespmem:s11+$0x3740];
	v34 =	vmul.f32 v48, v42;
	v33 =	vadd.f32 v47, v46;
	v31 =	vadd.f32 v37, v31  }
0x22a: {  	v48 =	vld [tilespmem:s11+$0x3730];
	v47 =	vunpack.i.l.bf16.f32 v61;
	v50 =	vunpack.i.u.bf16.f32 v61;
	v29 =	vadd.f32 v63, v29  }
0x22b: {  	v37 =	vunpack.i.u.bf16.f32 v45;
	v63 =	vunpack.i.u.bf16.f32 v54;
	v33 =	vadd.f32 v35, v33  }
0x22c: {  	v35 =	vmul.f32 v55, v52;
	v44 =	vunpack.i.l.bf16.f32 v58;
	v34 =	vadd.f32 v34, v29;
	v29 =	vld [tilespmem:s12+$0x1870]  }
0x22d: {  	v40 =	vunpack.i.u.bf16.f32 v58;
	v52 =	vunpack.i.l.bf16.f32 v45;
	v28 =	vmul.f32 v63, v28  }
0x22e: {  	v45 =	vld [tilespmem:s11+$0x3770];
	v59 =	vunpack.i.u.bf16.f32 v51;
	v38 =	vunpack.i.l.bf16.f32 v51;
	v61 =	vunpack.i.l.bf16.f32 v53  }
0x22f: {  	v33 =	vadd.f32 v56, v33;
	v60 =	vmul.f32 v38, v57;
	v56 =	vunpack.i.l.bf16.f32 v48  }
0x230: {  	v34 =	vadd.f32 v36, v34;
	v36 =	vmul.f32 v59, v57;
	v59 =	vunpack.i.u.bf16.f32 v48  }
0x231: {  	v32 =	vadd.f32 v60, v33;
	v62 =	vperm.xlane v29, v0;
	v46 =	vperm.xlane v29, v1  }
0x232: {  	v57 =	vld [tilespmem:s11+$0x3750];
	v34 =	vadd.f32 v35, v34;
	v51 =	vperm.xlane v29, v2;
	v54 =	vperm.xlane v29, v3  }
0x233: {  	v38 =	vunpack.i.l.bf16.f32 v45;
	v60 =	vperm.xlane v29, v4;
	v63 =	vperm.xlane v29, v5  }
0x234: {  	v33 =	vadd.f32 v36, v34;
	v36 =	vmul.f32 v44, v62;
	v34 =	vmul.f32 v40, v62  }
0x235: {  	v32 =	vadd.f32 v39, v32;
	v49 =	vmul.f32 v47, v46;
	v55 =	vmul.f32 v37, v51  }
0x236: {  	v48 =	vld [tilespmem:s11+$0x3780];
	v58 =	vmul.f32 v56, v54;
	v40 =	vunpack.i.u.bf16.f32 v53;
	v35 =	vmul.f32 v61, v60  }
0x237: {  	v43 =	vunpack.i.l.bf16.f32 v57;
	v47 =	vperm.xlane v29, v6;
	v53 =	vperm.xlane v29, v7  }
0x238: {  	v62 =	vld [tilespmem:s11+$0x3760];
	v44 =	vunpack.i.u.bf16.f32 v57;
	v57 =	vperm.xlane v29, v9;
	v42 =	vmul.f32 v40, v60  }
0x239: {  	v56 =	vld [tilespmem:s11+$0x37A0];
	v28 =	vadd.f32 v28, v33;
	v30 =	vadd.f32 v34, v30;
	v34 =	vmul.f32 v50, v46  }
0x23a: {  	v31 =	vadd.f32 v36, v31;
	v36 =	vmul.f32 v52, v51;
	v46 =	vmul.f32 v44, v63  }
0x23b: {  	v40 =	vunpack.i.u.bf16.f32 v48;
	v52 =	vperm.xlane v29, v8;
	v38 =	vmul.f32 v38, v53  }
0x23c: {  	v51 =	vld [tilespmem:s11+$0x3790];
	v31 =	vadd.f32 v49, v31;
	v30 =	vadd.f32 v34, v30;
	v34 =	vmul.f32 v59, v54  }
0x23d: {  	v54 =	vunpack.i.u.bf16.f32 v45;
	v45 =	vperm.xlane v29, v11;
	v49 =	vunpack.i.u.bf16.f32 v62  }
0x23e: {  	v37 =	vunpack.i.l.bf16.f32 v62;
	v62 =	vperm.xlane v29, v10;
	v39 =	vunpack.i.u.bf16.f32 v56  }
0x23f: {  	v31 =	vadd.f32 v36, v31;
	v30 =	vadd.f32 v55, v30;
	v36 =	vmul.f32 v43, v63  }
0x240: {  	v59 =	vld [tilespmem:s11+$0x37B0];
	v50 =	vmul.f32 v37, v47;
	v55 =	vunpack.i.l.bf16.f32 v48;
	v63 =	vunpack.i.l.bf16.f32 v56  }
0x241: {  	v48 =	vld [tilespmem:s11+$0x37D0];
	v37 =	vmul.f32 v55, v52;
	v61 =	vunpack.i.u.bf16.f32 v51;
	v31 =	vadd.f32 v58, v31  }
0x242: {  	v30 =	vadd.f32 v34, v30;
	v58 =	vunpack.i.l.bf16.f32 v51;
	v34 =	vmul.f32 v54, v53  }
0x243: {  	v51 =	vperm.xlane v29, v12;
	v53 =	vld [tilespmem:s11+$0x37E0];
	v54 =	vperm.xlane v29, v13;
	v32 =	vadd.f32 v37, v32  }
0x244: {  	v60 =	vmul.f32 v58, v57;
	v37 =	vmul.f32 v63, v62;
	v31 =	vadd.f32 v35, v31  }
0x245: {  	v44 =	vld [tilespmem:s11+$0x37C0];
	v30 =	vadd.f32 v42, v30;
	v35 =	vmul.f32 v49, v47;
	v47 =	vunpack.i.l.bf16.f32 v59  }
0x246: {  	v32 =	vadd.f32 v60, v32;
	v49 =	vmul.f32 v47, v45;
	v55 =	vunpack.i.l.bf16.f32 v48  }
0x247: {  	v31 =	vadd.f32 v36, v31;
	v30 =	vadd.f32 v46, v30;
	v46 =	vmul.f32 v39, v62  }
0x248: {  	v56 =	vld [tilespmem:s11+$0x37F0];
	v58 =	vmul.f32 v55, v54;
	v32 =	vadd.f32 v37, v32;
	v37 =	vunpack.i.l.bf16.f32 v53  }
0x249: {  	v31 =	vadd.f32 v50, v31;
	v33 =	vadd.f32 v35, v30;
	v30 =	vmul.f32 v40, v52  }
0x24a: {  	s15 =	sadd.s32 $0x6300, s13;
	v50 =	vunpack.i.u.bf16.f32 v59;
	v52 =	vunpack.i.l.bf16.f32 v44;
	v40 =	vunpack.i.u.bf16.f32 v44  }
0x24b: {  	s15 =	sand.u32 $0x3FFFFF00, s15;
	v63 =	vld [tilespmem:s11+$0x9310];
	v59 =	vperm.xlane v29, v14;
	v28 =	vadd.f32 v30, v28;
	v30 =	vmul.f32 v61, v57  }
0x24c: {  	v60 =	vld [tilespmem:s15+$0x3000];
	v29 =	vperm.xlane v29, v15;
	v32 =	vadd.f32 v49, v32;
	v35 =	vmul.f32 v52, v51  }
0x24d: {  	v47 =	vld [tilespmem:s11+$0x9320];
	v36 =	vmul.f32 v40, v51;
	v40 =	vunpack.i.l.bf16.f32 v56;
	v28 =	vadd.f32 v30, v28  }
0x24e: {  	v57 =	vunpack.i.u.bf16.f32 v48;
	v61 =	vunpack.i.u.bf16.f32 v53;
	v62 =	vmul.f32 v37, v59  }
0x24f: {  	v51 =	vld [tilespmem:s11+$0x9330];
	v31 =	vadd.f32 v38, v31;
	v30 =	vmul.f32 v50, v45;
	v28 =	vadd.f32 v46, v28  }
0x250: {  	v33 =	vadd.f32 v34, v33;
	v32 =	vadd.f32 v35, v32;
	v45 =	vunpack.i.u.bf16.f32 v56;
	v56 =	vld [tilespmem:s11+$0x9340]  }
0x251: {  	v48 =	vunpack.i.u.bf16.f32 v60;
	v40 =	vmul.f32 v40, v29;
	v28 =	vadd.f32 v30, v28;
	v30 =	vld [tilespmem:s12+$0x1E30]  }
0x252: {  	v53 =	vunpack.i.u.bf16.f32 v63;
	v55 =	vunpack.i.l.bf16.f32 v47;
	v32 =	vadd.f32 v58, v32  }
0x253: {  	v38 =	vunpack.i.u.bf16.f32 v47;
	v35 =	vmul.f32 v57, v54;
	v50 =	vunpack.i.l.bf16.f32 v63  }
0x254: {  	v29 =	vmul.f32 v45, v29;
	v46 =	vunpack.i.l.bf16.f32 v60;
	v32 =	vadd.f32 v62, v32  }
0x255: {  	v62 =	vunpack.i.u.bf16.f32 v51;
	v28 =	vadd.f32 v36, v28;
	v36 =	vmul.f32 v61, v59  }
0x256: {  	v43 =	vunpack.i.l.bf16.f32 v56;
	v44 =	vperm.xlane v30, v0;
	v49 =	vperm.xlane v30, v1  }
0x257: {  	v60 =	vld [tilespmem:s11+$0x9350];
	v39 =	vunpack.i.u.bf16.f32 v56;
	v54 =	vperm.xlane v30, v2;
	v57 =	vperm.xlane v30, v3  }
0x258: {  	v28 =	vadd.f32 v35, v28;
	v63 =	vperm.xlane v30, v4;
	v45 =	vperm.xlane v30, v5  }
0x259: {  	v59 =	vunpack.i.l.bf16.f32 v51;
	v51 =	vperm.xlane v30, v6;
	v56 =	vperm.xlane v30, v8  }
0x25a: {  	v28 =	vadd.f32 v36, v28;
	v36 =	vmul.f32 v46, v44;
	v34 =	vmul.f32 v48, v44  }
0x25b: {  	v32 =	vadd.f32 v40, v32;
	v52 =	vmul.f32 v50, v49;
	v58 =	vmul.f32 v38, v54  }
0x25c: {  	v47 =	vunpack.i.l.bf16.f32 v60;
	v61 =	vmul.f32 v59, v57;
	v44 =	vld [tilespmem:s11+$0x9360];
	v35 =	vmul.f32 v43, v63  }
0x25d: {  	v46 =	vmul.f32 v39, v63;
	v48 =	vunpack.i.u.bf16.f32 v60;
	v63 =	vld [tilespmem:s11+$0x93B0];
	v31 =	vadd.f32 v36, v31  }
0x25e: {  	v59 =	vperm.xlane v30, v7;
	v33 =	vadd.f32 v34, v33;
	v34 =	vmul.f32 v53, v49;
	v49 =	vld [tilespmem:s11+$0x9380]  }
0x25f: {  	v50 =	vmul.f32 v48, v45;
	v36 =	vmul.f32 v55, v54;
	v55 =	vld [tilespmem:s11+$0x9390];
	v31 =	vadd.f32 v52, v31  }
0x260: {  	v28 =	vadd.f32 v29, v28;
	v48 =	vld [tilespmem:s11+$0x93C0];
	v33 =	vadd.f32 v34, v33;
	v34 =	vmul.f32 v62, v57  }
0x261: {  	v52 =	vld [tilespmem:s11+$0x9370];
	v53 =	vunpack.i.u.bf16.f32 v44;
	v37 =	vunpack.i.l.bf16.f32 v44;
	v31 =	vadd.f32 v36, v31  }
0x262: {  	v33 =	vadd.f32 v58, v33;
	v36 =	vmul.f32 v47, v45;
	v54 =	vmul.f32 v37, v51  }
0x263: {  	v45 =	vperm.xlane v30, v10;
	v57 =	vunpack.i.l.bf16.f32 v49;
	v38 =	vunpack.i.u.bf16.f32 v49  }
0x264: {  	v62 =	vunpack.i.l.bf16.f32 v55;
	v33 =	vadd.f32 v34, v33;
	v34 =	vmul.f32 v57, v56  }
0x265: {  	v31 =	vadd.f32 v61, v31;
	v61 =	vperm.xlane v30, v9;
	v29 =	vmul.f32 v38, v56  }
0x266: {  	v58 =	vld [tilespmem:s11+$0x93A0];
	v38 =	vunpack.i.u.bf16.f32 v63;
	v56 =	vunpack.i.l.bf16.f32 v48;
	v60 =	vunpack.i.u.bf16.f32 v52  }
0x267: {  	v39 =	vunpack.i.l.bf16.f32 v52;
	v52 =	vunpack.i.l.bf16.f32 v63;
	v63 =	vperm.xlane v30, v14  }
0x268: {  	v31 =	vadd.f32 v35, v31;
	v33 =	vadd.f32 v46, v33;
	v35 =	vmul.f32 v53, v51  }
0x269: {  	v32 =	vadd.f32 v34, v32;
	v34 =	vmul.f32 v62, v61;
	v39 =	vmul.f32 v39, v59  }
0x26a: {  	v57 =	vld [tilespmem:s11+$0x93E0];
	v28 =	vadd.f32 v29, v28;
	v51 =	vperm.xlane v30, v11;
	v37 =	vmul.f32 v60, v59  }
0x26b: {  	v59 =	vunpack.i.u.bf16.f32 v48;
	v60 =	vperm.xlane v30, v13;
	v47 =	vunpack.i.l.bf16.f32 v58  }
0x26c: {  	v31 =	vadd.f32 v36, v31;
	v33 =	vadd.f32 v50, v33;
	v36 =	vunpack.i.u.bf16.f32 v55  }
0x26d: {  	v53 =	vld [tilespmem:s11+$0x93D0];
	v32 =	vadd.f32 v34, v32;
	v49 =	vmul.f32 v47, v45;
	v34 =	vmul.f32 v52, v51  }
0x26e: {  	v50 =	vunpack.i.u.bf16.f32 v58;
	v55 =	vmul.f32 v38, v51;
	v46 =	vmul.f32 v36, v61  }
0x26f: {  	s13 =	sadd.s32 $0x6700, s13;
	v29 =	vmul.f32 v50, v45;
	v47 =	vunpack.i.l.bf16.f32 v57;
	v38 =	vunpack.i.u.bf16.f32 v57  }
0x270: {  	s15 =	sand.u32 $0x3FFFFF00, s13;
	v48 =	vld [tilespmem:s11+$0x93F0];
	v31 =	vadd.f32 v54, v31;
	v33 =	vadd.f32 v35, v33;
	v54 =	vperm.xlane v30, v12  }
0x271: {  	v45 =	vld [tilespmem:s15+$0x3000];
	v32 =	vadd.f32 v49, v32;
	v35 =	vmul.f32 v47, v63;
	v49 =	vmul.f32 v38, v63  }
0x272: {  	v50 =	vld [tilespmem:s11+$0x9710];
	v30 =	vperm.xlane v30, v15;
	v28 =	vadd.f32 v46, v28;
	v62 =	vunpack.i.l.bf16.f32 v53  }
0x273: {  	v63 =	vld [tilespmem:s11+$0x9740];
	v36 =	vunpack.i.u.bf16.f32 v53;
	v58 =	vmul.f32 v56, v54;
	v61 =	vmul.f32 v59, v54  }
0x274: {  	v47 =	vld [tilespmem:s11+$0x9750];
	v32 =	vadd.f32 v34, v32;
	v40 =	vmul.f32 v62, v60;
	v46 =	vmul.f32 v36, v60  }
0x275: {  	v53 =	vld [tilespmem:s11+$0x9720];
	v31 =	vadd.f32 v39, v31;
	v36 =	vunpack.i.l.bf16.f32 v48;
	v28 =	vadd.f32 v29, v28  }
0x276: {  	v33 =	vadd.f32 v37, v33;
	v54 =	vunpack.i.u.bf16.f32 v48;
	v59 =	vld [tilespmem:s11+$0x9730];
	v36 =	vmul.f32 v36, v30  }
0x277: {  	v30 =	vmul.f32 v54, v30;
	v32 =	vadd.f32 v58, v32;
	v29 =	vadd.f32 v55, v28;
	v28 =	vld [tilespmem:s12+$0x1E70]  }
0x278: {  	v52 =	vunpack.i.l.bf16.f32 v45;
	v58 =	vunpack.i.l.bf16.f32 v50;
	v38 =	vunpack.i.u.bf16.f32 v50  }
0x279: {  	v55 =	vunpack.i.u.bf16.f32 v45;
	v54 =	vunpack.i.u.bf16.f32 v63;
	v32 =	vadd.f32 v40, v32  }
0x27a: {  	v39 =	vld [tilespmem:s11+$0x9770];
	v37 =	vunpack.i.u.bf16.f32 v47;
	v62 =	vunpack.i.l.bf16.f32 v53;
	v29 =	vadd.f32 v61, v29  }
0x27b: {  	v44 =	vunpack.i.u.bf16.f32 v53;
	v48 =	vunpack.i.u.bf16.f32 v59;
	v32 =	vadd.f32 v35, v32  }
0x27c: {  	v29 =	vadd.f32 v46, v29;
	v51 =	vperm.xlane v28, v0;
	v56 =	vperm.xlane v28, v1  }
0x27d: {  	v60 =	vperm.xlane v28, v2;
	v32 =	vadd.f32 v36, v32;
	v45 =	vperm.xlane v28, v3  }
0x27e: {  	v36 =	vperm.xlane v28, v7;
	v29 =	vadd.f32 v49, v29;
	v49 =	vperm.xlane v28, v4  }
0x27f: {  	v42 =	vunpack.i.u.bf16.f32 v39;
	v34 =	vmul.f32 v52, v51;
	v57 =	vmul.f32 v55, v51  }
0x280: {  	v46 =	vunpack.i.l.bf16.f32 v59;
	v35 =	vmul.f32 v58, v56;
	v61 =	vmul.f32 v38, v56  }
0x281: {  	v43 =	vmul.f32 v62, v60;
	v50 =	vmul.f32 v48, v45;
	v51 =	vunpack.i.l.bf16.f32 v63;
	v52 =	vld [tilespmem:s11+$0x9760]  }
0x282: {  	v55 =	vperm.xlane v28, v5;
	v56 =	vunpack.i.l.bf16.f32 v47;
	v58 =	vld [tilespmem:s11+$0x9780];
	v48 =	vperm.xlane v28, v9  }
0x283: {  	v53 =	vmul.f32 v51, v49;
	v29 =	vadd.f32 v30, v29;
	v31 =	vadd.f32 v34, v31  }
0x284: {  	v33 =	vadd.f32 v57, v33;
	v34 =	vmul.f32 v44, v60;
	v57 =	vperm.xlane v28, v6  }
0x285: {  	v63 =	vld [tilespmem:s11+$0x9790];
	v59 =	vmul.f32 v37, v55;
	v44 =	vunpack.i.l.bf16.f32 v39;
	v31 =	vadd.f32 v35, v31  }
0x286: {  	v33 =	vadd.f32 v61, v33;
	v35 =	vmul.f32 v46, v45;
	v45 =	vperm.xlane v28, v8  }
0x287: {  	v60 =	vunpack.i.l.bf16.f32 v52;
	v46 =	vunpack.i.l.bf16.f32 v58;
	v41 =	vunpack.i.u.bf16.f32 v58  }
0x288: {  	v31 =	vadd.f32 v43, v31;
	v33 =	vadd.f32 v34, v33;
	v34 =	vmul.f32 v54, v49  }
0x289: {  	v62 =	vmul.f32 v60, v57;
	v43 =	vunpack.i.u.bf16.f32 v52;
	v38 =	vmul.f32 v46, v45  }
0x28a: {  	v47 =	vld [tilespmem:s11+$0x97A0];
	v49 =	vmul.f32 v41, v45;
	v54 =	vunpack.i.u.bf16.f32 v63;
	v60 =	vperm.xlane v28, v11  }
0x28b: {  	v58 =	vld [tilespmem:s11+$0x97C0];
	v45 =	vperm.xlane v28, v12;
	v31 =	vadd.f32 v35, v31;
	v33 =	vadd.f32 v50, v33  }
0x28c: {  	v35 =	vmul.f32 v56, v55;
	v50 =	vunpack.i.l.bf16.f32 v63;
	v52 =	vadd.f32 v38, v32  }
0x28d: {  	v51 =	vld [tilespmem:s11+$0x97B0];
	v29 =	vadd.f32 v49, v29;
	v55 =	vperm.xlane v28, v10;
	v56 =	vmul.f32 v54, v48  }
0x28e: {  	v31 =	vadd.f32 v53, v31;
	v33 =	vadd.f32 v34, v33;
	v34 =	vmul.f32 v43, v57  }
0x28f: {  	s13 =	sshll.u32 s10, $0x6;
	v53 =	vmul.f32 v50, v48;
	v57 =	vunpack.i.l.bf16.f32 v47;
	v29 =	vadd.f32 v56, v29  }
0x290: {  	s12 =	sand.u32 $0x3FFFFFC0, s13;
	v49 =	vunpack.i.u.bf16.f32 v58;
	v50 =	vperm.xlane v28, v13;
	v61 =	vadd.f32 v35, v31  }
0x291: {  	[tilespmem:s12+$0x1B030] =	vst v18;
	v18 =	vmul.f32 v49, v45;
	v33 =	vadd.f32 v59, v33;
	v31 =	vmul.f32 v44, v36  }
0x292: {  	v63 =	vld [tilespmem:s11+$0x97D0];
	v59 =	vunpack.i.u.bf16.f32 v47;
	v44 =	vunpack.i.u.bf16.f32 v51;
	v30 =	vadd.f32 v62, v61  }
0x293: {  	v47 =	vunpack.i.l.bf16.f32 v58;
	v33 =	vadd.f32 v34, v33;
	v61 =	vmul.f32 v59, v55  }
0x294: {  	[tilespmem:s12+$0x1B000] =	vst v17;
	v34 =	vmul.f32 v57, v55;
	v30 =	vadd.f32 v31, v30;
	v31 =	vadd.f32 v53, v52  }
0x295: {  	[tilespmem:s12+$0x1B010] =	vst v16;
	v48 =	vld [tilespmem:s11+$0x97E0];
	v46 =	vmul.f32 v44, v60;
	v62 =	vunpack.i.l.bf16.f32 v51;
	v16 =	vadd.f32 v61, v29  }
0x296: {  	[tilespmem:s12+$0x1B020] =	vst v19;
	v58 =	vperm.xlane v28, v15;
	v43 =	vmul.f32 v62, v60;
	v17 =	vadd.f32 v34, v31  }
0x297: {  	[tilespmem:s12+$0x1B040] =	vst v21;
	v54 =	vunpack.i.u.bf16.f32 v63;
	v51 =	vunpack.i.l.bf16.f32 v63;
	v52 =	vld [tilespmem:s11+$0x97F0];
	v16 =	vadd.f32 v46, v16  }
0x298: {  	[tilespmem:s12+$0x1B050] =	vst v20;
	v55 =	vperm.xlane v28, v14;
	v29 =	vmul.f32 v47, v45;
	v17 =	vadd.f32 v43, v17  }
0x299: {  	[tilespmem:s12+$0x1B060] =	vst v23;
	v19 =	vmul.f32 v51, v50;
	v16 =	vadd.f32 v18, v16;
	v18 =	vmul.f32 v54, v50  }
0x29a: {  	[tilespmem:s12+$0x1B070] =	vst v22;
	v56 =	vunpack.i.l.bf16.f32 v48;
	v57 =	vunpack.i.u.bf16.f32 v48;
	v17 =	vadd.f32 v29, v17  }
0x29b: {  	[tilespmem:s12+$0x1B080] =	vst v25;
	v53 =	vmul.f32 v42, v36;
	v59 =	vmul.f32 v57, v55;
	v16 =	vadd.f32 v18, v16  }
0x29c: {  	[tilespmem:s12+$0x1B090] =	vst v24;
	v61 =	vunpack.i.u.bf16.f32 v52;
	v17 =	vadd.f32 v19, v17;
	v19 =	vmul.f32 v56, v55  }
0x29d: {  	p1 =	slt.u32 s10, $0x2C;
	[tilespmem:s12+$0x1B0A0] =	vst v27;
	v60 =	vunpack.i.l.bf16.f32 v52;
	v63 =	vmul.f32 v61, v58;
	v16 =	vadd.f32 v59, v16  }
.Ltmp0:
0x29e: {  	[tilespmem:s12+$0x1B0B0] =	vst v26;
	v20 =	vadd.f32 v53, v33;
	v62 =	vmul.f32 v60, v58;
	v17 =	vadd.f32 v19, v17;
	(pc) =	sbr.rel @p1 .LBB2_3-.Ltmp0, $4  }
0x29f: {  	[tilespmem:s12+$0x1B0C0] =	vst v30;
	v16 =	vadd.f32 v63, v16  }
0x2a0: {  	[tilespmem:s12+$0x1B0D0] =	vst v20;
	v17 =	vadd.f32 v62, v17  }
0x2a1: {  	s15 =	sadd.s32 $0x4, s10;
	[tilespmem:s12+$0x1B0F0] =	vst v16  }
0x2a2: {  	s10 =	smov.u32 s15;
	[tilespmem:s12+$0x1B0E0] =	vst v17  }
0x2a3: {  	s10 =	sadd.s32 s3, s9  }
0x2a4: {  	s10 =	smul.u32 $0x180, s10;
	_ =	sdelay $0x1  }
0x2a5: {  	p1 =	sne.s32 s20, $0x13;
	s10 =	sadd.s32 s7, s10  }
0x2a6: {  	[hbm4b:s10+s2] =	stream.linear.scatter [tilespmem:s30], [sflag:$0x7], $0xC00, $0x38;
	[tilespmem:$0x1C800] =	vst v63  }
0x2a7: {  	s10 =	simm.s32 @p1 $0x1  }
0x2a8: {  	_ =	swait.ge @p1 [sflag:s10], $0x600  }
0x2a9: {  	[sflag:s10] =	ssyncset.done @p1 $0x0  }
0x2aa: {  	[sflag:s10] =	ssyncadd.s32 @p1 $0xFFFFFA00  }
0x2ab: {  	_ =	swait.ge @p1 [sflag:s10], $0x600  }
0x2ac: {  	s11 =	simm.s32 @p1 $0x0;
	s12 =	simm.s32 @p1 $0x3000;
	[sflag:s10] =	ssyncset.done @p1 $0x0  }
0x2ad: {  	s9 =	sadd.s32 @p1 s9, s14;
	[sflag:s10] =	ssyncadd.s32 @p1 $0xFFFFFA00;
	s10 =	simm.s32 @p1 $0xC00  }
0x2ae: {  	[tilespmem:s12], [sflag:$0x5] =	stream.indirect.gather @p1 [hbm4b:s4+s10], $0x10, s11, s10, $0xb8;
	[tilespmem:$0x1C800] =	vst v63  }
0x2af: {  	s9 =	smul.u32 @p1 $0x600, s9;
	s12 =	simm.s32 @p1 $0x6  }
0x2b0: {  	_ =	swait.ge @p1 [sflag:s12], $0xC000  }
0x2b1: {  	s9 =	sshrl.u32 @p1 s9, $0x3;
	[sflag:s12] =	ssyncset.done @p1 $0x0  }
0x2b2: {  	s9 =	sadd.s32 @p1 s5, s9;
	[sflag:s12] =	ssyncadd.s32 @p1 $0xFFFF4000  }
0x2b3: {  	[tilespmem:s10], [sflag:$0x2] =	stream.linear.gather @p1 [hbm4b:s9+s11], $0x600, $0x38;
	[tilespmem:$0x1C800] =	vst v63  }
0x2b4: {  	s10 =	sadd.s32 @p1 s3, s22  }
0x2b5: {  	s12 =	simm.s32 @p1 $0x1200;
	s9 =	sadd.s32 @p1 $0x3A980, s9;
	s10 =	smul.u32 @p1 $0x600, s10  }
0x2b6: {  	[tilespmem:s12], [sflag:$0x2] =	stream.linear.gather @p1 [hbm4b:s9+s11], $0x600, $0x38;
	[tilespmem:$0x1C800] =	vst v63  }
0x2b7: {  	s9 =	sshrl.u32 @p1 s10, $0x3  }
0x2b8: {  	s10 =	simm.s32 @p1 $0x1800;
	s9 =	sadd.s32 @p1 s6, s9  }
0x2b9: {  	[tilespmem:s10], [sflag:$0x3] =	stream.linear.gather @p1 [hbm4b:s9+s11], $0x600, $0x38;
	[tilespmem:$0x1C800] =	vst v63  }
0x2ba: {  	s9 =	sadd.s32 @p1 $0x3A980, s9;
	s10 =	simm.s32 @p1 $0x1E00  }
0x2bb: {  	[tilespmem:s10], [sflag:$0x3] =	stream.linear.gather @p1 [hbm4b:s9+s11], $0x600, $0x38;
	[tilespmem:$0x1C800] =	vst v63  }
0x2bc: {  	s9 =	simm.s32 @!p1 $0x6  }
0x2bd: {  	_ =	swait.ge @!p1 [sflag:s9], $0xC000  }
0x2be: {  	[sflag:s9] =	ssyncset.done @!p1 $0x0  }
0x2bf: {  	[sflag:s9] =	ssyncadd.s32 @!p1 $0xFFFF4000  }
0x2c0: {  	_ =	swait.ge [sflag:s31], $0x600  }
0x2c1: {  	[sflag:s31] =	ssyncset.done $0x0  }
0x2c2: {  	[sflag:s31] =	ssyncadd.s32 $0xFFFFFA00  }
0x2c3: {  	_ =	swait.ge [sflag:s31], $0x600  }
0x2c4: {  	[sflag:s31] =	ssyncset.done $0x0  }
0x2c5: {  	s9 =	simm.s32 @!p0 $0x8;
	[sflag:s31] =	ssyncadd.s32 $0xFFFFFA00  }
0x2c6: {  	_ =	swait.ge @!p0 [sflag:s9], $0xC00  }
0x2c7: {  	[sflag:s9] =	ssyncset.done @!p0 $0x0  }
0x2c8: {  	[sflag:s9] =	ssyncadd.s32 @!p0 $0xFFFFF400;
	s9 =	simm.s32 $0x0  }
.LBB2_5:
0x2c9: {  	s11 =	sshll.u32 s9, $0x5;
	s12 =	sshll.u32 s9, $0x9  }
0x2ca: {  	v17 =	vld [tilespmem:s11+$0x2400];
	s10 =	sand.u32 $0x3FFFFE00, s12  }
0x2cb: {  	v16 =	vld [tilespmem:s10+$0xF000]  }
0x2cc: {  	v18 =	vld [tilespmem:s10+$0xF010]  }
0x2cd: {  	v21 =	vld [tilespmem:s10+$0xF020]  }
0x2ce: {  	v23 =	vld [tilespmem:s10+$0xF030]  }
0x2cf: {  	v37 =	vld [tilespmem:s10+$0xF040];
	v19 =	vperm.xlane v17, v0  }
0x2d0: {  	v40 =	vld [tilespmem:s10+$0xF050];
	v22 =	vperm.xlane v17, v1;
	v24 =	vperm.xlane v17, v2  }
0x2d1: {  	v45 =	vld [tilespmem:s10+$0xF060];
	v25 =	vperm.xlane v17, v3;
	v43 =	vperm.xlane v17, v4  }
0x2d2: {  	v50 =	vld [tilespmem:s10+$0xF070];
	v46 =	vperm.xlane v17, v5;
	v52 =	vperm.xlane v17, v6  }
0x2d3: {  	v53 =	vld [tilespmem:s10+$0xF080];
	v58 =	vperm.xlane v17, v7;
	v27 =	vperm.xlane v17, v9  }
0x2d4: {  	v56 =	vld [tilespmem:s10+$0xF090];
	v29 =	vperm.xlane v17, v10;
	v30 =	vperm.xlane v17, v11;
	v20 =	vunpack.i.l.bf16.f32 v16  }
0x2d5: {  	v26 =	vld [tilespmem:s10+$0xF0A0];
	v16 =	vunpack.i.u.bf16.f32 v16;
	v35 =	vunpack.i.l.bf16.f32 v18;
	v18 =	vunpack.i.u.bf16.f32 v18  }
0x2d6: {  	v28 =	vld [tilespmem:s10+$0xF0B0];
	v36 =	vunpack.i.l.bf16.f32 v21;
	v21 =	vunpack.i.u.bf16.f32 v21;
	v39 =	vunpack.i.l.bf16.f32 v23  }
0x2d7: {  	v42 =	vunpack.i.u.bf16.f32 v23;
	v44 =	vunpack.i.l.bf16.f32 v37;
	v48 =	vunpack.i.l.bf16.f32 v40  }
0x2d8: {  	v49 =	vunpack.i.u.bf16.f32 v40;
	v54 =	vunpack.i.u.bf16.f32 v45;
	v23 =	vunpack.i.l.bf16.f32 v45  }
0x2d9: {  	v59 =	vunpack.i.u.bf16.f32 v50;
	v60 =	vunpack.i.l.bf16.f32 v53;
	v61 =	vunpack.i.l.bf16.f32 v56  }
0x2da: {  	v62 =	vunpack.i.l.bf16.f32 v26;
	v26 =	vunpack.i.u.bf16.f32 v26;
	v16 =	vmul.f32 v16, v19  }
0x2db: {  	v33 =	vunpack.i.l.bf16.f32 v28;
	v45 =	vperm.xlane v17, v14;
	v20 =	vmul.f32 v20, v19  }
0x2dc: {  	v19 =	vmul.f32 v35, v22;
	v18 =	vmul.f32 v18, v22;
	v16 =	vadd.f32 $0.0e+00, v16  }
0x2dd: {  	v63 =	vld [tilespmem:s10+$0xF0C0];
	v38 =	vmul.f32 v21, v24;
	v41 =	vmul.f32 v39, v25;
	v20 =	vadd.f32 $0.0e+00, v20  }
0x2de: {  	v40 =	vld [tilespmem:s10+$0xF0E0];
	v22 =	vunpack.i.u.bf16.f32 v37;
	v21 =	vmul.f32 v48, v46;
	v16 =	vadd.f32 v18, v16  }
0x2df: {  	v51 =	vmul.f32 v49, v46;
	v55 =	vmul.f32 v23, v52;
	v19 =	vadd.f32 v19, v20  }
0x2e0: {  	s13 =	sor.u32 $0x400, s12;
	v20 =	vmul.f32 v36, v24;
	v18 =	vmul.f32 v42, v25;
	v16 =	vadd.f32 v38, v16  }
0x2e1: {  	s13 =	sand.u32 $0x3FFFFE00, s13;
	v32 =	vmul.f32 v26, v29;
	v37 =	vunpack.i.u.bf16.f32 v28;
	v47 =	vmul.f32 v22, v43  }
0x2e2: {  	v46 =	vld [tilespmem:s13+$0xF000];
	v22 =	vunpack.i.l.bf16.f32 v50;
	v19 =	vadd.f32 v20, v19;
	v16 =	vadd.f32 v18, v16  }
0x2e3: {  	v34 =	vld [tilespmem:s10+$0xF0D0];
	v39 =	vunpack.i.l.bf16.f32 v63;
	v22 =	vmul.f32 v22, v58;
	v26 =	vunpack.i.l.bf16.f32 v40  }
0x2e4: {  	v42 =	vld [tilespmem:s10+$0xF0F0];
	v20 =	vmul.f32 v44, v43;
	v19 =	vadd.f32 v41, v19;
	v16 =	vadd.f32 v47, v16  }
0x2e5: {  	v24 =	vunpack.i.u.bf16.f32 v53;
	v36 =	vmul.f32 v33, v30;
	v48 =	vmul.f32 v26, v45  }
0x2e6: {  	v49 =	vld [tilespmem:s10+$0xF410];
	v19 =	vadd.f32 v20, v19;
	v20 =	vmul.f32 v54, v52;
	v16 =	vadd.f32 v51, v16  }
0x2e7: {  	v53 =	vunpack.i.l.bf16.f32 v46;
	v28 =	vunpack.i.u.bf16.f32 v46;
	v38 =	vperm.xlane v17, v12  }
0x2e8: {  	v43 =	vunpack.i.u.bf16.f32 v34;
	v57 =	vadd.f32 v20, v16;
	v16 =	vperm.xlane v17, v8  }
0x2e9: {  	v41 =	vperm.xlane v17, v13;
	v47 =	vunpack.i.u.bf16.f32 v40;
	v52 =	vunpack.i.u.bf16.f32 v42  }
0x2ea: {  	v19 =	vadd.f32 v21, v19;
	v21 =	vunpack.i.u.bf16.f32 v56;
	v25 =	vmul.f32 v60, v16  }
0x2eb: {  	v54 =	vld [tilespmem:s10+$0xF420];
	v56 =	vunpack.i.l.bf16.f32 v49;
	v20 =	vmul.f32 v59, v58;
	v16 =	vmul.f32 v24, v16  }
0x2ec: {  	v18 =	vadd.f32 v55, v19;
	v24 =	vmul.f32 v61, v27;
	v25 =	vadd.f32 $0.0e+00, v25  }
0x2ed: {  	v21 =	vmul.f32 v21, v27;
	v19 =	vadd.f32 v20, v57;
	v57 =	vld [tilespmem:s10+$0xF430];
	v16 =	vadd.f32 $0.0e+00, v16  }
0x2ee: {  	v17 =	vperm.xlane v17, v15;
	v24 =	vadd.f32 v24, v25;
	v25 =	vmul.f32 v62, v29  }
0x2ef: {  	v33 =	vld [tilespmem:s10+$0xF450];
	v59 =	vunpack.i.u.bf16.f32 v49;
	v27 =	vunpack.i.u.bf16.f32 v63;
	v16 =	vadd.f32 v21, v16  }
0x2f0: {  	v18 =	vadd.f32 v22, v18;
	v61 =	vunpack.i.l.bf16.f32 v54;
	v35 =	vadd.f32 v25, v24  }
0x2f1: {  	v21 =	vmul.f32 v37, v30;
	v62 =	vld [tilespmem:s10+$0xF440];
	v16 =	vadd.f32 v32, v16;
	v24 =	vmul.f32 v39, v38  }
0x2f2: {  	v25 =	vmul.f32 v27, v38;
	v32 =	vunpack.i.l.bf16.f32 v57;
	v38 =	vld [tilespmem:s10+$0xF460];
	v23 =	vadd.f32 v36, v35  }
0x2f3: {  	v21 =	vadd.f32 v21, v16;
	v16 =	vunpack.i.l.bf16.f32 v34;
	v35 =	vunpack.i.u.bf16.f32 v57;
	v57 =	vld [tilespmem:s10+$0xF4B0]  }
0x2f4: {  	v27 =	vunpack.i.l.bf16.f32 v42;
	v42 =	vunpack.i.u.bf16.f32 v33;
	v44 =	vmul.f32 v16, v41;
	v16 =	vld [tilespmem:s11+$0x2440]  }
0x2f5: {  	v27 =	vmul.f32 v27, v17;
	v17 =	vmul.f32 v52, v17;
	v23 =	vadd.f32 v24, v23  }
0x2f6: {  	v37 =	vunpack.i.l.bf16.f32 v62;
	v21 =	vadd.f32 v25, v21;
	v24 =	vmul.f32 v43, v41  }
0x2f7: {  	v25 =	vmul.f32 v47, v45;
	v41 =	vunpack.i.l.bf16.f32 v33;
	v43 =	vld [tilespmem:s10+$0xF470];
	v23 =	vadd.f32 v44, v23  }
0x2f8: {  	v47 =	vunpack.i.u.bf16.f32 v38;
	v21 =	vadd.f32 v24, v21;
	v33 =	vunpack.i.l.bf16.f32 v57  }
0x2f9: {  	v50 =	vadd.f32 v48, v23;
	v51 =	vperm.xlane v16, v0;
	v55 =	vperm.xlane v16, v1  }
0x2fa: {  	v21 =	vadd.f32 v25, v21;
	v60 =	vperm.xlane v16, v2;
	v63 =	vperm.xlane v16, v3  }
0x2fb: {  	v25 =	vunpack.i.u.bf16.f32 v54;
	v36 =	vperm.xlane v16, v4;
	v39 =	vperm.xlane v16, v5  }
0x2fc: {  	v46 =	vld [tilespmem:s10+$0xF480];
	v45 =	vperm.xlane v16, v6;
	v52 =	vunpack.i.u.bf16.f32 v43;
	v24 =	vmul.f32 v53, v51  }
0x2fd: {  	v26 =	vunpack.i.l.bf16.f32 v43;
	v22 =	vmul.f32 v28, v51;
	v58 =	vmul.f32 v56, v55  }
0x2fe: {  	v31 =	vmul.f32 v25, v60;
	v34 =	vmul.f32 v32, v63;
	v28 =	vunpack.i.u.bf16.f32 v62  }
0x2ff: {  	v23 =	vmul.f32 v37, v36;
	v44 =	vmul.f32 v42, v39;
	v25 =	vunpack.i.l.bf16.f32 v38  }
0x300: {  	v49 =	vld [tilespmem:s10+$0xF490];
	v20 =	vadd.f32 v27, v50;
	v17 =	vadd.f32 v17, v21;
	v50 =	vperm.xlane v16, v8  }
0x301: {  	v54 =	vld [tilespmem:s10+$0xF4A0];
	v51 =	vperm.xlane v16, v7;
	v53 =	vunpack.i.l.bf16.f32 v46;
	v37 =	vperm.xlane v16, v12  }
0x302: {  	v40 =	vmul.f32 v28, v36;
	v48 =	vmul.f32 v25, v45;
	v18 =	vadd.f32 v24, v18  }
0x303: {  	v19 =	vadd.f32 v22, v19;
	v22 =	vmul.f32 v59, v55;
	v24 =	vmul.f32 v61, v60  }
0x304: {  	v28 =	vunpack.i.u.bf16.f32 v46;
	v25 =	vmul.f32 v53, v50;
	v55 =	vperm.xlane v16, v9  }
0x305: {  	v56 =	vunpack.i.l.bf16.f32 v49;
	v21 =	vmul.f32 v28, v50;
	v26 =	vmul.f32 v26, v51  }
0x306: {  	v62 =	vld [tilespmem:s10+$0xF4C0];
	v59 =	vunpack.i.u.bf16.f32 v49;
	v60 =	vperm.xlane v16, v10;
	v61 =	vunpack.i.l.bf16.f32 v54  }
0x307: {  	v27 =	vunpack.i.u.bf16.f32 v54;
	v18 =	vadd.f32 v58, v18;
	v19 =	vadd.f32 v22, v19  }
0x308: {  	v22 =	vmul.f32 v35, v63;
	v20 =	vadd.f32 v25, v20;
	v58 =	vmul.f32 v56, v55  }
0x309: {  	v17 =	vadd.f32 v21, v17;
	v21 =	vmul.f32 v59, v55;
	v25 =	vmul.f32 v61, v60  }
0x30a: {  	v36 =	vunpack.i.u.bf16.f32 v57;
	v63 =	vperm.xlane v16, v11;
	v32 =	vmul.f32 v27, v60;
	v56 =	vld [tilespmem:s10+$0x15030]  }
0x30b: {  	v61 =	vld [tilespmem:s10+$0x15040];
	v38 =	vunpack.i.l.bf16.f32 v62;
	v28 =	vunpack.i.u.bf16.f32 v62;
	v18 =	vadd.f32 v24, v18  }
0x30c: {  	v19 =	vadd.f32 v31, v19;
	v24 =	vmul.f32 v41, v39;
	v20 =	vadd.f32 v58, v20  }
0x30d: {  	v17 =	vadd.f32 v21, v17;
	v35 =	vmul.f32 v33, v63;
	v21 =	vmul.f32 v36, v63;
	v39 =	vld [tilespmem:s10+$0xF4E0]  }
0x30e: {  	v41 =	vld [tilespmem:s10+$0xF4F0];
	v18 =	vadd.f32 v34, v18;
	v19 =	vadd.f32 v22, v19;
	v22 =	vmul.f32 v52, v51  }
0x30f: {  	v20 =	vadd.f32 v25, v20;
	v17 =	vadd.f32 v32, v17;
	v31 =	vunpack.i.l.bf16.f32 v56  }
0x310: {  	v34 =	vld [tilespmem:s10+$0xF4D0];
	v36 =	vunpack.i.l.bf16.f32 v61;
	v27 =	vunpack.i.u.bf16.f32 v61;
	v18 =	vadd.f32 v23, v18  }
0x311: {  	v52 =	vld [tilespmem:s10+$0x15020];
	v19 =	vadd.f32 v40, v19;
	v23 =	vmul.f32 v47, v45;
	v20 =	vadd.f32 v35, v20  }
0x312: {  	v32 =	vld [tilespmem:s10+$0x15050];
	v40 =	vperm.xlane v16, v13;
	v21 =	vadd.f32 v21, v17;
	v46 =	vunpack.i.u.bf16.f32 v39  }
0x313: {  	s22 =	sadd.s32 $0x6000, s12;
	v25 =	vunpack.i.l.bf16.f32 v39;
	v50 =	vunpack.i.u.bf16.f32 v41;
	v18 =	vadd.f32 v24, v18  }
0x314: {  	s13 =	sand.u32 $0x3FFFFE00, s22;
	v19 =	vadd.f32 v44, v19;
	v24 =	vmul.f32 v28, v37;
	v44 =	vperm.xlane v16, v14  }
0x315: {  	v45 =	vld [tilespmem:s13+$0xF000];
	v16 =	vperm.xlane v16, v15;
	v28 =	vunpack.i.l.bf16.f32 v41;
	v17 =	vunpack.i.l.bf16.f32 v34  }
0x316: {  	v42 =	vunpack.i.u.bf16.f32 v34;
	v60 =	vunpack.i.l.bf16.f32 v52;
	v34 =	vunpack.i.u.bf16.f32 v56  }
0x317: {  	v41 =	vunpack.i.u.bf16.f32 v32;
	v19 =	vadd.f32 v23, v19;
	v23 =	vmul.f32 v38, v37  }
0x318: {  	v18 =	vadd.f32 v48, v18;
	v43 =	vmul.f32 v17, v40;
	v17 =	vld [tilespmem:s11+$0x2A00];
	v47 =	vmul.f32 v25, v44  }
0x319: {  	v56 =	vld [tilespmem:s10+$0x150B0];
	v21 =	vadd.f32 v24, v21;
	v24 =	vmul.f32 v46, v44;
	v28 =	vmul.f32 v28, v16  }
0x31a: {  	v48 =	vld [tilespmem:s10+$0x15010];
	v16 =	vmul.f32 v50, v16;
	v51 =	vunpack.i.l.bf16.f32 v45;
	v53 =	vunpack.i.u.bf16.f32 v45  }
0x31b: {  	v20 =	vadd.f32 v23, v20;
	v23 =	vmul.f32 v42, v40;
	v18 =	vadd.f32 v26, v18  }
0x31c: {  	v37 =	vld [tilespmem:s10+$0x15060];
	v19 =	vadd.f32 v22, v19;
	v26 =	vunpack.i.u.bf16.f32 v52;
	v40 =	vunpack.i.l.bf16.f32 v32  }
0x31d: {  	v20 =	vadd.f32 v43, v20;
	v21 =	vadd.f32 v23, v21;
	v49 =	vperm.xlane v17, v0  }
0x31e: {  	v61 =	vld [tilespmem:s10+$0x150C0];
	v32 =	vunpack.i.l.bf16.f32 v56;
	v54 =	vperm.xlane v17, v1;
	v59 =	vperm.xlane v17, v2  }
0x31f: {  	v55 =	vunpack.i.l.bf16.f32 v48;
	v62 =	vperm.xlane v17, v3;
	v35 =	vperm.xlane v17, v4  }
0x320: {  	v45 =	vld [tilespmem:s10+$0x15080];
	v58 =	vunpack.i.u.bf16.f32 v48;
	v38 =	vperm.xlane v17, v5;
	v44 =	vperm.xlane v17, v6  }
0x321: {  	v42 =	vld [tilespmem:s10+$0x15070];
	v46 =	vunpack.i.u.bf16.f32 v37;
	v25 =	vunpack.i.l.bf16.f32 v37;
	v50 =	vperm.xlane v17, v7  }
0x322: {  	v21 =	vadd.f32 v24, v21;
	v24 =	vmul.f32 v51, v49;
	v22 =	vmul.f32 v53, v49  }
0x323: {  	v37 =	vunpack.i.l.bf16.f32 v61;
	v57 =	vmul.f32 v55, v54;
	v63 =	vmul.f32 v26, v59  }
0x324: {  	v20 =	vadd.f32 v47, v20;
	v33 =	vmul.f32 v31, v62;
	v23 =	vmul.f32 v36, v35  }
0x325: {  	v52 =	vunpack.i.l.bf16.f32 v45;
	v39 =	vmul.f32 v27, v35;
	v43 =	vmul.f32 v41, v38  }
0x326: {  	v48 =	vld [tilespmem:s10+$0x15090];
	v47 =	vmul.f32 v25, v44;
	v49 =	vperm.xlane v17, v8;
	v51 =	vunpack.i.u.bf16.f32 v42  }
0x327: {  	s15 =	sadd.s32 $0x6400, s12;
	v27 =	vunpack.i.u.bf16.f32 v45;
	v26 =	vunpack.i.l.bf16.f32 v42;
	v35 =	vunpack.i.u.bf16.f32 v56  }
0x328: {  	s13 =	sand.u32 $0x3FFFFE00, s15;
	v53 =	vld [tilespmem:s10+$0x150A0];
	v36 =	vperm.xlane v17, v12;
	v20 =	vadd.f32 v28, v20;
	v16 =	vadd.f32 v16, v21  }
0x329: {  	v45 =	vld [tilespmem:s13+$0xF000];
	v26 =	vmul.f32 v26, v50;
	v19 =	vadd.f32 v22, v19;
	v22 =	vmul.f32 v58, v54  }
0x32a: {  	v56 =	vld [tilespmem:s10+$0x15430];
	v18 =	vadd.f32 v24, v18;
	v24 =	vmul.f32 v60, v59;
	v25 =	vmul.f32 v52, v49  }
0x32b: {  	v54 =	vperm.xlane v17, v9;
	v59 =	vperm.xlane v17, v10;
	v55 =	vunpack.i.l.bf16.f32 v48  }
0x32c: {  	v58 =	vunpack.i.u.bf16.f32 v48;
	v18 =	vadd.f32 v57, v18;
	v19 =	vadd.f32 v22, v19  }
0x32d: {  	v52 =	vld [tilespmem:s10+$0x15420];
	v22 =	vmul.f32 v34, v62;
	v20 =	vadd.f32 v25, v20;
	v57 =	vmul.f32 v55, v54  }
0x32e: {  	v62 =	vperm.xlane v17, v11;
	v60 =	vunpack.i.l.bf16.f32 v53;
	v18 =	vadd.f32 v24, v18  }
0x32f: {  	v41 =	vld [tilespmem:s10+$0x150F0];
	v28 =	vunpack.i.u.bf16.f32 v53;
	v53 =	vunpack.i.u.bf16.f32 v45;
	v31 =	vunpack.i.l.bf16.f32 v56  }
0x330: {  	v48 =	vld [tilespmem:s10+$0x15410];
	v19 =	vadd.f32 v63, v19;
	v24 =	vmul.f32 v40, v38;
	v18 =	vadd.f32 v33, v18  }
0x331: {  	v20 =	vadd.f32 v57, v20;
	v25 =	vmul.f32 v60, v59;
	v63 =	vmul.f32 v28, v59  }
0x332: {  	v34 =	vmul.f32 v32, v62;
	v60 =	vunpack.i.l.bf16.f32 v52;
	v18 =	vadd.f32 v23, v18  }
0x333: {  	v19 =	vadd.f32 v22, v19;
	v22 =	vmul.f32 v51, v50;
	v20 =	vadd.f32 v25, v20  }
0x334: {  	v38 =	vld [tilespmem:s10+$0x150E0];
	v50 =	vunpack.i.u.bf16.f32 v41;
	v51 =	vunpack.i.l.bf16.f32 v45;
	v18 =	vadd.f32 v24, v18  }
0x335: {  	v33 =	vld [tilespmem:s10+$0x150D0];
	v55 =	vunpack.i.l.bf16.f32 v48;
	v19 =	vadd.f32 v39, v19;
	v23 =	vmul.f32 v46, v44  }
0x336: {  	v39 =	vperm.xlane v17, v13;
	v21 =	vadd.f32 v47, v18;
	v18 =	vmul.f32 v27, v49  }
0x337: {  	v20 =	vadd.f32 v34, v20;
	v44 =	vperm.xlane v17, v14;
	v17 =	vperm.xlane v17, v15  }
0x338: {  	v32 =	vld [tilespmem:s10+$0x15450];
	v34 =	vunpack.i.u.bf16.f32 v56;
	v16 =	vadd.f32 v18, v16;
	v18 =	vmul.f32 v58, v54  }
0x339: {  	v46 =	vunpack.i.u.bf16.f32 v38;
	v25 =	vunpack.i.l.bf16.f32 v38;
	v19 =	vadd.f32 v43, v19  }
0x33a: {  	v40 =	vunpack.i.l.bf16.f32 v33;
	v42 =	vunpack.i.u.bf16.f32 v33;
	v16 =	vadd.f32 v18, v16  }
0x33b: {  	v19 =	vadd.f32 v23, v19;
	v27 =	vunpack.i.u.bf16.f32 v61;
	v23 =	vmul.f32 v37, v36  }
0x33c: {  	v45 =	vld [tilespmem:s10+$0x15480];
	v43 =	vmul.f32 v40, v39;
	v18 =	vmul.f32 v35, v62;
	v16 =	vadd.f32 v63, v16  }
0x33d: {  	v47 =	vmul.f32 v25, v44;
	v61 =	vld [tilespmem:s10+$0x15440];
	v40 =	vunpack.i.l.bf16.f32 v32;
	v24 =	vmul.f32 v27, v36  }
0x33e: {  	v27 =	vunpack.i.l.bf16.f32 v41;
	v41 =	vunpack.i.u.bf16.f32 v32;
	v16 =	vadd.f32 v18, v16;
	v18 =	vld [tilespmem:s11+$0x2A40]  }
0x33f: {  	v20 =	vadd.f32 v23, v20;
	v23 =	vmul.f32 v42, v39;
	v21 =	vadd.f32 v26, v21  }
0x340: {  	v19 =	vadd.f32 v22, v19;
	v27 =	vmul.f32 v27, v17;
	v58 =	vunpack.i.u.bf16.f32 v48  }
0x341: {  	v37 =	vld [tilespmem:s10+$0x15460];
	v26 =	vunpack.i.u.bf16.f32 v52;
	v17 =	vmul.f32 v50, v17;
	v52 =	vunpack.i.l.bf16.f32 v45  }
0x342: {  	v20 =	vadd.f32 v43, v20;
	v16 =	vadd.f32 v24, v16;
	v24 =	vmul.f32 v46, v44  }
0x343: {  	v36 =	vunpack.i.l.bf16.f32 v61;
	v49 =	vperm.xlane v18, v0;
	v54 =	vperm.xlane v18, v1  }
0x344: {  	v28 =	vunpack.i.u.bf16.f32 v61;
	v59 =	vperm.xlane v18, v2;
	v62 =	vperm.xlane v18, v3  }
0x345: {  	v56 =	vld [tilespmem:s10+$0x154B0];
	v16 =	vadd.f32 v23, v16;
	v35 =	vperm.xlane v18, v4;
	v38 =	vperm.xlane v18, v5  }
0x346: {  	v42 =	vld [tilespmem:s10+$0x15470];
	v25 =	vunpack.i.l.bf16.f32 v37;
	v44 =	vperm.xlane v18, v6;
	v50 =	vperm.xlane v18, v7  }
0x347: {  	v48 =	vld [tilespmem:s10+$0x15490];
	v16 =	vadd.f32 v24, v16;
	v24 =	vmul.f32 v51, v49;
	v22 =	vmul.f32 v53, v49  }
0x348: {  	v61 =	vld [tilespmem:s10+$0x154C0];
	v20 =	vadd.f32 v47, v20;
	v57 =	vmul.f32 v55, v54;
	v63 =	vmul.f32 v26, v59  }
0x349: {  	v46 =	vunpack.i.u.bf16.f32 v37;
	v37 =	vld [tilespmem:s10+$0x154E0];
	v33 =	vmul.f32 v31, v62;
	v23 =	vmul.f32 v36, v35  }
0x34a: {  	v20 =	vadd.f32 v27, v20;
	v39 =	vmul.f32 v28, v35;
	v43 =	vmul.f32 v41, v38  }
0x34b: {  	v47 =	vmul.f32 v25, v44;
	v49 =	vperm.xlane v18, v8;
	v51 =	vunpack.i.u.bf16.f32 v42  }
0x34c: {  	v28 =	vunpack.i.u.bf16.f32 v45;
	v26 =	vunpack.i.l.bf16.f32 v42;
	v55 =	vunpack.i.l.bf16.f32 v48  }
0x34d: {  	v31 =	vunpack.i.l.bf16.f32 v56;
	v35 =	vperm.xlane v18, v12;
	v36 =	vunpack.i.l.bf16.f32 v61  }
0x34e: {  	v53 =	vld [tilespmem:s10+$0x154A0];
	v45 =	vunpack.i.u.bf16.f32 v37;
	v26 =	vmul.f32 v26, v50;
	v21 =	vadd.f32 v24, v21  }
0x34f: {  	v41 =	vld [tilespmem:s10+$0x154F0];
	v19 =	vadd.f32 v22, v19;
	v22 =	vmul.f32 v58, v54;
	v24 =	vmul.f32 v60, v59  }
0x350: {  	v16 =	vadd.f32 v17, v16;
	v25 =	vmul.f32 v52, v49;
	v54 =	vperm.xlane v18, v9  }
0x351: {  	v58 =	vunpack.i.u.bf16.f32 v48;
	v59 =	vperm.xlane v18, v10;
	v21 =	vadd.f32 v57, v21  }
0x352: {  	v32 =	vld [tilespmem:s10+$0x154D0];
	v19 =	vadd.f32 v22, v19;
	v22 =	vmul.f32 v34, v62;
	v20 =	vadd.f32 v25, v20  }
0x353: {  	v57 =	vmul.f32 v55, v54;
	v62 =	vperm.xlane v18, v11;
	v34 =	vunpack.i.u.bf16.f32 v56  }
0x354: {  	v60 =	vunpack.i.l.bf16.f32 v53;
	v27 =	vunpack.i.u.bf16.f32 v53;
	v48 =	vunpack.i.u.bf16.f32 v41  }
0x355: {  	v21 =	vadd.f32 v24, v21;
	v19 =	vadd.f32 v63, v19;
	v24 =	vmul.f32 v40, v38  }
0x356: {  	v20 =	vadd.f32 v57, v20;
	v25 =	vmul.f32 v60, v59;
	v63 =	vmul.f32 v27, v59;
	v57 =	vld [tilespmem:s10+$0xF140]  }
0x357: {  	v38 =	vperm.xlane v18, v13;
	v40 =	vunpack.i.l.bf16.f32 v32;
	v27 =	vunpack.i.u.bf16.f32 v32  }
0x358: {  	v59 =	vld [tilespmem:s10+$0xF150];
	v21 =	vadd.f32 v33, v21;
	v19 =	vadd.f32 v22, v19;
	v22 =	vmul.f32 v51, v50  }
0x359: {  	v20 =	vadd.f32 v25, v20;
	v33 =	vmul.f32 v31, v62;
	v42 =	vmul.f32 v27, v38;
	v50 =	vld [tilespmem:s10+$0xF120]  }
0x35a: {  	s22 =	sor.u32 $0x100, s12;
	v25 =	vunpack.i.l.bf16.f32 v37;
	v21 =	vadd.f32 v23, v21;
	v19 =	vadd.f32 v39, v19  }
0x35b: {  	s13 =	sand.u32 $0x3FFFFF00, s22;
	v23 =	vmul.f32 v46, v44;
	v20 =	vadd.f32 v33, v20;
	v29 =	vunpack.i.u.bf16.f32 v57  }
0x35c: {  	v44 =	vld [tilespmem:s13+$0xF000];
	v21 =	vadd.f32 v24, v21;
	v19 =	vadd.f32 v43, v19;
	v24 =	vmul.f32 v40, v38  }
0x35d: {  	v46 =	vld [tilespmem:s10+$0xF110];
	v43 =	vperm.xlane v18, v14;
	v18 =	vperm.xlane v18, v15;
	v38 =	vunpack.i.l.bf16.f32 v59  }
0x35e: {  	v56 =	vunpack.i.l.bf16.f32 v50;
	v19 =	vadd.f32 v23, v19;
	v23 =	vmul.f32 v36, v35  }
0x35f: {  	v17 =	vadd.f32 v47, v21;
	v21 =	vmul.f32 v28, v49;
	v28 =	vunpack.i.u.bf16.f32 v61  }
0x360: {  	v25 =	vmul.f32 v25, v43;
	v39 =	vmul.f32 v28, v35;
	v23 =	vadd.f32 v23, v20;
	v20 =	vld [tilespmem:s11+$0x2410]  }
0x361: {  	v49 =	vunpack.i.l.bf16.f32 v44;
	v51 =	vunpack.i.u.bf16.f32 v44;
	v28 =	vunpack.i.l.bf16.f32 v41  }
0x362: {  	v53 =	vunpack.i.l.bf16.f32 v46;
	v16 =	vadd.f32 v21, v16;
	v21 =	vmul.f32 v58, v54  }
0x363: {  	v27 =	vunpack.i.u.bf16.f32 v46;
	v17 =	vadd.f32 v26, v17;
	v54 =	vld [tilespmem:s10+$0xF130];
	v28 =	vmul.f32 v28, v18  }
0x364: {  	v18 =	vmul.f32 v48, v18;
	v16 =	vadd.f32 v21, v16;
	v21 =	vmul.f32 v34, v62  }
0x365: {  	v40 =	vld [tilespmem:s10+$0xF170];
	v23 =	vadd.f32 v24, v23;
	v24 =	vmul.f32 v45, v43;
	v47 =	vperm.xlane v20, v0  }
0x366: {  	v35 =	vld [tilespmem:s10+$0xF160];
	v34 =	vunpack.i.l.bf16.f32 v57;
	v52 =	vperm.xlane v20, v1;
	v31 =	vperm.xlane v20, v2  }
0x367: {  	v43 =	vld [tilespmem:s10+$0xF180];
	v16 =	vadd.f32 v63, v16;
	v32 =	vperm.xlane v20, v3;
	v63 =	vperm.xlane v20, v4  }
0x368: {  	v46 =	vld [tilespmem:s10+$0xF190];
	v58 =	vunpack.i.l.bf16.f32 v54;
	v36 =	vperm.xlane v20, v5;
	v48 =	vperm.xlane v20, v7  }
0x369: {  	v62 =	vunpack.i.u.bf16.f32 v54;
	v26 =	vmul.f32 v53, v52;
	v55 =	vmul.f32 v27, v52  }
0x36a: {  	v16 =	vadd.f32 v21, v16;
	v27 =	vmul.f32 v56, v31;
	v61 =	vmul.f32 v58, v32  }
0x36b: {  	v44 =	vunpack.i.u.bf16.f32 v35;
	v33 =	vmul.f32 v62, v32;
	v37 =	vmul.f32 v29, v63  }
0x36c: {  	v54 =	vld [tilespmem:s10+$0xF1B0];
	v30 =	vunpack.i.u.bf16.f32 v43;
	v52 =	vperm.xlane v20, v9;
	v16 =	vadd.f32 v39, v16  }
0x36d: {  	v29 =	vunpack.i.l.bf16.f32 v40;
	v53 =	vunpack.i.l.bf16.f32 v46;
	v39 =	vunpack.i.u.bf16.f32 v59  }
0x36e: {  	v29 =	vmul.f32 v29, v48;
	v41 =	vmul.f32 v39, v36;
	v21 =	vadd.f32 v42, v16  }
0x36f: {  	v56 =	vld [tilespmem:s10+$0xF1C0];
	v16 =	vadd.f32 v22, v19;
	v19 =	vadd.f32 v25, v23;
	v22 =	vmul.f32 v51, v47  }
0x370: {  	v59 =	vld [tilespmem:s10+$0xF1D0];
	v25 =	vunpack.i.u.bf16.f32 v50;
	v42 =	vperm.xlane v20, v6;
	v50 =	vunpack.i.l.bf16.f32 v43  }
0x371: {  	v51 =	vld [tilespmem:s10+$0xF1A0];
	v58 =	vunpack.i.l.bf16.f32 v54;
	v62 =	vunpack.i.u.bf16.f32 v54;
	v43 =	vperm.xlane v20, v14  }
0x372: {  	v25 =	vmul.f32 v25, v31;
	v21 =	vadd.f32 v24, v21;
	v24 =	vmul.f32 v49, v47  }
0x373: {  	v22 =	vadd.f32 $0.0e+00, v22;
	v19 =	vadd.f32 v28, v19;
	v47 =	vperm.xlane v20, v8  }
0x374: {  	v49 =	vunpack.i.u.bf16.f32 v40;
	v31 =	vunpack.i.u.bf16.f32 v56;
	v24 =	vadd.f32 $0.0e+00, v24  }
0x375: {  	v39 =	vunpack.i.l.bf16.f32 v59;
	v22 =	vadd.f32 v55, v22;
	v18 =	vadd.f32 v18, v21  }
0x376: {  	v21 =	vmul.f32 v30, v47;
	v30 =	vmul.f32 v53, v52;
	v55 =	vunpack.i.l.bf16.f32 v51  }
0x377: {  	v40 =	vld [tilespmem:s10+$0xF1F0];
	v28 =	vunpack.i.u.bf16.f32 v51;
	v24 =	vadd.f32 v26, v24;
	v22 =	vadd.f32 v25, v22  }
0x378: {  	v25 =	vmul.f32 v34, v63;
	v26 =	vmul.f32 v38, v36;
	v21 =	vadd.f32 $0.0e+00, v21  }
0x379: {  	v34 =	vperm.xlane v20, v11;
	v63 =	vperm.xlane v20, v12;
	v36 =	vunpack.i.l.bf16.f32 v56  }
0x37a: {  	v51 =	vld [tilespmem:s10+$0xF520];
	v38 =	vperm.xlane v20, v13;
	v60 =	vadd.f32 v27, v24;
	v22 =	vadd.f32 v33, v22  }
0x37b: {  	v27 =	vunpack.i.l.bf16.f32 v35;
	v33 =	vperm.xlane v20, v10;
	v24 =	vmul.f32 v49, v48  }
0x37c: {  	v20 =	vperm.xlane v20, v15;
	v49 =	vunpack.i.u.bf16.f32 v40;
	v45 =	vmul.f32 v27, v42  }
0x37d: {  	v27 =	vmul.f32 v50, v47;
	v23 =	vadd.f32 v61, v60;
	v57 =	vmul.f32 v28, v33  }
0x37e: {  	v22 =	vadd.f32 v37, v22;
	v61 =	vmul.f32 v58, v34;
	v28 =	vmul.f32 v31, v63  }
0x37f: {  	v47 =	vld [tilespmem:s10+$0xF510];
	v31 =	vunpack.i.l.bf16.f32 v40;
	v58 =	vunpack.i.l.bf16.f32 v51;
	v23 =	vadd.f32 v25, v23  }
0x380: {  	v27 =	vadd.f32 $0.0e+00, v27;
	v31 =	vmul.f32 v31, v20;
	v20 =	vmul.f32 v49, v20  }
0x381: {  	v37 =	vld [tilespmem:s10+$0xF1E0];
	v22 =	vadd.f32 v41, v22;
	v23 =	vadd.f32 v26, v23;
	v26 =	vunpack.i.u.bf16.f32 v46  }
0x382: {  	s15 =	sor.u32 $0x500, s12;
	v40 =	vld [tilespmem:s10+$0xF560];
	v25 =	vmul.f32 v44, v42;
	v41 =	vunpack.i.u.bf16.f32 v59;
	v26 =	vmul.f32 v26, v52  }
0x383: {  	s13 =	sand.u32 $0x3FFFFF00, s15;
	v54 =	vld [tilespmem:s10+$0xF530];
	v42 =	vmul.f32 v39, v38;
	v27 =	vadd.f32 v30, v27;
	v30 =	vmul.f32 v55, v33  }
0x384: {  	v44 =	vld [tilespmem:s13+$0xF000];
	v22 =	vadd.f32 v25, v22;
	v53 =	vunpack.i.l.bf16.f32 v47;
	v21 =	vadd.f32 v26, v21  }
0x385: {  	v56 =	vunpack.i.u.bf16.f32 v47;
	v60 =	vadd.f32 v30, v27;
	v27 =	vmul.f32 v36, v63  }
0x386: {  	v59 =	vld [tilespmem:s10+$0xF540];
	v30 =	vunpack.i.l.bf16.f32 v37;
	v26 =	vmul.f32 v62, v34;
	v21 =	vadd.f32 v57, v21  }
0x387: {  	v63 =	vld [tilespmem:s10+$0xF550];
	v49 =	vunpack.i.u.bf16.f32 v40;
	v23 =	vadd.f32 v45, v23;
	v45 =	vunpack.i.u.bf16.f32 v37  }
0x388: {  	v46 =	vmul.f32 v30, v43;
	v25 =	vadd.f32 v61, v60;
	v26 =	vadd.f32 v26, v21;
	v21 =	vld [tilespmem:s11+$0x2450]  }
0x389: {  	v22 =	vadd.f32 v24, v22;
	v37 =	vunpack.i.u.bf16.f32 v54;
	v50 =	vunpack.i.l.bf16.f32 v44  }
0x38a: {  	v32 =	vunpack.i.u.bf16.f32 v44;
	v62 =	vunpack.i.l.bf16.f32 v54;
	v25 =	vadd.f32 v27, v25  }
0x38b: {  	v39 =	vunpack.i.l.bf16.f32 v59;
	v23 =	vadd.f32 v29, v23;
	v29 =	vunpack.i.u.bf16.f32 v51  }
0x38c: {  	v27 =	vmul.f32 v41, v38;
	v44 =	vunpack.i.u.bf16.f32 v63;
	v25 =	vadd.f32 v42, v25  }
0x38d: {  	v26 =	vadd.f32 v28, v26;
	v28 =	vmul.f32 v45, v43;
	v48 =	vperm.xlane v21, v0  }
0x38e: {  	v24 =	vadd.f32 v46, v25;
	v52 =	vperm.xlane v21, v1;
	v57 =	vperm.xlane v21, v2  }
0x38f: {  	v26 =	vadd.f32 v27, v26;
	v60 =	vperm.xlane v21, v3;
	v38 =	vperm.xlane v21, v4  }
0x390: {  	v43 =	vunpack.i.l.bf16.f32 v63;
	v45 =	vld [tilespmem:s10+$0xF570];
	v41 =	vperm.xlane v21, v5;
	v47 =	vperm.xlane v21, v6  }
0x391: {  	v25 =	vadd.f32 v28, v26;
	v28 =	vmul.f32 v50, v48;
	v26 =	vmul.f32 v32, v48  }
0x392: {  	v24 =	vadd.f32 v31, v24;
	v55 =	vmul.f32 v53, v52;
	v61 =	vmul.f32 v29, v57  }
0x393: {  	v36 =	vmul.f32 v62, v60;
	v32 =	vunpack.i.u.bf16.f32 v59;
	v27 =	vmul.f32 v39, v38  }
0x394: {  	v51 =	vld [tilespmem:s10+$0xF590];
	v46 =	vmul.f32 v44, v41;
	v29 =	vunpack.i.l.bf16.f32 v40;
	v53 =	vperm.xlane v21, v7  }
0x395: {  	v54 =	vunpack.i.u.bf16.f32 v45;
	v30 =	vunpack.i.l.bf16.f32 v45;
	v62 =	vperm.xlane v21, v10  }
0x396: {  	v48 =	vld [tilespmem:s10+$0xF580];
	v42 =	vmul.f32 v32, v38;
	v50 =	vmul.f32 v29, v47;
	v23 =	vadd.f32 v28, v23  }
0x397: {  	v59 =	vld [tilespmem:s10+$0xF5B0];
	v22 =	vadd.f32 v26, v22;
	v26 =	vmul.f32 v56, v52;
	v28 =	vmul.f32 v58, v57  }
0x398: {  	v20 =	vadd.f32 v20, v25;
	v52 =	vperm.xlane v21, v8;
	v57 =	vperm.xlane v21, v9  }
0x399: {  	v58 =	vunpack.i.l.bf16.f32 v51;
	v30 =	vmul.f32 v30, v53;
	v23 =	vadd.f32 v55, v23  }
0x39a: {  	v56 =	vld [tilespmem:s10+$0xF5A0];
	v22 =	vadd.f32 v26, v22;
	v26 =	vmul.f32 v37, v60;
	v60 =	vmul.f32 v58, v57  }
0x39b: {  	v37 =	vperm.xlane v21, v11;
	v55 =	vunpack.i.l.bf16.f32 v48;
	v32 =	vunpack.i.u.bf16.f32 v48  }
0x39c: {  	v39 =	vunpack.i.l.bf16.f32 v59;
	v23 =	vadd.f32 v28, v23;
	v28 =	vmul.f32 v43, v41  }
0x39d: {  	v22 =	vadd.f32 v61, v22;
	v29 =	vmul.f32 v55, v52;
	v25 =	vmul.f32 v32, v52  }
0x39e: {  	v45 =	vld [tilespmem:s10+$0xF5E0];
	v61 =	vunpack.i.u.bf16.f32 v51;
	v41 =	vmul.f32 v39, v37;
	v43 =	vperm.xlane v21, v12  }
0x39f: {  	s22 =	sadd.s32 $0x6100, s12;
	v40 =	vld [tilespmem:s10+$0xF5D0];
	v51 =	vperm.xlane v21, v14;
	v63 =	vunpack.i.l.bf16.f32 v56;
	v23 =	vadd.f32 v36, v23  }
0x3a0: {  	s13 =	sand.u32 $0x3FFFFF00, s22;
	v48 =	vld [tilespmem:s10+$0xF5F0];
	v31 =	vunpack.i.u.bf16.f32 v56;
	v22 =	vadd.f32 v26, v22;
	v24 =	vadd.f32 v29, v24  }
0x3a1: {  	v52 =	vld [tilespmem:s13+$0xF000];
	v20 =	vadd.f32 v25, v20;
	v25 =	vmul.f32 v61, v57;
	v29 =	vmul.f32 v63, v62  }
0x3a2: {  	v55 =	vld [tilespmem:s10+$0x15110];
	v38 =	vmul.f32 v31, v62;
	v26 =	vmul.f32 v54, v53  }
0x3a3: {  	v39 =	vld [tilespmem:s10+$0x15140];
	v53 =	vunpack.i.u.bf16.f32 v45;
	v23 =	vadd.f32 v27, v23;
	v22 =	vadd.f32 v42, v22  }
0x3a4: {  	v27 =	vmul.f32 v49, v47;
	v24 =	vadd.f32 v60, v24;
	v20 =	vadd.f32 v25, v20  }
0x3a5: {  	v36 =	vld [tilespmem:s10+$0xF5C0];
	v42 =	vunpack.i.u.bf16.f32 v59;
	v47 =	vunpack.i.l.bf16.f32 v40;
	v49 =	vunpack.i.u.bf16.f32 v40  }
0x3a6: {  	v63 =	vld [tilespmem:s10+$0x15130];
	v57 =	vunpack.i.u.bf16.f32 v48;
	v25 =	vmul.f32 v42, v37;
	v58 =	vunpack.i.l.bf16.f32 v52  }
0x3a7: {  	v60 =	vunpack.i.u.bf16.f32 v52;
	v62 =	vunpack.i.l.bf16.f32 v55;
	v23 =	vadd.f32 v28, v23  }
0x3a8: {  	v31 =	vunpack.i.u.bf16.f32 v39;
	v22 =	vadd.f32 v46, v22;
	v24 =	vadd.f32 v29, v24  }
0x3a9: {  	v20 =	vadd.f32 v38, v20;
	v46 =	vperm.xlane v21, v13;
	v29 =	vunpack.i.l.bf16.f32 v45  }
0x3aa: {  	v59 =	vld [tilespmem:s10+$0x15120];
	v21 =	vperm.xlane v21, v15;
	v44 =	vunpack.i.l.bf16.f32 v36;
	v32 =	vunpack.i.u.bf16.f32 v36  }
0x3ab: {  	v54 =	vmul.f32 v29, v51;
	v36 =	vunpack.i.u.bf16.f32 v55;
	v42 =	vunpack.i.l.bf16.f32 v63  }
0x3ac: {  	v45 =	vunpack.i.u.bf16.f32 v63;
	v23 =	vadd.f32 v50, v23;
	v22 =	vadd.f32 v27, v22  }
0x3ad: {  	v24 =	vadd.f32 v41, v24;
	v27 =	vmul.f32 v44, v43;
	v25 =	vadd.f32 v25, v20;
	v20 =	vld [tilespmem:s11+$0x2A10]  }
0x3ae: {  	v28 =	vmul.f32 v32, v43;
	v50 =	vmul.f32 v47, v46;
	v32 =	vunpack.i.l.bf16.f32 v48  }
0x3af: {  	v47 =	vunpack.i.l.bf16.f32 v39;
	v32 =	vmul.f32 v32, v21;
	v38 =	vunpack.i.l.bf16.f32 v59  }
0x3b0: {  	v43 =	vld [tilespmem:s10+$0x15150];
	v21 =	vmul.f32 v57, v21;
	v24 =	vadd.f32 v27, v24;
	v25 =	vadd.f32 v28, v25  }
0x3b1: {  	v27 =	vmul.f32 v49, v46;
	v28 =	vmul.f32 v53, v51;
	v23 =	vadd.f32 v30, v23  }
0x3b2: {  	v22 =	vadd.f32 v26, v22;
	v30 =	vunpack.i.u.bf16.f32 v59;
	v56 =	vperm.xlane v20, v0  }
0x3b3: {  	v48 =	vld [tilespmem:s10+$0x15160];
	v24 =	vadd.f32 v50, v24;
	v61 =	vperm.xlane v20, v1;
	v37 =	vperm.xlane v20, v2  }
0x3b4: {  	v25 =	vadd.f32 v27, v25;
	v40 =	vperm.xlane v20, v3;
	v46 =	vperm.xlane v20, v4  }
0x3b5: {  	v49 =	vperm.xlane v20, v5;
	v51 =	vunpack.i.l.bf16.f32 v43;
	v55 =	vperm.xlane v20, v6  }
0x3b6: {  	v53 =	vld [tilespmem:s10+$0x15170];
	v25 =	vadd.f32 v28, v25;
	v28 =	vmul.f32 v58, v56;
	v26 =	vmul.f32 v60, v56  }
0x3b7: {  	v39 =	vld [tilespmem:s10+$0x151B0];
	v52 =	vunpack.i.u.bf16.f32 v43;
	v35 =	vmul.f32 v62, v61;
	v41 =	vmul.f32 v30, v37  }
0x3b8: {  	v29 =	vunpack.i.l.bf16.f32 v48;
	v44 =	vmul.f32 v42, v40;
	v27 =	vmul.f32 v47, v46  }
0x3b9: {  	v24 =	vadd.f32 v54, v24;
	v50 =	vmul.f32 v31, v46;
	v54 =	vmul.f32 v52, v49  }
0x3ba: {  	v59 =	vld [tilespmem:s10+$0x15190];
	v57 =	vunpack.i.u.bf16.f32 v48;
	v58 =	vmul.f32 v29, v55;
	v60 =	vperm.xlane v20, v8  }
0x3bb: {  	v62 =	vunpack.i.u.bf16.f32 v53;
	v30 =	vunpack.i.l.bf16.f32 v53;
	v42 =	vperm.xlane v20, v10  }
0x3bc: {  	v56 =	vld [tilespmem:s10+$0x15180];
	v47 =	vunpack.i.l.bf16.f32 v39;
	v24 =	vadd.f32 v32, v24;
	v23 =	vadd.f32 v28, v23  }
0x3bd: {  	v22 =	vadd.f32 v26, v22;
	v26 =	vmul.f32 v36, v61;
	v28 =	vmul.f32 v38, v37  }
0x3be: {  	v21 =	vadd.f32 v21, v25;
	v61 =	vperm.xlane v20, v7;
	v37 =	vperm.xlane v20, v9  }
0x3bf: {  	v36 =	vld [tilespmem:s10+$0x151A0];
	v38 =	vunpack.i.l.bf16.f32 v59;
	v22 =	vadd.f32 v26, v22;
	v26 =	vmul.f32 v45, v40  }
0x3c0: {  	v23 =	vadd.f32 v35, v23;
	v30 =	vmul.f32 v30, v61;
	v40 =	vmul.f32 v38, v37  }
0x3c1: {  	v45 =	vperm.xlane v20, v11;
	v63 =	vunpack.i.l.bf16.f32 v56;
	v31 =	vunpack.i.u.bf16.f32 v56  }
0x3c2: {  	v53 =	vld [tilespmem:s10+$0x151E0];
	v23 =	vadd.f32 v28, v23;
	v22 =	vadd.f32 v41, v22;
	v28 =	vmul.f32 v51, v49  }
0x3c3: {  	v29 =	vmul.f32 v63, v60;
	v41 =	vunpack.i.u.bf16.f32 v59;
	v49 =	vmul.f32 v47, v45  }
0x3c4: {  	v48 =	vld [tilespmem:s10+$0x151D0];
	v51 =	vperm.xlane v20, v12;
	v59 =	vperm.xlane v20, v14;
	v43 =	vunpack.i.l.bf16.f32 v36  }
0x3c5: {  	v63 =	vld [tilespmem:s10+$0x15510];
	v32 =	vunpack.i.u.bf16.f32 v36;
	v23 =	vadd.f32 v44, v23;
	v22 =	vadd.f32 v26, v22  }
0x3c6: {  	v24 =	vadd.f32 v29, v24;
	v29 =	vmul.f32 v43, v42;
	v46 =	vmul.f32 v32, v42  }
0x3c7: {  	v26 =	vmul.f32 v62, v61;
	v61 =	vunpack.i.u.bf16.f32 v53;
	v22 =	vadd.f32 v50, v22  }
0x3c8: {  	v44 =	vld [tilespmem:s10+$0x151C0];
	v23 =	vadd.f32 v27, v23;
	v27 =	vmul.f32 v57, v55;
	v24 =	vadd.f32 v40, v24  }
0x3c9: {  	v50 =	vunpack.i.u.bf16.f32 v39;
	v55 =	vunpack.i.l.bf16.f32 v48;
	v22 =	vadd.f32 v54, v22  }
0x3ca: {  	v56 =	vld [tilespmem:s10+$0x151F0];
	v57 =	vunpack.i.u.bf16.f32 v48;
	v42 =	vunpack.i.l.bf16.f32 v63;
	v23 =	vadd.f32 v28, v23  }
0x3cb: {  	v43 =	vld [tilespmem:s10+$0x15530];
	v24 =	vadd.f32 v29, v24;
	v25 =	vadd.f32 v27, v22;
	v22 =	vmul.f32 v31, v60  }
0x3cc: {  	v39 =	vld [tilespmem:s10+$0x15520];
	v54 =	vperm.xlane v20, v13;
	v29 =	vunpack.i.l.bf16.f32 v53;
	v20 =	vperm.xlane v20, v15  }
0x3cd: {  	v48 =	vld [tilespmem:s10+$0x15540];
	v52 =	vunpack.i.l.bf16.f32 v44;
	v21 =	vadd.f32 v22, v21;
	v22 =	vmul.f32 v41, v37  }
0x3ce: {  	v62 =	vmul.f32 v29, v59;
	v23 =	vadd.f32 v58, v23;
	v24 =	vadd.f32 v49, v24  }
0x3cf: {  	s15 =	sadd.s32 $0x6500, s12;
	v31 =	vunpack.i.u.bf16.f32 v44;
	v27 =	vmul.f32 v52, v51;
	v21 =	vadd.f32 v22, v21  }
0x3d0: {  	s13 =	sand.u32 $0x3FFFFF00, s15;
	v58 =	vmul.f32 v55, v54;
	v28 =	vmul.f32 v31, v51;
	v31 =	vunpack.i.l.bf16.f32 v56  }
0x3d1: {  	v60 =	vld [tilespmem:s13+$0xF000];
	v47 =	vunpack.i.l.bf16.f32 v39;
	v22 =	vmul.f32 v50, v45;
	v21 =	vadd.f32 v46, v21  }
0x3d2: {  	v52 =	vld [tilespmem:s10+$0x15550];
	v51 =	vunpack.i.l.bf16.f32 v43;
	v32 =	vunpack.i.u.bf16.f32 v48;
	v24 =	vadd.f32 v27, v24  }
0x3d3: {  	v27 =	vmul.f32 v57, v54;
	v23 =	vadd.f32 v30, v23;
	v21 =	vadd.f32 v22, v21;
	v22 =	vld [tilespmem:s11+$0x2A50]  }
0x3d4: {  	v25 =	vadd.f32 v26, v25;
	v37 =	vunpack.i.u.bf16.f32 v56;
	v31 =	vmul.f32 v31, v20  }
0x3d5: {  	v30 =	vunpack.i.u.bf16.f32 v39;
	v54 =	vunpack.i.u.bf16.f32 v43;
	v56 =	vunpack.i.l.bf16.f32 v48  }
0x3d6: {  	v20 =	vmul.f32 v37, v20;
	v24 =	vadd.f32 v58, v24;
	v45 =	vunpack.i.u.bf16.f32 v63  }
0x3d7: {  	v57 =	vld [tilespmem:s10+$0x15560];
	v38 =	vunpack.i.l.bf16.f32 v60;
	v40 =	vunpack.i.u.bf16.f32 v60;
	v21 =	vadd.f32 v28, v21  }
0x3d8: {  	v60 =	vunpack.i.l.bf16.f32 v52;
	v28 =	vmul.f32 v61, v59;
	v36 =	vperm.xlane v22, v0  }
0x3d9: {  	v21 =	vadd.f32 v27, v21;
	v41 =	vperm.xlane v22, v1;
	v46 =	vperm.xlane v22, v2  }
0x3da: {  	v24 =	vadd.f32 v62, v24;
	v62 =	vld [tilespmem:s10+$0x15570];
	v49 =	vperm.xlane v22, v3;
	v55 =	vperm.xlane v22, v4  }
0x3db: {  	v37 =	vld [tilespmem:s10+$0x15580];
	v58 =	vperm.xlane v22, v5;
	v21 =	vadd.f32 v28, v21;
	v28 =	vmul.f32 v38, v36  }
0x3dc: {  	v29 =	vunpack.i.l.bf16.f32 v57;
	v26 =	vmul.f32 v40, v36;
	v44 =	vmul.f32 v42, v41  }
0x3dd: {  	v24 =	vadd.f32 v31, v24;
	v50 =	vmul.f32 v30, v46;
	v53 =	vmul.f32 v51, v49  }
0x3de: {  	v48 =	vld [tilespmem:s10+$0x155B0];
	v61 =	vunpack.i.u.bf16.f32 v52;
	v27 =	vmul.f32 v56, v55;
	v59 =	vmul.f32 v32, v55  }
0x3df: {  	v43 =	vunpack.i.u.bf16.f32 v62;
	v63 =	vmul.f32 v61, v58;
	v36 =	vperm.xlane v22, v6  }
0x3e0: {  	v38 =	vunpack.i.u.bf16.f32 v57;
	v42 =	vperm.xlane v22, v7;
	v32 =	vunpack.i.u.bf16.f32 v37  }
0x3e1: {  	v40 =	vld [tilespmem:s10+$0x15590];
	v30 =	vunpack.i.l.bf16.f32 v62;
	v51 =	vperm.xlane v22, v10;
	v23 =	vadd.f32 v28, v23  }
0x3e2: {  	v57 =	vld [tilespmem:s10+$0x155D0];
	v25 =	vadd.f32 v26, v25;
	v26 =	vmul.f32 v45, v41;
	v28 =	vmul.f32 v47, v46  }
0x3e3: {  	v56 =	vunpack.i.l.bf16.f32 v48;
	v39 =	vmul.f32 v29, v36;
	v41 =	vperm.xlane v22, v8  }
0x3e4: {  	v46 =	vperm.xlane v22, v9;
	v30 =	vmul.f32 v30, v42;
	v23 =	vadd.f32 v44, v23  }
0x3e5: {  	v45 =	vld [tilespmem:s10+$0x155A0];
	v25 =	vadd.f32 v26, v25;
	v26 =	vmul.f32 v54, v49;
	v44 =	vunpack.i.l.bf16.f32 v37  }
0x3e6: {  	v20 =	vadd.f32 v20, v21;
	v54 =	vperm.xlane v22, v11;
	v29 =	vmul.f32 v44, v41  }
0x3e7: {  	v47 =	vunpack.i.l.bf16.f32 v40;
	v37 =	vunpack.i.l.bf16.f32 v57;
	v23 =	vadd.f32 v28, v23  }
0x3e8: {  	v62 =	vld [tilespmem:s10+$0x155E0];
	v25 =	vadd.f32 v50, v25;
	v28 =	vmul.f32 v60, v58;
	v49 =	vmul.f32 v47, v46  }
0x3e9: {  	v50 =	vunpack.i.u.bf16.f32 v40;
	v58 =	vmul.f32 v56, v54;
	v60 =	vperm.xlane v22, v12  }
0x3ea: {  	v40 =	vperm.xlane v22, v14;
	v24 =	vadd.f32 v29, v24;
	v52 =	vunpack.i.l.bf16.f32 v45  }
0x3eb: {  	v31 =	vunpack.i.u.bf16.f32 v45;
	v23 =	vadd.f32 v53, v23;
	v29 =	vmul.f32 v52, v51  }
0x3ec: {  	v25 =	vadd.f32 v26, v25;
	v55 =	vmul.f32 v31, v51;
	v26 =	vmul.f32 v43, v42  }
0x3ed: {  	v53 =	vld [tilespmem:s10+$0x155C0];
	v31 =	vunpack.i.u.bf16.f32 v57;
	v42 =	vunpack.i.u.bf16.f32 v62;
	v24 =	vadd.f32 v49, v24  }
0x3ee: {  	v47 =	vld [tilespmem:s10+$0xF220];
	v23 =	vadd.f32 v27, v23;
	v25 =	vadd.f32 v59, v25;
	v27 =	vmul.f32 v38, v36  }
0x3ef: {  	v43 =	vld [tilespmem:s10+$0xF210];
	v59 =	vunpack.i.u.bf16.f32 v48;
	v24 =	vadd.f32 v29, v24;
	v29 =	vunpack.i.l.bf16.f32 v62  }
0x3f0: {  	v38 =	vld [tilespmem:s10+$0x155F0];
	v23 =	vadd.f32 v28, v23;
	v25 =	vadd.f32 v63, v25;
	v63 =	vperm.xlane v22, v13  }
0x3f1: {  	v56 =	vld [tilespmem:s10+$0xF250];
	v29 =	vmul.f32 v29, v40;
	v22 =	vperm.xlane v22, v15;
	v24 =	vadd.f32 v58, v24  }
0x3f2: {  	v61 =	vunpack.i.l.bf16.f32 v53;
	v21 =	vadd.f32 v39, v23;
	v23 =	vadd.f32 v27, v25  }
0x3f3: {  	s22 =	sor.u32 $0x200, s12;
	v25 =	vmul.f32 v32, v41;
	v32 =	vunpack.i.u.bf16.f32 v53;
	v27 =	vmul.f32 v61, v60  }
0x3f4: {  	s13 =	sand.u32 $0x3FFFFE00, s22;
	v51 =	vld [tilespmem:s10+$0xF230];
	v28 =	vmul.f32 v37, v63;
	v39 =	vmul.f32 v31, v63;
	v31 =	vunpack.i.u.bf16.f32 v43  }
0x3f5: {  	v41 =	vld [tilespmem:s13+$0xF000];
	v53 =	vunpack.i.l.bf16.f32 v47;
	v36 =	vmul.f32 v32, v60;
	v45 =	vunpack.i.u.bf16.f32 v38  }
0x3f6: {  	v32 =	vunpack.i.l.bf16.f32 v38;
	v38 =	vunpack.i.l.bf16.f32 v56;
	v27 =	vadd.f32 v27, v24;
	v24 =	vld [tilespmem:s11+$0x2420]  }
0x3f7: {  	v20 =	vadd.f32 v25, v20;
	v25 =	vmul.f32 v50, v46;
	v21 =	vadd.f32 v30, v21  }
0x3f8: {  	v50 =	vunpack.i.l.bf16.f32 v43;
	v32 =	vmul.f32 v32, v22;
	v22 =	vmul.f32 v45, v22  }
0x3f9: {  	v43 =	vld [tilespmem:s10+$0xF280];
	v20 =	vadd.f32 v25, v20;
	v25 =	vmul.f32 v59, v54;
	v27 =	vadd.f32 v28, v27  }
0x3fa: {  	v28 =	vmul.f32 v42, v40;
	v54 =	vld [tilespmem:s10+$0xF240];
	v59 =	vunpack.i.u.bf16.f32 v51;
	v46 =	vunpack.i.l.bf16.f32 v41  }
0x3fb: {  	v40 =	vld [tilespmem:s10+$0xF270];
	v48 =	vunpack.i.u.bf16.f32 v41;
	v20 =	vadd.f32 v55, v20;
	v44 =	vperm.xlane v24, v0  }
0x3fc: {  	v55 =	vunpack.i.l.bf16.f32 v51;
	v49 =	vperm.xlane v24, v1;
	v35 =	vperm.xlane v24, v2  }
0x3fd: {  	v60 =	vperm.xlane v24, v4;
	v42 =	vperm.xlane v24, v6;
	v20 =	vadd.f32 v25, v20  }
0x3fe: {  	v34 =	vunpack.i.u.bf16.f32 v43;
	v30 =	vmul.f32 v50, v49;
	v52 =	vmul.f32 v31, v49  }
0x3ff: {  	v31 =	vmul.f32 v53, v35;
	v62 =	vunpack.i.l.bf16.f32 v54;
	v20 =	vadd.f32 v36, v20  }
0x400: {  	v51 =	vld [tilespmem:s10+$0xF2A0];
	v33 =	vunpack.i.u.bf16.f32 v54;
	v49 =	vunpack.i.u.bf16.f32 v40;
	v50 =	vunpack.i.l.bf16.f32 v43  }
0x401: {  	v36 =	vperm.xlane v24, v3;
	v37 =	vmul.f32 v33, v60;
	v25 =	vadd.f32 v39, v20  }
0x402: {  	v63 =	vld [tilespmem:s10+$0xF260];
	v33 =	vunpack.i.l.bf16.f32 v40;
	v20 =	vadd.f32 v26, v23;
	v23 =	vadd.f32 v29, v27  }
0x403: {  	v26 =	vmul.f32 v48, v44;
	v29 =	vunpack.i.u.bf16.f32 v47;
	v58 =	vmul.f32 v55, v36  }
0x404: {  	v61 =	vmul.f32 v59, v36;
	v36 =	vperm.xlane v24, v5;
	v39 =	vunpack.i.u.bf16.f32 v56  }
0x405: {  	v47 =	vperm.xlane v24, v8;
	v48 =	vperm.xlane v24, v7;
	v55 =	vunpack.i.l.bf16.f32 v51;
	v56 =	vld [tilespmem:s10+$0xF2C0]  }
0x406: {  	v29 =	vmul.f32 v29, v35;
	v25 =	vadd.f32 v28, v25;
	v28 =	vmul.f32 v46, v44  }
0x407: {  	v54 =	vld [tilespmem:s10+$0xF2B0];
	v26 =	vadd.f32 $0.0e+00, v26;
	v41 =	vmul.f32 v39, v36;
	v44 =	vunpack.i.u.bf16.f32 v63  }
0x408: {  	v46 =	vld [tilespmem:s10+$0xF290];
	v23 =	vadd.f32 v32, v23;
	v33 =	vmul.f32 v33, v48;
	v28 =	vadd.f32 $0.0e+00, v28  }
0x409: {  	v32 =	vunpack.i.u.bf16.f32 v51;
	v26 =	vadd.f32 v52, v26;
	v22 =	vadd.f32 v22, v25  }
0x40a: {  	v52 =	vperm.xlane v24, v9;
	v25 =	vmul.f32 v34, v47;
	v39 =	vunpack.i.l.bf16.f32 v56  }
0x40b: {  	v35 =	vunpack.i.u.bf16.f32 v56;
	v28 =	vadd.f32 v30, v28;
	v26 =	vadd.f32 v29, v26  }
0x40c: {  	v29 =	vmul.f32 v62, v60;
	v30 =	vmul.f32 v38, v36;
	v25 =	vadd.f32 $0.0e+00, v25  }
0x40d: {  	v40 =	vld [tilespmem:s10+$0xF2E0];
	v38 =	vperm.xlane v24, v11;
	v62 =	vunpack.i.u.bf16.f32 v54;
	v53 =	vunpack.i.l.bf16.f32 v46  }
0x40e: {  	v57 =	vadd.f32 v31, v28;
	v26 =	vadd.f32 v61, v26;
	v34 =	vmul.f32 v53, v52  }
0x40f: {  	v43 =	vld [tilespmem:s10+$0xF2F0];
	v31 =	vunpack.i.l.bf16.f32 v63;
	v28 =	vmul.f32 v49, v48;
	v63 =	vperm.xlane v24, v12  }
0x410: {  	v59 =	vld [tilespmem:s10+$0xF2D0];
	v45 =	vmul.f32 v31, v42;
	v31 =	vmul.f32 v50, v47;
	v27 =	vadd.f32 v58, v57  }
0x411: {  	s15 =	sor.u32 $0x600, s12;
	v26 =	vadd.f32 v37, v26;
	v37 =	vperm.xlane v24, v10;
	v58 =	vunpack.i.l.bf16.f32 v54  }
0x412: {  	s13 =	sand.u32 $0x3FFFFE00, s15;
	v48 =	vunpack.i.u.bf16.f32 v40;
	v31 =	vadd.f32 $0.0e+00, v31;
	v61 =	vmul.f32 v58, v38  }
0x413: {  	v47 =	vld [tilespmem:s13+$0xF000];
	v27 =	vadd.f32 v29, v27;
	v29 =	vmul.f32 v44, v42;
	v57 =	vmul.f32 v32, v37  }
0x414: {  	v26 =	vadd.f32 v41, v26;
	v41 =	vperm.xlane v24, v13;
	v32 =	vmul.f32 v35, v63  }
0x415: {  	v42 =	vunpack.i.l.bf16.f32 v59;
	v44 =	vunpack.i.u.bf16.f32 v59;
	v35 =	vunpack.i.l.bf16.f32 v43  }
0x416: {  	v31 =	vadd.f32 v34, v31;
	v34 =	vmul.f32 v55, v37;
	v27 =	vadd.f32 v30, v27  }
0x417: {  	v26 =	vadd.f32 v29, v26;
	v30 =	vunpack.i.u.bf16.f32 v46;
	v46 =	vperm.xlane v24, v14  }
0x418: {  	v50 =	vld [tilespmem:s10+$0xF610];
	v24 =	vperm.xlane v24, v15;
	v53 =	vunpack.i.l.bf16.f32 v47;
	v30 =	vmul.f32 v30, v52  }
0x419: {  	v54 =	vld [tilespmem:s10+$0xF620];
	v60 =	vadd.f32 v34, v31;
	v31 =	vmul.f32 v39, v63;
	v52 =	vunpack.i.u.bf16.f32 v43  }
0x41a: {  	v27 =	vadd.f32 v45, v27;
	v45 =	vmul.f32 v42, v41;
	v42 =	vld [tilespmem:s10+$0xF650];
	v25 =	vadd.f32 v30, v25  }
0x41b: {  	v36 =	vunpack.i.u.bf16.f32 v47;
	v35 =	vmul.f32 v35, v24;
	v24 =	vmul.f32 v52, v24;
	v52 =	vld [tilespmem:s10+$0xF670]  }
0x41c: {  	v29 =	vadd.f32 v61, v60;
	v30 =	vmul.f32 v62, v38;
	v62 =	vld [tilespmem:s10+$0xF640];
	v25 =	vadd.f32 v57, v25  }
0x41d: {  	v56 =	vunpack.i.l.bf16.f32 v50;
	v59 =	vunpack.i.u.bf16.f32 v50;
	v34 =	vunpack.i.l.bf16.f32 v40;
	v57 =	vld [tilespmem:s10+$0xF630]  }
0x41e: {  	v49 =	vmul.f32 v34, v46;
	v29 =	vadd.f32 v31, v29;
	v30 =	vadd.f32 v30, v25;
	v25 =	vld [tilespmem:s11+$0x2460]  }
0x41f: {  	v26 =	vadd.f32 v28, v26;
	v61 =	vunpack.i.l.bf16.f32 v54;
	v27 =	vadd.f32 v33, v27  }
0x420: {  	v33 =	vunpack.i.u.bf16.f32 v54;
	v31 =	vmul.f32 v44, v41;
	v29 =	vadd.f32 v45, v29  }
0x421: {  	v50 =	vunpack.i.l.bf16.f32 v42;
	v34 =	vunpack.i.l.bf16.f32 v52;
	v30 =	vadd.f32 v32, v30  }
0x422: {  	v32 =	vmul.f32 v48, v46;
	v28 =	vadd.f32 v49, v29;
	v46 =	vunpack.i.l.bf16.f32 v62  }
0x423: {  	v41 =	vunpack.i.l.bf16.f32 v57;
	v51 =	vperm.xlane v25, v0;
	v55 =	vperm.xlane v25, v1  }
0x424: {  	v47 =	vld [tilespmem:s10+$0xF660];
	v30 =	vadd.f32 v31, v30;
	v60 =	vperm.xlane v25, v2;
	v63 =	vperm.xlane v25, v3  }
0x425: {  	v44 =	vunpack.i.u.bf16.f32 v57;
	v45 =	vperm.xlane v25, v4;
	v48 =	vperm.xlane v25, v5  }
0x426: {  	v54 =	vperm.xlane v25, v6;
	v29 =	vadd.f32 v32, v30;
	v32 =	vmul.f32 v53, v51  }
0x427: {  	v28 =	vadd.f32 v35, v28;
	v30 =	vmul.f32 v36, v51;
	v58 =	vmul.f32 v56, v55  }
0x428: {  	v40 =	vmul.f32 v33, v60;
	v43 =	vmul.f32 v41, v63;
	v36 =	vunpack.i.u.bf16.f32 v62  }
0x429: {  	v31 =	vmul.f32 v46, v45;
	v51 =	vunpack.i.u.bf16.f32 v42;
	v56 =	vunpack.i.u.bf16.f32 v47  }
0x42a: {  	v33 =	vunpack.i.l.bf16.f32 v47;
	v49 =	vmul.f32 v36, v45;
	v53 =	vmul.f32 v51, v48  }
0x42b: {  	v42 =	vld [tilespmem:s10+$0xF6B0];
	v57 =	vmul.f32 v33, v54;
	v24 =	vadd.f32 v24, v29;
	v27 =	vadd.f32 v32, v27  }
0x42c: {  	v45 =	vperm.xlane v25, v10;
	v26 =	vadd.f32 v30, v26;
	v30 =	vmul.f32 v59, v55;
	v55 =	vld [tilespmem:s10+$0xF680]  }
0x42d: {  	v47 =	vld [tilespmem:s10+$0xF6C0];
	v32 =	vmul.f32 v61, v60;
	v60 =	vperm.xlane v25, v7;
	v27 =	vadd.f32 v58, v27  }
0x42e: {  	v59 =	vperm.xlane v25, v8;
	v61 =	vunpack.i.u.bf16.f32 v52;
	v26 =	vadd.f32 v30, v26  }
0x42f: {  	v51 =	vld [tilespmem:s10+$0xF6D0];
	v30 =	vmul.f32 v44, v63;
	v34 =	vmul.f32 v34, v60;
	v27 =	vadd.f32 v32, v27  }
0x430: {  	v58 =	vld [tilespmem:s10+$0xF690];
	v26 =	vadd.f32 v40, v26;
	v32 =	vmul.f32 v50, v48;
	v40 =	vperm.xlane v25, v9  }
0x431: {  	v63 =	vld [tilespmem:s10+$0xF6A0];
	v48 =	vperm.xlane v25, v11;
	v50 =	vunpack.i.l.bf16.f32 v42;
	v62 =	vunpack.i.l.bf16.f32 v55  }
0x432: {  	v36 =	vunpack.i.u.bf16.f32 v55;
	v55 =	vunpack.i.l.bf16.f32 v47;
	v27 =	vadd.f32 v43, v27  }
0x433: {  	v26 =	vadd.f32 v30, v26;
	v33 =	vmul.f32 v62, v59;
	v29 =	vmul.f32 v36, v59  }
0x434: {  	v30 =	vmul.f32 v61, v60;
	v52 =	vmul.f32 v50, v48;
	v36 =	vunpack.i.u.bf16.f32 v47  }
0x435: {  	v60 =	vunpack.i.u.bf16.f32 v51;
	v62 =	vperm.xlane v25, v14;
	v41 =	vunpack.i.l.bf16.f32 v58  }
0x436: {  	v44 =	vunpack.i.u.bf16.f32 v58;
	v46 =	vunpack.i.l.bf16.f32 v63;
	v35 =	vunpack.i.u.bf16.f32 v63  }
0x437: {  	v58 =	vunpack.i.l.bf16.f32 v51;
	v27 =	vadd.f32 v31, v27;
	v26 =	vadd.f32 v49, v26  }
0x438: {  	s22 =	sadd.s32 $0x6200, s12;
	v59 =	vld [tilespmem:s10+$0xF6F0];
	v31 =	vmul.f32 v56, v54;
	v28 =	vadd.f32 v33, v28;
	v43 =	vmul.f32 v41, v40  }
0x439: {  	s13 =	sand.u32 $0x3FFFFE00, s22;
	v24 =	vadd.f32 v29, v24;
	v29 =	vmul.f32 v44, v40;
	v33 =	vmul.f32 v46, v45  }
0x43a: {  	v63 =	vld [tilespmem:s13+$0xF000];
	v49 =	vmul.f32 v35, v45;
	v54 =	vperm.xlane v25, v12;
	v27 =	vadd.f32 v32, v27  }
0x43b: {  	v56 =	vld [tilespmem:s10+$0xF6E0];
	v26 =	vadd.f32 v53, v26;
	v28 =	vadd.f32 v43, v28;
	v53 =	vunpack.i.u.bf16.f32 v42  }
0x43c: {  	v40 =	vld [tilespmem:s10+$0x15210];
	v24 =	vadd.f32 v29, v24;
	v32 =	vmul.f32 v36, v54;
	v29 =	vmul.f32 v53, v48  }
0x43d: {  	v42 =	vunpack.i.u.bf16.f32 v59;
	v36 =	vunpack.i.l.bf16.f32 v59;
	v27 =	vadd.f32 v57, v27  }
0x43e: {  	v26 =	vadd.f32 v31, v26;
	v28 =	vadd.f32 v33, v28;
	v31 =	vmul.f32 v55, v54  }
0x43f: {  	v44 =	vld [tilespmem:s10+$0x15220];
	v24 =	vadd.f32 v49, v24;
	v57 =	vperm.xlane v25, v13;
	v25 =	vperm.xlane v25, v15  }
0x440: {  	v48 =	vld [tilespmem:s10+$0x15230];
	v43 =	vunpack.i.l.bf16.f32 v63;
	v45 =	vunpack.i.u.bf16.f32 v63;
	v38 =	vunpack.i.u.bf16.f32 v56  }
0x441: {  	v53 =	vld [tilespmem:s10+$0x15240];
	v33 =	vunpack.i.l.bf16.f32 v56;
	v47 =	vunpack.i.l.bf16.f32 v40;
	v28 =	vadd.f32 v52, v28  }
0x442: {  	v29 =	vadd.f32 v29, v24;
	v61 =	vmul.f32 v58, v57;
	v24 =	vld [tilespmem:s11+$0x2A20];
	v39 =	vmul.f32 v33, v62  }
0x443: {  	v27 =	vadd.f32 v34, v27;
	v26 =	vadd.f32 v30, v26;
	v36 =	vmul.f32 v36, v25  }
0x444: {  	v52 =	vunpack.i.l.bf16.f32 v44;
	v34 =	vunpack.i.u.bf16.f32 v44;
	v25 =	vmul.f32 v42, v25  }
0x445: {  	v28 =	vadd.f32 v31, v28;
	v29 =	vadd.f32 v32, v29;
	v31 =	vmul.f32 v60, v57  }
0x446: {  	v32 =	vmul.f32 v38, v62;
	v56 =	vunpack.i.l.bf16.f32 v48;
	v59 =	vunpack.i.u.bf16.f32 v48  }
0x447: {  	v35 =	vunpack.i.u.bf16.f32 v53;
	v41 =	vperm.xlane v24, v0;
	v46 =	vperm.xlane v24, v1  }
0x448: {  	v28 =	vadd.f32 v61, v28;
	v51 =	vperm.xlane v24, v2;
	v54 =	vperm.xlane v24, v3  }
0x449: {  	v57 =	vld [tilespmem:s10+$0x15250];
	v29 =	vadd.f32 v31, v29;
	v60 =	vperm.xlane v24, v4;
	v63 =	vperm.xlane v24, v5  }
0x44a: {  	v62 =	vld [tilespmem:s10+$0x15260];
	v61 =	vunpack.i.l.bf16.f32 v53;
	v48 =	vperm.xlane v24, v8;
	v53 =	vperm.xlane v24, v9  }
0x44b: {  	v44 =	vld [tilespmem:s10+$0x15280];
	v29 =	vadd.f32 v32, v29;
	v32 =	vmul.f32 v43, v41;
	v30 =	vmul.f32 v45, v41  }
0x44c: {  	v50 =	vunpack.i.u.bf16.f32 v40;
	v49 =	vmul.f32 v47, v46;
	v55 =	vmul.f32 v34, v51  }
0x44d: {  	v28 =	vadd.f32 v39, v28;
	v58 =	vmul.f32 v56, v54;
	v31 =	vmul.f32 v61, v60  }
0x44e: {  	v38 =	vmul.f32 v35, v60;
	v39 =	vunpack.i.l.bf16.f32 v57;
	v40 =	vunpack.i.u.bf16.f32 v57  }
0x44f: {  	v43 =	vperm.xlane v24, v6;
	v45 =	vunpack.i.u.bf16.f32 v62;
	v33 =	vunpack.i.l.bf16.f32 v62  }
0x450: {  	v41 =	vld [tilespmem:s10+$0x15270];
	v35 =	vunpack.i.u.bf16.f32 v44;
	v61 =	vperm.xlane v24, v11;
	v28 =	vadd.f32 v36, v28  }
0x451: {  	v47 =	vld [tilespmem:s10+$0x15290];
	v42 =	vmul.f32 v40, v63;
	v27 =	vadd.f32 v32, v27;
	v26 =	vadd.f32 v30, v26  }
0x452: {  	v60 =	vld [tilespmem:s10+$0x152C0];
	v30 =	vmul.f32 v50, v46;
	v32 =	vmul.f32 v52, v51;
	v51 =	vunpack.i.l.bf16.f32 v44  }
0x453: {  	v25 =	vadd.f32 v25, v29;
	v40 =	vld [tilespmem:s10+$0x152D0];
	v46 =	vmul.f32 v33, v43;
	v33 =	vmul.f32 v51, v48  }
0x454: {  	v52 =	vld [tilespmem:s10+$0x152A0];
	v51 =	vperm.xlane v24, v14;
	v27 =	vadd.f32 v49, v27;
	v26 =	vadd.f32 v30, v26  }
0x455: {  	v30 =	vmul.f32 v59, v54;
	v49 =	vperm.xlane v24, v7;
	v50 =	vunpack.i.u.bf16.f32 v41  }
0x456: {  	v34 =	vunpack.i.l.bf16.f32 v41;
	v54 =	vunpack.i.l.bf16.f32 v47;
	v28 =	vadd.f32 v33, v28  }
0x457: {  	v57 =	vunpack.i.u.bf16.f32 v47;
	v44 =	vunpack.i.l.bf16.f32 v60;
	v27 =	vadd.f32 v32, v27  }
0x458: {  	v26 =	vadd.f32 v55, v26;
	v32 =	vmul.f32 v39, v63;
	v34 =	vmul.f32 v34, v49  }
0x459: {  	v55 =	vld [tilespmem:s10+$0x152B0];
	v56 =	vmul.f32 v54, v53;
	v47 =	vunpack.i.l.bf16.f32 v40;
	v59 =	vunpack.i.l.bf16.f32 v52  }
0x45a: {  	s15 =	sadd.s32 $0x6600, s12;
	v36 =	vunpack.i.u.bf16.f32 v52;
	v27 =	vadd.f32 v58, v27;
	v26 =	vadd.f32 v30, v26  }
0x45b: {  	s13 =	sand.u32 $0x3FFFFE00, s15;
	v58 =	vperm.xlane v24, v10;
	v28 =	vadd.f32 v56, v28;
	v30 =	vmul.f32 v50, v49  }
0x45c: {  	v52 =	vld [tilespmem:s13+$0xF000];
	v27 =	vadd.f32 v31, v27;
	v26 =	vadd.f32 v38, v26;
	v31 =	vmul.f32 v45, v43  }
0x45d: {  	v49 =	vunpack.i.u.bf16.f32 v40;
	v33 =	vmul.f32 v59, v58;
	v62 =	vmul.f32 v36, v58  }
0x45e: {  	v43 =	vperm.xlane v24, v12;
	v63 =	vunpack.i.l.bf16.f32 v55;
	v26 =	vadd.f32 v42, v26  }
0x45f: {  	v45 =	vld [tilespmem:s10+$0x152E0];
	v27 =	vadd.f32 v32, v27;
	v28 =	vadd.f32 v33, v28;
	v41 =	vmul.f32 v63, v61  }
0x460: {  	v59 =	vld [tilespmem:s10+$0x15620];
	v42 =	vunpack.i.u.bf16.f32 v55;
	v29 =	vadd.f32 v31, v26;
	v26 =	vmul.f32 v35, v48  }
0x461: {  	v58 =	vunpack.i.l.bf16.f32 v52;
	v27 =	vadd.f32 v46, v27;
	v28 =	vadd.f32 v41, v28  }
0x462: {  	v31 =	vmul.f32 v44, v43;
	v25 =	vadd.f32 v26, v25;
	v26 =	vmul.f32 v57, v53  }
0x463: {  	v55 =	vld [tilespmem:s10+$0x15610];
	v35 =	vunpack.i.u.bf16.f32 v60;
	v46 =	vperm.xlane v24, v13;
	v24 =	vperm.xlane v24, v15  }
0x464: {  	v63 =	vld [tilespmem:s10+$0x15630];
	v60 =	vunpack.i.u.bf16.f32 v52;
	v32 =	vmul.f32 v35, v43;
	v25 =	vadd.f32 v26, v25  }
0x465: {  	v48 =	vld [tilespmem:s10+$0x152F0];
	v33 =	vunpack.i.l.bf16.f32 v45;
	v41 =	vunpack.i.l.bf16.f32 v59;
	v28 =	vadd.f32 v31, v28  }
0x466: {  	v50 =	vmul.f32 v47, v46;
	v26 =	vmul.f32 v42, v61;
	v25 =	vadd.f32 v62, v25  }
0x467: {  	v31 =	vmul.f32 v49, v46;
	v53 =	vunpack.i.u.bf16.f32 v45;
	v27 =	vadd.f32 v34, v27  }
0x468: {  	v54 =	vmul.f32 v33, v51;
	v29 =	vadd.f32 v30, v29;
	v25 =	vadd.f32 v26, v25;
	v26 =	vld [tilespmem:s11+$0x2A60]  }
0x469: {  	v34 =	vunpack.i.u.bf16.f32 v59;
	v39 =	vunpack.i.u.bf16.f32 v55;
	v28 =	vadd.f32 v50, v28  }
0x46a: {  	v46 =	vld [tilespmem:s10+$0x15650];
	v45 =	vunpack.i.l.bf16.f32 v63;
	v57 =	vunpack.i.u.bf16.f32 v48;
	v35 =	vunpack.i.l.bf16.f32 v48  }
0x46b: {  	v48 =	vunpack.i.u.bf16.f32 v63;
	v28 =	vadd.f32 v54, v28;
	v35 =	vmul.f32 v35, v24  }
0x46c: {  	v24 =	vmul.f32 v57, v24;
	v25 =	vadd.f32 v32, v25;
	v32 =	vmul.f32 v53, v51  }
0x46d: {  	v42 =	vld [tilespmem:s10+$0x15640];
	v62 =	vunpack.i.l.bf16.f32 v55;
	v56 =	vperm.xlane v26, v0;
	v61 =	vperm.xlane v26, v1  }
0x46e: {  	v25 =	vadd.f32 v31, v25;
	v40 =	vperm.xlane v26, v2;
	v43 =	vperm.xlane v26, v3  }
0x46f: {  	v54 =	vunpack.i.l.bf16.f32 v46;
	v51 =	vld [tilespmem:s10+$0x15660];
	v49 =	vperm.xlane v26, v4;
	v52 =	vperm.xlane v26, v5  }
0x470: {  	v63 =	vperm.xlane v26, v8;
	v25 =	vadd.f32 v32, v25;
	v32 =	vmul.f32 v58, v56  }
0x471: {  	v55 =	vunpack.i.u.bf16.f32 v46;
	v30 =	vmul.f32 v60, v56;
	v36 =	vmul.f32 v62, v61  }
0x472: {  	v50 =	vunpack.i.l.bf16.f32 v42;
	v44 =	vmul.f32 v34, v40;
	v47 =	vmul.f32 v45, v43  }
0x473: {  	v59 =	vld [tilespmem:s10+$0x15680];
	v28 =	vadd.f32 v35, v28;
	v31 =	vmul.f32 v50, v49;
	v57 =	vmul.f32 v55, v52  }
0x474: {  	v56 =	vld [tilespmem:s10+$0x15670];
	v58 =	vperm.xlane v26, v6;
	v60 =	vunpack.i.u.bf16.f32 v51;
	v33 =	vunpack.i.l.bf16.f32 v51  }
0x475: {  	v62 =	vld [tilespmem:s10+$0x15690];
	v27 =	vadd.f32 v32, v27;
	v29 =	vadd.f32 v30, v29;
	v30 =	vmul.f32 v39, v61  }
0x476: {  	v51 =	vld [tilespmem:s10+$0x156C0];
	v24 =	vadd.f32 v24, v25;
	v32 =	vmul.f32 v41, v40;
	v61 =	vmul.f32 v33, v58  }
0x477: {  	v40 =	vperm.xlane v26, v7;
	v27 =	vadd.f32 v36, v27;
	v29 =	vadd.f32 v30, v29  }
0x478: {  	v30 =	vmul.f32 v48, v43;
	v36 =	vunpack.i.u.bf16.f32 v42;
	v42 =	vunpack.i.l.bf16.f32 v59  }
0x479: {  	v46 =	vld [tilespmem:s10+$0x156B0];
	v53 =	vmul.f32 v36, v49;
	v41 =	vunpack.i.u.bf16.f32 v56;
	v36 =	vunpack.i.u.bf16.f32 v59  }
0x47a: {  	v33 =	vmul.f32 v42, v63;
	v34 =	vunpack.i.l.bf16.f32 v56;
	v45 =	vunpack.i.l.bf16.f32 v62  }
0x47b: {  	v43 =	vld [tilespmem:s10+$0x156A0];
	v48 =	vunpack.i.u.bf16.f32 v62;
	v49 =	vperm.xlane v26, v10;
	v59 =	vunpack.i.l.bf16.f32 v51  }
0x47c: {  	v42 =	vperm.xlane v26, v14;
	v27 =	vadd.f32 v32, v27;
	v32 =	vmul.f32 v54, v52  }
0x47d: {  	v29 =	vadd.f32 v44, v29;
	v44 =	vperm.xlane v26, v9;
	v34 =	vmul.f32 v34, v40  }
0x47e: {  	v52 =	vperm.xlane v26, v11;
	v54 =	vunpack.i.l.bf16.f32 v46;
	v28 =	vadd.f32 v33, v28  }
0x47f: {  	v55 =	vld [tilespmem:s10+$0x156D0];
	v27 =	vadd.f32 v47, v27;
	v29 =	vadd.f32 v30, v29;
	v47 =	vmul.f32 v45, v44  }
0x480: {  	v30 =	vmul.f32 v41, v40;
	v56 =	vmul.f32 v54, v52;
	v40 =	vld [tilespmem:s10+$0x156F0];
	v50 =	vunpack.i.l.bf16.f32 v43  }
0x481: {  	s22 =	sor.u32 $0x300, s12;
	v35 =	vunpack.i.u.bf16.f32 v43;
	v27 =	vadd.f32 v31, v27;
	v29 =	vadd.f32 v53, v29  }
0x482: {  	s13 =	sand.u32 $0x3FFFFF00, s22;
	v31 =	vmul.f32 v60, v58;
	v28 =	vadd.f32 v47, v28;
	v33 =	vmul.f32 v50, v49  }
0x483: {  	v43 =	vld [tilespmem:s13+$0xF000];
	v53 =	vmul.f32 v35, v49;
	v58 =	vperm.xlane v26, v12;
	v27 =	vadd.f32 v32, v27  }
0x484: {  	v60 =	vld [tilespmem:s10+$0x156E0];
	v35 =	vunpack.i.u.bf16.f32 v55;
	v29 =	vadd.f32 v57, v29;
	v28 =	vadd.f32 v33, v28  }
0x485: {  	v49 =	vld [tilespmem:s10+$0xF320];
	v57 =	vunpack.i.u.bf16.f32 v46;
	v47 =	vunpack.i.u.bf16.f32 v40;
	v25 =	vadd.f32 v61, v27  }
0x486: {  	v27 =	vadd.f32 v31, v29;
	v29 =	vmul.f32 v36, v63;
	v28 =	vadd.f32 v56, v28  }
0x487: {  	v36 =	vunpack.i.u.bf16.f32 v51;
	v31 =	vmul.f32 v59, v58;
	v61 =	vperm.xlane v26, v13  }
0x488: {  	v45 =	vld [tilespmem:s10+$0xF310];
	v63 =	vunpack.i.l.bf16.f32 v55;
	v26 =	vperm.xlane v26, v15;
	v50 =	vunpack.i.u.bf16.f32 v43  }
0x489: {  	v62 =	vmul.f32 v36, v58;
	v33 =	vunpack.i.l.bf16.f32 v60;
	v36 =	vunpack.i.l.bf16.f32 v40  }
0x48a: {  	v56 =	vld [tilespmem:s10+$0xF340];
	v55 =	vunpack.i.l.bf16.f32 v49;
	v24 =	vadd.f32 v29, v24;
	v29 =	vmul.f32 v48, v44  }
0x48b: {  	v31 =	vadd.f32 v31, v28;
	v32 =	vmul.f32 v63, v61;
	v28 =	vld [tilespmem:s11+$0x2430];
	v41 =	vmul.f32 v35, v61  }
0x48c: {  	v58 =	vld [tilespmem:s10+$0xF350];
	v44 =	vunpack.i.u.bf16.f32 v60;
	v33 =	vmul.f32 v33, v42;
	v25 =	vadd.f32 v34, v25  }
0x48d: {  	v48 =	vunpack.i.l.bf16.f32 v43;
	v36 =	vmul.f32 v36, v26;
	v35 =	vunpack.i.u.bf16.f32 v45  }
0x48e: {  	v26 =	vmul.f32 v47, v26;
	v24 =	vadd.f32 v29, v24;
	v29 =	vmul.f32 v57, v52  }
0x48f: {  	v31 =	vadd.f32 v32, v31;
	v32 =	vmul.f32 v44, v42;
	v52 =	vunpack.i.l.bf16.f32 v45  }
0x490: {  	v37 =	vunpack.i.u.bf16.f32 v56;
	v24 =	vadd.f32 v53, v24;
	v53 =	vld [tilespmem:s10+$0xF330];
	v46 =	vperm.xlane v28, v0  }
0x491: {  	v44 =	vunpack.i.l.bf16.f32 v58;
	v51 =	vperm.xlane v28, v1;
	v39 =	vperm.xlane v28, v2  }
0x492: {  	v40 =	vperm.xlane v28, v3;
	v42 =	vperm.xlane v28, v5;
	v24 =	vadd.f32 v29, v24  }
0x493: {  	v45 =	vunpack.i.u.bf16.f32 v58;
	v58 =	vperm.xlane v28, v9;
	v34 =	vmul.f32 v52, v51  }
0x494: {  	v54 =	vmul.f32 v35, v51;
	v35 =	vmul.f32 v55, v39;
	v24 =	vadd.f32 v62, v24  }
0x495: {  	v47 =	vmul.f32 v45, v42;
	v62 =	vperm.xlane v28, v4;
	v57 =	vunpack.i.l.bf16.f32 v53  }
0x496: {  	v61 =	vunpack.i.u.bf16.f32 v53;
	v53 =	vperm.xlane v28, v8;
	v29 =	vadd.f32 v41, v24  }
0x497: {  	v24 =	vadd.f32 v30, v27;
	v27 =	vadd.f32 v33, v31;
	v30 =	vmul.f32 v50, v46;
	v41 =	vld [tilespmem:s10+$0xF360]  }
0x498: {  	v33 =	vunpack.i.u.bf16.f32 v49;
	v60 =	vmul.f32 v57, v40;
	v63 =	vmul.f32 v61, v40;
	v49 =	vld [tilespmem:s10+$0xF380]  }
0x499: {  	v40 =	vunpack.i.l.bf16.f32 v56;
	v57 =	vld [tilespmem:s10+$0xF3A0];
	v29 =	vadd.f32 v32, v29;
	v32 =	vmul.f32 v48, v46  }
0x49a: {  	v43 =	vmul.f32 v37, v62;
	v33 =	vmul.f32 v33, v39;
	v30 =	vadd.f32 $0.0e+00, v30  }
0x49b: {  	v48 =	vperm.xlane v28, v6;
	v27 =	vadd.f32 v36, v27;
	v32 =	vadd.f32 $0.0e+00, v32  }
0x49c: {  	v46 =	vld [tilespmem:s10+$0xF370];
	v30 =	vadd.f32 v54, v30;
	v26 =	vadd.f32 v26, v29;
	v54 =	vperm.xlane v28, v7  }
0x49d: {  	v50 =	vunpack.i.u.bf16.f32 v41;
	v56 =	vunpack.i.l.bf16.f32 v49;
	v38 =	vunpack.i.u.bf16.f32 v49  }
0x49e: {  	v61 =	vunpack.i.l.bf16.f32 v57;
	v36 =	vunpack.i.u.bf16.f32 v57;
	v49 =	vperm.xlane v28, v12  }
0x49f: {  	v45 =	vld [tilespmem:s10+$0xF3D0];
	v57 =	vperm.xlane v28, v14;
	v30 =	vadd.f32 v33, v30;
	v33 =	vmul.f32 v40, v62  }
0x4a0: {  	v32 =	vadd.f32 v34, v32;
	v34 =	vmul.f32 v44, v42;
	v29 =	vmul.f32 v38, v53  }
0x4a1: {  	v52 =	vld [tilespmem:s10+$0xF390];
	v42 =	vperm.xlane v28, v11;
	v55 =	vunpack.i.u.bf16.f32 v46;
	v37 =	vunpack.i.l.bf16.f32 v46  }
0x4a2: {  	v62 =	vld [tilespmem:s10+$0xF3C0];
	v59 =	vadd.f32 v35, v32;
	v30 =	vadd.f32 v63, v30;
	v35 =	vunpack.i.l.bf16.f32 v41  }
0x4a3: {  	v37 =	vmul.f32 v37, v54;
	v29 =	vadd.f32 $0.0e+00, v29;
	v41 =	vperm.xlane v28, v10  }
0x4a4: {  	v32 =	vmul.f32 v55, v54;
	v55 =	vunpack.i.u.bf16.f32 v45;
	v51 =	vmul.f32 v35, v48  }
0x4a5: {  	v54 =	vld [tilespmem:s10+$0xF3F0];
	v35 =	vmul.f32 v56, v53;
	v53 =	vunpack.i.l.bf16.f32 v45;
	v31 =	vadd.f32 v60, v59  }
0x4a6: {  	v30 =	vadd.f32 v43, v30;
	v59 =	vunpack.i.l.bf16.f32 v52;
	v63 =	vmul.f32 v36, v41  }
0x4a7: {  	v60 =	vld [tilespmem:s10+$0xF3B0];
	v35 =	vadd.f32 $0.0e+00, v35;
	v38 =	vmul.f32 v59, v58;
	v39 =	vunpack.i.u.bf16.f32 v62  }
0x4a8: {  	v31 =	vadd.f32 v33, v31;
	v30 =	vadd.f32 v47, v30;
	v33 =	vmul.f32 v50, v48  }
0x4a9: {  	v50 =	vunpack.i.l.bf16.f32 v62;
	v36 =	vmul.f32 v39, v49;
	v35 =	vadd.f32 v38, v35  }
0x4aa: {  	v38 =	vmul.f32 v61, v41;
	v39 =	vunpack.i.l.bf16.f32 v54;
	v31 =	vadd.f32 v34, v31  }
0x4ab: {  	v30 =	vadd.f32 v33, v30;
	v34 =	vunpack.i.u.bf16.f32 v52;
	v52 =	vperm.xlane v28, v13  }
0x4ac: {  	s15 =	sor.u32 $0x700, s12;
	v61 =	vld [tilespmem:s10+$0xF710];
	v28 =	vperm.xlane v28, v15;
	v34 =	vmul.f32 v34, v58;
	v44 =	vunpack.i.l.bf16.f32 v60  }
0x4ad: {  	s13 =	sand.u32 $0x3FFFFF00, s15;
	v45 =	vld [tilespmem:s10+$0xF720];
	v46 =	vadd.f32 v38, v35;
	v48 =	vunpack.i.u.bf16.f32 v60;
	v35 =	vmul.f32 v50, v49  }
0x4ae: {  	v58 =	vld [tilespmem:s13+$0xF000];
	v31 =	vadd.f32 v51, v31;
	v47 =	vmul.f32 v44, v42;
	v56 =	vmul.f32 v53, v52  }
0x4af: {  	v51 =	vld [tilespmem:s10+$0xF3E0];
	v30 =	vadd.f32 v32, v30;
	v39 =	vmul.f32 v39, v28;
	v29 =	vadd.f32 v34, v29  }
0x4b0: {  	v53 =	vld [tilespmem:s10+$0xF740];
	v34 =	vmul.f32 v48, v42;
	v33 =	vadd.f32 v47, v46;
	v31 =	vadd.f32 v37, v31  }
0x4b1: {  	v48 =	vld [tilespmem:s10+$0xF730];
	v47 =	vunpack.i.l.bf16.f32 v61;
	v50 =	vunpack.i.u.bf16.f32 v61;
	v29 =	vadd.f32 v63, v29  }
0x4b2: {  	v37 =	vunpack.i.u.bf16.f32 v45;
	v63 =	vunpack.i.u.bf16.f32 v54;
	v33 =	vadd.f32 v35, v33  }
0x4b3: {  	v35 =	vmul.f32 v55, v52;
	v44 =	vunpack.i.l.bf16.f32 v58;
	v34 =	vadd.f32 v34, v29;
	v29 =	vld [tilespmem:s11+$0x2470]  }
0x4b4: {  	v40 =	vunpack.i.u.bf16.f32 v58;
	v52 =	vunpack.i.l.bf16.f32 v45;
	v28 =	vmul.f32 v63, v28  }
0x4b5: {  	v45 =	vld [tilespmem:s10+$0xF770];
	v59 =	vunpack.i.u.bf16.f32 v51;
	v38 =	vunpack.i.l.bf16.f32 v51;
	v61 =	vunpack.i.l.bf16.f32 v53  }
0x4b6: {  	v33 =	vadd.f32 v56, v33;
	v60 =	vmul.f32 v38, v57;
	v56 =	vunpack.i.l.bf16.f32 v48  }
0x4b7: {  	v34 =	vadd.f32 v36, v34;
	v36 =	vmul.f32 v59, v57;
	v59 =	vunpack.i.u.bf16.f32 v48  }
0x4b8: {  	v32 =	vadd.f32 v60, v33;
	v62 =	vperm.xlane v29, v0;
	v46 =	vperm.xlane v29, v1  }
0x4b9: {  	v57 =	vld [tilespmem:s10+$0xF750];
	v34 =	vadd.f32 v35, v34;
	v51 =	vperm.xlane v29, v2;
	v54 =	vperm.xlane v29, v3  }
0x4ba: {  	v38 =	vunpack.i.l.bf16.f32 v45;
	v60 =	vperm.xlane v29, v4;
	v63 =	vperm.xlane v29, v5  }
0x4bb: {  	v33 =	vadd.f32 v36, v34;
	v36 =	vmul.f32 v44, v62;
	v34 =	vmul.f32 v40, v62  }
0x4bc: {  	v32 =	vadd.f32 v39, v32;
	v49 =	vmul.f32 v47, v46;
	v55 =	vmul.f32 v37, v51  }
0x4bd: {  	v48 =	vld [tilespmem:s10+$0xF780];
	v58 =	vmul.f32 v56, v54;
	v40 =	vunpack.i.u.bf16.f32 v53;
	v35 =	vmul.f32 v61, v60  }
0x4be: {  	v43 =	vunpack.i.l.bf16.f32 v57;
	v47 =	vperm.xlane v29, v6;
	v53 =	vperm.xlane v29, v7  }
0x4bf: {  	v62 =	vld [tilespmem:s10+$0xF760];
	v44 =	vunpack.i.u.bf16.f32 v57;
	v57 =	vperm.xlane v29, v9;
	v42 =	vmul.f32 v40, v60  }
0x4c0: {  	v56 =	vld [tilespmem:s10+$0xF7A0];
	v28 =	vadd.f32 v28, v33;
	v30 =	vadd.f32 v34, v30;
	v34 =	vmul.f32 v50, v46  }
0x4c1: {  	v31 =	vadd.f32 v36, v31;
	v36 =	vmul.f32 v52, v51;
	v46 =	vmul.f32 v44, v63  }
0x4c2: {  	v40 =	vunpack.i.u.bf16.f32 v48;
	v52 =	vperm.xlane v29, v8;
	v38 =	vmul.f32 v38, v53  }
0x4c3: {  	v51 =	vld [tilespmem:s10+$0xF790];
	v31 =	vadd.f32 v49, v31;
	v30 =	vadd.f32 v34, v30;
	v34 =	vmul.f32 v59, v54  }
0x4c4: {  	v54 =	vunpack.i.u.bf16.f32 v45;
	v45 =	vperm.xlane v29, v11;
	v49 =	vunpack.i.u.bf16.f32 v62  }
0x4c5: {  	v37 =	vunpack.i.l.bf16.f32 v62;
	v62 =	vperm.xlane v29, v10;
	v39 =	vunpack.i.u.bf16.f32 v56  }
0x4c6: {  	v31 =	vadd.f32 v36, v31;
	v30 =	vadd.f32 v55, v30;
	v36 =	vmul.f32 v43, v63  }
0x4c7: {  	v59 =	vld [tilespmem:s10+$0xF7B0];
	v50 =	vmul.f32 v37, v47;
	v55 =	vunpack.i.l.bf16.f32 v48;
	v63 =	vunpack.i.l.bf16.f32 v56  }
0x4c8: {  	v48 =	vld [tilespmem:s10+$0xF7D0];
	v37 =	vmul.f32 v55, v52;
	v61 =	vunpack.i.u.bf16.f32 v51;
	v31 =	vadd.f32 v58, v31  }
0x4c9: {  	v30 =	vadd.f32 v34, v30;
	v58 =	vunpack.i.l.bf16.f32 v51;
	v34 =	vmul.f32 v54, v53  }
0x4ca: {  	v51 =	vperm.xlane v29, v12;
	v53 =	vld [tilespmem:s10+$0xF7E0];
	v54 =	vperm.xlane v29, v13;
	v32 =	vadd.f32 v37, v32  }
0x4cb: {  	v60 =	vmul.f32 v58, v57;
	v37 =	vmul.f32 v63, v62;
	v31 =	vadd.f32 v35, v31  }
0x4cc: {  	v44 =	vld [tilespmem:s10+$0xF7C0];
	v30 =	vadd.f32 v42, v30;
	v35 =	vmul.f32 v49, v47;
	v47 =	vunpack.i.l.bf16.f32 v59  }
0x4cd: {  	v32 =	vadd.f32 v60, v32;
	v49 =	vmul.f32 v47, v45;
	v55 =	vunpack.i.l.bf16.f32 v48  }
0x4ce: {  	v31 =	vadd.f32 v36, v31;
	v30 =	vadd.f32 v46, v30;
	v46 =	vmul.f32 v39, v62  }
0x4cf: {  	v56 =	vld [tilespmem:s10+$0xF7F0];
	v58 =	vmul.f32 v55, v54;
	v32 =	vadd.f32 v37, v32;
	v37 =	vunpack.i.l.bf16.f32 v53  }
0x4d0: {  	v31 =	vadd.f32 v50, v31;
	v33 =	vadd.f32 v35, v30;
	v30 =	vmul.f32 v40, v52  }
0x4d1: {  	s22 =	sadd.s32 $0x6300, s12;
	v50 =	vunpack.i.u.bf16.f32 v59;
	v52 =	vunpack.i.l.bf16.f32 v44;
	v40 =	vunpack.i.u.bf16.f32 v44  }
0x4d2: {  	s13 =	sand.u32 $0x3FFFFF00, s22;
	v63 =	vld [tilespmem:s10+$0x15310];
	v59 =	vperm.xlane v29, v14;
	v28 =	vadd.f32 v30, v28;
	v30 =	vmul.f32 v61, v57  }
0x4d3: {  	v60 =	vld [tilespmem:s13+$0xF000];
	v29 =	vperm.xlane v29, v15;
	v32 =	vadd.f32 v49, v32;
	v35 =	vmul.f32 v52, v51  }
0x4d4: {  	v47 =	vld [tilespmem:s10+$0x15320];
	v36 =	vmul.f32 v40, v51;
	v40 =	vunpack.i.l.bf16.f32 v56;
	v28 =	vadd.f32 v30, v28  }
0x4d5: {  	v57 =	vunpack.i.u.bf16.f32 v48;
	v61 =	vunpack.i.u.bf16.f32 v53;
	v62 =	vmul.f32 v37, v59  }
0x4d6: {  	v51 =	vld [tilespmem:s10+$0x15330];
	v31 =	vadd.f32 v38, v31;
	v30 =	vmul.f32 v50, v45;
	v28 =	vadd.f32 v46, v28  }
0x4d7: {  	v33 =	vadd.f32 v34, v33;
	v32 =	vadd.f32 v35, v32;
	v45 =	vunpack.i.u.bf16.f32 v56;
	v56 =	vld [tilespmem:s10+$0x15340]  }
0x4d8: {  	v48 =	vunpack.i.u.bf16.f32 v60;
	v40 =	vmul.f32 v40, v29;
	v28 =	vadd.f32 v30, v28;
	v30 =	vld [tilespmem:s11+$0x2A30]  }
0x4d9: {  	v53 =	vunpack.i.u.bf16.f32 v63;
	v55 =	vunpack.i.l.bf16.f32 v47;
	v32 =	vadd.f32 v58, v32  }
0x4da: {  	v38 =	vunpack.i.u.bf16.f32 v47;
	v35 =	vmul.f32 v57, v54;
	v50 =	vunpack.i.l.bf16.f32 v63  }
0x4db: {  	v29 =	vmul.f32 v45, v29;
	v46 =	vunpack.i.l.bf16.f32 v60;
	v32 =	vadd.f32 v62, v32  }
0x4dc: {  	v62 =	vunpack.i.u.bf16.f32 v51;
	v28 =	vadd.f32 v36, v28;
	v36 =	vmul.f32 v61, v59  }
0x4dd: {  	v43 =	vunpack.i.l.bf16.f32 v56;
	v44 =	vperm.xlane v30, v0;
	v49 =	vperm.xlane v30, v1  }
0x4de: {  	v60 =	vld [tilespmem:s10+$0x15350];
	v39 =	vunpack.i.u.bf16.f32 v56;
	v54 =	vperm.xlane v30, v2;
	v57 =	vperm.xlane v30, v3  }
0x4df: {  	v28 =	vadd.f32 v35, v28;
	v63 =	vperm.xlane v30, v4;
	v45 =	vperm.xlane v30, v5  }
0x4e0: {  	v59 =	vunpack.i.l.bf16.f32 v51;
	v51 =	vperm.xlane v30, v6;
	v56 =	vperm.xlane v30, v8  }
0x4e1: {  	v28 =	vadd.f32 v36, v28;
	v36 =	vmul.f32 v46, v44;
	v34 =	vmul.f32 v48, v44  }
0x4e2: {  	v32 =	vadd.f32 v40, v32;
	v52 =	vmul.f32 v50, v49;
	v58 =	vmul.f32 v38, v54  }
0x4e3: {  	v47 =	vunpack.i.l.bf16.f32 v60;
	v61 =	vmul.f32 v59, v57;
	v44 =	vld [tilespmem:s10+$0x15360];
	v35 =	vmul.f32 v43, v63  }
0x4e4: {  	v46 =	vmul.f32 v39, v63;
	v48 =	vunpack.i.u.bf16.f32 v60;
	v63 =	vld [tilespmem:s10+$0x153B0];
	v31 =	vadd.f32 v36, v31  }
0x4e5: {  	v59 =	vperm.xlane v30, v7;
	v33 =	vadd.f32 v34, v33;
	v34 =	vmul.f32 v53, v49;
	v49 =	vld [tilespmem:s10+$0x15380]  }
0x4e6: {  	v50 =	vmul.f32 v48, v45;
	v36 =	vmul.f32 v55, v54;
	v55 =	vld [tilespmem:s10+$0x15390];
	v31 =	vadd.f32 v52, v31  }
0x4e7: {  	v28 =	vadd.f32 v29, v28;
	v48 =	vld [tilespmem:s10+$0x153C0];
	v33 =	vadd.f32 v34, v33;
	v34 =	vmul.f32 v62, v57  }
0x4e8: {  	v52 =	vld [tilespmem:s10+$0x15370];
	v53 =	vunpack.i.u.bf16.f32 v44;
	v37 =	vunpack.i.l.bf16.f32 v44;
	v31 =	vadd.f32 v36, v31  }
0x4e9: {  	v33 =	vadd.f32 v58, v33;
	v36 =	vmul.f32 v47, v45;
	v54 =	vmul.f32 v37, v51  }
0x4ea: {  	v45 =	vperm.xlane v30, v10;
	v57 =	vunpack.i.l.bf16.f32 v49;
	v38 =	vunpack.i.u.bf16.f32 v49  }
0x4eb: {  	v62 =	vunpack.i.l.bf16.f32 v55;
	v33 =	vadd.f32 v34, v33;
	v34 =	vmul.f32 v57, v56  }
0x4ec: {  	v31 =	vadd.f32 v61, v31;
	v61 =	vperm.xlane v30, v9;
	v29 =	vmul.f32 v38, v56  }
0x4ed: {  	v58 =	vld [tilespmem:s10+$0x153A0];
	v38 =	vunpack.i.u.bf16.f32 v63;
	v56 =	vunpack.i.l.bf16.f32 v48;
	v60 =	vunpack.i.u.bf16.f32 v52  }
0x4ee: {  	v39 =	vunpack.i.l.bf16.f32 v52;
	v52 =	vunpack.i.l.bf16.f32 v63;
	v63 =	vperm.xlane v30, v14  }
0x4ef: {  	v31 =	vadd.f32 v35, v31;
	v33 =	vadd.f32 v46, v33;
	v35 =	vmul.f32 v53, v51  }
0x4f0: {  	v32 =	vadd.f32 v34, v32;
	v34 =	vmul.f32 v62, v61;
	v39 =	vmul.f32 v39, v59  }
0x4f1: {  	v57 =	vld [tilespmem:s10+$0x153E0];
	v28 =	vadd.f32 v29, v28;
	v51 =	vperm.xlane v30, v11;
	v37 =	vmul.f32 v60, v59  }
0x4f2: {  	v59 =	vunpack.i.u.bf16.f32 v48;
	v60 =	vperm.xlane v30, v13;
	v47 =	vunpack.i.l.bf16.f32 v58  }
0x4f3: {  	v31 =	vadd.f32 v36, v31;
	v33 =	vadd.f32 v50, v33;
	v36 =	vunpack.i.u.bf16.f32 v55  }
0x4f4: {  	v53 =	vld [tilespmem:s10+$0x153D0];
	v32 =	vadd.f32 v34, v32;
	v49 =	vmul.f32 v47, v45;
	v34 =	vmul.f32 v52, v51  }
0x4f5: {  	v50 =	vunpack.i.u.bf16.f32 v58;
	v55 =	vmul.f32 v38, v51;
	v46 =	vmul.f32 v36, v61  }
0x4f6: {  	s12 =	sadd.s32 $0x6700, s12;
	v29 =	vmul.f32 v50, v45;
	v47 =	vunpack.i.l.bf16.f32 v57;
	v38 =	vunpack.i.u.bf16.f32 v57  }
0x4f7: {  	s13 =	sand.u32 $0x3FFFFF00, s12;
	v48 =	vld [tilespmem:s10+$0x153F0];
	v31 =	vadd.f32 v54, v31;
	v33 =	vadd.f32 v35, v33;
	v54 =	vperm.xlane v30, v12  }
0x4f8: {  	v45 =	vld [tilespmem:s13+$0xF000];
	v32 =	vadd.f32 v49, v32;
	v35 =	vmul.f32 v47, v63;
	v49 =	vmul.f32 v38, v63  }
0x4f9: {  	v50 =	vld [tilespmem:s10+$0x15710];
	v30 =	vperm.xlane v30, v15;
	v28 =	vadd.f32 v46, v28;
	v62 =	vunpack.i.l.bf16.f32 v53  }
0x4fa: {  	v63 =	vld [tilespmem:s10+$0x15740];
	v36 =	vunpack.i.u.bf16.f32 v53;
	v58 =	vmul.f32 v56, v54;
	v61 =	vmul.f32 v59, v54  }
0x4fb: {  	v47 =	vld [tilespmem:s10+$0x15750];
	v32 =	vadd.f32 v34, v32;
	v40 =	vmul.f32 v62, v60;
	v46 =	vmul.f32 v36, v60  }
0x4fc: {  	v53 =	vld [tilespmem:s10+$0x15720];
	v31 =	vadd.f32 v39, v31;
	v36 =	vunpack.i.l.bf16.f32 v48;
	v28 =	vadd.f32 v29, v28  }
0x4fd: {  	v33 =	vadd.f32 v37, v33;
	v54 =	vunpack.i.u.bf16.f32 v48;
	v59 =	vld [tilespmem:s10+$0x15730];
	v36 =	vmul.f32 v36, v30  }
0x4fe: {  	v30 =	vmul.f32 v54, v30;
	v32 =	vadd.f32 v58, v32;
	v29 =	vadd.f32 v55, v28;
	v28 =	vld [tilespmem:s11+$0x2A70]  }
0x4ff: {  	v52 =	vunpack.i.l.bf16.f32 v45;
	v58 =	vunpack.i.l.bf16.f32 v50;
	v38 =	vunpack.i.u.bf16.f32 v50  }
0x500: {  	v55 =	vunpack.i.u.bf16.f32 v45;
	v54 =	vunpack.i.u.bf16.f32 v63;
	v32 =	vadd.f32 v40, v32  }
0x501: {  	v39 =	vld [tilespmem:s10+$0x15770];
	v37 =	vunpack.i.u.bf16.f32 v47;
	v62 =	vunpack.i.l.bf16.f32 v53;
	v29 =	vadd.f32 v61, v29  }
0x502: {  	v44 =	vunpack.i.u.bf16.f32 v53;
	v48 =	vunpack.i.u.bf16.f32 v59;
	v32 =	vadd.f32 v35, v32  }
0x503: {  	v29 =	vadd.f32 v46, v29;
	v51 =	vperm.xlane v28, v0;
	v56 =	vperm.xlane v28, v1  }
0x504: {  	v60 =	vperm.xlane v28, v2;
	v32 =	vadd.f32 v36, v32;
	v45 =	vperm.xlane v28, v3  }
0x505: {  	v36 =	vperm.xlane v28, v7;
	v29 =	vadd.f32 v49, v29;
	v49 =	vperm.xlane v28, v4  }
0x506: {  	v42 =	vunpack.i.u.bf16.f32 v39;
	v34 =	vmul.f32 v52, v51;
	v57 =	vmul.f32 v55, v51  }
0x507: {  	v46 =	vunpack.i.l.bf16.f32 v59;
	v35 =	vmul.f32 v58, v56;
	v61 =	vmul.f32 v38, v56  }
0x508: {  	v43 =	vmul.f32 v62, v60;
	v50 =	vmul.f32 v48, v45;
	v51 =	vunpack.i.l.bf16.f32 v63;
	v52 =	vld [tilespmem:s10+$0x15760]  }
0x509: {  	v55 =	vperm.xlane v28, v5;
	v56 =	vunpack.i.l.bf16.f32 v47;
	v58 =	vld [tilespmem:s10+$0x15780];
	v48 =	vperm.xlane v28, v9  }
0x50a: {  	v53 =	vmul.f32 v51, v49;
	v29 =	vadd.f32 v30, v29;
	v31 =	vadd.f32 v34, v31  }
0x50b: {  	v33 =	vadd.f32 v57, v33;
	v34 =	vmul.f32 v44, v60;
	v57 =	vperm.xlane v28, v6  }
0x50c: {  	v63 =	vld [tilespmem:s10+$0x15790];
	v59 =	vmul.f32 v37, v55;
	v44 =	vunpack.i.l.bf16.f32 v39;
	v31 =	vadd.f32 v35, v31  }
0x50d: {  	v33 =	vadd.f32 v61, v33;
	v35 =	vmul.f32 v46, v45;
	v45 =	vperm.xlane v28, v8  }
0x50e: {  	v60 =	vunpack.i.l.bf16.f32 v52;
	v46 =	vunpack.i.l.bf16.f32 v58;
	v41 =	vunpack.i.u.bf16.f32 v58  }
0x50f: {  	v31 =	vadd.f32 v43, v31;
	v33 =	vadd.f32 v34, v33;
	v34 =	vmul.f32 v54, v49  }
0x510: {  	v62 =	vmul.f32 v60, v57;
	v43 =	vunpack.i.u.bf16.f32 v52;
	v38 =	vmul.f32 v46, v45  }
0x511: {  	v47 =	vld [tilespmem:s10+$0x157A0];
	v49 =	vmul.f32 v41, v45;
	v54 =	vunpack.i.u.bf16.f32 v63;
	v60 =	vperm.xlane v28, v11  }
0x512: {  	v58 =	vld [tilespmem:s10+$0x157C0];
	v45 =	vperm.xlane v28, v12;
	v31 =	vadd.f32 v35, v31;
	v33 =	vadd.f32 v50, v33  }
0x513: {  	v35 =	vmul.f32 v56, v55;
	v50 =	vunpack.i.l.bf16.f32 v63;
	v52 =	vadd.f32 v38, v32  }
0x514: {  	v51 =	vld [tilespmem:s10+$0x157B0];
	v29 =	vadd.f32 v49, v29;
	v55 =	vperm.xlane v28, v10;
	v56 =	vmul.f32 v54, v48  }
0x515: {  	v31 =	vadd.f32 v53, v31;
	v33 =	vadd.f32 v34, v33;
	v34 =	vmul.f32 v43, v57  }
0x516: {  	s15 =	sshll.u32 s9, $0x6;
	v53 =	vmul.f32 v50, v48;
	v57 =	vunpack.i.l.bf16.f32 v47;
	v29 =	vadd.f32 v56, v29  }
0x517: {  	s11 =	sand.u32 $0x3FFFFFC0, s15;
	v49 =	vunpack.i.u.bf16.f32 v58;
	v50 =	vperm.xlane v28, v13;
	v61 =	vadd.f32 v35, v31  }
0x518: {  	[tilespmem:s11+$0x1BC30] =	vst v18;
	v18 =	vmul.f32 v49, v45;
	v33 =	vadd.f32 v59, v33;
	v31 =	vmul.f32 v44, v36  }
0x519: {  	v63 =	vld [tilespmem:s10+$0x157D0];
	v59 =	vunpack.i.u.bf16.f32 v47;
	v44 =	vunpack.i.u.bf16.f32 v51;
	v30 =	vadd.f32 v62, v61  }
0x51a: {  	v47 =	vunpack.i.l.bf16.f32 v58;
	v33 =	vadd.f32 v34, v33;
	v61 =	vmul.f32 v59, v55  }
0x51b: {  	[tilespmem:s11+$0x1BC00] =	vst v17;
	v34 =	vmul.f32 v57, v55;
	v30 =	vadd.f32 v31, v30;
	v31 =	vadd.f32 v53, v52  }
0x51c: {  	[tilespmem:s11+$0x1BC10] =	vst v16;
	v48 =	vld [tilespmem:s10+$0x157E0];
	v46 =	vmul.f32 v44, v60;
	v62 =	vunpack.i.l.bf16.f32 v51;
	v16 =	vadd.f32 v61, v29  }
0x51d: {  	[tilespmem:s11+$0x1BC20] =	vst v19;
	v58 =	vperm.xlane v28, v15;
	v43 =	vmul.f32 v62, v60;
	v17 =	vadd.f32 v34, v31  }
0x51e: {  	[tilespmem:s11+$0x1BC40] =	vst v21;
	v54 =	vunpack.i.u.bf16.f32 v63;
	v51 =	vunpack.i.l.bf16.f32 v63;
	v52 =	vld [tilespmem:s10+$0x157F0];
	v16 =	vadd.f32 v46, v16  }
0x51f: {  	[tilespmem:s11+$0x1BC50] =	vst v20;
	v55 =	vperm.xlane v28, v14;
	v29 =	vmul.f32 v47, v45;
	v17 =	vadd.f32 v43, v17  }
0x520: {  	[tilespmem:s11+$0x1BC60] =	vst v23;
	v19 =	vmul.f32 v51, v50;
	v16 =	vadd.f32 v18, v16;
	v18 =	vmul.f32 v54, v50  }
0x521: {  	[tilespmem:s11+$0x1BC70] =	vst v22;
	v56 =	vunpack.i.l.bf16.f32 v48;
	v57 =	vunpack.i.u.bf16.f32 v48;
	v17 =	vadd.f32 v29, v17  }
0x522: {  	[tilespmem:s11+$0x1BC80] =	vst v25;
	v53 =	vmul.f32 v42, v36;
	v59 =	vmul.f32 v57, v55;
	v16 =	vadd.f32 v18, v16  }
0x523: {  	[tilespmem:s11+$0x1BC90] =	vst v24;
	v61 =	vunpack.i.u.bf16.f32 v52;
	v17 =	vadd.f32 v19, v17;
	v19 =	vmul.f32 v56, v55  }
0x524: {  	p0 =	slt.u32 s9, $0x2C;
	[tilespmem:s11+$0x1BCA0] =	vst v27;
	v60 =	vunpack.i.l.bf16.f32 v52;
	v63 =	vmul.f32 v61, v58;
	v16 =	vadd.f32 v59, v16  }
.Ltmp1:
0x525: {  	[tilespmem:s11+$0x1BCB0] =	vst v26;
	v20 =	vadd.f32 v53, v33;
	v62 =	vmul.f32 v60, v58;
	v17 =	vadd.f32 v19, v17;
	(pc) =	sbr.rel @p0 .LBB2_5-.Ltmp1, $4  }
0x526: {  	[tilespmem:s11+$0x1BCC0] =	vst v30;
	v16 =	vadd.f32 v63, v16  }
0x527: {  	[tilespmem:s11+$0x1BCD0] =	vst v20;
	v17 =	vadd.f32 v62, v17  }
0x528: {  	s22 =	sadd.s32 $0x4, s9;
	[tilespmem:s11+$0x1BCF0] =	vst v16  }
0x529: {  	s9 =	smov.u32 s22;
	[tilespmem:s11+$0x1BCE0] =	vst v17  }
0x52a: {  	s20 =	sadd.s32 $0x1, s20  }
0x52b: {  	p0 =	sne.s32 s20, $0x14  }
.Ltmp2:
0x52c: {  	_ = 	snop;
	(pc) =	sbr.rel @p0 .LBB2_2-.Ltmp2, $3  }
0x52d: {  	s9 =	smul.u32 $0x180, s21;
	_ =	sdelay $0x1  }
0x52e: {  	s9 =	sadd.s32 s7, s9  }
0x52f: {  	[hbm4b:s9+s2] =	stream.linear.scatter [tilespmem:s1], [sflag:$0x8], $0xC00, $0x38;
	[tilespmem:$0x1C800] =	vst v63  }
0x530: {  	_ =	swait.ge [sflag:s0], $0xC00  }
0x531: {  	[sflag:s0] =	ssyncset.done $0x0  }
0x532: {  	[sflag:s0] =	ssyncadd.s32 $0xFFFFF400  }
0x533: {  	_ =	swait.ge [sflag:s16], $0xC00  }
0x534: {  	s19 =	sadd.s32 $0x1, s19;
	s9 =	rddreg [dreg:$0x7]  }
0x535: {  	p0 =	sne.s32 s19, s9  }
.Ltmp3:
0x536: {  	_ = 	snop;
	(pc) =	sbr.rel @p0 .LBB2_1-.Ltmp3, $3  }
0x537: {  	_ =	sdelay $0x1  }
0x538: {  	[sflag:s16] =	ssyncset.done $0x0  }
0x539: {  	[sflag:s16] =	ssyncadd.s32 $0xFFFFF400  }
0x53a: {  	_ =	sfence.sel $0x180000  }
0x53b: {  	[bflag:$0x0] =	sbarrier.arrive $0xFFFF  }
0x53c: {  	_ =	strace $0x9000004A  }
0x53d: {  	s0 =	stileid.u32;
	[bflag:$0x2] =	sbarrier.arrive $0xFFFF  }
0x53e: {  	p0 =	sne.s32 s0, $0x0;
	s0 =	rddreg [dreg:$0x1]  }
0x53f: {  	s0 =	sadd.s32 @!p0 $0x100000, s0  }
0x540: {  	[sflag:s0] =	ssyncadd.tile.s32 @!p0 $0x1;
	_ =	shalt  }
.Lfunc_end2:
_tile_overlayer_lowered:
.L_overlay_start_2:
0x541: {  	(tag) =	ssettag $0x2  }
0x542: {  	s0 =	rddreg [dreg:$0x0];
	s2 =	stileid.u32  }
0x543: {  	s1 =	rddreg [dreg:$0x1];
	p0 =	sne.s32 s2, $0x0  }
0x544: {  	s3 =	rddreg [dreg:$0x2];
	[bflag:$0x3] =	sbarrier.arrive $0xFFFF;
	s2 =	simm.s32 @!p0 $0x1C09  }
0x545: {  	[timem:s3], [sflag:s2] =	dma.local @!p0 [hbm:s0], s1  }
0x546: {  	s0 =	simm.s32 @!p0 $0x9  }
0x547: {  	_ =	swait.ge @!p0 [sflag:s0], s1  }
0x548: {  	s1 =	ssub.s32 @!p0 $0x0, s1;
	[sflag:s0] =	ssyncset.done @!p0 $0x0  }
0x549: {  	[sflag:s0] =	ssyncadd.s32 @!p0 s1  }
0x54a: {  	[bflag:$0x3] =	sbarrier.arrive $0xFFFF  }
0x54b: {  	_ =	shalt  }

// kernel: sparse-core-data-format-call.cloned.1.call-start
scs
called_computation_lowered:
.L_overlay_start_0:
0x0: {  	s1 =	sld [smem:$0x3FD9]  }
0x1: {  	s2 =	sld [smem:$0x3FFE];
	_ =	sdelay $0x1  }
0x2: {  	s3 =	srdreg.scid  }
0x3: {  	s0 =	sand.u32 $0x1, s3  }
0x4: {  	s17 =	sshll.u32 s0, $0xA;
	s1 =	sadd.s32 s2, s1  }
0x5: {  	s1 =	sadd.s32 s1, s17  }
0x6: {  	[smem:$0x3FBF] =	sst s1  }
0x7: {  	_ = 	snop  }
0x8: {  	(tm) =	ssettm $0x1  }
0x9: {  	s18 =	sld [smem:$0x3FFB];
	_ =	sdelay $0x3  }
0xa: {  	_ =	strace s18  }
0xb: {  	s1 =	sld [smem:$0x3FFC];
	_ =	sdelay $0x3  }
0xc: {  	_ =	strace s1  }
0xd: {  	s1 =	sld [smem:$0x3FFD];
	_ =	sdelay $0x3  }
0xe: {  	_ =	strace s1  }
0xf: {  	_ =	strace $0x8FFFFFFF  }
0x10: {  	s19 =	sld [smem:$0x3FDB];
	_ =	sdelay $0x1  }
0x11: {  	s20 =	simm.s32 $_scs_section_size  }
0x12: {  	s4 =	simm.s32 $_size__tile_overlayer_lowered;
	s5 =	simm.s32 $_tile_overlayer_lowered  }
0x13: {  	s23 =	simm.s32 $0x1BFF;
	s22 =	sshll.u32 s5, $0x1;
	s1 =	sadd.s32 s20, s19  }
0x14: {  	s6 =	simm.s32 $0x0;
	s21 =	sshll.u32 s4, $0x1;
	s4 =	sadd.s32 s22, s1  }
0x15: {  	[timem:s6], [sflag:s23] =	dma.local [hbm:s4], s21  }
0x16: {  	_ =	swait.ge [sflag:s23], s21  }
0x17: {  	s2 =	ssub.s32 $0x0, s21;
	[sflag:s23] =	ssyncset.done $0x0  }
0x18: {  	[sflag:s23] =	ssyncadd.s32 s2;
	_ =	sdelay $0x1  }
0x19: {  	s24 =	simm.s32 $0x1B8B  }
0x1a: {  	_ =	swait.ge [sflag:s24], $0x1  }
0x1b: {  	[sflag:s24] =	ssyncset.done $0x0  }
0x1c: {  	s26 =	simm.s32 $0x1B8E;
	s25 =	sld [smem:$0x3FFE];
	[sflag:s24] =	ssyncadd.s32 $0xFFFFFFFF  }
0x1d: {  	s27 =	simm.s32 $execute0_lowered;
	[smem:$0x3FD2] =	sst s26  }
0x1e: {  	s4 =	sshll.u32 s27, $0x1;
	_ =	strace $0x80000046;
	[dreg:$0x1] =	wrdreg $0xFFFFFFFF  }
0x1f: {  	s28 =	simm.s32 $_size_execute0_lowered;
	s1 =	sadd.s32 s1, s4;
	[dreg:$0x0] =	wrdreg $0x0  }
0x20: {  	s4 =	sshll.u32 s28, $0x1;
	[dreg:$0x2] =	wrdreg s1  }
0x21: {  	[dreg:$0x3] =	wrdreg s4  }
0x22: {  	[dreg:$0x4] =	wrdreg $0xC0  }
0x23: {  	_ =	task [dreg:s6], $0x5FFFF  }
0x24: {  	[dreg:$0x1] =	wrdreg $0xFFFFFFFF  }
0x25: {  	[dreg:$0x0] =	wrdreg $0x60  }
0x26: {  	[dreg:$0x2] =	wrdreg s25  }
0x27: {  	[dreg:$0x3] =	wrdreg $0x9  }
0x28: {  	_ =	task.clear_ibuf [dreg:s6], $0x4FFFF;
	_ =	strace $0x90000046  }
0x29: {  	s29 =	simm.s32 $0x9;
	_ =	strace $0x80000048  }
0x2a: {  	_ =	swait.ge [sflag:s29], $0x1  }
0x2b: {  	[sflag:s29] =	ssyncadd.s32 $0xFFFFFFFF  }
0x2c: {  	_ =	strace $0x90000048  }
0x2d: {  	_ =	sfence  }
0x2e: {  	s30 =	sld [smem:$0x0];
	_ =	sdelay $0x2  }
0x2f: {  	s31 =	sshll.u32 s3, $0xD;
	s3 =	sshrl.u32 s3, $0x2  }
0x30: {  	s2 =	sand.u32 $0x4000, s31;
	s1 =	sadd.s32 s3, s30  }
0x31: {  	s0 =	sor.u32 s2, s0;
	s1 =	sshll.u32 s1, $0x11  }
0x32: {  	s0 =	sor.u32 s1, s0  }
0x33: {  	s0 =	sadd.s32 $0x8F2B, s0  }
0x34: {  	[sflag:s0] =	ssyncadd.remote.s32 $0x1  }
0x35: {  	_ =	sfence.sel $0xFFFF  }
0x36: {  	[dreg:$0x0] =	wrdreg $0xFFFFFFFF;
	(pc) =	sbr.abs _section_cstart, $3  }
0x37: {  	[dreg:$0x1] =	wrdreg $0xFFFFFFFF  }
0x38: {  	_ =	task.clear_ibuf [dreg:s6], $0x2FFFF;
	_ =	strace $0x9FFFFFFF  }
0x39: {  	(tm) =	ssettm $0x7FFFFFFF  }
tec
execute0_lowered:
.L_overlay_start_1:
0x0: {  	(tag) =	ssettag $0x1  }
0x1: {  	s0 =	srdreg.scid  }
0x2: {  	s1 =	sshll.u32 s0, $0x4  }
0x3: {  	s4 =	rddreg [dreg:$0x0];
	s0 =	stileid.u32;
	s1 =	sand.u32 $0x10, s1  }
0x4: {  	s7 =	simm.s32 $0x1;
	s8 =	simm.s32 $0x2;
	s2 =	sor.u32 s0, s1  }
0x5: {  	s9 =	simm.s32 $0x0;
	s12 =	simm.s32 $0x0;
	s2 =	sshll.u32 s2, $0x4  }
0x6: {  	s11 =	simm.s32 $0x0;
	s3 =	sadd.s32 $0x19F200, s4;
	s6 =	ssub.s32 $0x3390, s2  }
.Ltmp0:
0x7: {  	s4 =	sadd.s32 $0x2A00, s4;
	s5 =	sand.u32 $0x1F0, s6;
	(pc) =	sbr.rel .LBB1_1-.Ltmp0, $4  }
0x8: {  	s1 =	rddreg [dreg:$0x1];
	_ =	strace $0x80000047;
	p0 =	sne.s32 s5, $0x0  }
0x9: {  	s6 =	sshrl.u32 s6, $0x9;
	s5 =	simm.s32 $0x1;
	s7 =	simm.s32 @!p0 $0x0  }
0xa: {  	s10 =	smov.u32 s2;
	[sflag:s5] =	ssyncpa.u1 $0x0;
	s6 =	sadd.s32 s7, s6  }
0xb: {  	[sflag:s8] =	ssyncpa.u1 $0x0;
	s8 =	simm.s32 $0x0;
	s7 =	sadd.s32 $0x1, s6  }
.LBB1_7:
0xc: {  	s14 =	sadd.s32 $0x200, s10  }
0xd: {  	p1 =	sgt.s32 s14, $0x338F  }
0xe: {  	s14 =	smov.u32 @p1 s2;
	p1 =	sne.s32 s11, s7  }
.Ltmp1:
0xf: {  	p0 =	slt.u32 s11, $0x2;
	(pc) =	sbr.rel @!p1 .LBB1_8-.Ltmp1, $4  }
0x10: {  	s13 =	simm.s32 @!p0 $0x2  }
0x11: {  	s15 =	sadd.s32 $0x1, s11;
	_ =	swait.ge @!p0 [sflag:s13], $0x4000  }
0x12: {  	s12 =	smov.u32 s10;
	s9 =	sadd.s32 $0x8000, s9;
	[sflag:s13] =	ssyncset.done @!p0 $0x0  }
0x13: {  	s11 =	smov.u32 s15;
	s10 =	smov.u32 s14;
	[sflag:s13] =	ssyncadd.s32 @!p0 $0xFFFFC000  }
.LBB1_1:
0x14: {  	p0 =	sge.u32 s11, s6  }
0x15: {  	s13 =	sxor.u32 @!p0 $0xFFFFFFFF, s11  }
0x16: {  	s31 =	sadd.s32 $0xFFFFFFFF, s11;
	s14 =	sshll.u32 @!p0 s10, $0x7;
	s13 =	sshll.u32 @!p0 s13, $0xE  }
0x17: {  	s15 =	simm.s32 @!p0 $0x0;
	s14 =	sadd.s32 @!p0 s3, s14;
	s13 =	sand.u32 @!p0 $0x4000, s13  }
0x18: {  	[tilespmem:s13], [sflag:$0x1] =	stream.linear.gather @!p0 [hbm4b:s14+s15], $0x4000, $0x38;
	[tilespmem:$0x10000] =	vst v63  }
0x19: {  	p0 =	sge.u32 s31, s6  }
.Ltmp2:
0x1a: {  	_ = 	snop;
	(pc) =	sbr.rel @p0 .LBB1_7-.Ltmp2, $1  }
0x1b: {  	_ =	sdelay $0x3  }
0x1c: {  	s13 =	sshrl.u32 s9, $0x1;
	_ =	swait.ge [sflag:s5], $0x4000  }
0x1d: {  	s15 =	sshll.u32 s11, $0xE;
	s16 =	simm.s32 $0x0;
	s14 =	sand.u32 $0x4000, s13  }
0x1e: {  	[sflag:s5] =	ssyncset.done $0x0;
	s15 =	sand.u32 $0x4000, s15;
	s13 =	sor.u32 $0x200, s14  }
0x1f: {  	s14 =	sor.u32 $0x8080, s14;
	[sflag:s5] =	ssyncadd.s32 $0xFFFFC000;
	s15 =	sor.u32 $0x8000, s15  }
.LBB1_3:
0x20: {  	v0 =	vld [tilespmem:s13+$0xFFFFFE70]  }
0x21: {  	v1 =	vld [tilespmem:s13+$0x70]  }
0x22: {  	v2 =	vld [tilespmem:s13+$0x0]  }
0x23: {  	v3 =	vld [tilespmem:s13+$0xFFFFFE10]  }
0x24: {  	v4 =	vld [tilespmem:s13+$0x10]  }
0x25: {  	v5 =	vld [tilespmem:s13+$0xFFFFFE20]  }
0x26: {  	v7 =	vld [tilespmem:s13+$0x20]  }
0x27: {  	v11 =	vld [tilespmem:s13+$0x30];
	v6 =	vunpack.i.l.s16.s32 v0;
	v8 =	vunpack.i.u.s16.s32 v0;
	v9 =	vunpack.i.u.s16.s32 v1  }
0x28: {  	v10 =	vunpack.i.l.s16.s32 v1;
	v0 =	vunpack.i.u.s16.s32 v2;
	v1 =	vunpack.i.l.s16.s32 v2;
	v2 =	vld [tilespmem:s13+$0xFFFFFE30]  }
0x29: {  	v8 =	vpack.i.b32.b16 v9, v8;
	v9 =	vunpack.i.u.s16.s32 v3;
	v3 =	vunpack.i.l.s16.s32 v3  }
0x2a: {  	v12 =	vld [tilespmem:s13+$0xFFFFFE40];
	v6 =	vpack.i.b32.b16 v10, v6;
	[tilespmem:s14+$0x70] =	vst v8;
	v8 =	vunpack.i.u.s16.s32 v4;
	v4 =	vunpack.i.l.s16.s32 v4  }
0x2b: {  	v13 =	vld [tilespmem:s13+$0x40];
	v10 =	vunpack.i.u.s16.s32 v5;
	v5 =	vunpack.i.l.s16.s32 v5;
	[tilespmem:s14+$0xFFFFFFF0] =	vst v6;
	v3 =	vpack.i.b32.b16 v4, v3  }
0x2c: {  	v6 =	vunpack.i.l.s16.s32 v7;
	v4 =	vld [tilespmem:s13+$0xFFFFFE50];
	[tilespmem:s14+$0xFFFFFF90] =	vst v3;
	v3 =	vpack.i.b32.b16 v8, v9;
	v8 =	vunpack.i.u.s16.s32 v7  }
0x2d: {  	v7 =	vunpack.i.l.s16.s32 v11;
	[tilespmem:s14+$0x10] =	vst v3;
	v3 =	vpack.i.b32.b16 v6, v5;
	v9 =	vunpack.i.u.s16.s32 v2;
	v6 =	vld [tilespmem:s13+$0x50]  }
0x2e: {  	v5 =	vunpack.i.l.s16.s32 v2;
	v2 =	vld [tilespmem:s13+$0xFFFFFE60];
	[tilespmem:s14+$0xFFFFFFA0] =	vst v3;
	v3 =	vpack.i.b32.b16 v8, v10;
	v10 =	vunpack.i.u.s16.s32 v11  }
0x2f: {  	s19 =	simm.s32 $0x0;
	v11 =	vpack.i.b32.b16 v7, v5;
	v7 =	vunpack.i.u.s16.s32 v12;
	v8 =	vunpack.i.l.s16.s32 v12;
	[tilespmem:s14+$0x20] =	vst v3;
	v3 =	vld [tilespmem:s13+$0x60]  }
0x30: {  	s20 =	sadd.s32 $0x80, s13;
	s18 =	smov.u32 s14;
	s17 =	smov.u32 s14;
	v5 =	vld [tilespmem:s13+$0xFFFFFE00];
	[tilespmem:s14+$0xFFFFFFB0] =	vst v11;
	v10 =	vpack.i.b32.b16 v10, v9;
	v9 =	vunpack.i.u.s16.s32 v13;
	v11 =	vunpack.i.l.s16.s32 v13  }
.LBB1_4:
0x31: {  	v12 =	vld [tilespmem:s20+$0xFFFFFE70];
	[tilespmem:s18+$0x30] =	vst v10;
	v8 =	vpack.i.b32.b16 v11, v8;
	v10 =	vunpack.i.u.s16.s32 v4;
	v4 =	vunpack.i.l.s16.s32 v4  }
0x32: {  	s19 =	sadd.s32 $0x2, s19;
	v7 =	vpack.i.b32.b16 v9, v7;
	v11 =	vld [tilespmem:s20+$0x70];
	[tilespmem:s18+$0xFFFFFFC0] =	vst v8;
	v8 =	vunpack.i.u.s16.s32 v6;
	v6 =	vunpack.i.l.s16.s32 v6  }
0x33: {  	p0 =	slt.u32 s19, $0x6;
	v9 =	vld [tilespmem:s20+$0x0];
	[tilespmem:s18+$0x40] =	vst v7;
	v4 =	vpack.i.b32.b16 v6, v4;
	v6 =	vunpack.i.u.s16.s32 v2;
	v2 =	vunpack.i.l.s16.s32 v2  }
0x34: {  	v7 =	vld [tilespmem:s20+$0xFFFFFE10];
	[tilespmem:s18+$0xFFFFFFD0] =	vst v4;
	v4 =	vpack.i.b32.b16 v8, v10;
	v8 =	vunpack.i.u.s16.s32 v3;
	v3 =	vunpack.i.l.s16.s32 v3  }
0x35: {  	v10 =	vld [tilespmem:s20+$0x10];
	v13 =	vunpack.i.u.s16.s32 v5;
	v5 =	vunpack.i.l.s16.s32 v5;
	[tilespmem:s18+$0x50] =	vst v4;
	v2 =	vpack.i.b32.b16 v3, v2  }
0x36: {  	v3 =	vld [tilespmem:s20+$0xFFFFFE20];
	v4 =	vunpack.i.l.s16.s32 v12;
	v1 =	vpack.i.b32.b16 v1, v5;
	v5 =	vpack.i.b32.b16 v0, v13;
	[tilespmem:s18+$0xFFFFFFE0] =	vst v2  }
0x37: {  	v12 =	vunpack.i.u.s16.s32 v12;
	v2 =	vld [tilespmem:s20+$0x20];
	v13 =	vunpack.i.u.s16.s32 v11;
	v11 =	vunpack.i.l.s16.s32 v11;
	[tilespmem:s18+$0xFFFFFF80] =	vst v1  }
0x38: {  	s18 =	sadd.s32 $0x100, s18;
	v0 =	vunpack.i.u.s16.s32 v9;
	v1 =	vunpack.i.l.s16.s32 v9;
	v9 =	vld [tilespmem:s20+$0xFFFFFE30];
	v12 =	vpack.i.b32.b16 v13, v12;
	[tilespmem:s17+$0x0] =	vst v5  }
0x39: {  	v6 =	vpack.i.b32.b16 v8, v6;
	v5 =	vunpack.i.u.s16.s32 v7;
	v7 =	vunpack.i.l.s16.s32 v7;
	v13 =	vld [tilespmem:s20+$0x30];
	[tilespmem:s18+$0x70] =	vst v12  }
0x3a: {  	v4 =	vpack.i.b32.b16 v11, v4;
	v8 =	vunpack.i.u.s16.s32 v10;
	v10 =	vunpack.i.l.s16.s32 v10;
	v12 =	vld [tilespmem:s20+$0xFFFFFE40];
	[tilespmem:s17+$0x60] =	vst v6;
	s17 =	smov.u32 s18  }
0x3b: {  	v6 =	vpack.i.b32.b16 v10, v7;
	v7 =	vunpack.i.u.s16.s32 v3;
	v3 =	vunpack.i.l.s16.s32 v3;
	v11 =	vld [tilespmem:s20+$0x40];
	[tilespmem:s18+$0xFFFFFFF0] =	vst v4  }
.Ltmp3:
0x3c: {  	v5 =	vpack.i.b32.b16 v8, v5;
	[tilespmem:s18+$0xFFFFFF90] =	vst v6;
	v8 =	vunpack.i.u.s16.s32 v2;
	v2 =	vunpack.i.l.s16.s32 v2;
	v4 =	vld [tilespmem:s20+$0xFFFFFE50];
	(pc) =	sbr.rel @p0 .LBB1_4-.Ltmp3, $4  }
0x3d: {  	[tilespmem:s18+$0x10] =	vst v5;
	v2 =	vpack.i.b32.b16 v2, v3;
	v10 =	vunpack.i.u.s16.s32 v9;
	v3 =	vunpack.i.l.s16.s32 v9;
	v6 =	vld [tilespmem:s20+$0x50]  }
0x3e: {  	v5 =	vpack.i.b32.b16 v8, v7;
	[tilespmem:s18+$0xFFFFFFA0] =	vst v2;
	v9 =	vunpack.i.u.s16.s32 v13;
	v7 =	vunpack.i.l.s16.s32 v13;
	v2 =	vld [tilespmem:s20+$0xFFFFFE60]  }
0x3f: {  	[tilespmem:s18+$0x20] =	vst v5;
	v13 =	vpack.i.b32.b16 v7, v3;
	v7 =	vunpack.i.u.s16.s32 v12;
	v8 =	vunpack.i.l.s16.s32 v12;
	v3 =	vld [tilespmem:s20+$0x60]  }
0x40: {  	v10 =	vpack.i.b32.b16 v9, v10;
	v5 =	vld [tilespmem:s20+$0xFFFFFE00];
	[tilespmem:s18+$0xFFFFFFB0] =	vst v13;
	v9 =	vunpack.i.u.s16.s32 v11;
	v11 =	vunpack.i.l.s16.s32 v11;
	s20 =	sadd.s32 $0x80, s20  }
0x41: {  	[tilespmem:s18+$0x30] =	vst v10;
	v8 =	vpack.i.b32.b16 v11, v8  }
0x42: {  	v51 =	vunpack.i.l.s16.s32 v4;
	v7 =	vpack.i.b32.b16 v9, v7;
	[tilespmem:s18+$0xFFFFFFC0] =	vst v8;
	v52 =	vunpack.i.l.s16.s32 v6  }
0x43: {  	v53 =	vunpack.i.u.s16.s32 v4;
	s16 =	sadd.s32 $0x1, s16;
	v54 =	vunpack.i.u.s16.s32 v6;
	[tilespmem:s18+$0x40] =	vst v7;
	v55 =	vpack.i.b32.b16 v52, v51  }
0x44: {  	p0 =	sne.s32 s16, $0x10;
	v56 =	vunpack.i.l.s16.s32 v2;
	v4 =	vpack.i.b32.b16 v54, v53;
	[tilespmem:s18+$0xFFFFFFD0] =	vst v55;
	v57 =	vunpack.i.l.s16.s32 v3  }
.Ltmp4:
0x45: {  	[tilespmem:s18+$0x50] =	vst v4;
	v58 =	vunpack.i.l.s16.s32 v5;
	v59 =	vpack.i.b32.b16 v57, v56;
	(pc) =	sbr.rel @p0 .LBB1_3-.Ltmp4, $4  }
0x46: {  	v61 =	vunpack.i.u.s16.s32 v2;
	v62 =	vunpack.i.u.s16.s32 v3;
	v1 =	vpack.i.b32.b16 v1, v58;
	[tilespmem:s18+$0xFFFFFFE0] =	vst v59  }
0x47: {  	v60 =	vunpack.i.u.s16.s32 v5;
	v63 =	vpack.i.b32.b16 v62, v61;
	[tilespmem:s18+$0xFFFFFF80] =	vst v1  }
0x48: {  	v0 =	vpack.i.b32.b16 v0, v60;
	[tilespmem:s17+$0x60] =	vst v63  }
0x49: {  	s13 =	sadd.s32 $0x400, s13;
	s14 =	sadd.s32 $0x400, s14;
	[tilespmem:s17+$0x0] =	vst v0  }
.Ltmp5:
0x4a: {  	(pc) =	sbr.rel .LBB1_7-.Ltmp5, $4  }
0x4b: {  	_ = 	snop  }
0x4c: {  	s12 =	sshll.u32 s12, $0x7  }
0x4d: {  	s12 =	sadd.s32 s4, s12  }
0x4e: {  	[hbm4b:s12+s8] =	stream.linear.scatter [tilespmem:s15], [sflag:$0x2], $0x4000, $0x38;
	[tilespmem:$0x10000] =	vst v63  }
.LBB1_8:
0x4f: {  	_ =	sfence.sel $0x180000  }
0x50: {  	s2 =	simm.s32 $0x1;
	[bflag:$0x0] =	sbarrier.arrive $0xFFFF  }
0x51: {  	s31 =	simm.s32 $0x2;
	[sflag:s2] =	ssyncpa.u1 $0x1  }
0x52: {  	[sflag:s31] =	ssyncpa.u1 $0x1  }
0x53: {  	p0 =	sne.s32 s0, $0x0;
	_ =	strace $0x90000047  }
0x54: {  	s0 =	sadd.s32 @!p0 $0x100000, s1;
	[bflag:$0x2] =	sbarrier.arrive $0xFFFF  }
0x55: {  	[sflag:s0] =	ssyncadd.tile.s32 @!p0 $0x1;
	_ =	shalt  }
.Lfunc_end1:
_tile_overlayer_lowered:
.L_overlay_start_2:
0x56: {  	(tag) =	ssettag $0x2  }
0x57: {  	s0 =	rddreg [dreg:$0x0];
	s2 =	stileid.u32  }
0x58: {  	s1 =	rddreg [dreg:$0x1];
	p0 =	sne.s32 s2, $0x0  }
0x59: {  	s3 =	rddreg [dreg:$0x2];
	[bflag:$0x3] =	sbarrier.arrive $0xFFFF;
	s2 =	simm.s32 @!p0 $0x1C01  }
0x5a: {  	[timem:s3], [sflag:s2] =	dma.local @!p0 [hbm:s0], s1  }
0x5b: {  	s0 =	simm.s32 @!p0 $0x1  }
0x5c: {  	_ =	swait.ge @!p0 [sflag:s0], s1  }
0x5d: {  	s1 =	ssub.s32 @!p0 $0x0, s1;
	[sflag:s0] =	ssyncset.done @!p0 $0x0  }
0x5e: {  	[sflag:s0] =	ssyncadd.s32 @!p0 s1  }
0x5f: {  	[bflag:$0x3] =	sbarrier.arrive $0xFFFF  }
0x60: {  	_ =	shalt  }

</sc_bundles>
